<compile_context>
chip_gen: v7x
topology: tpu7x:2x2x1
jax: 0.10.2.dev20260603
libtpu: 0.0.44.dev20260713+nightly
codegen_flags: <defaults>
</compile_context>

<pallas_src>
import functools

import jax
import jax.numpy as jnp
from jax import lax
from jax.experimental import pallas as pl
from jax.experimental.pallas import tpu as pltpu
from jax.experimental.pallas import tpu_sc as plsc

N = 10000
E = 320000
F = 128
N_CLASSES = 64

NC = 2
NS = 16
NW = NC * NS
CHUNK = 128
N_PAD = 10112
ROWS_PER_SUB = N_PAD // NS
EPW = 10240
E_PAD = EPW * NW
N_CHUNKS = EPW // CHUNK
PAD_ROWS = 112
RB = 1264


HALF = 40


def _sc_degree(dst_pad, ones_blk, zeros_blk):
    mesh = plsc.VectorSubcoreMesh(core_axis_name="c", subcore_axis_name="s")

    @functools.partial(
        pl.kernel,
        mesh=mesh,
        out_type=jax.ShapeDtypeStruct((NC, N_PAD, F), jnp.float32),
        scratch_types=[
            pltpu.VMEM((HALF, CHUNK), jnp.int32),
            pltpu.VMEM((CHUNK, F), jnp.float32),
            pltpu.VMEM_SHARED((N_PAD, F), jnp.float32),
        ],
    )
    def k(dst_hbm, ones_hbm, zeros_hbm, out_hbm, didx, ones_v, acc):
        cid = lax.axis_index("c")
        sid = lax.axis_index("s")
        pltpu.sync_copy(ones_hbm, ones_v)
        pltpu.sync_copy(zeros_hbm, acc.at[pl.ds(sid * ROWS_PER_SUB, ROWS_PER_SUB)])
        plsc.subcore_barrier()

        wid = cid * NS + sid

        for half in range(N_CHUNKS // HALF):
            pltpu.sync_copy(dst_hbm.at[wid].at[pl.ds(half * HALF, HALF)], didx)

            @pl.loop(0, HALF)
            def _(j):
                pltpu.sync_copy(ones_v, acc.at[didx.at[j]], add=True)

        plsc.subcore_barrier()
        rows = pl.ds(sid * ROWS_PER_SUB, ROWS_PER_SUB)
        pltpu.sync_copy(acc.at[rows], out_hbm.at[cid].at[rows])

    return k(dst_pad, ones_blk, zeros_blk)


def _sc_propagate(g, src_pad, dst_pad, zeros_blk):
    mesh = plsc.VectorSubcoreMesh(core_axis_name="c", subcore_axis_name="s")

    @functools.partial(
        pl.kernel,
        mesh=mesh,
        out_type=jax.ShapeDtypeStruct((NC, N_PAD, F), jnp.float32),
        scratch_types=[
            pltpu.VMEM((HALF * CHUNK,), jnp.int32),
            pltpu.VMEM((HALF, CHUNK), jnp.int32),
            pltpu.VMEM((CHUNK, F), jnp.float32),
            pltpu.VMEM((CHUNK, F), jnp.float32),
            pltpu.VMEM_SHARED((N_PAD, F), jnp.float32),
            pltpu.SemaphoreType.DMA,
            pltpu.SemaphoreType.DMA,
        ],
    )
    def k(g_hbm, src_hbm, dst_hbm, zeros_hbm, out_hbm,
          sidx, didx, rows0, rows1, acc, sem0, sem1):
        cid = lax.axis_index("c")
        sid = lax.axis_index("s")
        pltpu.sync_copy(zeros_hbm, acc.at[pl.ds(sid * ROWS_PER_SUB, ROWS_PER_SUB)])
        plsc.subcore_barrier()

        wid = cid * NS + sid
        ebase = wid * EPW

        for half in range(N_CHUNKS // HALF):
            pltpu.sync_copy(
                src_hbm.at[pl.ds(ebase + half * HALF * CHUNK, HALF * CHUNK)],
                sidx)
            pltpu.sync_copy(dst_hbm.at[wid].at[pl.ds(half * HALF, HALF)], didx)

            @pl.loop(0, HALF, step=2)
            def _(j):
                c0 = pltpu.async_copy(
                    g_hbm.at[sidx.at[pl.ds(j * CHUNK, CHUNK)]], rows0, sem0)
                c1 = pltpu.async_copy(
                    g_hbm.at[sidx.at[pl.ds((j + 1) * CHUNK, CHUNK)]], rows1, sem1)
                c0.wait()
                pltpu.sync_copy(rows0, acc.at[didx.at[j]], add=True)
                c1.wait()
                pltpu.sync_copy(rows1, acc.at[didx.at[j + 1]], add=True)

        plsc.subcore_barrier()
        rows = pl.ds(sid * ROWS_PER_SUB, ROWS_PER_SUB)
        pltpu.sync_copy(acc.at[rows], out_hbm.at[cid].at[rows])

    return k(g, src_pad, dst_pad, zeros_blk)


def _tc_prep(deg2, features):
    def body(deg_ref, x_ref, norm_ref, nsq_ref, g0_ref):
        deg = deg_ref[0, :, 0:1] + deg_ref[1, :, 0:1]
        row = lax.broadcasted_iota(jnp.int32, (N_PAD, 1), 0)
        norm = jnp.where(row < N, lax.rsqrt(jnp.maximum(deg, 1.0)), 0.0)
        norm_ref[...] = norm
        nsq_ref[...] = norm * norm
        g0_ref[0:N, :] = x_ref[...] * norm[0:N]
        g0_ref[N:N_PAD, :] = jnp.zeros((N_PAD - N, F), jnp.float32)

    return pl.pallas_call(
        body,
        out_shape=(
            jax.ShapeDtypeStruct((N_PAD, 1), jnp.float32),
            jax.ShapeDtypeStruct((N_PAD, 1), jnp.float32),
            jax.ShapeDtypeStruct((N_PAD, F), jnp.float32),
        ),
    )(deg2, features)


def _tc_mid(a1p, normsq):
    def body(a_ref, nsq_ref, a1_ref, g1_ref):
        a1 = a_ref[0] + a_ref[1]
        a1_ref[...] = a1
        g1_ref[...] = a1 * nsq_ref[...]

    return pl.pallas_call(
        body,
        grid=(N_PAD // RB,),
        in_specs=[
            pl.BlockSpec((NC, RB, F), lambda i: (0, i, 0)),
            pl.BlockSpec((RB, 1), lambda i: (i, 0)),
        ],
        out_specs=[
            pl.BlockSpec((RB, F), lambda i: (i, 0)),
            pl.BlockSpec((RB, F), lambda i: (i, 0)),
        ],
        out_shape=(
            jax.ShapeDtypeStruct((N_PAD, F), jnp.float32),
            jax.ShapeDtypeStruct((N_PAD, F), jnp.float32),
        ),
    )(a1p, normsq)


def _tc_layer(x, a1, a2p, norm, Wa, Wb, Wc, b, relu, want_g):
    fout = Wa.shape[1]

    def body(x_ref, a1_ref, a2_ref, n_ref, wa_ref, wb_ref, wc_ref, b_ref, *outs):
        nrm = n_ref[...]
        z1 = a1_ref[...] * nrm
        z2 = (a2_ref[0] + a2_ref[1]) * nrm
        acc = jnp.dot(x_ref[...], wa_ref[...], preferred_element_type=jnp.float32,
                      precision=lax.Precision.HIGHEST)
        acc += jnp.dot(z1, wb_ref[...], preferred_element_type=jnp.float32,
                       precision=lax.Precision.HIGHEST)
        acc += jnp.dot(z2, wc_ref[...], preferred_element_type=jnp.float32,
                       precision=lax.Precision.HIGHEST)
        acc += b_ref[...]
        if relu:
            acc = jnp.maximum(acc, 0.0)
        outs[0][...] = acc
        if want_g:
            outs[1][...] = acc * nrm

    out_shape = [jax.ShapeDtypeStruct((N_PAD, fout), jnp.float32)]
    if want_g:
        out_shape.append(jax.ShapeDtypeStruct((N_PAD, fout), jnp.float32))

    fin = x.shape[1]
    return pl.pallas_call(
        body,
        grid=(N_PAD // RB,),
        in_specs=[
            pl.BlockSpec((RB, fin), lambda i: (i, 0)),
            pl.BlockSpec((RB, F), lambda i: (i, 0)),
            pl.BlockSpec((NC, RB, F), lambda i: (0, i, 0)),
            pl.BlockSpec((RB, 1), lambda i: (i, 0)),
            pl.BlockSpec((fin, fout), lambda i: (0, 0)),
            pl.BlockSpec((F, fout), lambda i: (0, 0)),
            pl.BlockSpec((F, fout), lambda i: (0, 0)),
            pl.BlockSpec((1, fout), lambda i: (0, 0)),
        ],
        out_specs=[pl.BlockSpec((RB, fout), lambda i: (i, 0))
                   for _ in out_shape],
        out_shape=tuple(out_shape),
    )(x, a1, a2p, norm, Wa, Wb, Wc, b)


def kernel(features, edge_index, W0, b0, W1, b1, W2, b2):
    src = edge_index[0].astype(jnp.int32)
    dst = edge_index[1].astype(jnp.int32)
    npad_e = E_PAD - E
    pad_idx = (N + (jnp.arange(npad_e, dtype=jnp.int32) % PAD_ROWS))
    src_pad = jnp.concatenate([src, pad_idx])
    dst_pad = jnp.concatenate([dst, pad_idx]).reshape(NW, N_CHUNKS, CHUNK)

    ones_blk = jnp.ones((CHUNK, F), jnp.float32)
    zeros128 = jnp.zeros((ROWS_PER_SUB, F), jnp.float32)

    deg2 = _sc_degree(dst_pad, ones_blk, zeros128)
    norm, normsq, g = _tc_prep(deg2, features)

    x = jnp.pad(features, ((0, N_PAD - N), (0, 0)))
    params = [(W0, b0, True), (W1, b1, True), (W2, b2, False)]
    for li, (W, b, relu) in enumerate(params):
        fin = x.shape[1]
        Wa, Wb, Wc = W[0:fin], W[fin:2 * fin], W[2 * fin:3 * fin]
        a1p = _sc_propagate(g, src_pad, dst_pad, zeros128)
        a1, g1 = _tc_mid(a1p, normsq)
        a2p = _sc_propagate(g1, src_pad, dst_pad, zeros128)
        want_g = li < 2
        outs = _tc_layer(x, a1, a2p, norm, Wa, Wb, Wc, b.reshape(1, -1),
                         relu, want_g)
        if want_g:
            x, g = outs
        else:
            x = outs[0]
    return x[:N]

# --- scband reference (transcript-rebuilt; emitter-appended) ---
"""Pipeline reference for scband-tagcn-5050881540439 (READ-ONLY COPY).

The authoritative reference and input builder live on the scoring server;
editing this copy changes nothing except your own understanding.
"""

import jax, jax.numpy as jnp
import numpy as np

N = 10000
E = 320000
IN_FEATS = 128
N_HIDDEN = 128
N_CLASSES = 64
K = 2


def setup_inputs(seed: int = 0) -> dict:
    key = jax.random.key(seed)
    ks = jax.random.split(key, 8)
    features = jax.random.normal(ks[0], (N, IN_FEATS), dtype=jnp.float32)
    edge_index = jax.random.randint(ks[1], (2, E), 0, N)
    d_in0 = IN_FEATS * (K + 1)
    d_in1 = N_HIDDEN * (K + 1)
    W0 = jax.random.normal(ks[2], (d_in0, N_HIDDEN), dtype=jnp.float32) / jnp.sqrt(d_in0)
    b0 = jax.random.normal(ks[3], (N_HIDDEN,), dtype=jnp.float32) * 0.01
    W1 = jax.random.normal(ks[4], (d_in1, N_HIDDEN), dtype=jnp.float32) / jnp.sqrt(d_in1)
    b1 = jax.random.normal(ks[5], (N_HIDDEN,), dtype=jnp.float32) * 0.01
    W2 = jax.random.normal(ks[6], (d_in1, N_CLASSES), dtype=jnp.float32) / jnp.sqrt(d_in1)
    b2 = jax.random.normal(ks[7], (N_CLASSES,), dtype=jnp.float32) * 0.01
    return {"features": features, "edge_index": edge_index, "W0": W0, "b0": b0, "W1": W1, "b1": b1, "W2": W2, "b2": b2}


def _tagconv(x, src, dst, norm, W, b, activation):
    # DGL TAGConv with k=K: fstack = [x, A_hat x, A_hat^2 x, ...], then linear on concat
    fs = [x]
    h = x
    for _ in range(K):
        h = h * norm[:, None]
        agg = jnp.zeros((x.shape[0], h.shape[1]), dtype=h.dtype).at[dst].add(h[src])
        h = agg * norm[:, None]
        fs.append(h)
    out = jnp.concatenate(fs, axis=-1) @ W + b
    if activation is not None:
        out = activation(out)
    return out


def reference(features, edge_index, W0, b0, W1, b1, W2, b2):
    src = edge_index[0]
    dst = edge_index[1]
    deg = jnp.bincount(dst, length=features.shape[0]).astype(jnp.float32)
    norm = jnp.clip(deg, 1.0, None) ** -0.5
    h = _tagconv(features, src, dst, norm, W0, b0, jax.nn.relu)
    # dropout p=0.0 -> identity (eval semantics)
    h = _tagconv(h, src, dst, norm, W1, b1, jax.nn.relu)
    h = _tagconv(h, src, dst, norm, W2, b2, None)
    return h

if __name__ == "__main__":
    import jax
    _d = setup_inputs()
    print(jax.jit(kernel)(*tuple(_d.values())))

</pallas_src>

<mosaic_0001>
#map = affine_map<(d0, d1) -> (0, 0, 0)>
#map1 = affine_map<(d0, d1) -> (0, 0)>
module attributes {stable_mosaic.version = 14 : i64} {
  func.func @k(%arg0: i32, %arg1: i32, %arg2: memref<32x80x128xi32, #tpu.memory_space<hbm>>, %arg3: memref<128x128xf32, #tpu.memory_space<hbm>>, %arg4: memref<632x128xf32, #tpu.memory_space<hbm>>, %arg5: memref<2x10112x128xf32, #tpu.memory_space<hbm>>, %arg6: memref<40x128xi32, #tpu.memory_space<vmem>>, %arg7: memref<128x128xf32, #tpu.memory_space<vmem>>, %arg8: memref<10112x128xf32, #tpu.memory_space<vmem_shared>>) attributes {dimension_semantics = [#tpu.dimension_semantics<core_parallel>, #tpu.dimension_semantics<subcore_parallel>], iteration_bounds = array<i64: 2, 16>, scalar_prefetch = 0 : i64, scratch_operands = 3 : i64, tpu.core_type = #tpu.core_type<sc_vector_subcore>, window_params = [{transform_indices = #map}, {transform_indices = #map1}, {transform_indices = #map1}, {transform_indices = #map}]} {
    "tpu.region"() ({
      %run_scoped3A = tpu.sem_alloc : memref<!tpu.dma_semaphore, #tpu.memory_space<semaphore_mem>>
      tpu.enqueue_dma source(%arg3 : memref<128x128xf32, #tpu.memory_space<hbm>>) target(%arg7 : memref<128x128xf32, #tpu.memory_space<vmem>>) target_semaphore(%run_scoped3A : memref<!tpu.dma_semaphore, #tpu.memory_space<semaphore_mem>>)
      tpu.wait_dma2 semaphore(%run_scoped3A : memref<!tpu.dma_semaphore, #tpu.memory_space<semaphore_mem>>) src(%arg3 : memref<128x128xf32, #tpu.memory_space<hbm>>) dst(%arg7 : memref<128x128xf32, #tpu.memory_space<vmem>>)
      tpu.yield
    }) : () -> ()
    %mul3A = arith.constant 632 : i32
    %mul3A_0 = arith.muli %arg1, %mul3A : i32
    "tpu.region"() ({
      %run_scoped3A = tpu.sem_alloc : memref<!tpu.dma_semaphore, #tpu.memory_space<semaphore_mem>>
      %dma_start3A = arith.constant 0 : i32
      %dma_start3A_15 = tpu.memref_slice %arg8[%mul3A_0, %dma_start3A] : memref<10112x128xf32, #tpu.memory_space<vmem_shared>> -> memref<632x128xf32, #tpu.memory_space<vmem_shared>>
      tpu.enqueue_dma source(%arg4 : memref<632x128xf32, #tpu.memory_space<hbm>>) target(%dma_start3A_15 : memref<632x128xf32, #tpu.memory_space<vmem_shared>>) target_semaphore(%run_scoped3A : memref<!tpu.dma_semaphore, #tpu.memory_space<semaphore_mem>>)
      %dma_wait3A = arith.constant 0 : i32
      %dma_wait3A_16 = tpu.memref_slice %arg8[%mul3A_0, %dma_wait3A] : memref<10112x128xf32, #tpu.memory_space<vmem_shared>> -> memref<632x128xf32, #tpu.memory_space<vmem_shared>>
      tpu.wait_dma2 semaphore(%run_scoped3A : memref<!tpu.dma_semaphore, #tpu.memory_space<semaphore_mem>>) src(%arg4 : memref<632x128xf32, #tpu.memory_space<hbm>>) dst(%dma_wait3A_16 : memref<632x128xf32, #tpu.memory_space<vmem_shared>>)
      tpu.yield
    }) : () -> ()
    %barrier3A = arith.constant 0 : index
    tpu.barrier barrier_id(%barrier3A)
    %mul3A_1 = arith.constant 16 : i32
    %mul3A_2 = arith.muli %arg0, %mul3A_1 : i32
    %add3A = arith.addi %mul3A_2, %arg1 : i32
    "tpu.region"() ({
      %run_scoped3A = tpu.sem_alloc : memref<!tpu.dma_semaphore, #tpu.memory_space<semaphore_mem>>
      %dma_start3A = arith.constant 0 : i32
      %dma_start3A_15 = arith.constant 0 : i32
      %dma_start3A_16 = tpu.memref_slice %arg2[%add3A, %dma_start3A, %dma_start3A_15] : memref<32x80x128xi32, #tpu.memory_space<hbm>> -> memref<1x80x128xi32, #tpu.memory_space<hbm>>
      %dma_start3A_17 = tpu.memref_squeeze %dma_start3A_16 : memref<1x80x128xi32, #tpu.memory_space<hbm>> -> memref<80x128xi32, #tpu.memory_space<hbm>>
      %dma_start3A_18 = arith.constant 0 : i32
      %dma_start3A_19 = arith.constant 0 : i32
      %dma_start3A_20 = tpu.memref_slice %dma_start3A_17[%dma_start3A_18, %dma_start3A_19] : memref<80x128xi32, #tpu.memory_space<hbm>> -> memref<40x128xi32, #tpu.memory_space<hbm>>
      %dma_start3A_21 = arith.constant 0 : i32
      %dma_start3A_22 = arith.constant 0 : i32
      %dma_start3A_23 = tpu.memref_slice %arg2[%add3A, %dma_start3A_21, %dma_start3A_22] : memref<32x80x128xi32, #tpu.memory_space<hbm>> -> memref<1x80x128xi32, #tpu.memory_space<hbm>>
      %dma_start3A_24 = tpu.memref_squeeze %dma_start3A_23 : memref<1x80x128xi32, #tpu.memory_space<hbm>> -> memref<80x128xi32, #tpu.memory_space<hbm>>
      %dma_start3A_25 = arith.constant 0 : i32
      %dma_start3A_26 = arith.constant 0 : i32
      %dma_start3A_27 = tpu.memref_slice %dma_start3A_24[%dma_start3A_25, %dma_start3A_26] : memref<80x128xi32, #tpu.memory_space<hbm>> -> memref<40x128xi32, #tpu.memory_space<hbm>>
      tpu.enqueue_dma source(%dma_start3A_27 : memref<40x128xi32, #tpu.memory_space<hbm>>) target(%arg6 : memref<40x128xi32, #tpu.memory_space<vmem>>) target_semaphore(%run_scoped3A : memref<!tpu.dma_semaphore, #tpu.memory_space<semaphore_mem>>)
      %dma_wait3A = arith.constant 0 : i32
      %dma_wait3A_28 = arith.constant 0 : i32
      %dma_wait3A_29 = tpu.memref_slice %arg2[%add3A, %dma_wait3A, %dma_wait3A_28] : memref<32x80x128xi32, #tpu.memory_space<hbm>> -> memref<1x80x128xi32, #tpu.memory_space<hbm>>
      %dma_wait3A_30 = tpu.memref_squeeze %dma_wait3A_29 : memref<1x80x128xi32, #tpu.memory_space<hbm>> -> memref<80x128xi32, #tpu.memory_space<hbm>>
      %dma_wait3A_31 = arith.constant 0 : i32
      %dma_wait3A_32 = arith.constant 0 : i32
      %dma_wait3A_33 = tpu.memref_slice %dma_wait3A_30[%dma_wait3A_31, %dma_wait3A_32] : memref<80x128xi32, #tpu.memory_space<hbm>> -> memref<40x128xi32, #tpu.memory_space<hbm>>
      %dma_wait3A_34 = arith.constant 0 : i32
      %dma_wait3A_35 = arith.constant 0 : i32
      %dma_wait3A_36 = tpu.memref_slice %arg2[%add3A, %dma_wait3A_34, %dma_wait3A_35] : memref<32x80x128xi32, #tpu.memory_space<hbm>> -> memref<1x80x128xi32, #tpu.memory_space<hbm>>
      %dma_wait3A_37 = tpu.memref_squeeze %dma_wait3A_36 : memref<1x80x128xi32, #tpu.memory_space<hbm>> -> memref<80x128xi32, #tpu.memory_space<hbm>>
      %dma_wait3A_38 = arith.constant 0 : i32
      %dma_wait3A_39 = arith.constant 0 : i32
      %dma_wait3A_40 = tpu.memref_slice %dma_wait3A_37[%dma_wait3A_38, %dma_wait3A_39] : memref<80x128xi32, #tpu.memory_space<hbm>> -> memref<40x128xi32, #tpu.memory_space<hbm>>
      tpu.wait_dma2 semaphore(%run_scoped3A : memref<!tpu.dma_semaphore, #tpu.memory_space<semaphore_mem>>) src(%dma_wait3A_40 : memref<40x128xi32, #tpu.memory_space<hbm>>) dst(%arg6 : memref<40x128xi32, #tpu.memory_space<vmem>>)
      tpu.yield
    }) : () -> ()
    %scan3A = arith.constant 0 : i32
    %scan3A_3 = arith.constant 40 : i32
    %scan3A_4 = arith.addi %scan3A, %scan3A_3 : i32
    %scan3A_5 = arith.constant 1 : i32
    scf.for %scan3A_15 = %scan3A to %scan3A_4 step %scan3A_5  : i32 {
      %mul3A_16 = arith.constant 1 : i32
      %mul3A_17 = arith.muli %scan3A_15, %mul3A_16 : i32
      %add3A_18 = arith.constant 0 : i32
      %add3A_19 = arith.addi %add3A_18, %mul3A_17 : i32
      "tpu.region"() ({
        %run_scoped3A = tpu.sem_alloc : memref<!tpu.dma_semaphore, #tpu.memory_space<semaphore_mem>>
        %dma_start3A = arith.constant 0 : i32
        %dma_start3A_20 = tpu.memref_slice %arg6[%add3A_19, %dma_start3A] : memref<40x128xi32, #tpu.memory_space<vmem>> -> memref<1x128xi32, #tpu.memory_space<vmem>>
        %dma_start3A_21 = tpu.memref_squeeze %dma_start3A_20 : memref<1x128xi32, #tpu.memory_space<vmem>> -> memref<128xi32, #tpu.memory_space<vmem>>
        %dma_start3A_22 = arith.constant 0 : i32
        %dma_start3A_23 = arith.constant 0 : i32
        %dma_start3A_24 = tpu.memref_slice %arg8[%dma_start3A_22, %dma_start3A_23] : memref<10112x128xf32, #tpu.memory_space<vmem_shared>> -> memref<10112x128xf32, #tpu.memory_space<vmem_shared>>
        tpu.enqueue_indirect_dma source(%arg7 : memref<128x128xf32, #tpu.memory_space<vmem>>) target(%dma_start3A_24 : memref<10112x128xf32, #tpu.memory_space<vmem_shared>>) offsets(%dma_start3A_21 : memref<128xi32, #tpu.memory_space<vmem>>) semaphore(%run_scoped3A : memref<!tpu.dma_semaphore, #tpu.memory_space<semaphore_mem>>) {add = true}
        %dma_wait3A = arith.constant 0 : i32
        %dma_wait3A_25 = tpu.memref_slice %arg6[%add3A_19, %dma_wait3A] : memref<40x128xi32, #tpu.memory_space<vmem>> -> memref<1x128xi32, #tpu.memory_space<vmem>>
        %dma_wait3A_26 = tpu.memref_squeeze %dma_wait3A_25 : memref<1x128xi32, #tpu.memory_space<vmem>> -> memref<128xi32, #tpu.memory_space<vmem>>
        %dma_wait3A_27 = arith.constant 0 : i32
        %dma_wait3A_28 = arith.constant 0 : i32
        %dma_wait3A_29 = tpu.memref_slice %arg8[%dma_wait3A_27, %dma_wait3A_28] : memref<10112x128xf32, #tpu.memory_space<vmem_shared>> -> memref<10112x128xf32, #tpu.memory_space<vmem_shared>>
        tpu.wait_indirect_dma semaphore(%run_scoped3A : memref<!tpu.dma_semaphore, #tpu.memory_space<semaphore_mem>>) src(%arg7 : memref<128x128xf32, #tpu.memory_space<vmem>>) dst(%dma_wait3A_29 : memref<10112x128xf32, #tpu.memory_space<vmem_shared>>)
        tpu.yield
      }) : () -> ()
    }
    %scan3A_6 = arith.constant 40 : i32
    "tpu.region"() ({
      %run_scoped3A = tpu.sem_alloc : memref<!tpu.dma_semaphore, #tpu.memory_space<semaphore_mem>>
      %dma_start3A = arith.constant 0 : i32
      %dma_start3A_15 = arith.constant 0 : i32
      %dma_start3A_16 = tpu.memref_slice %arg2[%add3A, %dma_start3A, %dma_start3A_15] : memref<32x80x128xi32, #tpu.memory_space<hbm>> -> memref<1x80x128xi32, #tpu.memory_space<hbm>>
      %dma_start3A_17 = tpu.memref_squeeze %dma_start3A_16 : memref<1x80x128xi32, #tpu.memory_space<hbm>> -> memref<80x128xi32, #tpu.memory_space<hbm>>
      %dma_start3A_18 = arith.constant 40 : i32
      %dma_start3A_19 = arith.constant 0 : i32
      %dma_start3A_20 = tpu.memref_slice %dma_start3A_17[%dma_start3A_18, %dma_start3A_19] : memref<80x128xi32, #tpu.memory_space<hbm>> -> memref<40x128xi32, #tpu.memory_space<hbm>>
      %dma_start3A_21 = arith.constant 0 : i32
      %dma_start3A_22 = arith.constant 0 : i32
      %dma_start3A_23 = tpu.memref_slice %arg2[%add3A, %dma_start3A_21, %dma_start3A_22] : memref<32x80x128xi32, #tpu.memory_space<hbm>> -> memref<1x80x128xi32, #tpu.memory_space<hbm>>
      %dma_start3A_24 = tpu.memref_squeeze %dma_start3A_23 : memref<1x80x128xi32, #tpu.memory_space<hbm>> -> memref<80x128xi32, #tpu.memory_space<hbm>>
      %dma_start3A_25 = arith.constant 40 : i32
      %dma_start3A_26 = arith.constant 0 : i32
      %dma_start3A_27 = tpu.memref_slice %dma_start3A_24[%dma_start3A_25, %dma_start3A_26] : memref<80x128xi32, #tpu.memory_space<hbm>> -> memref<40x128xi32, #tpu.memory_space<hbm>>
      tpu.enqueue_dma source(%dma_start3A_27 : memref<40x128xi32, #tpu.memory_space<hbm>>) target(%arg6 : memref<40x128xi32, #tpu.memory_space<vmem>>) target_semaphore(%run_scoped3A : memref<!tpu.dma_semaphore, #tpu.memory_space<semaphore_mem>>)
      %dma_wait3A = arith.constant 0 : i32
      %dma_wait3A_28 = arith.constant 0 : i32
      %dma_wait3A_29 = tpu.memref_slice %arg2[%add3A, %dma_wait3A, %dma_wait3A_28] : memref<32x80x128xi32, #tpu.memory_space<hbm>> -> memref<1x80x128xi32, #tpu.memory_space<hbm>>
      %dma_wait3A_30 = tpu.memref_squeeze %dma_wait3A_29 : memref<1x80x128xi32, #tpu.memory_space<hbm>> -> memref<80x128xi32, #tpu.memory_space<hbm>>
      %dma_wait3A_31 = arith.constant 40 : i32
      %dma_wait3A_32 = arith.constant 0 : i32
      %dma_wait3A_33 = tpu.memref_slice %dma_wait3A_30[%dma_wait3A_31, %dma_wait3A_32] : memref<80x128xi32, #tpu.memory_space<hbm>> -> memref<40x128xi32, #tpu.memory_space<hbm>>
      %dma_wait3A_34 = arith.constant 0 : i32
      %dma_wait3A_35 = arith.constant 0 : i32
      %dma_wait3A_36 = tpu.memref_slice %arg2[%add3A, %dma_wait3A_34, %dma_wait3A_35] : memref<32x80x128xi32, #tpu.memory_space<hbm>> -> memref<1x80x128xi32, #tpu.memory_space<hbm>>
      %dma_wait3A_37 = tpu.memref_squeeze %dma_wait3A_36 : memref<1x80x128xi32, #tpu.memory_space<hbm>> -> memref<80x128xi32, #tpu.memory_space<hbm>>
      %dma_wait3A_38 = arith.constant 40 : i32
      %dma_wait3A_39 = arith.constant 0 : i32
      %dma_wait3A_40 = tpu.memref_slice %dma_wait3A_37[%dma_wait3A_38, %dma_wait3A_39] : memref<80x128xi32, #tpu.memory_space<hbm>> -> memref<40x128xi32, #tpu.memory_space<hbm>>
      tpu.wait_dma2 semaphore(%run_scoped3A : memref<!tpu.dma_semaphore, #tpu.memory_space<semaphore_mem>>) src(%dma_wait3A_40 : memref<40x128xi32, #tpu.memory_space<hbm>>) dst(%arg6 : memref<40x128xi32, #tpu.memory_space<vmem>>)
      tpu.yield
    }) : () -> ()
    %scan3A_7 = arith.constant 0 : i32
    %scan3A_8 = arith.constant 40 : i32
    %scan3A_9 = arith.addi %scan3A_7, %scan3A_8 : i32
    %scan3A_10 = arith.constant 1 : i32
    scf.for %scan3A_15 = %scan3A_7 to %scan3A_9 step %scan3A_10  : i32 {
      %mul3A_16 = arith.constant 1 : i32
      %mul3A_17 = arith.muli %scan3A_15, %mul3A_16 : i32
      %add3A_18 = arith.constant 0 : i32
      %add3A_19 = arith.addi %add3A_18, %mul3A_17 : i32
      "tpu.region"() ({
        %run_scoped3A = tpu.sem_alloc : memref<!tpu.dma_semaphore, #tpu.memory_space<semaphore_mem>>
        %dma_start3A = arith.constant 0 : i32
        %dma_start3A_20 = tpu.memref_slice %arg6[%add3A_19, %dma_start3A] : memref<40x128xi32, #tpu.memory_space<vmem>> -> memref<1x128xi32, #tpu.memory_space<vmem>>
        %dma_start3A_21 = tpu.memref_squeeze %dma_start3A_20 : memref<1x128xi32, #tpu.memory_space<vmem>> -> memref<128xi32, #tpu.memory_space<vmem>>
        %dma_start3A_22 = arith.constant 0 : i32
        %dma_start3A_23 = arith.constant 0 : i32
        %dma_start3A_24 = tpu.memref_slice %arg8[%dma_start3A_22, %dma_start3A_23] : memref<10112x128xf32, #tpu.memory_space<vmem_shared>> -> memref<10112x128xf32, #tpu.memory_space<vmem_shared>>
        tpu.enqueue_indirect_dma source(%arg7 : memref<128x128xf32, #tpu.memory_space<vmem>>) target(%dma_start3A_24 : memref<10112x128xf32, #tpu.memory_space<vmem_shared>>) offsets(%dma_start3A_21 : memref<128xi32, #tpu.memory_space<vmem>>) semaphore(%run_scoped3A : memref<!tpu.dma_semaphore, #tpu.memory_space<semaphore_mem>>) {add = true}
        %dma_wait3A = arith.constant 0 : i32
        %dma_wait3A_25 = tpu.memref_slice %arg6[%add3A_19, %dma_wait3A] : memref<40x128xi32, #tpu.memory_space<vmem>> -> memref<1x128xi32, #tpu.memory_space<vmem>>
        %dma_wait3A_26 = tpu.memref_squeeze %dma_wait3A_25 : memref<1x128xi32, #tpu.memory_space<vmem>> -> memref<128xi32, #tpu.memory_space<vmem>>
        %dma_wait3A_27 = arith.constant 0 : i32
        %dma_wait3A_28 = arith.constant 0 : i32
        %dma_wait3A_29 = tpu.memref_slice %arg8[%dma_wait3A_27, %dma_wait3A_28] : memref<10112x128xf32, #tpu.memory_space<vmem_shared>> -> memref<10112x128xf32, #tpu.memory_space<vmem_shared>>
        tpu.wait_indirect_dma semaphore(%run_scoped3A : memref<!tpu.dma_semaphore, #tpu.memory_space<semaphore_mem>>) src(%arg7 : memref<128x128xf32, #tpu.memory_space<vmem>>) dst(%dma_wait3A_29 : memref<10112x128xf32, #tpu.memory_space<vmem_shared>>)
        tpu.yield
      }) : () -> ()
    }
    %scan3A_11 = arith.constant 40 : i32
    %barrier3A_12 = arith.constant 0 : index
    tpu.barrier barrier_id(%barrier3A_12)
    %mul3A_13 = arith.constant 632 : i32
    %mul3A_14 = arith.muli %arg1, %mul3A_13 : i32
    "tpu.region"() ({
      %run_scoped3A = tpu.sem_alloc : memref<!tpu.dma_semaphore, #tpu.memory_space<semaphore_mem>>
      %dma_start3A = arith.constant 0 : i32
      %dma_start3A_15 = arith.constant 0 : i32
      %dma_start3A_16 = tpu.memref_slice %arg5[%arg0, %dma_start3A, %dma_start3A_15] : memref<2x10112x128xf32, #tpu.memory_space<hbm>> -> memref<1x10112x128xf32, #tpu.memory_space<hbm>>
      %dma_start3A_17 = tpu.memref_squeeze %dma_start3A_16 : memref<1x10112x128xf32, #tpu.memory_space<hbm>> -> memref<10112x128xf32, #tpu.memory_space<hbm>>
      %dma_start3A_18 = arith.constant 0 : i32
      %dma_start3A_19 = tpu.memref_slice %dma_start3A_17[%mul3A_14, %dma_start3A_18] : memref<10112x128xf32, #tpu.memory_space<hbm>> -> memref<632x128xf32, #tpu.memory_space<hbm>>
      %dma_start3A_20 = arith.constant 0 : i32
      %dma_start3A_21 = tpu.memref_slice %arg8[%mul3A_14, %dma_start3A_20] : memref<10112x128xf32, #tpu.memory_space<vmem_shared>> -> memref<632x128xf32, #tpu.memory_space<vmem_shared>>
      tpu.enqueue_dma source(%dma_start3A_21 : memref<632x128xf32, #tpu.memory_space<vmem_shared>>) target(%dma_start3A_19 : memref<632x128xf32, #tpu.memory_space<hbm>>) target_semaphore(%run_scoped3A : memref<!tpu.dma_semaphore, #tpu.memory_space<semaphore_mem>>)
      %dma_wait3A = arith.constant 0 : i32
      %dma_wait3A_22 = arith.constant 0 : i32
      %dma_wait3A_23 = tpu.memref_slice %arg5[%arg0, %dma_wait3A, %dma_wait3A_22] : memref<2x10112x128xf32, #tpu.memory_space<hbm>> -> memref<1x10112x128xf32, #tpu.memory_space<hbm>>
      %dma_wait3A_24 = tpu.memref_squeeze %dma_wait3A_23 : memref<1x10112x128xf32, #tpu.memory_space<hbm>> -> memref<10112x128xf32, #tpu.memory_space<hbm>>
      %dma_wait3A_25 = arith.constant 0 : i32
      %dma_wait3A_26 = tpu.memref_slice %dma_wait3A_24[%mul3A_14, %dma_wait3A_25] : memref<10112x128xf32, #tpu.memory_space<hbm>> -> memref<632x128xf32, #tpu.memory_space<hbm>>
      %dma_wait3A_27 = arith.constant 0 : i32
      %dma_wait3A_28 = tpu.memref_slice %arg8[%mul3A_14, %dma_wait3A_27] : memref<10112x128xf32, #tpu.memory_space<vmem_shared>> -> memref<632x128xf32, #tpu.memory_space<vmem_shared>>
      tpu.wait_dma2 semaphore(%run_scoped3A : memref<!tpu.dma_semaphore, #tpu.memory_space<semaphore_mem>>) src(%dma_wait3A_28 : memref<632x128xf32, #tpu.memory_space<vmem_shared>>) dst(%dma_wait3A_26 : memref<632x128xf32, #tpu.memory_space<hbm>>)
      tpu.yield
    }) : () -> ()
    return
  }
}

#map = affine_map<(d0, d1) -> (0, 0)>
#map1 = affine_map<(d0, d1) -> (0)>
#map2 = affine_map<(d0, d1) -> (0, 0, 0)>
module attributes {stable_mosaic.version = 14 : i64} {
  func.func @k(%arg0: i32, %arg1: i32, %arg2: memref<10112x128xf32, #tpu.memory_space<hbm>>, %arg3: memref<327680xi32, #tpu.memory_space<hbm>>, %arg4: memref<32x80x128xi32, #tpu.memory_space<hbm>>, %arg5: memref<632x128xf32, #tpu.memory_space<hbm>>, %arg6: memref<2x10112x128xf32, #tpu.memory_space<hbm>>, %arg7: memref<5120xi32, #tpu.memory_space<vmem>>, %arg8: memref<40x128xi32, #tpu.memory_space<vmem>>, %arg9: memref<128x128xf32, #tpu.memory_space<vmem>>, %arg10: memref<128x128xf32, #tpu.memory_space<vmem>>, %arg11: memref<10112x128xf32, #tpu.memory_space<vmem_shared>>, %arg12: memref<!tpu.dma_semaphore, #tpu.memory_space<semaphore_mem>>, %arg13: memref<!tpu.dma_semaphore, #tpu.memory_space<semaphore_mem>>) attributes {dimension_semantics = [#tpu.dimension_semantics<core_parallel>, #tpu.dimension_semantics<subcore_parallel>], iteration_bounds = array<i64: 2, 16>, scalar_prefetch = 0 : i64, scratch_operands = 7 : i64, tpu.core_type = #tpu.core_type<sc_vector_subcore>, window_params = [{transform_indices = #map}, {transform_indices = #map1}, {transform_indices = #map2}, {transform_indices = #map}, {transform_indices = #map2}]} {
    %mul3A = arith.constant 632 : i32
    %mul3A_0 = arith.muli %arg1, %mul3A : i32
    "tpu.region"() ({
      %run_scoped3A = tpu.sem_alloc : memref<!tpu.dma_semaphore, #tpu.memory_space<semaphore_mem>>
      %dma_start3A = arith.constant 0 : i32
      %dma_start3A_21 = tpu.memref_slice %arg11[%mul3A_0, %dma_start3A] : memref<10112x128xf32, #tpu.memory_space<vmem_shared>> -> memref<632x128xf32, #tpu.memory_space<vmem_shared>>
      tpu.enqueue_dma source(%arg5 : memref<632x128xf32, #tpu.memory_space<hbm>>) target(%dma_start3A_21 : memref<632x128xf32, #tpu.memory_space<vmem_shared>>) target_semaphore(%run_scoped3A : memref<!tpu.dma_semaphore, #tpu.memory_space<semaphore_mem>>)
      %dma_wait3A = arith.constant 0 : i32
      %dma_wait3A_22 = tpu.memref_slice %arg11[%mul3A_0, %dma_wait3A] : memref<10112x128xf32, #tpu.memory_space<vmem_shared>> -> memref<632x128xf32, #tpu.memory_space<vmem_shared>>
      tpu.wait_dma2 semaphore(%run_scoped3A : memref<!tpu.dma_semaphore, #tpu.memory_space<semaphore_mem>>) src(%arg5 : memref<632x128xf32, #tpu.memory_space<hbm>>) dst(%dma_wait3A_22 : memref<632x128xf32, #tpu.memory_space<vmem_shared>>)
      tpu.yield
    }) : () -> ()
    %barrier3A = arith.constant 0 : index
    tpu.barrier barrier_id(%barrier3A)
    %mul3A_1 = arith.constant 16 : i32
    %mul3A_2 = arith.muli %arg0, %mul3A_1 : i32
    %add3A = arith.addi %mul3A_2, %arg1 : i32
    %mul3A_3 = arith.constant 10240 : i32
    %mul3A_4 = arith.muli %add3A, %mul3A_3 : i32
    %add3A_5 = arith.constant 0 : i32
    %add3A_6 = arith.addi %mul3A_4, %add3A_5 : i32
    "tpu.region"() ({
      %run_scoped3A = tpu.sem_alloc : memref<!tpu.dma_semaphore, #tpu.memory_space<semaphore_mem>>
      %dma_start3A = tpu.memref_slice %arg3[%add3A_6] : memref<327680xi32, #tpu.memory_space<hbm>> -> memref<5120xi32, #tpu.memory_space<hbm>>
      %dma_start3A_21 = tpu.memref_slice %arg3[%add3A_6] : memref<327680xi32, #tpu.memory_space<hbm>> -> memref<5120xi32, #tpu.memory_space<hbm>>
      tpu.enqueue_dma source(%dma_start3A_21 : memref<5120xi32, #tpu.memory_space<hbm>>) target(%arg7 : memref<5120xi32, #tpu.memory_space<vmem>>) target_semaphore(%run_scoped3A : memref<!tpu.dma_semaphore, #tpu.memory_space<semaphore_mem>>)
      %dma_wait3A = tpu.memref_slice %arg3[%add3A_6] : memref<327680xi32, #tpu.memory_space<hbm>> -> memref<5120xi32, #tpu.memory_space<hbm>>
      %dma_wait3A_22 = tpu.memref_slice %arg3[%add3A_6] : memref<327680xi32, #tpu.memory_space<hbm>> -> memref<5120xi32, #tpu.memory_space<hbm>>
      tpu.wait_dma2 semaphore(%run_scoped3A : memref<!tpu.dma_semaphore, #tpu.memory_space<semaphore_mem>>) src(%dma_wait3A_22 : memref<5120xi32, #tpu.memory_space<hbm>>) dst(%arg7 : memref<5120xi32, #tpu.memory_space<vmem>>)
      tpu.yield
    }) : () -> ()
    "tpu.region"() ({
      %run_scoped3A = tpu.sem_alloc : memref<!tpu.dma_semaphore, #tpu.memory_space<semaphore_mem>>
      %dma_start3A = arith.constant 0 : i32
      %dma_start3A_21 = arith.constant 0 : i32
      %dma_start3A_22 = tpu.memref_slice %arg4[%add3A, %dma_start3A, %dma_start3A_21] : memref<32x80x128xi32, #tpu.memory_space<hbm>> -> memref<1x80x128xi32, #tpu.memory_space<hbm>>
      %dma_start3A_23 = tpu.memref_squeeze %dma_start3A_22 : memref<1x80x128xi32, #tpu.memory_space<hbm>> -> memref<80x128xi32, #tpu.memory_space<hbm>>
      %dma_start3A_24 = arith.constant 0 : i32
      %dma_start3A_25 = arith.constant 0 : i32
      %dma_start3A_26 = tpu.memref_slice %dma_start3A_23[%dma_start3A_24, %dma_start3A_25] : memref<80x128xi32, #tpu.memory_space<hbm>> -> memref<40x128xi32, #tpu.memory_space<hbm>>
      %dma_start3A_27 = arith.constant 0 : i32
      %dma_start3A_28 = arith.constant 0 : i32
      %dma_start3A_29 = tpu.memref_slice %arg4[%add3A, %dma_start3A_27, %dma_start3A_28] : memref<32x80x128xi32, #tpu.memory_space<hbm>> -> memref<1x80x128xi32, #tpu.memory_space<hbm>>
      %dma_start3A_30 = tpu.memref_squeeze %dma_start3A_29 : memref<1x80x128xi32, #tpu.memory_space<hbm>> -> memref<80x128xi32, #tpu.memory_space<hbm>>
      %dma_start3A_31 = arith.constant 0 : i32
      %dma_start3A_32 = arith.constant 0 : i32
      %dma_start3A_33 = tpu.memref_slice %dma_start3A_30[%dma_start3A_31, %dma_start3A_32] : memref<80x128xi32, #tpu.memory_space<hbm>> -> memref<40x128xi32, #tpu.memory_space<hbm>>
      tpu.enqueue_dma source(%dma_start3A_33 : memref<40x128xi32, #tpu.memory_space<hbm>>) target(%arg8 : memref<40x128xi32, #tpu.memory_space<vmem>>) target_semaphore(%run_scoped3A : memref<!tpu.dma_semaphore, #tpu.memory_space<semaphore_mem>>)
      %dma_wait3A = arith.constant 0 : i32
      %dma_wait3A_34 = arith.constant 0 : i32
      %dma_wait3A_35 = tpu.memref_slice %arg4[%add3A, %dma_wait3A, %dma_wait3A_34] : memref<32x80x128xi32, #tpu.memory_space<hbm>> -> memref<1x80x128xi32, #tpu.memory_space<hbm>>
      %dma_wait3A_36 = tpu.memref_squeeze %dma_wait3A_35 : memref<1x80x128xi32, #tpu.memory_space<hbm>> -> memref<80x128xi32, #tpu.memory_space<hbm>>
      %dma_wait3A_37 = arith.constant 0 : i32
      %dma_wait3A_38 = arith.constant 0 : i32
      %dma_wait3A_39 = tpu.memref_slice %dma_wait3A_36[%dma_wait3A_37, %dma_wait3A_38] : memref<80x128xi32, #tpu.memory_space<hbm>> -> memref<40x128xi32, #tpu.memory_space<hbm>>
      %dma_wait3A_40 = arith.constant 0 : i32
      %dma_wait3A_41 = arith.constant 0 : i32
      %dma_wait3A_42 = tpu.memref_slice %arg4[%add3A, %dma_wait3A_40, %dma_wait3A_41] : memref<32x80x128xi32, #tpu.memory_space<hbm>> -> memref<1x80x128xi32, #tpu.memory_space<hbm>>
      %dma_wait3A_43 = tpu.memref_squeeze %dma_wait3A_42 : memref<1x80x128xi32, #tpu.memory_space<hbm>> -> memref<80x128xi32, #tpu.memory_space<hbm>>
      %dma_wait3A_44 = arith.constant 0 : i32
      %dma_wait3A_45 = arith.constant 0 : i32
      %dma_wait3A_46 = tpu.memref_slice %dma_wait3A_43[%dma_wait3A_44, %dma_wait3A_45] : memref<80x128xi32, #tpu.memory_space<hbm>> -> memref<40x128xi32, #tpu.memory_space<hbm>>
      tpu.wait_dma2 semaphore(%run_scoped3A : memref<!tpu.dma_semaphore, #tpu.memory_space<semaphore_mem>>) src(%dma_wait3A_46 : memref<40x128xi32, #tpu.memory_space<hbm>>) dst(%arg8 : memref<40x128xi32, #tpu.memory_space<vmem>>)
      tpu.yield
    }) : () -> ()
    %scan3A = arith.constant 0 : i32
    %scan3A_7 = arith.constant 20 : i32
    %scan3A_8 = arith.addi %scan3A, %scan3A_7 : i32
    %scan3A_9 = arith.constant 1 : i32
    scf.for %scan3A_21 = %scan3A to %scan3A_8 step %scan3A_9  : i32 {
      %mul3A_22 = arith.constant 2 : i32
      %mul3A_23 = arith.muli %scan3A_21, %mul3A_22 : i32
      %add3A_24 = arith.constant 0 : i32
      %add3A_25 = arith.addi %add3A_24, %mul3A_23 : i32
      %mul3A_26 = arith.constant 128 : i32
      %mul3A_27 = arith.muli %add3A_25, %mul3A_26 : i32
      %dma_start3A = tpu.memref_slice %arg7[%mul3A_27] : memref<5120xi32, #tpu.memory_space<vmem>> -> memref<128xi32, #tpu.memory_space<vmem>>
      %dma_start3A_28 = arith.constant 0 : i32
      %dma_start3A_29 = arith.constant 0 : i32
      %dma_start3A_30 = tpu.memref_slice %arg2[%dma_start3A_28, %dma_start3A_29] : memref<10112x128xf32, #tpu.memory_space<hbm>> -> memref<10112x128xf32, #tpu.memory_space<hbm>>
      tpu.enqueue_indirect_dma source(%dma_start3A_30 : memref<10112x128xf32, #tpu.memory_space<hbm>>) target(%arg9 : memref<128x128xf32, #tpu.memory_space<vmem>>) offsets(%dma_start3A : memref<128xi32, #tpu.memory_space<vmem>>) semaphore(%arg12 : memref<!tpu.dma_semaphore, #tpu.memory_space<semaphore_mem>>)
      %add3A_31 = arith.constant 1 : i32
      %add3A_32 = arith.addi %add3A_25, %add3A_31 : i32
      %mul3A_33 = arith.constant 128 : i32
      %mul3A_34 = arith.muli %add3A_32, %mul3A_33 : i32
      %dma_start3A_35 = tpu.memref_slice %arg7[%mul3A_34] : memref<5120xi32, #tpu.memory_space<vmem>> -> memref<128xi32, #tpu.memory_space<vmem>>
      %dma_start3A_36 = arith.constant 0 : i32
      %dma_start3A_37 = arith.constant 0 : i32
      %dma_start3A_38 = tpu.memref_slice %arg2[%dma_start3A_36, %dma_start3A_37] : memref<10112x128xf32, #tpu.memory_space<hbm>> -> memref<10112x128xf32, #tpu.memory_space<hbm>>
      tpu.enqueue_indirect_dma source(%dma_start3A_38 : memref<10112x128xf32, #tpu.memory_space<hbm>>) target(%arg10 : memref<128x128xf32, #tpu.memory_space<vmem>>) offsets(%dma_start3A_35 : memref<128xi32, #tpu.memory_space<vmem>>) semaphore(%arg13 : memref<!tpu.dma_semaphore, #tpu.memory_space<semaphore_mem>>)
      %dma_wait3A = tpu.memref_slice %arg7[%mul3A_27] : memref<5120xi32, #tpu.memory_space<vmem>> -> memref<128xi32, #tpu.memory_space<vmem>>
      %dma_wait3A_39 = arith.constant 0 : i32
      %dma_wait3A_40 = arith.constant 0 : i32
      %dma_wait3A_41 = tpu.memref_slice %arg2[%dma_wait3A_39, %dma_wait3A_40] : memref<10112x128xf32, #tpu.memory_space<hbm>> -> memref<10112x128xf32, #tpu.memory_space<hbm>>
      tpu.wait_indirect_dma semaphore(%arg12 : memref<!tpu.dma_semaphore, #tpu.memory_space<semaphore_mem>>) src(%dma_wait3A_41 : memref<10112x128xf32, #tpu.memory_space<hbm>>) dst(%arg9 : memref<128x128xf32, #tpu.memory_space<vmem>>)
      "tpu.region"() ({
        %run_scoped3A = tpu.sem_alloc : memref<!tpu.dma_semaphore, #tpu.memory_space<semaphore_mem>>
        %dma_start3A_48 = arith.constant 0 : i32
        %dma_start3A_49 = tpu.memref_slice %arg8[%add3A_25, %dma_start3A_48] : memref<40x128xi32, #tpu.memory_space<vmem>> -> memref<1x128xi32, #tpu.memory_space<vmem>>
        %dma_start3A_50 = tpu.memref_squeeze %dma_start3A_49 : memref<1x128xi32, #tpu.memory_space<vmem>> -> memref<128xi32, #tpu.memory_space<vmem>>
        %dma_start3A_51 = arith.constant 0 : i32
        %dma_start3A_52 = arith.constant 0 : i32
        %dma_start3A_53 = tpu.memref_slice %arg11[%dma_start3A_51, %dma_start3A_52] : memref<10112x128xf32, #tpu.memory_space<vmem_shared>> -> memref<10112x128xf32, #tpu.memory_space<vmem_shared>>
        tpu.enqueue_indirect_dma source(%arg9 : memref<128x128xf32, #tpu.memory_space<vmem>>) target(%dma_start3A_53 : memref<10112x128xf32, #tpu.memory_space<vmem_shared>>) offsets(%dma_start3A_50 : memref<128xi32, #tpu.memory_space<vmem>>) semaphore(%run_scoped3A : memref<!tpu.dma_semaphore, #tpu.memory_space<semaphore_mem>>) {add = true}
        %dma_wait3A_54 = arith.constant 0 : i32
        %dma_wait3A_55 = tpu.memref_slice %arg8[%add3A_25, %dma_wait3A_54] : memref<40x128xi32, #tpu.memory_space<vmem>> -> memref<1x128xi32, #tpu.memory_space<vmem>>
        %dma_wait3A_56 = tpu.memref_squeeze %dma_wait3A_55 : memref<1x128xi32, #tpu.memory_space<vmem>> -> memref<128xi32, #tpu.memory_space<vmem>>
        %dma_wait3A_57 = arith.constant 0 : i32
        %dma_wait3A_58 = arith.constant 0 : i32
        %dma_wait3A_59 = tpu.memref_slice %arg11[%dma_wait3A_57, %dma_wait3A_58] : memref<10112x128xf32, #tpu.memory_space<vmem_shared>> -> memref<10112x128xf32, #tpu.memory_space<vmem_shared>>
        tpu.wait_indirect_dma semaphore(%run_scoped3A : memref<!tpu.dma_semaphore, #tpu.memory_space<semaphore_mem>>) src(%arg9 : memref<128x128xf32, #tpu.memory_space<vmem>>) dst(%dma_wait3A_59 : memref<10112x128xf32, #tpu.memory_space<vmem_shared>>)
        tpu.yield
      }) : () -> ()
      %dma_wait3A_42 = tpu.memref_slice %arg7[%mul3A_34] : memref<5120xi32, #tpu.memory_space<vmem>> -> memref<128xi32, #tpu.memory_space<vmem>>
      %dma_wait3A_43 = arith.constant 0 : i32
      %dma_wait3A_44 = arith.constant 0 : i32
      %dma_wait3A_45 = tpu.memref_slice %arg2[%dma_wait3A_43, %dma_wait3A_44] : memref<10112x128xf32, #tpu.memory_space<hbm>> -> memref<10112x128xf32, #tpu.memory_space<hbm>>
      tpu.wait_indirect_dma semaphore(%arg13 : memref<!tpu.dma_semaphore, #tpu.memory_space<semaphore_mem>>) src(%dma_wait3A_45 : memref<10112x128xf32, #tpu.memory_space<hbm>>) dst(%arg10 : memref<128x128xf32, #tpu.memory_space<vmem>>)
      %add3A_46 = arith.constant 1 : i32
      %add3A_47 = arith.addi %add3A_25, %add3A_46 : i32
      "tpu.region"() ({
        %run_scoped3A = tpu.sem_alloc : memref<!tpu.dma_semaphore, #tpu.memory_space<semaphore_mem>>
        %dma_start3A_48 = arith.constant 0 : i32
        %dma_start3A_49 = tpu.memref_slice %arg8[%add3A_47, %dma_start3A_48] : memref<40x128xi32, #tpu.memory_space<vmem>> -> memref<1x128xi32, #tpu.memory_space<vmem>>
        %dma_start3A_50 = tpu.memref_squeeze %dma_start3A_49 : memref<1x128xi32, #tpu.memory_space<vmem>> -> memref<128xi32, #tpu.memory_space<vmem>>
        %dma_start3A_51 = arith.constant 0 : i32
        %dma_start3A_52 = arith.constant 0 : i32
        %dma_start3A_53 = tpu.memref_slice %arg11[%dma_start3A_51, %dma_start3A_52] : memref<10112x128xf32, #tpu.memory_space<vmem_shared>> -> memref<10112x128xf32, #tpu.memory_space<vmem_shared>>
        tpu.enqueue_indirect_dma source(%arg10 : memref<128x128xf32, #tpu.memory_space<vmem>>) target(%dma_start3A_53 : memref<10112x128xf32, #tpu.memory_space<vmem_shared>>) offsets(%dma_start3A_50 : memref<128xi32, #tpu.memory_space<vmem>>) semaphore(%run_scoped3A : memref<!tpu.dma_semaphore, #tpu.memory_space<semaphore_mem>>) {add = true}
        %dma_wait3A_54 = arith.constant 0 : i32
        %dma_wait3A_55 = tpu.memref_slice %arg8[%add3A_47, %dma_wait3A_54] : memref<40x128xi32, #tpu.memory_space<vmem>> -> memref<1x128xi32, #tpu.memory_space<vmem>>
        %dma_wait3A_56 = tpu.memref_squeeze %dma_wait3A_55 : memref<1x128xi32, #tpu.memory_space<vmem>> -> memref<128xi32, #tpu.memory_space<vmem>>
        %dma_wait3A_57 = arith.constant 0 : i32
        %dma_wait3A_58 = arith.constant 0 : i32
        %dma_wait3A_59 = tpu.memref_slice %arg11[%dma_wait3A_57, %dma_wait3A_58] : memref<10112x128xf32, #tpu.memory_space<vmem_shared>> -> memref<10112x128xf32, #tpu.memory_space<vmem_shared>>
        tpu.wait_indirect_dma semaphore(%run_scoped3A : memref<!tpu.dma_semaphore, #tpu.memory_space<semaphore_mem>>) src(%arg10 : memref<128x128xf32, #tpu.memory_space<vmem>>) dst(%dma_wait3A_59 : memref<10112x128xf32, #tpu.memory_space<vmem_shared>>)
        tpu.yield
      }) : () -> ()
    }
    %scan3A_10 = arith.constant 20 : i32
    %add3A_11 = arith.constant 5120 : i32
    %add3A_12 = arith.addi %mul3A_4, %add3A_11 : i32
    "tpu.region"() ({
      %run_scoped3A = tpu.sem_alloc : memref<!tpu.dma_semaphore, #tpu.memory_space<semaphore_mem>>
      %dma_start3A = tpu.memref_slice %arg3[%add3A_12] : memref<327680xi32, #tpu.memory_space<hbm>> -> memref<5120xi32, #tpu.memory_space<hbm>>
      %dma_start3A_21 = tpu.memref_slice %arg3[%add3A_12] : memref<327680xi32, #tpu.memory_space<hbm>> -> memref<5120xi32, #tpu.memory_space<hbm>>
      tpu.enqueue_dma source(%dma_start3A_21 : memref<5120xi32, #tpu.memory_space<hbm>>) target(%arg7 : memref<5120xi32, #tpu.memory_space<vmem>>) target_semaphore(%run_scoped3A : memref<!tpu.dma_semaphore, #tpu.memory_space<semaphore_mem>>)
      %dma_wait3A = tpu.memref_slice %arg3[%add3A_12] : memref<327680xi32, #tpu.memory_space<hbm>> -> memref<5120xi32, #tpu.memory_space<hbm>>
      %dma_wait3A_22 = tpu.memref_slice %arg3[%add3A_12] : memref<327680xi32, #tpu.memory_space<hbm>> -> memref<5120xi32, #tpu.memory_space<hbm>>
      tpu.wait_dma2 semaphore(%run_scoped3A : memref<!tpu.dma_semaphore, #tpu.memory_space<semaphore_mem>>) src(%dma_wait3A_22 : memref<5120xi32, #tpu.memory_space<hbm>>) dst(%arg7 : memref<5120xi32, #tpu.memory_space<vmem>>)
      tpu.yield
    }) : () -> ()
    "tpu.region"() ({
      %run_scoped3A = tpu.sem_alloc : memref<!tpu.dma_semaphore, #tpu.memory_space<semaphore_mem>>
      %dma_start3A = arith.constant 0 : i32
      %dma_start3A_21 = arith.constant 0 : i32
      %dma_start3A_22 = tpu.memref_slice %arg4[%add3A, %dma_start3A, %dma_start3A_21] : memref<32x80x128xi32, #tpu.memory_space<hbm>> -> memref<1x80x128xi32, #tpu.memory_space<hbm>>
      %dma_start3A_23 = tpu.memref_squeeze %dma_start3A_22 : memref<1x80x128xi32, #tpu.memory_space<hbm>> -> memref<80x128xi32, #tpu.memory_space<hbm>>
      %dma_start3A_24 = arith.constant 40 : i32
      %dma_start3A_25 = arith.constant 0 : i32
      %dma_start3A_26 = tpu.memref_slice %dma_start3A_23[%dma_start3A_24, %dma_start3A_25] : memref<80x128xi32, #tpu.memory_space<hbm>> -> memref<40x128xi32, #tpu.memory_space<hbm>>
      %dma_start3A_27 = arith.constant 0 : i32
      %dma_start3A_28 = arith.constant 0 : i32
      %dma_start3A_29 = tpu.memref_slice %arg4[%add3A, %dma_start3A_27, %dma_start3A_28] : memref<32x80x128xi32, #tpu.memory_space<hbm>> -> memref<1x80x128xi32, #tpu.memory_space<hbm>>
      %dma_start3A_30 = tpu.memref_squeeze %dma_start3A_29 : memref<1x80x128xi32, #tpu.memory_space<hbm>> -> memref<80x128xi32, #tpu.memory_space<hbm>>
      %dma_start3A_31 = arith.constant 40 : i32
      %dma_start3A_32 = arith.constant 0 : i32
      %dma_start3A_33 = tpu.memref_slice %dma_start3A_30[%dma_start3A_31, %dma_start3A_32] : memref<80x128xi32, #tpu.memory_space<hbm>> -> memref<40x128xi32, #tpu.memory_space<hbm>>
      tpu.enqueue_dma source(%dma_start3A_33 : memref<40x128xi32, #tpu.memory_space<hbm>>) target(%arg8 : memref<40x128xi32, #tpu.memory_space<vmem>>) target_semaphore(%run_scoped3A : memref<!tpu.dma_semaphore, #tpu.memory_space<semaphore_mem>>)
      %dma_wait3A = arith.constant 0 : i32
      %dma_wait3A_34 = arith.constant 0 : i32
      %dma_wait3A_35 = tpu.memref_slice %arg4[%add3A, %dma_wait3A, %dma_wait3A_34] : memref<32x80x128xi32, #tpu.memory_space<hbm>> -> memref<1x80x128xi32, #tpu.memory_space<hbm>>
      %dma_wait3A_36 = tpu.memref_squeeze %dma_wait3A_35 : memref<1x80x128xi32, #tpu.memory_space<hbm>> -> memref<80x128xi32, #tpu.memory_space<hbm>>
      %dma_wait3A_37 = arith.constant 40 : i32
      %dma_wait3A_38 = arith.constant 0 : i32
      %dma_wait3A_39 = tpu.memref_slice %dma_wait3A_36[%dma_wait3A_37, %dma_wait3A_38] : memref<80x128xi32, #tpu.memory_space<hbm>> -> memref<40x128xi32, #tpu.memory_space<hbm>>
      %dma_wait3A_40 = arith.constant 0 : i32
      %dma_wait3A_41 = arith.constant 0 : i32
      %dma_wait3A_42 = tpu.memref_slice %arg4[%add3A, %dma_wait3A_40, %dma_wait3A_41] : memref<32x80x128xi32, #tpu.memory_space<hbm>> -> memref<1x80x128xi32, #tpu.memory_space<hbm>>
      %dma_wait3A_43 = tpu.memref_squeeze %dma_wait3A_42 : memref<1x80x128xi32, #tpu.memory_space<hbm>> -> memref<80x128xi32, #tpu.memory_space<hbm>>
      %dma_wait3A_44 = arith.constant 40 : i32
      %dma_wait3A_45 = arith.constant 0 : i32
      %dma_wait3A_46 = tpu.memref_slice %dma_wait3A_43[%dma_wait3A_44, %dma_wait3A_45] : memref<80x128xi32, #tpu.memory_space<hbm>> -> memref<40x128xi32, #tpu.memory_space<hbm>>
      tpu.wait_dma2 semaphore(%run_scoped3A : memref<!tpu.dma_semaphore, #tpu.memory_space<semaphore_mem>>) src(%dma_wait3A_46 : memref<40x128xi32, #tpu.memory_space<hbm>>) dst(%arg8 : memref<40x128xi32, #tpu.memory_space<vmem>>)
      tpu.yield
    }) : () -> ()
    %scan3A_13 = arith.constant 0 : i32
    %scan3A_14 = arith.constant 20 : i32
    %scan3A_15 = arith.addi %scan3A_13, %scan3A_14 : i32
    %scan3A_16 = arith.constant 1 : i32
    scf.for %scan3A_21 = %scan3A_13 to %scan3A_15 step %scan3A_16  : i32 {
      %mul3A_22 = arith.constant 2 : i32
      %mul3A_23 = arith.muli %scan3A_21, %mul3A_22 : i32
      %add3A_24 = arith.constant 0 : i32
      %add3A_25 = arith.addi %add3A_24, %mul3A_23 : i32
      %mul3A_26 = arith.constant 128 : i32
      %mul3A_27 = arith.muli %add3A_25, %mul3A_26 : i32
      %dma_start3A = tpu.memref_slice %arg7[%mul3A_27] : memref<5120xi32, #tpu.memory_space<vmem>> -> memref<128xi32, #tpu.memory_space<vmem>>
      %dma_start3A_28 = arith.constant 0 : i32
      %dma_start3A_29 = arith.constant 0 : i32
      %dma_start3A_30 = tpu.memref_slice %arg2[%dma_start3A_28, %dma_start3A_29] : memref<10112x128xf32, #tpu.memory_space<hbm>> -> memref<10112x128xf32, #tpu.memory_space<hbm>>
      tpu.enqueue_indirect_dma source(%dma_start3A_30 : memref<10112x128xf32, #tpu.memory_space<hbm>>) target(%arg9 : memref<128x128xf32, #tpu.memory_space<vmem>>) offsets(%dma_start3A : memref<128xi32, #tpu.memory_space<vmem>>) semaphore(%arg12 : memref<!tpu.dma_semaphore, #tpu.memory_space<semaphore_mem>>)
      %add3A_31 = arith.constant 1 : i32
      %add3A_32 = arith.addi %add3A_25, %add3A_31 : i32
      %mul3A_33 = arith.constant 128 : i32
      %mul3A_34 = arith.muli %add3A_32, %mul3A_33 : i32
      %dma_start3A_35 = tpu.memref_slice %arg7[%mul3A_34] : memref<5120xi32, #tpu.memory_space<vmem>> -> memref<128xi32, #tpu.memory_space<vmem>>
      %dma_start3A_36 = arith.constant 0 : i32
      %dma_start3A_37 = arith.constant 0 : i32
      %dma_start3A_38 = tpu.memref_slice %arg2[%dma_start3A_36, %dma_start3A_37] : memref<10112x128xf32, #tpu.memory_space<hbm>> -> memref<10112x128xf32, #tpu.memory_space<hbm>>
      tpu.enqueue_indirect_dma source(%dma_start3A_38 : memref<10112x128xf32, #tpu.memory_space<hbm>>) target(%arg10 : memref<128x128xf32, #tpu.memory_space<vmem>>) offsets(%dma_start3A_35 : memref<128xi32, #tpu.memory_space<vmem>>) semaphore(%arg13 : memref<!tpu.dma_semaphore, #tpu.memory_space<semaphore_mem>>)
      %dma_wait3A = tpu.memref_slice %arg7[%mul3A_27] : memref<5120xi32, #tpu.memory_space<vmem>> -> memref<128xi32, #tpu.memory_space<vmem>>
      %dma_wait3A_39 = arith.constant 0 : i32
      %dma_wait3A_40 = arith.constant 0 : i32
      %dma_wait3A_41 = tpu.memref_slice %arg2[%dma_wait3A_39, %dma_wait3A_40] : memref<10112x128xf32, #tpu.memory_space<hbm>> -> memref<10112x128xf32, #tpu.memory_space<hbm>>
      tpu.wait_indirect_dma semaphore(%arg12 : memref<!tpu.dma_semaphore, #tpu.memory_space<semaphore_mem>>) src(%dma_wait3A_41 : memref<10112x128xf32, #tpu.memory_space<hbm>>) dst(%arg9 : memref<128x128xf32, #tpu.memory_space<vmem>>)
      "tpu.region"() ({
        %run_scoped3A = tpu.sem_alloc : memref<!tpu.dma_semaphore, #tpu.memory_space<semaphore_mem>>
        %dma_start3A_48 = arith.constant 0 : i32
        %dma_start3A_49 = tpu.memref_slice %arg8[%add3A_25, %dma_start3A_48] : memref<40x128xi32, #tpu.memory_space<vmem>> -> memref<1x128xi32, #tpu.memory_space<vmem>>
        %dma_start3A_50 = tpu.memref_squeeze %dma_start3A_49 : memref<1x128xi32, #tpu.memory_space<vmem>> -> memref<128xi32, #tpu.memory_space<vmem>>
        %dma_start3A_51 = arith.constant 0 : i32
        %dma_start3A_52 = arith.constant 0 : i32
        %dma_start3A_53 = tpu.memref_slice %arg11[%dma_start3A_51, %dma_start3A_52] : memref<10112x128xf32, #tpu.memory_space<vmem_shared>> -> memref<10112x128xf32, #tpu.memory_space<vmem_shared>>
        tpu.enqueue_indirect_dma source(%arg9 : memref<128x128xf32, #tpu.memory_space<vmem>>) target(%dma_start3A_53 : memref<10112x128xf32, #tpu.memory_space<vmem_shared>>) offsets(%dma_start3A_50 : memref<128xi32, #tpu.memory_space<vmem>>) semaphore(%run_scoped3A : memref<!tpu.dma_semaphore, #tpu.memory_space<semaphore_mem>>) {add = true}
        %dma_wait3A_54 = arith.constant 0 : i32
        %dma_wait3A_55 = tpu.memref_slice %arg8[%add3A_25, %dma_wait3A_54] : memref<40x128xi32, #tpu.memory_space<vmem>> -> memref<1x128xi32, #tpu.memory_space<vmem>>
        %dma_wait3A_56 = tpu.memref_squeeze %dma_wait3A_55 : memref<1x128xi32, #tpu.memory_space<vmem>> -> memref<128xi32, #tpu.memory_space<vmem>>
        %dma_wait3A_57 = arith.constant 0 : i32
        %dma_wait3A_58 = arith.constant 0 : i32
        %dma_wait3A_59 = tpu.memref_slice %arg11[%dma_wait3A_57, %dma_wait3A_58] : memref<10112x128xf32, #tpu.memory_space<vmem_shared>> -> memref<10112x128xf32, #tpu.memory_space<vmem_shared>>
        tpu.wait_indirect_dma semaphore(%run_scoped3A : memref<!tpu.dma_semaphore, #tpu.memory_space<semaphore_mem>>) src(%arg9 : memref<128x128xf32, #tpu.memory_space<vmem>>) dst(%dma_wait3A_59 : memref<10112x128xf32, #tpu.memory_space<vmem_shared>>)
        tpu.yield
      }) : () -> ()
      %dma_wait3A_42 = tpu.memref_slice %arg7[%mul3A_34] : memref<5120xi32, #tpu.memory_space<vmem>> -> memref<128xi32, #tpu.memory_space<vmem>>
      %dma_wait3A_43 = arith.constant 0 : i32
      %dma_wait3A_44 = arith.constant 0 : i32
      %dma_wait3A_45 = tpu.memref_slice %arg2[%dma_wait3A_43, %dma_wait3A_44] : memref<10112x128xf32, #tpu.memory_space<hbm>> -> memref<10112x128xf32, #tpu.memory_space<hbm>>
      tpu.wait_indirect_dma semaphore(%arg13 : memref<!tpu.dma_semaphore, #tpu.memory_space<semaphore_mem>>) src(%dma_wait3A_45 : memref<10112x128xf32, #tpu.memory_space<hbm>>) dst(%arg10 : memref<128x128xf32, #tpu.memory_space<vmem>>)
      %add3A_46 = arith.constant 1 : i32
      %add3A_47 = arith.addi %add3A_25, %add3A_46 : i32
      "tpu.region"() ({
        %run_scoped3A = tpu.sem_alloc : memref<!tpu.dma_semaphore, #tpu.memory_space<semaphore_mem>>
        %dma_start3A_48 = arith.constant 0 : i32
        %dma_start3A_49 = tpu.memref_slice %arg8[%add3A_47, %dma_start3A_48] : memref<40x128xi32, #tpu.memory_space<vmem>> -> memref<1x128xi32, #tpu.memory_space<vmem>>
        %dma_start3A_50 = tpu.memref_squeeze %dma_start3A_49 : memref<1x128xi32, #tpu.memory_space<vmem>> -> memref<128xi32, #tpu.memory_space<vmem>>
        %dma_start3A_51 = arith.constant 0 : i32
        %dma_start3A_52 = arith.constant 0 : i32
        %dma_start3A_53 = tpu.memref_slice %arg11[%dma_start3A_51, %dma_start3A_52] : memref<10112x128xf32, #tpu.memory_space<vmem_shared>> -> memref<10112x128xf32, #tpu.memory_space<vmem_shared>>
        tpu.enqueue_indirect_dma source(%arg10 : memref<128x128xf32, #tpu.memory_space<vmem>>) target(%dma_start3A_53 : memref<10112x128xf32, #tpu.memory_space<vmem_shared>>) offsets(%dma_start3A_50 : memref<128xi32, #tpu.memory_space<vmem>>) semaphore(%run_scoped3A : memref<!tpu.dma_semaphore, #tpu.memory_space<semaphore_mem>>) {add = true}
        %dma_wait3A_54 = arith.constant 0 : i32
        %dma_wait3A_55 = tpu.memref_slice %arg8[%add3A_47, %dma_wait3A_54] : memref<40x128xi32, #tpu.memory_space<vmem>> -> memref<1x128xi32, #tpu.memory_space<vmem>>
        %dma_wait3A_56 = tpu.memref_squeeze %dma_wait3A_55 : memref<1x128xi32, #tpu.memory_space<vmem>> -> memref<128xi32, #tpu.memory_space<vmem>>
        %dma_wait3A_57 = arith.constant 0 : i32
        %dma_wait3A_58 = arith.constant 0 : i32
        %dma_wait3A_59 = tpu.memref_slice %arg11[%dma_wait3A_57, %dma_wait3A_58] : memref<10112x128xf32, #tpu.memory_space<vmem_shared>> -> memref<10112x128xf32, #tpu.memory_space<vmem_shared>>
        tpu.wait_indirect_dma semaphore(%run_scoped3A : memref<!tpu.dma_semaphore, #tpu.memory_space<semaphore_mem>>) src(%arg10 : memref<128x128xf32, #tpu.memory_space<vmem>>) dst(%dma_wait3A_59 : memref<10112x128xf32, #tpu.memory_space<vmem_shared>>)
        tpu.yield
      }) : () -> ()
    }
    %scan3A_17 = arith.constant 20 : i32
    %barrier3A_18 = arith.constant 0 : index
    tpu.barrier barrier_id(%barrier3A_18)
    %mul3A_19 = arith.constant 632 : i32
    %mul3A_20 = arith.muli %arg1, %mul3A_19 : i32
    "tpu.region"() ({
      %run_scoped3A = tpu.sem_alloc : memref<!tpu.dma_semaphore, #tpu.memory_space<semaphore_mem>>
      %dma_start3A = arith.constant 0 : i32
      %dma_start3A_21 = arith.constant 0 : i32
      %dma_start3A_22 = tpu.memref_slice %arg6[%arg0, %dma_start3A, %dma_start3A_21] : memref<2x10112x128xf32, #tpu.memory_space<hbm>> -> memref<1x10112x128xf32, #tpu.memory_space<hbm>>
      %dma_start3A_23 = tpu.memref_squeeze %dma_start3A_22 : memref<1x10112x128xf32, #tpu.memory_space<hbm>> -> memref<10112x128xf32, #tpu.memory_space<hbm>>
      %dma_start3A_24 = arith.constant 0 : i32
      %dma_start3A_25 = tpu.memref_slice %dma_start3A_23[%mul3A_20, %dma_start3A_24] : memref<10112x128xf32, #tpu.memory_space<hbm>> -> memref<632x128xf32, #tpu.memory_space<hbm>>
      %dma_start3A_26 = arith.constant 0 : i32
      %dma_start3A_27 = tpu.memref_slice %arg11[%mul3A_20, %dma_start3A_26] : memref<10112x128xf32, #tpu.memory_space<vmem_shared>> -> memref<632x128xf32, #tpu.memory_space<vmem_shared>>
      tpu.enqueue_dma source(%dma_start3A_27 : memref<632x128xf32, #tpu.memory_space<vmem_shared>>) target(%dma_start3A_25 : memref<632x128xf32, #tpu.memory_space<hbm>>) target_semaphore(%run_scoped3A : memref<!tpu.dma_semaphore, #tpu.memory_space<semaphore_mem>>)
      %dma_wait3A = arith.constant 0 : i32
      %dma_wait3A_28 = arith.constant 0 : i32
      %dma_wait3A_29 = tpu.memref_slice %arg6[%arg0, %dma_wait3A, %dma_wait3A_28] : memref<2x10112x128xf32, #tpu.memory_space<hbm>> -> memref<1x10112x128xf32, #tpu.memory_space<hbm>>
      %dma_wait3A_30 = tpu.memref_squeeze %dma_wait3A_29 : memref<1x10112x128xf32, #tpu.memory_space<hbm>> -> memref<10112x128xf32, #tpu.memory_space<hbm>>
      %dma_wait3A_31 = arith.constant 0 : i32
      %dma_wait3A_32 = tpu.memref_slice %dma_wait3A_30[%mul3A_20, %dma_wait3A_31] : memref<10112x128xf32, #tpu.memory_space<hbm>> -> memref<632x128xf32, #tpu.memory_space<hbm>>
      %dma_wait3A_33 = arith.constant 0 : i32
      %dma_wait3A_34 = tpu.memref_slice %arg11[%mul3A_20, %dma_wait3A_33] : memref<10112x128xf32, #tpu.memory_space<vmem_shared>> -> memref<632x128xf32, #tpu.memory_space<vmem_shared>>
      tpu.wait_dma2 semaphore(%run_scoped3A : memref<!tpu.dma_semaphore, #tpu.memory_space<semaphore_mem>>) src(%dma_wait3A_34 : memref<632x128xf32, #tpu.memory_space<vmem_shared>>) dst(%dma_wait3A_32 : memref<632x128xf32, #tpu.memory_space<hbm>>)
      tpu.yield
    }) : () -> ()
    return
  }
}

#map = affine_map<(d0, d1) -> (0, 0)>
#map1 = affine_map<(d0, d1) -> (0)>
#map2 = affine_map<(d0, d1) -> (0, 0, 0)>
module attributes {stable_mosaic.version = 14 : i64} {
  func.func @k(%arg0: i32, %arg1: i32, %arg2: memref<10112x128xf32, #tpu.memory_space<hbm>>, %arg3: memref<327680xi32, #tpu.memory_space<hbm>>, %arg4: memref<32x80x128xi32, #tpu.memory_space<hbm>>, %arg5: memref<632x128xf32, #tpu.memory_space<hbm>>, %arg6: memref<2x10112x128xf32, #tpu.memory_space<hbm>>, %arg7: memref<5120xi32, #tpu.memory_space<vmem>>, %arg8: memref<40x128xi32, #tpu.memory_space<vmem>>, %arg9: memref<128x128xf32, #tpu.memory_space<vmem>>, %arg10: memref<128x128xf32, #tpu.memory_space<vmem>>, %arg11: memref<10112x128xf32, #tpu.memory_space<vmem_shared>>, %arg12: memref<!tpu.dma_semaphore, #tpu.memory_space<semaphore_mem>>, %arg13: memref<!tpu.dma_semaphore, #tpu.memory_space<semaphore_mem>>) attributes {dimension_semantics = [#tpu.dimension_semantics<core_parallel>, #tpu.dimension_semantics<subcore_parallel>], iteration_bounds = array<i64: 2, 16>, scalar_prefetch = 0 : i64, scratch_operands = 7 : i64, tpu.core_type = #tpu.core_type<sc_vector_subcore>, window_params = [{transform_indices = #map}, {transform_indices = #map1}, {transform_indices = #map2}, {transform_indices = #map}, {transform_indices = #map2}]} {
    %mul3A = arith.constant 632 : i32
    %mul3A_0 = arith.muli %arg1, %mul3A : i32
    "tpu.region"() ({
      %run_scoped3A = tpu.sem_alloc : memref<!tpu.dma_semaphore, #tpu.memory_space<semaphore_mem>>
      %dma_start3A = arith.constant 0 : i32
      %dma_start3A_21 = tpu.memref_slice %arg11[%mul3A_0, %dma_start3A] : memref<10112x128xf32, #tpu.memory_space<vmem_shared>> -> memref<632x128xf32, #tpu.memory_space<vmem_shared>>
      tpu.enqueue_dma source(%arg5 : memref<632x128xf32, #tpu.memory_space<hbm>>) target(%dma_start3A_21 : memref<632x128xf32, #tpu.memory_space<vmem_shared>>) target_semaphore(%run_scoped3A : memref<!tpu.dma_semaphore, #tpu.memory_space<semaphore_mem>>)
      %dma_wait3A = arith.constant 0 : i32
      %dma_wait3A_22 = tpu.memref_slice %arg11[%mul3A_0, %dma_wait3A] : memref<10112x128xf32, #tpu.memory_space<vmem_shared>> -> memref<632x128xf32, #tpu.memory_space<vmem_shared>>
      tpu.wait_dma2 semaphore(%run_scoped3A : memref<!tpu.dma_semaphore, #tpu.memory_space<semaphore_mem>>) src(%arg5 : memref<632x128xf32, #tpu.memory_space<hbm>>) dst(%dma_wait3A_22 : memref<632x128xf32, #tpu.memory_space<vmem_shared>>)
      tpu.yield
    }) : () -> ()
    %barrier3A = arith.constant 0 : index
    tpu.barrier barrier_id(%barrier3A)
    %mul3A_1 = arith.constant 16 : i32
    %mul3A_2 = arith.muli %arg0, %mul3A_1 : i32
    %add3A = arith.addi %mul3A_2, %arg1 : i32
    %mul3A_3 = arith.constant 10240 : i32
    %mul3A_4 = arith.muli %add3A, %mul3A_3 : i32
    %add3A_5 = arith.constant 0 : i32
    %add3A_6 = arith.addi %mul3A_4, %add3A_5 : i32
    "tpu.region"() ({
      %run_scoped3A = tpu.sem_alloc : memref<!tpu.dma_semaphore, #tpu.memory_space<semaphore_mem>>
      %dma_start3A = tpu.memref_slice %arg3[%add3A_6] : memref<327680xi32, #tpu.memory_space<hbm>> -> memref<5120xi32, #tpu.memory_space<hbm>>
      %dma_start3A_21 = tpu.memref_slice %arg3[%add3A_6] : memref<327680xi32, #tpu.memory_space<hbm>> -> memref<5120xi32, #tpu.memory_space<hbm>>
      tpu.enqueue_dma source(%dma_start3A_21 : memref<5120xi32, #tpu.memory_space<hbm>>) target(%arg7 : memref<5120xi32, #tpu.memory_space<vmem>>) target_semaphore(%run_scoped3A : memref<!tpu.dma_semaphore, #tpu.memory_space<semaphore_mem>>)
      %dma_wait3A = tpu.memref_slice %arg3[%add3A_6] : memref<327680xi32, #tpu.memory_space<hbm>> -> memref<5120xi32, #tpu.memory_space<hbm>>
      %dma_wait3A_22 = tpu.memref_slice %arg3[%add3A_6] : memref<327680xi32, #tpu.memory_space<hbm>> -> memref<5120xi32, #tpu.memory_space<hbm>>
      tpu.wait_dma2 semaphore(%run_scoped3A : memref<!tpu.dma_semaphore, #tpu.memory_space<semaphore_mem>>) src(%dma_wait3A_22 : memref<5120xi32, #tpu.memory_space<hbm>>) dst(%arg7 : memref<5120xi32, #tpu.memory_space<vmem>>)
      tpu.yield
    }) : () -> ()
    "tpu.region"() ({
      %run_scoped3A = tpu.sem_alloc : memref<!tpu.dma_semaphore, #tpu.memory_space<semaphore_mem>>
      %dma_start3A = arith.constant 0 : i32
      %dma_start3A_21 = arith.constant 0 : i32
      %dma_start3A_22 = tpu.memref_slice %arg4[%add3A, %dma_start3A, %dma_start3A_21] : memref<32x80x128xi32, #tpu.memory_space<hbm>> -> memref<1x80x128xi32, #tpu.memory_space<hbm>>
      %dma_start3A_23 = tpu.memref_squeeze %dma_start3A_22 : memref<1x80x128xi32, #tpu.memory_space<hbm>> -> memref<80x128xi32, #tpu.memory_space<hbm>>
      %dma_start3A_24 = arith.constant 0 : i32
      %dma_start3A_25 = arith.constant 0 : i32
      %dma_start3A_26 = tpu.memref_slice %dma_start3A_23[%dma_start3A_24, %dma_start3A_25] : memref<80x128xi32, #tpu.memory_space<hbm>> -> memref<40x128xi32, #tpu.memory_space<hbm>>
      %dma_start3A_27 = arith.constant 0 : i32
      %dma_start3A_28 = arith.constant 0 : i32
      %dma_start3A_29 = tpu.memref_slice %arg4[%add3A, %dma_start3A_27, %dma_start3A_28] : memref<32x80x128xi32, #tpu.memory_space<hbm>> -> memref<1x80x128xi32, #tpu.memory_space<hbm>>
      %dma_start3A_30 = tpu.memref_squeeze %dma_start3A_29 : memref<1x80x128xi32, #tpu.memory_space<hbm>> -> memref<80x128xi32, #tpu.memory_space<hbm>>
      %dma_start3A_31 = arith.constant 0 : i32
      %dma_start3A_32 = arith.constant 0 : i32
      %dma_start3A_33 = tpu.memref_slice %dma_start3A_30[%dma_start3A_31, %dma_start3A_32] : memref<80x128xi32, #tpu.memory_space<hbm>> -> memref<40x128xi32, #tpu.memory_space<hbm>>
      tpu.enqueue_dma source(%dma_start3A_33 : memref<40x128xi32, #tpu.memory_space<hbm>>) target(%arg8 : memref<40x128xi32, #tpu.memory_space<vmem>>) target_semaphore(%run_scoped3A : memref<!tpu.dma_semaphore, #tpu.memory_space<semaphore_mem>>)
      %dma_wait3A = arith.constant 0 : i32
      %dma_wait3A_34 = arith.constant 0 : i32
      %dma_wait3A_35 = tpu.memref_slice %arg4[%add3A, %dma_wait3A, %dma_wait3A_34] : memref<32x80x128xi32, #tpu.memory_space<hbm>> -> memref<1x80x128xi32, #tpu.memory_space<hbm>>
      %dma_wait3A_36 = tpu.memref_squeeze %dma_wait3A_35 : memref<1x80x128xi32, #tpu.memory_space<hbm>> -> memref<80x128xi32, #tpu.memory_space<hbm>>
      %dma_wait3A_37 = arith.constant 0 : i32
      %dma_wait3A_38 = arith.constant 0 : i32
      %dma_wait3A_39 = tpu.memref_slice %dma_wait3A_36[%dma_wait3A_37, %dma_wait3A_38] : memref<80x128xi32, #tpu.memory_space<hbm>> -> memref<40x128xi32, #tpu.memory_space<hbm>>
      %dma_wait3A_40 = arith.constant 0 : i32
      %dma_wait3A_41 = arith.constant 0 : i32
      %dma_wait3A_42 = tpu.memref_slice %arg4[%add3A, %dma_wait3A_40, %dma_wait3A_41] : memref<32x80x128xi32, #tpu.memory_space<hbm>> -> memref<1x80x128xi32, #tpu.memory_space<hbm>>
      %dma_wait3A_43 = tpu.memref_squeeze %dma_wait3A_42 : memref<1x80x128xi32, #tpu.memory_space<hbm>> -> memref<80x128xi32, #tpu.memory_space<hbm>>
      %dma_wait3A_44 = arith.constant 0 : i32
      %dma_wait3A_45 = arith.constant 0 : i32
      %dma_wait3A_46 = tpu.memref_slice %dma_wait3A_43[%dma_wait3A_44, %dma_wait3A_45] : memref<80x128xi32, #tpu.memory_space<hbm>> -> memref<40x128xi32, #tpu.memory_space<hbm>>
      tpu.wait_dma2 semaphore(%run_scoped3A : memref<!tpu.dma_semaphore, #tpu.memory_space<semaphore_mem>>) src(%dma_wait3A_46 : memref<40x128xi32, #tpu.memory_space<hbm>>) dst(%arg8 : memref<40x128xi32, #tpu.memory_space<vmem>>)
      tpu.yield
    }) : () -> ()
    %scan3A = arith.constant 0 : i32
    %scan3A_7 = arith.constant 20 : i32
    %scan3A_8 = arith.addi %scan3A, %scan3A_7 : i32
    %scan3A_9 = arith.constant 1 : i32
    scf.for %scan3A_21 = %scan3A to %scan3A_8 step %scan3A_9  : i32 {
      %mul3A_22 = arith.constant 2 : i32
      %mul3A_23 = arith.muli %scan3A_21, %mul3A_22 : i32
      %add3A_24 = arith.constant 0 : i32
      %add3A_25 = arith.addi %add3A_24, %mul3A_23 : i32
      %mul3A_26 = arith.constant 128 : i32
      %mul3A_27 = arith.muli %add3A_25, %mul3A_26 : i32
      %dma_start3A = tpu.memref_slice %arg7[%mul3A_27] : memref<5120xi32, #tpu.memory_space<vmem>> -> memref<128xi32, #tpu.memory_space<vmem>>
      %dma_start3A_28 = arith.constant 0 : i32
      %dma_start3A_29 = arith.constant 0 : i32
      %dma_start3A_30 = tpu.memref_slice %arg2[%dma_start3A_28, %dma_start3A_29] : memref<10112x128xf32, #tpu.memory_space<hbm>> -> memref<10112x128xf32, #tpu.memory_space<hbm>>
      tpu.enqueue_indirect_dma source(%dma_start3A_30 : memref<10112x128xf32, #tpu.memory_space<hbm>>) target(%arg9 : memref<128x128xf32, #tpu.memory_space<vmem>>) offsets(%dma_start3A : memref<128xi32, #tpu.memory_space<vmem>>) semaphore(%arg12 : memref<!tpu.dma_semaphore, #tpu.memory_space<semaphore_mem>>)
      %add3A_31 = arith.constant 1 : i32
      %add3A_32 = arith.addi %add3A_25, %add3A_31 : i32
      %mul3A_33 = arith.constant 128 : i32
      %mul3A_34 = arith.muli %add3A_32, %mul3A_33 : i32
      %dma_start3A_35 = tpu.memref_slice %arg7[%mul3A_34] : memref<5120xi32, #tpu.memory_space<vmem>> -> memref<128xi32, #tpu.memory_space<vmem>>
      %dma_start3A_36 = arith.constant 0 : i32
      %dma_start3A_37 = arith.constant 0 : i32
      %dma_start3A_38 = tpu.memref_slice %arg2[%dma_start3A_36, %dma_start3A_37] : memref<10112x128xf32, #tpu.memory_space<hbm>> -> memref<10112x128xf32, #tpu.memory_space<hbm>>
      tpu.enqueue_indirect_dma source(%dma_start3A_38 : memref<10112x128xf32, #tpu.memory_space<hbm>>) target(%arg10 : memref<128x128xf32, #tpu.memory_space<vmem>>) offsets(%dma_start3A_35 : memref<128xi32, #tpu.memory_space<vmem>>) semaphore(%arg13 : memref<!tpu.dma_semaphore, #tpu.memory_space<semaphore_mem>>)
      %dma_wait3A = tpu.memref_slice %arg7[%mul3A_27] : memref<5120xi32, #tpu.memory_space<vmem>> -> memref<128xi32, #tpu.memory_space<vmem>>
      %dma_wait3A_39 = arith.constant 0 : i32
      %dma_wait3A_40 = arith.constant 0 : i32
      %dma_wait3A_41 = tpu.memref_slice %arg2[%dma_wait3A_39, %dma_wait3A_40] : memref<10112x128xf32, #tpu.memory_space<hbm>> -> memref<10112x128xf32, #tpu.memory_space<hbm>>
      tpu.wait_indirect_dma semaphore(%arg12 : memref<!tpu.dma_semaphore, #tpu.memory_space<semaphore_mem>>) src(%dma_wait3A_41 : memref<10112x128xf32, #tpu.memory_space<hbm>>) dst(%arg9 : memref<128x128xf32, #tpu.memory_space<vmem>>)
      "tpu.region"() ({
        %run_scoped3A = tpu.sem_alloc : memref<!tpu.dma_semaphore, #tpu.memory_space<semaphore_mem>>
        %dma_start3A_48 = arith.constant 0 : i32
        %dma_start3A_49 = tpu.memref_slice %arg8[%add3A_25, %dma_start3A_48] : memref<40x128xi32, #tpu.memory_space<vmem>> -> memref<1x128xi32, #tpu.memory_space<vmem>>
        %dma_start3A_50 = tpu.memref_squeeze %dma_start3A_49 : memref<1x128xi32, #tpu.memory_space<vmem>> -> memref<128xi32, #tpu.memory_space<vmem>>
        %dma_start3A_51 = arith.constant 0 : i32
        %dma_start3A_52 = arith.constant 0 : i32
        %dma_start3A_53 = tpu.memref_slice %arg11[%dma_start3A_51, %dma_start3A_52] : memref<10112x128xf32, #tpu.memory_space<vmem_shared>> -> memref<10112x128xf32, #tpu.memory_space<vmem_shared>>
        tpu.enqueue_indirect_dma source(%arg9 : memref<128x128xf32, #tpu.memory_space<vmem>>) target(%dma_start3A_53 : memref<10112x128xf32, #tpu.memory_space<vmem_shared>>) offsets(%dma_start3A_50 : memref<128xi32, #tpu.memory_space<vmem>>) semaphore(%run_scoped3A : memref<!tpu.dma_semaphore, #tpu.memory_space<semaphore_mem>>) {add = true}
        %dma_wait3A_54 = arith.constant 0 : i32
        %dma_wait3A_55 = tpu.memref_slice %arg8[%add3A_25, %dma_wait3A_54] : memref<40x128xi32, #tpu.memory_space<vmem>> -> memref<1x128xi32, #tpu.memory_space<vmem>>
        %dma_wait3A_56 = tpu.memref_squeeze %dma_wait3A_55 : memref<1x128xi32, #tpu.memory_space<vmem>> -> memref<128xi32, #tpu.memory_space<vmem>>
        %dma_wait3A_57 = arith.constant 0 : i32
        %dma_wait3A_58 = arith.constant 0 : i32
        %dma_wait3A_59 = tpu.memref_slice %arg11[%dma_wait3A_57, %dma_wait3A_58] : memref<10112x128xf32, #tpu.memory_space<vmem_shared>> -> memref<10112x128xf32, #tpu.memory_space<vmem_shared>>
        tpu.wait_indirect_dma semaphore(%run_scoped3A : memref<!tpu.dma_semaphore, #tpu.memory_space<semaphore_mem>>) src(%arg9 : memref<128x128xf32, #tpu.memory_space<vmem>>) dst(%dma_wait3A_59 : memref<10112x128xf32, #tpu.memory_space<vmem_shared>>)
        tpu.yield
      }) : () -> ()
      %dma_wait3A_42 = tpu.memref_slice %arg7[%mul3A_34] : memref<5120xi32, #tpu.memory_space<vmem>> -> memref<128xi32, #tpu.memory_space<vmem>>
      %dma_wait3A_43 = arith.constant 0 : i32
      %dma_wait3A_44 = arith.constant 0 : i32
      %dma_wait3A_45 = tpu.memref_slice %arg2[%dma_wait3A_43, %dma_wait3A_44] : memref<10112x128xf32, #tpu.memory_space<hbm>> -> memref<10112x128xf32, #tpu.memory_space<hbm>>
      tpu.wait_indirect_dma semaphore(%arg13 : memref<!tpu.dma_semaphore, #tpu.memory_space<semaphore_mem>>) src(%dma_wait3A_45 : memref<10112x128xf32, #tpu.memory_space<hbm>>) dst(%arg10 : memref<128x128xf32, #tpu.memory_space<vmem>>)
      %add3A_46 = arith.constant 1 : i32
      %add3A_47 = arith.addi %add3A_25, %add3A_46 : i32
      "tpu.region"() ({
        %run_scoped3A = tpu.sem_alloc : memref<!tpu.dma_semaphore, #tpu.memory_space<semaphore_mem>>
        %dma_start3A_48 = arith.constant 0 : i32
        %dma_start3A_49 = tpu.memref_slice %arg8[%add3A_47, %dma_start3A_48] : memref<40x128xi32, #tpu.memory_space<vmem>> -> memref<1x128xi32, #tpu.memory_space<vmem>>
        %dma_start3A_50 = tpu.memref_squeeze %dma_start3A_49 : memref<1x128xi32, #tpu.memory_space<vmem>> -> memref<128xi32, #tpu.memory_space<vmem>>
        %dma_start3A_51 = arith.constant 0 : i32
        %dma_start3A_52 = arith.constant 0 : i32
        %dma_start3A_53 = tpu.memref_slice %arg11[%dma_start3A_51, %dma_start3A_52] : memref<10112x128xf32, #tpu.memory_space<vmem_shared>> -> memref<10112x128xf32, #tpu.memory_space<vmem_shared>>
        tpu.enqueue_indirect_dma source(%arg10 : memref<128x128xf32, #tpu.memory_space<vmem>>) target(%dma_start3A_53 : memref<10112x128xf32, #tpu.memory_space<vmem_shared>>) offsets(%dma_start3A_50 : memref<128xi32, #tpu.memory_space<vmem>>) semaphore(%run_scoped3A : memref<!tpu.dma_semaphore, #tpu.memory_space<semaphore_mem>>) {add = true}
        %dma_wait3A_54 = arith.constant 0 : i32
        %dma_wait3A_55 = tpu.memref_slice %arg8[%add3A_47, %dma_wait3A_54] : memref<40x128xi32, #tpu.memory_space<vmem>> -> memref<1x128xi32, #tpu.memory_space<vmem>>
        %dma_wait3A_56 = tpu.memref_squeeze %dma_wait3A_55 : memref<1x128xi32, #tpu.memory_space<vmem>> -> memref<128xi32, #tpu.memory_space<vmem>>
        %dma_wait3A_57 = arith.constant 0 : i32
        %dma_wait3A_58 = arith.constant 0 : i32
        %dma_wait3A_59 = tpu.memref_slice %arg11[%dma_wait3A_57, %dma_wait3A_58] : memref<10112x128xf32, #tpu.memory_space<vmem_shared>> -> memref<10112x128xf32, #tpu.memory_space<vmem_shared>>
        tpu.wait_indirect_dma semaphore(%run_scoped3A : memref<!tpu.dma_semaphore, #tpu.memory_space<semaphore_mem>>) src(%arg10 : memref<128x128xf32, #tpu.memory_space<vmem>>) dst(%dma_wait3A_59 : memref<10112x128xf32, #tpu.memory_space<vmem_shared>>)
        tpu.yield
      }) : () -> ()
    }
    %scan3A_10 = arith.constant 20 : i32
    %add3A_11 = arith.constant 5120 : i32
    %add3A_12 = arith.addi %mul3A_4, %add3A_11 : i32
    "tpu.region"() ({
      %run_scoped3A = tpu.sem_alloc : memref<!tpu.dma_semaphore, #tpu.memory_space<semaphore_mem>>
      %dma_start3A = tpu.memref_slice %arg3[%add3A_12] : memref<327680xi32, #tpu.memory_space<hbm>> -> memref<5120xi32, #tpu.memory_space<hbm>>
      %dma_start3A_21 = tpu.memref_slice %arg3[%add3A_12] : memref<327680xi32, #tpu.memory_space<hbm>> -> memref<5120xi32, #tpu.memory_space<hbm>>
      tpu.enqueue_dma source(%dma_start3A_21 : memref<5120xi32, #tpu.memory_space<hbm>>) target(%arg7 : memref<5120xi32, #tpu.memory_space<vmem>>) target_semaphore(%run_scoped3A : memref<!tpu.dma_semaphore, #tpu.memory_space<semaphore_mem>>)
      %dma_wait3A = tpu.memref_slice %arg3[%add3A_12] : memref<327680xi32, #tpu.memory_space<hbm>> -> memref<5120xi32, #tpu.memory_space<hbm>>
      %dma_wait3A_22 = tpu.memref_slice %arg3[%add3A_12] : memref<327680xi32, #tpu.memory_space<hbm>> -> memref<5120xi32, #tpu.memory_space<hbm>>
      tpu.wait_dma2 semaphore(%run_scoped3A : memref<!tpu.dma_semaphore, #tpu.memory_space<semaphore_mem>>) src(%dma_wait3A_22 : memref<5120xi32, #tpu.memory_space<hbm>>) dst(%arg7 : memref<5120xi32, #tpu.memory_space<vmem>>)
      tpu.yield
    }) : () -> ()
    "tpu.region"() ({
      %run_scoped3A = tpu.sem_alloc : memref<!tpu.dma_semaphore, #tpu.memory_space<semaphore_mem>>
      %dma_start3A = arith.constant 0 : i32
      %dma_start3A_21 = arith.constant 0 : i32
      %dma_start3A_22 = tpu.memref_slice %arg4[%add3A, %dma_start3A, %dma_start3A_21] : memref<32x80x128xi32, #tpu.memory_space<hbm>> -> memref<1x80x128xi32, #tpu.memory_space<hbm>>
      %dma_start3A_23 = tpu.memref_squeeze %dma_start3A_22 : memref<1x80x128xi32, #tpu.memory_space<hbm>> -> memref<80x128xi32, #tpu.memory_space<hbm>>
      %dma_start3A_24 = arith.constant 40 : i32
      %dma_start3A_25 = arith.constant 0 : i32
      %dma_start3A_26 = tpu.memref_slice %dma_start3A_23[%dma_start3A_24, %dma_start3A_25] : memref<80x128xi32, #tpu.memory_space<hbm>> -> memref<40x128xi32, #tpu.memory_space<hbm>>
      %dma_start3A_27 = arith.constant 0 : i32
      %dma_start3A_28 = arith.constant 0 : i32
      %dma_start3A_29 = tpu.memref_slice %arg4[%add3A, %dma_start3A_27, %dma_start3A_28] : memref<32x80x128xi32, #tpu.memory_space<hbm>> -> memref<1x80x128xi32, #tpu.memory_space<hbm>>
      %dma_start3A_30 = tpu.memref_squeeze %dma_start3A_29 : memref<1x80x128xi32, #tpu.memory_space<hbm>> -> memref<80x128xi32, #tpu.memory_space<hbm>>
      %dma_start3A_31 = arith.constant 40 : i32
      %dma_start3A_32 = arith.constant 0 : i32
      %dma_start3A_33 = tpu.memref_slice %dma_start3A_30[%dma_start3A_31, %dma_start3A_32] : memref<80x128xi32, #tpu.memory_space<hbm>> -> memref<40x128xi32, #tpu.memory_space<hbm>>
      tpu.enqueue_dma source(%dma_start3A_33 : memref<40x128xi32, #tpu.memory_space<hbm>>) target(%arg8 : memref<40x128xi32, #tpu.memory_space<vmem>>) target_semaphore(%run_scoped3A : memref<!tpu.dma_semaphore, #tpu.memory_space<semaphore_mem>>)
      %dma_wait3A = arith.constant 0 : i32
      %dma_wait3A_34 = arith.constant 0 : i32
      %dma_wait3A_35 = tpu.memref_slice %arg4[%add3A, %dma_wait3A, %dma_wait3A_34] : memref<32x80x128xi32, #tpu.memory_space<hbm>> -> memref<1x80x128xi32, #tpu.memory_space<hbm>>
      %dma_wait3A_36 = tpu.memref_squeeze %dma_wait3A_35 : memref<1x80x128xi32, #tpu.memory_space<hbm>> -> memref<80x128xi32, #tpu.memory_space<hbm>>
      %dma_wait3A_37 = arith.constant 40 : i32
      %dma_wait3A_38 = arith.constant 0 : i32
      %dma_wait3A_39 = tpu.memref_slice %dma_wait3A_36[%dma_wait3A_37, %dma_wait3A_38] : memref<80x128xi32, #tpu.memory_space<hbm>> -> memref<40x128xi32, #tpu.memory_space<hbm>>
      %dma_wait3A_40 = arith.constant 0 : i32
      %dma_wait3A_41 = arith.constant 0 : i32
      %dma_wait3A_42 = tpu.memref_slice %arg4[%add3A, %dma_wait3A_40, %dma_wait3A_41] : memref<32x80x128xi32, #tpu.memory_space<hbm>> -> memref<1x80x128xi32, #tpu.memory_space<hbm>>
      %dma_wait3A_43 = tpu.memref_squeeze %dma_wait3A_42 : memref<1x80x128xi32, #tpu.memory_space<hbm>> -> memref<80x128xi32, #tpu.memory_space<hbm>>
      %dma_wait3A_44 = arith.constant 40 : i32
      %dma_wait3A_45 = arith.constant 0 : i32
      %dma_wait3A_46 = tpu.memref_slice %dma_wait3A_43[%dma_wait3A_44, %dma_wait3A_45] : memref<80x128xi32, #tpu.memory_space<hbm>> -> memref<40x128xi32, #tpu.memory_space<hbm>>
      tpu.wait_dma2 semaphore(%run_scoped3A : memref<!tpu.dma_semaphore, #tpu.memory_space<semaphore_mem>>) src(%dma_wait3A_46 : memref<40x128xi32, #tpu.memory_space<hbm>>) dst(%arg8 : memref<40x128xi32, #tpu.memory_space<vmem>>)
      tpu.yield
    }) : () -> ()
    %scan3A_13 = arith.constant 0 : i32
    %scan3A_14 = arith.constant 20 : i32
    %scan3A_15 = arith.addi %scan3A_13, %scan3A_14 : i32
    %scan3A_16 = arith.constant 1 : i32
    scf.for %scan3A_21 = %scan3A_13 to %scan3A_15 step %scan3A_16  : i32 {
      %mul3A_22 = arith.constant 2 : i32
      %mul3A_23 = arith.muli %scan3A_21, %mul3A_22 : i32
      %add3A_24 = arith.constant 0 : i32
      %add3A_25 = arith.addi %add3A_24, %mul3A_23 : i32
      %mul3A_26 = arith.constant 128 : i32
      %mul3A_27 = arith.muli %add3A_25, %mul3A_26 : i32
      %dma_start3A = tpu.memref_slice %arg7[%mul3A_27] : memref<5120xi32, #tpu.memory_space<vmem>> -> memref<128xi32, #tpu.memory_space<vmem>>
      %dma_start3A_28 = arith.constant 0 : i32
      %dma_start3A_29 = arith.constant 0 : i32
      %dma_start3A_30 = tpu.memref_slice %arg2[%dma_start3A_28, %dma_start3A_29] : memref<10112x128xf32, #tpu.memory_space<hbm>> -> memref<10112x128xf32, #tpu.memory_space<hbm>>
      tpu.enqueue_indirect_dma source(%dma_start3A_30 : memref<10112x128xf32, #tpu.memory_space<hbm>>) target(%arg9 : memref<128x128xf32, #tpu.memory_space<vmem>>) offsets(%dma_start3A : memref<128xi32, #tpu.memory_space<vmem>>) semaphore(%arg12 : memref<!tpu.dma_semaphore, #tpu.memory_space<semaphore_mem>>)
      %add3A_31 = arith.constant 1 : i32
      %add3A_32 = arith.addi %add3A_25, %add3A_31 : i32
      %mul3A_33 = arith.constant 128 : i32
      %mul3A_34 = arith.muli %add3A_32, %mul3A_33 : i32
      %dma_start3A_35 = tpu.memref_slice %arg7[%mul3A_34] : memref<5120xi32, #tpu.memory_space<vmem>> -> memref<128xi32, #tpu.memory_space<vmem>>
      %dma_start3A_36 = arith.constant 0 : i32
      %dma_start3A_37 = arith.constant 0 : i32
      %dma_start3A_38 = tpu.memref_slice %arg2[%dma_start3A_36, %dma_start3A_37] : memref<10112x128xf32, #tpu.memory_space<hbm>> -> memref<10112x128xf32, #tpu.memory_space<hbm>>
      tpu.enqueue_indirect_dma source(%dma_start3A_38 : memref<10112x128xf32, #tpu.memory_space<hbm>>) target(%arg10 : memref<128x128xf32, #tpu.memory_space<vmem>>) offsets(%dma_start3A_35 : memref<128xi32, #tpu.memory_space<vmem>>) semaphore(%arg13 : memref<!tpu.dma_semaphore, #tpu.memory_space<semaphore_mem>>)
      %dma_wait3A = tpu.memref_slice %arg7[%mul3A_27] : memref<5120xi32, #tpu.memory_space<vmem>> -> memref<128xi32, #tpu.memory_space<vmem>>
      %dma_wait3A_39 = arith.constant 0 : i32
      %dma_wait3A_40 = arith.constant 0 : i32
      %dma_wait3A_41 = tpu.memref_slice %arg2[%dma_wait3A_39, %dma_wait3A_40] : memref<10112x128xf32, #tpu.memory_space<hbm>> -> memref<10112x128xf32, #tpu.memory_space<hbm>>
      tpu.wait_indirect_dma semaphore(%arg12 : memref<!tpu.dma_semaphore, #tpu.memory_space<semaphore_mem>>) src(%dma_wait3A_41 : memref<10112x128xf32, #tpu.memory_space<hbm>>) dst(%arg9 : memref<128x128xf32, #tpu.memory_space<vmem>>)
      "tpu.region"() ({
        %run_scoped3A = tpu.sem_alloc : memref<!tpu.dma_semaphore, #tpu.memory_space<semaphore_mem>>
        %dma_start3A_48 = arith.constant 0 : i32
        %dma_start3A_49 = tpu.memref_slice %arg8[%add3A_25, %dma_start3A_48] : memref<40x128xi32, #tpu.memory_space<vmem>> -> memref<1x128xi32, #tpu.memory_space<vmem>>
        %dma_start3A_50 = tpu.memref_squeeze %dma_start3A_49 : memref<1x128xi32, #tpu.memory_space<vmem>> -> memref<128xi32, #tpu.memory_space<vmem>>
        %dma_start3A_51 = arith.constant 0 : i32
        %dma_start3A_52 = arith.constant 0 : i32
        %dma_start3A_53 = tpu.memref_slice %arg11[%dma_start3A_51, %dma_start3A_52] : memref<10112x128xf32, #tpu.memory_space<vmem_shared>> -> memref<10112x128xf32, #tpu.memory_space<vmem_shared>>
        tpu.enqueue_indirect_dma source(%arg9 : memref<128x128xf32, #tpu.memory_space<vmem>>) target(%dma_start3A_53 : memref<10112x128xf32, #tpu.memory_space<vmem_shared>>) offsets(%dma_start3A_50 : memref<128xi32, #tpu.memory_space<vmem>>) semaphore(%run_scoped3A : memref<!tpu.dma_semaphore, #tpu.memory_space<semaphore_mem>>) {add = true}
        %dma_wait3A_54 = arith.constant 0 : i32
        %dma_wait3A_55 = tpu.memref_slice %arg8[%add3A_25, %dma_wait3A_54] : memref<40x128xi32, #tpu.memory_space<vmem>> -> memref<1x128xi32, #tpu.memory_space<vmem>>
        %dma_wait3A_56 = tpu.memref_squeeze %dma_wait3A_55 : memref<1x128xi32, #tpu.memory_space<vmem>> -> memref<128xi32, #tpu.memory_space<vmem>>
        %dma_wait3A_57 = arith.constant 0 : i32
        %dma_wait3A_58 = arith.constant 0 : i32
        %dma_wait3A_59 = tpu.memref_slice %arg11[%dma_wait3A_57, %dma_wait3A_58] : memref<10112x128xf32, #tpu.memory_space<vmem_shared>> -> memref<10112x128xf32, #tpu.memory_space<vmem_shared>>
        tpu.wait_indirect_dma semaphore(%run_scoped3A : memref<!tpu.dma_semaphore, #tpu.memory_space<semaphore_mem>>) src(%arg9 : memref<128x128xf32, #tpu.memory_space<vmem>>) dst(%dma_wait3A_59 : memref<10112x128xf32, #tpu.memory_space<vmem_shared>>)
        tpu.yield
      }) : () -> ()
      %dma_wait3A_42 = tpu.memref_slice %arg7[%mul3A_34] : memref<5120xi32, #tpu.memory_space<vmem>> -> memref<128xi32, #tpu.memory_space<vmem>>
      %dma_wait3A_43 = arith.constant 0 : i32
      %dma_wait3A_44 = arith.constant 0 : i32
      %dma_wait3A_45 = tpu.memref_slice %arg2[%dma_wait3A_43, %dma_wait3A_44] : memref<10112x128xf32, #tpu.memory_space<hbm>> -> memref<10112x128xf32, #tpu.memory_space<hbm>>
      tpu.wait_indirect_dma semaphore(%arg13 : memref<!tpu.dma_semaphore, #tpu.memory_space<semaphore_mem>>) src(%dma_wait3A_45 : memref<10112x128xf32, #tpu.memory_space<hbm>>) dst(%arg10 : memref<128x128xf32, #tpu.memory_space<vmem>>)
      %add3A_46 = arith.constant 1 : i32
      %add3A_47 = arith.addi %add3A_25, %add3A_46 : i32
      "tpu.region"() ({
        %run_scoped3A = tpu.sem_alloc : memref<!tpu.dma_semaphore, #tpu.memory_space<semaphore_mem>>
        %dma_start3A_48 = arith.constant 0 : i32
        %dma_start3A_49 = tpu.memref_slice %arg8[%add3A_47, %dma_start3A_48] : memref<40x128xi32, #tpu.memory_space<vmem>> -> memref<1x128xi32, #tpu.memory_space<vmem>>
        %dma_start3A_50 = tpu.memref_squeeze %dma_start3A_49 : memref<1x128xi32, #tpu.memory_space<vmem>> -> memref<128xi32, #tpu.memory_space<vmem>>
        %dma_start3A_51 = arith.constant 0 : i32
        %dma_start3A_52 = arith.constant 0 : i32
        %dma_start3A_53 = tpu.memref_slice %arg11[%dma_start3A_51, %dma_start3A_52] : memref<10112x128xf32, #tpu.memory_space<vmem_shared>> -> memref<10112x128xf32, #tpu.memory_space<vmem_shared>>
        tpu.enqueue_indirect_dma source(%arg10 : memref<128x128xf32, #tpu.memory_space<vmem>>) target(%dma_start3A_53 : memref<10112x128xf32, #tpu.memory_space<vmem_shared>>) offsets(%dma_start3A_50 : memref<128xi32, #tpu.memory_space<vmem>>) semaphore(%run_scoped3A : memref<!tpu.dma_semaphore, #tpu.memory_space<semaphore_mem>>) {add = true}
        %dma_wait3A_54 = arith.constant 0 : i32
        %dma_wait3A_55 = tpu.memref_slice %arg8[%add3A_47, %dma_wait3A_54] : memref<40x128xi32, #tpu.memory_space<vmem>> -> memref<1x128xi32, #tpu.memory_space<vmem>>
        %dma_wait3A_56 = tpu.memref_squeeze %dma_wait3A_55 : memref<1x128xi32, #tpu.memory_space<vmem>> -> memref<128xi32, #tpu.memory_space<vmem>>
        %dma_wait3A_57 = arith.constant 0 : i32
        %dma_wait3A_58 = arith.constant 0 : i32
        %dma_wait3A_59 = tpu.memref_slice %arg11[%dma_wait3A_57, %dma_wait3A_58] : memref<10112x128xf32, #tpu.memory_space<vmem_shared>> -> memref<10112x128xf32, #tpu.memory_space<vmem_shared>>
        tpu.wait_indirect_dma semaphore(%run_scoped3A : memref<!tpu.dma_semaphore, #tpu.memory_space<semaphore_mem>>) src(%arg10 : memref<128x128xf32, #tpu.memory_space<vmem>>) dst(%dma_wait3A_59 : memref<10112x128xf32, #tpu.memory_space<vmem_shared>>)
        tpu.yield
      }) : () -> ()
    }
    %scan3A_17 = arith.constant 20 : i32
    %barrier3A_18 = arith.constant 0 : index
    tpu.barrier barrier_id(%barrier3A_18)
    %mul3A_19 = arith.constant 632 : i32
    %mul3A_20 = arith.muli %arg1, %mul3A_19 : i32
    "tpu.region"() ({
      %run_scoped3A = tpu.sem_alloc : memref<!tpu.dma_semaphore, #tpu.memory_space<semaphore_mem>>
      %dma_start3A = arith.constant 0 : i32
      %dma_start3A_21 = arith.constant 0 : i32
      %dma_start3A_22 = tpu.memref_slice %arg6[%arg0, %dma_start3A, %dma_start3A_21] : memref<2x10112x128xf32, #tpu.memory_space<hbm>> -> memref<1x10112x128xf32, #tpu.memory_space<hbm>>
      %dma_start3A_23 = tpu.memref_squeeze %dma_start3A_22 : memref<1x10112x128xf32, #tpu.memory_space<hbm>> -> memref<10112x128xf32, #tpu.memory_space<hbm>>
      %dma_start3A_24 = arith.constant 0 : i32
      %dma_start3A_25 = tpu.memref_slice %dma_start3A_23[%mul3A_20, %dma_start3A_24] : memref<10112x128xf32, #tpu.memory_space<hbm>> -> memref<632x128xf32, #tpu.memory_space<hbm>>
      %dma_start3A_26 = arith.constant 0 : i32
      %dma_start3A_27 = tpu.memref_slice %arg11[%mul3A_20, %dma_start3A_26] : memref<10112x128xf32, #tpu.memory_space<vmem_shared>> -> memref<632x128xf32, #tpu.memory_space<vmem_shared>>
      tpu.enqueue_dma source(%dma_start3A_27 : memref<632x128xf32, #tpu.memory_space<vmem_shared>>) target(%dma_start3A_25 : memref<632x128xf32, #tpu.memory_space<hbm>>) target_semaphore(%run_scoped3A : memref<!tpu.dma_semaphore, #tpu.memory_space<semaphore_mem>>)
      %dma_wait3A = arith.constant 0 : i32
      %dma_wait3A_28 = arith.constant 0 : i32
      %dma_wait3A_29 = tpu.memref_slice %arg6[%arg0, %dma_wait3A, %dma_wait3A_28] : memref<2x10112x128xf32, #tpu.memory_space<hbm>> -> memref<1x10112x128xf32, #tpu.memory_space<hbm>>
      %dma_wait3A_30 = tpu.memref_squeeze %dma_wait3A_29 : memref<1x10112x128xf32, #tpu.memory_space<hbm>> -> memref<10112x128xf32, #tpu.memory_space<hbm>>
      %dma_wait3A_31 = arith.constant 0 : i32
      %dma_wait3A_32 = tpu.memref_slice %dma_wait3A_30[%mul3A_20, %dma_wait3A_31] : memref<10112x128xf32, #tpu.memory_space<hbm>> -> memref<632x128xf32, #tpu.memory_space<hbm>>
      %dma_wait3A_33 = arith.constant 0 : i32
      %dma_wait3A_34 = tpu.memref_slice %arg11[%mul3A_20, %dma_wait3A_33] : memref<10112x128xf32, #tpu.memory_space<vmem_shared>> -> memref<632x128xf32, #tpu.memory_space<vmem_shared>>
      tpu.wait_dma2 semaphore(%run_scoped3A : memref<!tpu.dma_semaphore, #tpu.memory_space<semaphore_mem>>) src(%dma_wait3A_34 : memref<632x128xf32, #tpu.memory_space<vmem_shared>>) dst(%dma_wait3A_32 : memref<632x128xf32, #tpu.memory_space<hbm>>)
      tpu.yield
    }) : () -> ()
    return
  }
}

#map = affine_map<(d0, d1) -> (0, 0)>
#map1 = affine_map<(d0, d1) -> (0)>
#map2 = affine_map<(d0, d1) -> (0, 0, 0)>
module attributes {stable_mosaic.version = 14 : i64} {
  func.func @k(%arg0: i32, %arg1: i32, %arg2: memref<10112x128xf32, #tpu.memory_space<hbm>>, %arg3: memref<327680xi32, #tpu.memory_space<hbm>>, %arg4: memref<32x80x128xi32, #tpu.memory_space<hbm>>, %arg5: memref<632x128xf32, #tpu.memory_space<hbm>>, %arg6: memref<2x10112x128xf32, #tpu.memory_space<hbm>>, %arg7: memref<5120xi32, #tpu.memory_space<vmem>>, %arg8: memref<40x128xi32, #tpu.memory_space<vmem>>, %arg9: memref<128x128xf32, #tpu.memory_space<vmem>>, %arg10: memref<128x128xf32, #tpu.memory_space<vmem>>, %arg11: memref<10112x128xf32, #tpu.memory_space<vmem_shared>>, %arg12: memref<!tpu.dma_semaphore, #tpu.memory_space<semaphore_mem>>, %arg13: memref<!tpu.dma_semaphore, #tpu.memory_space<semaphore_mem>>) attributes {dimension_semantics = [#tpu.dimension_semantics<core_parallel>, #tpu.dimension_semantics<subcore_parallel>], iteration_bounds = array<i64: 2, 16>, scalar_prefetch = 0 : i64, scratch_operands = 7 : i64, tpu.core_type = #tpu.core_type<sc_vector_subcore>, window_params = [{transform_indices = #map}, {transform_indices = #map1}, {transform_indices = #map2}, {transform_indices = #map}, {transform_indices = #map2}]} {
    %mul3A = arith.constant 632 : i32
    %mul3A_0 = arith.muli %arg1, %mul3A : i32
    "tpu.region"() ({
      %run_scoped3A = tpu.sem_alloc : memref<!tpu.dma_semaphore, #tpu.memory_space<semaphore_mem>>
      %dma_start3A = arith.constant 0 : i32
      %dma_start3A_21 = tpu.memref_slice %arg11[%mul3A_0, %dma_start3A] : memref<10112x128xf32, #tpu.memory_space<vmem_shared>> -> memref<632x128xf32, #tpu.memory_space<vmem_shared>>
      tpu.enqueue_dma source(%arg5 : memref<632x128xf32, #tpu.memory_space<hbm>>) target(%dma_start3A_21 : memref<632x128xf32, #tpu.memory_space<vmem_shared>>) target_semaphore(%run_scoped3A : memref<!tpu.dma_semaphore, #tpu.memory_space<semaphore_mem>>)
      %dma_wait3A = arith.constant 0 : i32
      %dma_wait3A_22 = tpu.memref_slice %arg11[%mul3A_0, %dma_wait3A] : memref<10112x128xf32, #tpu.memory_space<vmem_shared>> -> memref<632x128xf32, #tpu.memory_space<vmem_shared>>
      tpu.wait_dma2 semaphore(%run_scoped3A : memref<!tpu.dma_semaphore, #tpu.memory_space<semaphore_mem>>) src(%arg5 : memref<632x128xf32, #tpu.memory_space<hbm>>) dst(%dma_wait3A_22 : memref<632x128xf32, #tpu.memory_space<vmem_shared>>)
      tpu.yield
    }) : () -> ()
    %barrier3A = arith.constant 0 : index
    tpu.barrier barrier_id(%barrier3A)
    %mul3A_1 = arith.constant 16 : i32
    %mul3A_2 = arith.muli %arg0, %mul3A_1 : i32
    %add3A = arith.addi %mul3A_2, %arg1 : i32
    %mul3A_3 = arith.constant 10240 : i32
    %mul3A_4 = arith.muli %add3A, %mul3A_3 : i32
    %add3A_5 = arith.constant 0 : i32
    %add3A_6 = arith.addi %mul3A_4, %add3A_5 : i32
    "tpu.region"() ({
      %run_scoped3A = tpu.sem_alloc : memref<!tpu.dma_semaphore, #tpu.memory_space<semaphore_mem>>
      %dma_start3A = tpu.memref_slice %arg3[%add3A_6] : memref<327680xi32, #tpu.memory_space<hbm>> -> memref<5120xi32, #tpu.memory_space<hbm>>
      %dma_start3A_21 = tpu.memref_slice %arg3[%add3A_6] : memref<327680xi32, #tpu.memory_space<hbm>> -> memref<5120xi32, #tpu.memory_space<hbm>>
      tpu.enqueue_dma source(%dma_start3A_21 : memref<5120xi32, #tpu.memory_space<hbm>>) target(%arg7 : memref<5120xi32, #tpu.memory_space<vmem>>) target_semaphore(%run_scoped3A : memref<!tpu.dma_semaphore, #tpu.memory_space<semaphore_mem>>)
      %dma_wait3A = tpu.memref_slice %arg3[%add3A_6] : memref<327680xi32, #tpu.memory_space<hbm>> -> memref<5120xi32, #tpu.memory_space<hbm>>
      %dma_wait3A_22 = tpu.memref_slice %arg3[%add3A_6] : memref<327680xi32, #tpu.memory_space<hbm>> -> memref<5120xi32, #tpu.memory_space<hbm>>
      tpu.wait_dma2 semaphore(%run_scoped3A : memref<!tpu.dma_semaphore, #tpu.memory_space<semaphore_mem>>) src(%dma_wait3A_22 : memref<5120xi32, #tpu.memory_space<hbm>>) dst(%arg7 : memref<5120xi32, #tpu.memory_space<vmem>>)
      tpu.yield
    }) : () -> ()
    "tpu.region"() ({
      %run_scoped3A = tpu.sem_alloc : memref<!tpu.dma_semaphore, #tpu.memory_space<semaphore_mem>>
      %dma_start3A = arith.constant 0 : i32
      %dma_start3A_21 = arith.constant 0 : i32
      %dma_start3A_22 = tpu.memref_slice %arg4[%add3A, %dma_start3A, %dma_start3A_21] : memref<32x80x128xi32, #tpu.memory_space<hbm>> -> memref<1x80x128xi32, #tpu.memory_space<hbm>>
      %dma_start3A_23 = tpu.memref_squeeze %dma_start3A_22 : memref<1x80x128xi32, #tpu.memory_space<hbm>> -> memref<80x128xi32, #tpu.memory_space<hbm>>
      %dma_start3A_24 = arith.constant 0 : i32
      %dma_start3A_25 = arith.constant 0 : i32
      %dma_start3A_26 = tpu.memref_slice %dma_start3A_23[%dma_start3A_24, %dma_start3A_25] : memref<80x128xi32, #tpu.memory_space<hbm>> -> memref<40x128xi32, #tpu.memory_space<hbm>>
      %dma_start3A_27 = arith.constant 0 : i32
      %dma_start3A_28 = arith.constant 0 : i32
      %dma_start3A_29 = tpu.memref_slice %arg4[%add3A, %dma_start3A_27, %dma_start3A_28] : memref<32x80x128xi32, #tpu.memory_space<hbm>> -> memref<1x80x128xi32, #tpu.memory_space<hbm>>
      %dma_start3A_30 = tpu.memref_squeeze %dma_start3A_29 : memref<1x80x128xi32, #tpu.memory_space<hbm>> -> memref<80x128xi32, #tpu.memory_space<hbm>>
      %dma_start3A_31 = arith.constant 0 : i32
      %dma_start3A_32 = arith.constant 0 : i32
      %dma_start3A_33 = tpu.memref_slice %dma_start3A_30[%dma_start3A_31, %dma_start3A_32] : memref<80x128xi32, #tpu.memory_space<hbm>> -> memref<40x128xi32, #tpu.memory_space<hbm>>
      tpu.enqueue_dma source(%dma_start3A_33 : memref<40x128xi32, #tpu.memory_space<hbm>>) target(%arg8 : memref<40x128xi32, #tpu.memory_space<vmem>>) target_semaphore(%run_scoped3A : memref<!tpu.dma_semaphore, #tpu.memory_space<semaphore_mem>>)
      %dma_wait3A = arith.constant 0 : i32
      %dma_wait3A_34 = arith.constant 0 : i32
      %dma_wait3A_35 = tpu.memref_slice %arg4[%add3A, %dma_wait3A, %dma_wait3A_34] : memref<32x80x128xi32, #tpu.memory_space<hbm>> -> memref<1x80x128xi32, #tpu.memory_space<hbm>>
      %dma_wait3A_36 = tpu.memref_squeeze %dma_wait3A_35 : memref<1x80x128xi32, #tpu.memory_space<hbm>> -> memref<80x128xi32, #tpu.memory_space<hbm>>
      %dma_wait3A_37 = arith.constant 0 : i32
      %dma_wait3A_38 = arith.constant 0 : i32
      %dma_wait3A_39 = tpu.memref_slice %dma_wait3A_36[%dma_wait3A_37, %dma_wait3A_38] : memref<80x128xi32, #tpu.memory_space<hbm>> -> memref<40x128xi32, #tpu.memory_space<hbm>>
      %dma_wait3A_40 = arith.constant 0 : i32
      %dma_wait3A_41 = arith.constant 0 : i32
      %dma_wait3A_42 = tpu.memref_slice %arg4[%add3A, %dma_wait3A_40, %dma_wait3A_41] : memref<32x80x128xi32, #tpu.memory_space<hbm>> -> memref<1x80x128xi32, #tpu.memory_space<hbm>>
      %dma_wait3A_43 = tpu.memref_squeeze %dma_wait3A_42 : memref<1x80x128xi32, #tpu.memory_space<hbm>> -> memref<80x128xi32, #tpu.memory_space<hbm>>
      %dma_wait3A_44 = arith.constant 0 : i32
      %dma_wait3A_45 = arith.constant 0 : i32
      %dma_wait3A_46 = tpu.memref_slice %dma_wait3A_43[%dma_wait3A_44, %dma_wait3A_45] : memref<80x128xi32, #tpu.memory_space<hbm>> -> memref<40x128xi32, #tpu.memory_space<hbm>>
      tpu.wait_dma2 semaphore(%run_scoped3A : memref<!tpu.dma_semaphore, #tpu.memory_space<semaphore_mem>>) src(%dma_wait3A_46 : memref<40x128xi32, #tpu.memory_space<hbm>>) dst(%arg8 : memref<40x128xi32, #tpu.memory_space<vmem>>)
      tpu.yield
    }) : () -> ()
    %scan3A = arith.constant 0 : i32
    %scan3A_7 = arith.constant 20 : i32
    %scan3A_8 = arith.addi %scan3A, %scan3A_7 : i32
    %scan3A_9 = arith.constant 1 : i32
    scf.for %scan3A_21 = %scan3A to %scan3A_8 step %scan3A_9  : i32 {
      %mul3A_22 = arith.constant 2 : i32
      %mul3A_23 = arith.muli %scan3A_21, %mul3A_22 : i32
      %add3A_24 = arith.constant 0 : i32
      %add3A_25 = arith.addi %add3A_24, %mul3A_23 : i32
      %mul3A_26 = arith.constant 128 : i32
      %mul3A_27 = arith.muli %add3A_25, %mul3A_26 : i32
      %dma_start3A = tpu.memref_slice %arg7[%mul3A_27] : memref<5120xi32, #tpu.memory_space<vmem>> -> memref<128xi32, #tpu.memory_space<vmem>>
      %dma_start3A_28 = arith.constant 0 : i32
      %dma_start3A_29 = arith.constant 0 : i32
      %dma_start3A_30 = tpu.memref_slice %arg2[%dma_start3A_28, %dma_start3A_29] : memref<10112x128xf32, #tpu.memory_space<hbm>> -> memref<10112x128xf32, #tpu.memory_space<hbm>>
      tpu.enqueue_indirect_dma source(%dma_start3A_30 : memref<10112x128xf32, #tpu.memory_space<hbm>>) target(%arg9 : memref<128x128xf32, #tpu.memory_space<vmem>>) offsets(%dma_start3A : memref<128xi32, #tpu.memory_space<vmem>>) semaphore(%arg12 : memref<!tpu.dma_semaphore, #tpu.memory_space<semaphore_mem>>)
      %add3A_31 = arith.constant 1 : i32
      %add3A_32 = arith.addi %add3A_25, %add3A_31 : i32
      %mul3A_33 = arith.constant 128 : i32
      %mul3A_34 = arith.muli %add3A_32, %mul3A_33 : i32
      %dma_start3A_35 = tpu.memref_slice %arg7[%mul3A_34] : memref<5120xi32, #tpu.memory_space<vmem>> -> memref<128xi32, #tpu.memory_space<vmem>>
      %dma_start3A_36 = arith.constant 0 : i32
      %dma_start3A_37 = arith.constant 0 : i32
      %dma_start3A_38 = tpu.memref_slice %arg2[%dma_start3A_36, %dma_start3A_37] : memref<10112x128xf32, #tpu.memory_space<hbm>> -> memref<10112x128xf32, #tpu.memory_space<hbm>>
      tpu.enqueue_indirect_dma source(%dma_start3A_38 : memref<10112x128xf32, #tpu.memory_space<hbm>>) target(%arg10 : memref<128x128xf32, #tpu.memory_space<vmem>>) offsets(%dma_start3A_35 : memref<128xi32, #tpu.memory_space<vmem>>) semaphore(%arg13 : memref<!tpu.dma_semaphore, #tpu.memory_space<semaphore_mem>>)
      %dma_wait3A = tpu.memref_slice %arg7[%mul3A_27] : memref<5120xi32, #tpu.memory_space<vmem>> -> memref<128xi32, #tpu.memory_space<vmem>>
      %dma_wait3A_39 = arith.constant 0 : i32
      %dma_wait3A_40 = arith.constant 0 : i32
      %dma_wait3A_41 = tpu.memref_slice %arg2[%dma_wait3A_39, %dma_wait3A_40] : memref<10112x128xf32, #tpu.memory_space<hbm>> -> memref<10112x128xf32, #tpu.memory_space<hbm>>
      tpu.wait_indirect_dma semaphore(%arg12 : memref<!tpu.dma_semaphore, #tpu.memory_space<semaphore_mem>>) src(%dma_wait3A_41 : memref<10112x128xf32, #tpu.memory_space<hbm>>) dst(%arg9 : memref<128x128xf32, #tpu.memory_space<vmem>>)
      "tpu.region"() ({
        %run_scoped3A = tpu.sem_alloc : memref<!tpu.dma_semaphore, #tpu.memory_space<semaphore_mem>>
        %dma_start3A_48 = arith.constant 0 : i32
        %dma_start3A_49 = tpu.memref_slice %arg8[%add3A_25, %dma_start3A_48] : memref<40x128xi32, #tpu.memory_space<vmem>> -> memref<1x128xi32, #tpu.memory_space<vmem>>
        %dma_start3A_50 = tpu.memref_squeeze %dma_start3A_49 : memref<1x128xi32, #tpu.memory_space<vmem>> -> memref<128xi32, #tpu.memory_space<vmem>>
        %dma_start3A_51 = arith.constant 0 : i32
        %dma_start3A_52 = arith.constant 0 : i32
        %dma_start3A_53 = tpu.memref_slice %arg11[%dma_start3A_51, %dma_start3A_52] : memref<10112x128xf32, #tpu.memory_space<vmem_shared>> -> memref<10112x128xf32, #tpu.memory_space<vmem_shared>>
        tpu.enqueue_indirect_dma source(%arg9 : memref<128x128xf32, #tpu.memory_space<vmem>>) target(%dma_start3A_53 : memref<10112x128xf32, #tpu.memory_space<vmem_shared>>) offsets(%dma_start3A_50 : memref<128xi32, #tpu.memory_space<vmem>>) semaphore(%run_scoped3A : memref<!tpu.dma_semaphore, #tpu.memory_space<semaphore_mem>>) {add = true}
        %dma_wait3A_54 = arith.constant 0 : i32
        %dma_wait3A_55 = tpu.memref_slice %arg8[%add3A_25, %dma_wait3A_54] : memref<40x128xi32, #tpu.memory_space<vmem>> -> memref<1x128xi32, #tpu.memory_space<vmem>>
        %dma_wait3A_56 = tpu.memref_squeeze %dma_wait3A_55 : memref<1x128xi32, #tpu.memory_space<vmem>> -> memref<128xi32, #tpu.memory_space<vmem>>
        %dma_wait3A_57 = arith.constant 0 : i32
        %dma_wait3A_58 = arith.constant 0 : i32
        %dma_wait3A_59 = tpu.memref_slice %arg11[%dma_wait3A_57, %dma_wait3A_58] : memref<10112x128xf32, #tpu.memory_space<vmem_shared>> -> memref<10112x128xf32, #tpu.memory_space<vmem_shared>>
        tpu.wait_indirect_dma semaphore(%run_scoped3A : memref<!tpu.dma_semaphore, #tpu.memory_space<semaphore_mem>>) src(%arg9 : memref<128x128xf32, #tpu.memory_space<vmem>>) dst(%dma_wait3A_59 : memref<10112x128xf32, #tpu.memory_space<vmem_shared>>)
        tpu.yield
      }) : () -> ()
      %dma_wait3A_42 = tpu.memref_slice %arg7[%mul3A_34] : memref<5120xi32, #tpu.memory_space<vmem>> -> memref<128xi32, #tpu.memory_space<vmem>>
      %dma_wait3A_43 = arith.constant 0 : i32
      %dma_wait3A_44 = arith.constant 0 : i32
      %dma_wait3A_45 = tpu.memref_slice %arg2[%dma_wait3A_43, %dma_wait3A_44] : memref<10112x128xf32, #tpu.memory_space<hbm>> -> memref<10112x128xf32, #tpu.memory_space<hbm>>
      tpu.wait_indirect_dma semaphore(%arg13 : memref<!tpu.dma_semaphore, #tpu.memory_space<semaphore_mem>>) src(%dma_wait3A_45 : memref<10112x128xf32, #tpu.memory_space<hbm>>) dst(%arg10 : memref<128x128xf32, #tpu.memory_space<vmem>>)
      %add3A_46 = arith.constant 1 : i32
      %add3A_47 = arith.addi %add3A_25, %add3A_46 : i32
      "tpu.region"() ({
        %run_scoped3A = tpu.sem_alloc : memref<!tpu.dma_semaphore, #tpu.memory_space<semaphore_mem>>
        %dma_start3A_48 = arith.constant 0 : i32
        %dma_start3A_49 = tpu.memref_slice %arg8[%add3A_47, %dma_start3A_48] : memref<40x128xi32, #tpu.memory_space<vmem>> -> memref<1x128xi32, #tpu.memory_space<vmem>>
        %dma_start3A_50 = tpu.memref_squeeze %dma_start3A_49 : memref<1x128xi32, #tpu.memory_space<vmem>> -> memref<128xi32, #tpu.memory_space<vmem>>
        %dma_start3A_51 = arith.constant 0 : i32
        %dma_start3A_52 = arith.constant 0 : i32
        %dma_start3A_53 = tpu.memref_slice %arg11[%dma_start3A_51, %dma_start3A_52] : memref<10112x128xf32, #tpu.memory_space<vmem_shared>> -> memref<10112x128xf32, #tpu.memory_space<vmem_shared>>
        tpu.enqueue_indirect_dma source(%arg10 : memref<128x128xf32, #tpu.memory_space<vmem>>) target(%dma_start3A_53 : memref<10112x128xf32, #tpu.memory_space<vmem_shared>>) offsets(%dma_start3A_50 : memref<128xi32, #tpu.memory_space<vmem>>) semaphore(%run_scoped3A : memref<!tpu.dma_semaphore, #tpu.memory_space<semaphore_mem>>) {add = true}
        %dma_wait3A_54 = arith.constant 0 : i32
        %dma_wait3A_55 = tpu.memref_slice %arg8[%add3A_47, %dma_wait3A_54] : memref<40x128xi32, #tpu.memory_space<vmem>> -> memref<1x128xi32, #tpu.memory_space<vmem>>
        %dma_wait3A_56 = tpu.memref_squeeze %dma_wait3A_55 : memref<1x128xi32, #tpu.memory_space<vmem>> -> memref<128xi32, #tpu.memory_space<vmem>>
        %dma_wait3A_57 = arith.constant 0 : i32
        %dma_wait3A_58 = arith.constant 0 : i32
        %dma_wait3A_59 = tpu.memref_slice %arg11[%dma_wait3A_57, %dma_wait3A_58] : memref<10112x128xf32, #tpu.memory_space<vmem_shared>> -> memref<10112x128xf32, #tpu.memory_space<vmem_shared>>
        tpu.wait_indirect_dma semaphore(%run_scoped3A : memref<!tpu.dma_semaphore, #tpu.memory_space<semaphore_mem>>) src(%arg10 : memref<128x128xf32, #tpu.memory_space<vmem>>) dst(%dma_wait3A_59 : memref<10112x128xf32, #tpu.memory_space<vmem_shared>>)
        tpu.yield
      }) : () -> ()
    }
    %scan3A_10 = arith.constant 20 : i32
    %add3A_11 = arith.constant 5120 : i32
    %add3A_12 = arith.addi %mul3A_4, %add3A_11 : i32
    "tpu.region"() ({
      %run_scoped3A = tpu.sem_alloc : memref<!tpu.dma_semaphore, #tpu.memory_space<semaphore_mem>>
      %dma_start3A = tpu.memref_slice %arg3[%add3A_12] : memref<327680xi32, #tpu.memory_space<hbm>> -> memref<5120xi32, #tpu.memory_space<hbm>>
      %dma_start3A_21 = tpu.memref_slice %arg3[%add3A_12] : memref<327680xi32, #tpu.memory_space<hbm>> -> memref<5120xi32, #tpu.memory_space<hbm>>
      tpu.enqueue_dma source(%dma_start3A_21 : memref<5120xi32, #tpu.memory_space<hbm>>) target(%arg7 : memref<5120xi32, #tpu.memory_space<vmem>>) target_semaphore(%run_scoped3A : memref<!tpu.dma_semaphore, #tpu.memory_space<semaphore_mem>>)
      %dma_wait3A = tpu.memref_slice %arg3[%add3A_12] : memref<327680xi32, #tpu.memory_space<hbm>> -> memref<5120xi32, #tpu.memory_space<hbm>>
      %dma_wait3A_22 = tpu.memref_slice %arg3[%add3A_12] : memref<327680xi32, #tpu.memory_space<hbm>> -> memref<5120xi32, #tpu.memory_space<hbm>>
      tpu.wait_dma2 semaphore(%run_scoped3A : memref<!tpu.dma_semaphore, #tpu.memory_space<semaphore_mem>>) src(%dma_wait3A_22 : memref<5120xi32, #tpu.memory_space<hbm>>) dst(%arg7 : memref<5120xi32, #tpu.memory_space<vmem>>)
      tpu.yield
    }) : () -> ()
    "tpu.region"() ({
      %run_scoped3A = tpu.sem_alloc : memref<!tpu.dma_semaphore, #tpu.memory_space<semaphore_mem>>
      %dma_start3A = arith.constant 0 : i32
      %dma_start3A_21 = arith.constant 0 : i32
      %dma_start3A_22 = tpu.memref_slice %arg4[%add3A, %dma_start3A, %dma_start3A_21] : memref<32x80x128xi32, #tpu.memory_space<hbm>> -> memref<1x80x128xi32, #tpu.memory_space<hbm>>
      %dma_start3A_23 = tpu.memref_squeeze %dma_start3A_22 : memref<1x80x128xi32, #tpu.memory_space<hbm>> -> memref<80x128xi32, #tpu.memory_space<hbm>>
      %dma_start3A_24 = arith.constant 40 : i32
      %dma_start3A_25 = arith.constant 0 : i32
      %dma_start3A_26 = tpu.memref_slice %dma_start3A_23[%dma_start3A_24, %dma_start3A_25] : memref<80x128xi32, #tpu.memory_space<hbm>> -> memref<40x128xi32, #tpu.memory_space<hbm>>
      %dma_start3A_27 = arith.constant 0 : i32
      %dma_start3A_28 = arith.constant 0 : i32
      %dma_start3A_29 = tpu.memref_slice %arg4[%add3A, %dma_start3A_27, %dma_start3A_28] : memref<32x80x128xi32, #tpu.memory_space<hbm>> -> memref<1x80x128xi32, #tpu.memory_space<hbm>>
      %dma_start3A_30 = tpu.memref_squeeze %dma_start3A_29 : memref<1x80x128xi32, #tpu.memory_space<hbm>> -> memref<80x128xi32, #tpu.memory_space<hbm>>
      %dma_start3A_31 = arith.constant 40 : i32
      %dma_start3A_32 = arith.constant 0 : i32
      %dma_start3A_33 = tpu.memref_slice %dma_start3A_30[%dma_start3A_31, %dma_start3A_32] : memref<80x128xi32, #tpu.memory_space<hbm>> -> memref<40x128xi32, #tpu.memory_space<hbm>>
      tpu.enqueue_dma source(%dma_start3A_33 : memref<40x128xi32, #tpu.memory_space<hbm>>) target(%arg8 : memref<40x128xi32, #tpu.memory_space<vmem>>) target_semaphore(%run_scoped3A : memref<!tpu.dma_semaphore, #tpu.memory_space<semaphore_mem>>)
      %dma_wait3A = arith.constant 0 : i32
      %dma_wait3A_34 = arith.constant 0 : i32
      %dma_wait3A_35 = tpu.memref_slice %arg4[%add3A, %dma_wait3A, %dma_wait3A_34] : memref<32x80x128xi32, #tpu.memory_space<hbm>> -> memref<1x80x128xi32, #tpu.memory_space<hbm>>
      %dma_wait3A_36 = tpu.memref_squeeze %dma_wait3A_35 : memref<1x80x128xi32, #tpu.memory_space<hbm>> -> memref<80x128xi32, #tpu.memory_space<hbm>>
      %dma_wait3A_37 = arith.constant 40 : i32
      %dma_wait3A_38 = arith.constant 0 : i32
      %dma_wait3A_39 = tpu.memref_slice %dma_wait3A_36[%dma_wait3A_37, %dma_wait3A_38] : memref<80x128xi32, #tpu.memory_space<hbm>> -> memref<40x128xi32, #tpu.memory_space<hbm>>
      %dma_wait3A_40 = arith.constant 0 : i32
      %dma_wait3A_41 = arith.constant 0 : i32
      %dma_wait3A_42 = tpu.memref_slice %arg4[%add3A, %dma_wait3A_40, %dma_wait3A_41] : memref<32x80x128xi32, #tpu.memory_space<hbm>> -> memref<1x80x128xi32, #tpu.memory_space<hbm>>
      %dma_wait3A_43 = tpu.memref_squeeze %dma_wait3A_42 : memref<1x80x128xi32, #tpu.memory_space<hbm>> -> memref<80x128xi32, #tpu.memory_space<hbm>>
      %dma_wait3A_44 = arith.constant 40 : i32
      %dma_wait3A_45 = arith.constant 0 : i32
      %dma_wait3A_46 = tpu.memref_slice %dma_wait3A_43[%dma_wait3A_44, %dma_wait3A_45] : memref<80x128xi32, #tpu.memory_space<hbm>> -> memref<40x128xi32, #tpu.memory_space<hbm>>
      tpu.wait_dma2 semaphore(%run_scoped3A : memref<!tpu.dma_semaphore, #tpu.memory_space<semaphore_mem>>) src(%dma_wait3A_46 : memref<40x128xi32, #tpu.memory_space<hbm>>) dst(%arg8 : memref<40x128xi32, #tpu.memory_space<vmem>>)
      tpu.yield
    }) : () -> ()
    %scan3A_13 = arith.constant 0 : i32
    %scan3A_14 = arith.constant 20 : i32
    %scan3A_15 = arith.addi %scan3A_13, %scan3A_14 : i32
    %scan3A_16 = arith.constant 1 : i32
    scf.for %scan3A_21 = %scan3A_13 to %scan3A_15 step %scan3A_16  : i32 {
      %mul3A_22 = arith.constant 2 : i32
      %mul3A_23 = arith.muli %scan3A_21, %mul3A_22 : i32
      %add3A_24 = arith.constant 0 : i32
      %add3A_25 = arith.addi %add3A_24, %mul3A_23 : i32
      %mul3A_26 = arith.constant 128 : i32
      %mul3A_27 = arith.muli %add3A_25, %mul3A_26 : i32
      %dma_start3A = tpu.memref_slice %arg7[%mul3A_27] : memref<5120xi32, #tpu.memory_space<vmem>> -> memref<128xi32, #tpu.memory_space<vmem>>
      %dma_start3A_28 = arith.constant 0 : i32
      %dma_start3A_29 = arith.constant 0 : i32
      %dma_start3A_30 = tpu.memref_slice %arg2[%dma_start3A_28, %dma_start3A_29] : memref<10112x128xf32, #tpu.memory_space<hbm>> -> memref<10112x128xf32, #tpu.memory_space<hbm>>
      tpu.enqueue_indirect_dma source(%dma_start3A_30 : memref<10112x128xf32, #tpu.memory_space<hbm>>) target(%arg9 : memref<128x128xf32, #tpu.memory_space<vmem>>) offsets(%dma_start3A : memref<128xi32, #tpu.memory_space<vmem>>) semaphore(%arg12 : memref<!tpu.dma_semaphore, #tpu.memory_space<semaphore_mem>>)
      %add3A_31 = arith.constant 1 : i32
      %add3A_32 = arith.addi %add3A_25, %add3A_31 : i32
      %mul3A_33 = arith.constant 128 : i32
      %mul3A_34 = arith.muli %add3A_32, %mul3A_33 : i32
      %dma_start3A_35 = tpu.memref_slice %arg7[%mul3A_34] : memref<5120xi32, #tpu.memory_space<vmem>> -> memref<128xi32, #tpu.memory_space<vmem>>
      %dma_start3A_36 = arith.constant 0 : i32
      %dma_start3A_37 = arith.constant 0 : i32
      %dma_start3A_38 = tpu.memref_slice %arg2[%dma_start3A_36, %dma_start3A_37] : memref<10112x128xf32, #tpu.memory_space<hbm>> -> memref<10112x128xf32, #tpu.memory_space<hbm>>
      tpu.enqueue_indirect_dma source(%dma_start3A_38 : memref<10112x128xf32, #tpu.memory_space<hbm>>) target(%arg10 : memref<128x128xf32, #tpu.memory_space<vmem>>) offsets(%dma_start3A_35 : memref<128xi32, #tpu.memory_space<vmem>>) semaphore(%arg13 : memref<!tpu.dma_semaphore, #tpu.memory_space<semaphore_mem>>)
      %dma_wait3A = tpu.memref_slice %arg7[%mul3A_27] : memref<5120xi32, #tpu.memory_space<vmem>> -> memref<128xi32, #tpu.memory_space<vmem>>
      %dma_wait3A_39 = arith.constant 0 : i32
      %dma_wait3A_40 = arith.constant 0 : i32
      %dma_wait3A_41 = tpu.memref_slice %arg2[%dma_wait3A_39, %dma_wait3A_40] : memref<10112x128xf32, #tpu.memory_space<hbm>> -> memref<10112x128xf32, #tpu.memory_space<hbm>>
      tpu.wait_indirect_dma semaphore(%arg12 : memref<!tpu.dma_semaphore, #tpu.memory_space<semaphore_mem>>) src(%dma_wait3A_41 : memref<10112x128xf32, #tpu.memory_space<hbm>>) dst(%arg9 : memref<128x128xf32, #tpu.memory_space<vmem>>)
      "tpu.region"() ({
        %run_scoped3A = tpu.sem_alloc : memref<!tpu.dma_semaphore, #tpu.memory_space<semaphore_mem>>
        %dma_start3A_48 = arith.constant 0 : i32
        %dma_start3A_49 = tpu.memref_slice %arg8[%add3A_25, %dma_start3A_48] : memref<40x128xi32, #tpu.memory_space<vmem>> -> memref<1x128xi32, #tpu.memory_space<vmem>>
        %dma_start3A_50 = tpu.memref_squeeze %dma_start3A_49 : memref<1x128xi32, #tpu.memory_space<vmem>> -> memref<128xi32, #tpu.memory_space<vmem>>
        %dma_start3A_51 = arith.constant 0 : i32
        %dma_start3A_52 = arith.constant 0 : i32
        %dma_start3A_53 = tpu.memref_slice %arg11[%dma_start3A_51, %dma_start3A_52] : memref<10112x128xf32, #tpu.memory_space<vmem_shared>> -> memref<10112x128xf32, #tpu.memory_space<vmem_shared>>
        tpu.enqueue_indirect_dma source(%arg9 : memref<128x128xf32, #tpu.memory_space<vmem>>) target(%dma_start3A_53 : memref<10112x128xf32, #tpu.memory_space<vmem_shared>>) offsets(%dma_start3A_50 : memref<128xi32, #tpu.memory_space<vmem>>) semaphore(%run_scoped3A : memref<!tpu.dma_semaphore, #tpu.memory_space<semaphore_mem>>) {add = true}
        %dma_wait3A_54 = arith.constant 0 : i32
        %dma_wait3A_55 = tpu.memref_slice %arg8[%add3A_25, %dma_wait3A_54] : memref<40x128xi32, #tpu.memory_space<vmem>> -> memref<1x128xi32, #tpu.memory_space<vmem>>
        %dma_wait3A_56 = tpu.memref_squeeze %dma_wait3A_55 : memref<1x128xi32, #tpu.memory_space<vmem>> -> memref<128xi32, #tpu.memory_space<vmem>>
        %dma_wait3A_57 = arith.constant 0 : i32
        %dma_wait3A_58 = arith.constant 0 : i32
        %dma_wait3A_59 = tpu.memref_slice %arg11[%dma_wait3A_57, %dma_wait3A_58] : memref<10112x128xf32, #tpu.memory_space<vmem_shared>> -> memref<10112x128xf32, #tpu.memory_space<vmem_shared>>
        tpu.wait_indirect_dma semaphore(%run_scoped3A : memref<!tpu.dma_semaphore, #tpu.memory_space<semaphore_mem>>) src(%arg9 : memref<128x128xf32, #tpu.memory_space<vmem>>) dst(%dma_wait3A_59 : memref<10112x128xf32, #tpu.memory_space<vmem_shared>>)
        tpu.yield
      }) : () -> ()
      %dma_wait3A_42 = tpu.memref_slice %arg7[%mul3A_34] : memref<5120xi32, #tpu.memory_space<vmem>> -> memref<128xi32, #tpu.memory_space<vmem>>
      %dma_wait3A_43 = arith.constant 0 : i32
      %dma_wait3A_44 = arith.constant 0 : i32
      %dma_wait3A_45 = tpu.memref_slice %arg2[%dma_wait3A_43, %dma_wait3A_44] : memref<10112x128xf32, #tpu.memory_space<hbm>> -> memref<10112x128xf32, #tpu.memory_space<hbm>>
      tpu.wait_indirect_dma semaphore(%arg13 : memref<!tpu.dma_semaphore, #tpu.memory_space<semaphore_mem>>) src(%dma_wait3A_45 : memref<10112x128xf32, #tpu.memory_space<hbm>>) dst(%arg10 : memref<128x128xf32, #tpu.memory_space<vmem>>)
      %add3A_46 = arith.constant 1 : i32
      %add3A_47 = arith.addi %add3A_25, %add3A_46 : i32
      "tpu.region"() ({
        %run_scoped3A = tpu.sem_alloc : memref<!tpu.dma_semaphore, #tpu.memory_space<semaphore_mem>>
        %dma_start3A_48 = arith.constant 0 : i32
        %dma_start3A_49 = tpu.memref_slice %arg8[%add3A_47, %dma_start3A_48] : memref<40x128xi32, #tpu.memory_space<vmem>> -> memref<1x128xi32, #tpu.memory_space<vmem>>
        %dma_start3A_50 = tpu.memref_squeeze %dma_start3A_49 : memref<1x128xi32, #tpu.memory_space<vmem>> -> memref<128xi32, #tpu.memory_space<vmem>>
        %dma_start3A_51 = arith.constant 0 : i32
        %dma_start3A_52 = arith.constant 0 : i32
        %dma_start3A_53 = tpu.memref_slice %arg11[%dma_start3A_51, %dma_start3A_52] : memref<10112x128xf32, #tpu.memory_space<vmem_shared>> -> memref<10112x128xf32, #tpu.memory_space<vmem_shared>>
        tpu.enqueue_indirect_dma source(%arg10 : memref<128x128xf32, #tpu.memory_space<vmem>>) target(%dma_start3A_53 : memref<10112x128xf32, #tpu.memory_space<vmem_shared>>) offsets(%dma_start3A_50 : memref<128xi32, #tpu.memory_space<vmem>>) semaphore(%run_scoped3A : memref<!tpu.dma_semaphore, #tpu.memory_space<semaphore_mem>>) {add = true}
        %dma_wait3A_54 = arith.constant 0 : i32
        %dma_wait3A_55 = tpu.memref_slice %arg8[%add3A_47, %dma_wait3A_54] : memref<40x128xi32, #tpu.memory_space<vmem>> -> memref<1x128xi32, #tpu.memory_space<vmem>>
        %dma_wait3A_56 = tpu.memref_squeeze %dma_wait3A_55 : memref<1x128xi32, #tpu.memory_space<vmem>> -> memref<128xi32, #tpu.memory_space<vmem>>
        %dma_wait3A_57 = arith.constant 0 : i32
        %dma_wait3A_58 = arith.constant 0 : i32
        %dma_wait3A_59 = tpu.memref_slice %arg11[%dma_wait3A_57, %dma_wait3A_58] : memref<10112x128xf32, #tpu.memory_space<vmem_shared>> -> memref<10112x128xf32, #tpu.memory_space<vmem_shared>>
        tpu.wait_indirect_dma semaphore(%run_scoped3A : memref<!tpu.dma_semaphore, #tpu.memory_space<semaphore_mem>>) src(%arg10 : memref<128x128xf32, #tpu.memory_space<vmem>>) dst(%dma_wait3A_59 : memref<10112x128xf32, #tpu.memory_space<vmem_shared>>)
        tpu.yield
      }) : () -> ()
    }
    %scan3A_17 = arith.constant 20 : i32
    %barrier3A_18 = arith.constant 0 : index
    tpu.barrier barrier_id(%barrier3A_18)
    %mul3A_19 = arith.constant 632 : i32
    %mul3A_20 = arith.muli %arg1, %mul3A_19 : i32
    "tpu.region"() ({
      %run_scoped3A = tpu.sem_alloc : memref<!tpu.dma_semaphore, #tpu.memory_space<semaphore_mem>>
      %dma_start3A = arith.constant 0 : i32
      %dma_start3A_21 = arith.constant 0 : i32
      %dma_start3A_22 = tpu.memref_slice %arg6[%arg0, %dma_start3A, %dma_start3A_21] : memref<2x10112x128xf32, #tpu.memory_space<hbm>> -> memref<1x10112x128xf32, #tpu.memory_space<hbm>>
      %dma_start3A_23 = tpu.memref_squeeze %dma_start3A_22 : memref<1x10112x128xf32, #tpu.memory_space<hbm>> -> memref<10112x128xf32, #tpu.memory_space<hbm>>
      %dma_start3A_24 = arith.constant 0 : i32
      %dma_start3A_25 = tpu.memref_slice %dma_start3A_23[%mul3A_20, %dma_start3A_24] : memref<10112x128xf32, #tpu.memory_space<hbm>> -> memref<632x128xf32, #tpu.memory_space<hbm>>
      %dma_start3A_26 = arith.constant 0 : i32
      %dma_start3A_27 = tpu.memref_slice %arg11[%mul3A_20, %dma_start3A_26] : memref<10112x128xf32, #tpu.memory_space<vmem_shared>> -> memref<632x128xf32, #tpu.memory_space<vmem_shared>>
      tpu.enqueue_dma source(%dma_start3A_27 : memref<632x128xf32, #tpu.memory_space<vmem_shared>>) target(%dma_start3A_25 : memref<632x128xf32, #tpu.memory_space<hbm>>) target_semaphore(%run_scoped3A : memref<!tpu.dma_semaphore, #tpu.memory_space<semaphore_mem>>)
      %dma_wait3A = arith.constant 0 : i32
      %dma_wait3A_28 = arith.constant 0 : i32
      %dma_wait3A_29 = tpu.memref_slice %arg6[%arg0, %dma_wait3A, %dma_wait3A_28] : memref<2x10112x128xf32, #tpu.memory_space<hbm>> -> memref<1x10112x128xf32, #tpu.memory_space<hbm>>
      %dma_wait3A_30 = tpu.memref_squeeze %dma_wait3A_29 : memref<1x10112x128xf32, #tpu.memory_space<hbm>> -> memref<10112x128xf32, #tpu.memory_space<hbm>>
      %dma_wait3A_31 = arith.constant 0 : i32
      %dma_wait3A_32 = tpu.memref_slice %dma_wait3A_30[%mul3A_20, %dma_wait3A_31] : memref<10112x128xf32, #tpu.memory_space<hbm>> -> memref<632x128xf32, #tpu.memory_space<hbm>>
      %dma_wait3A_33 = arith.constant 0 : i32
      %dma_wait3A_34 = tpu.memref_slice %arg11[%mul3A_20, %dma_wait3A_33] : memref<10112x128xf32, #tpu.memory_space<vmem_shared>> -> memref<632x128xf32, #tpu.memory_space<vmem_shared>>
      tpu.wait_dma2 semaphore(%run_scoped3A : memref<!tpu.dma_semaphore, #tpu.memory_space<semaphore_mem>>) src(%dma_wait3A_34 : memref<632x128xf32, #tpu.memory_space<vmem_shared>>) dst(%dma_wait3A_32 : memref<632x128xf32, #tpu.memory_space<hbm>>)
      tpu.yield
    }) : () -> ()
    return
  }
}

#map = affine_map<(d0, d1) -> (0, 0)>
#map1 = affine_map<(d0, d1) -> (0)>
#map2 = affine_map<(d0, d1) -> (0, 0, 0)>
module attributes {stable_mosaic.version = 14 : i64} {
  func.func @k(%arg0: i32, %arg1: i32, %arg2: memref<10112x128xf32, #tpu.memory_space<hbm>>, %arg3: memref<327680xi32, #tpu.memory_space<hbm>>, %arg4: memref<32x80x128xi32, #tpu.memory_space<hbm>>, %arg5: memref<632x128xf32, #tpu.memory_space<hbm>>, %arg6: memref<2x10112x128xf32, #tpu.memory_space<hbm>>, %arg7: memref<5120xi32, #tpu.memory_space<vmem>>, %arg8: memref<40x128xi32, #tpu.memory_space<vmem>>, %arg9: memref<128x128xf32, #tpu.memory_space<vmem>>, %arg10: memref<128x128xf32, #tpu.memory_space<vmem>>, %arg11: memref<10112x128xf32, #tpu.memory_space<vmem_shared>>, %arg12: memref<!tpu.dma_semaphore, #tpu.memory_space<semaphore_mem>>, %arg13: memref<!tpu.dma_semaphore, #tpu.memory_space<semaphore_mem>>) attributes {dimension_semantics = [#tpu.dimension_semantics<core_parallel>, #tpu.dimension_semantics<subcore_parallel>], iteration_bounds = array<i64: 2, 16>, scalar_prefetch = 0 : i64, scratch_operands = 7 : i64, tpu.core_type = #tpu.core_type<sc_vector_subcore>, window_params = [{transform_indices = #map}, {transform_indices = #map1}, {transform_indices = #map2}, {transform_indices = #map}, {transform_indices = #map2}]} {
    %mul3A = arith.constant 632 : i32
    %mul3A_0 = arith.muli %arg1, %mul3A : i32
    "tpu.region"() ({
      %run_scoped3A = tpu.sem_alloc : memref<!tpu.dma_semaphore, #tpu.memory_space<semaphore_mem>>
      %dma_start3A = arith.constant 0 : i32
      %dma_start3A_21 = tpu.memref_slice %arg11[%mul3A_0, %dma_start3A] : memref<10112x128xf32, #tpu.memory_space<vmem_shared>> -> memref<632x128xf32, #tpu.memory_space<vmem_shared>>
      tpu.enqueue_dma source(%arg5 : memref<632x128xf32, #tpu.memory_space<hbm>>) target(%dma_start3A_21 : memref<632x128xf32, #tpu.memory_space<vmem_shared>>) target_semaphore(%run_scoped3A : memref<!tpu.dma_semaphore, #tpu.memory_space<semaphore_mem>>)
      %dma_wait3A = arith.constant 0 : i32
      %dma_wait3A_22 = tpu.memref_slice %arg11[%mul3A_0, %dma_wait3A] : memref<10112x128xf32, #tpu.memory_space<vmem_shared>> -> memref<632x128xf32, #tpu.memory_space<vmem_shared>>
      tpu.wait_dma2 semaphore(%run_scoped3A : memref<!tpu.dma_semaphore, #tpu.memory_space<semaphore_mem>>) src(%arg5 : memref<632x128xf32, #tpu.memory_space<hbm>>) dst(%dma_wait3A_22 : memref<632x128xf32, #tpu.memory_space<vmem_shared>>)
      tpu.yield
    }) : () -> ()
    %barrier3A = arith.constant 0 : index
    tpu.barrier barrier_id(%barrier3A)
    %mul3A_1 = arith.constant 16 : i32
    %mul3A_2 = arith.muli %arg0, %mul3A_1 : i32
    %add3A = arith.addi %mul3A_2, %arg1 : i32
    %mul3A_3 = arith.constant 10240 : i32
    %mul3A_4 = arith.muli %add3A, %mul3A_3 : i32
    %add3A_5 = arith.constant 0 : i32
    %add3A_6 = arith.addi %mul3A_4, %add3A_5 : i32
    "tpu.region"() ({
      %run_scoped3A = tpu.sem_alloc : memref<!tpu.dma_semaphore, #tpu.memory_space<semaphore_mem>>
      %dma_start3A = tpu.memref_slice %arg3[%add3A_6] : memref<327680xi32, #tpu.memory_space<hbm>> -> memref<5120xi32, #tpu.memory_space<hbm>>
      %dma_start3A_21 = tpu.memref_slice %arg3[%add3A_6] : memref<327680xi32, #tpu.memory_space<hbm>> -> memref<5120xi32, #tpu.memory_space<hbm>>
      tpu.enqueue_dma source(%dma_start3A_21 : memref<5120xi32, #tpu.memory_space<hbm>>) target(%arg7 : memref<5120xi32, #tpu.memory_space<vmem>>) target_semaphore(%run_scoped3A : memref<!tpu.dma_semaphore, #tpu.memory_space<semaphore_mem>>)
      %dma_wait3A = tpu.memref_slice %arg3[%add3A_6] : memref<327680xi32, #tpu.memory_space<hbm>> -> memref<5120xi32, #tpu.memory_space<hbm>>
      %dma_wait3A_22 = tpu.memref_slice %arg3[%add3A_6] : memref<327680xi32, #tpu.memory_space<hbm>> -> memref<5120xi32, #tpu.memory_space<hbm>>
      tpu.wait_dma2 semaphore(%run_scoped3A : memref<!tpu.dma_semaphore, #tpu.memory_space<semaphore_mem>>) src(%dma_wait3A_22 : memref<5120xi32, #tpu.memory_space<hbm>>) dst(%arg7 : memref<5120xi32, #tpu.memory_space<vmem>>)
      tpu.yield
    }) : () -> ()
    "tpu.region"() ({
      %run_scoped3A = tpu.sem_alloc : memref<!tpu.dma_semaphore, #tpu.memory_space<semaphore_mem>>
      %dma_start3A = arith.constant 0 : i32
      %dma_start3A_21 = arith.constant 0 : i32
      %dma_start3A_22 = tpu.memref_slice %arg4[%add3A, %dma_start3A, %dma_start3A_21] : memref<32x80x128xi32, #tpu.memory_space<hbm>> -> memref<1x80x128xi32, #tpu.memory_space<hbm>>
      %dma_start3A_23 = tpu.memref_squeeze %dma_start3A_22 : memref<1x80x128xi32, #tpu.memory_space<hbm>> -> memref<80x128xi32, #tpu.memory_space<hbm>>
      %dma_start3A_24 = arith.constant 0 : i32
      %dma_start3A_25 = arith.constant 0 : i32
      %dma_start3A_26 = tpu.memref_slice %dma_start3A_23[%dma_start3A_24, %dma_start3A_25] : memref<80x128xi32, #tpu.memory_space<hbm>> -> memref<40x128xi32, #tpu.memory_space<hbm>>
      %dma_start3A_27 = arith.constant 0 : i32
      %dma_start3A_28 = arith.constant 0 : i32
      %dma_start3A_29 = tpu.memref_slice %arg4[%add3A, %dma_start3A_27, %dma_start3A_28] : memref<32x80x128xi32, #tpu.memory_space<hbm>> -> memref<1x80x128xi32, #tpu.memory_space<hbm>>
      %dma_start3A_30 = tpu.memref_squeeze %dma_start3A_29 : memref<1x80x128xi32, #tpu.memory_space<hbm>> -> memref<80x128xi32, #tpu.memory_space<hbm>>
      %dma_start3A_31 = arith.constant 0 : i32
      %dma_start3A_32 = arith.constant 0 : i32
      %dma_start3A_33 = tpu.memref_slice %dma_start3A_30[%dma_start3A_31, %dma_start3A_32] : memref<80x128xi32, #tpu.memory_space<hbm>> -> memref<40x128xi32, #tpu.memory_space<hbm>>
      tpu.enqueue_dma source(%dma_start3A_33 : memref<40x128xi32, #tpu.memory_space<hbm>>) target(%arg8 : memref<40x128xi32, #tpu.memory_space<vmem>>) target_semaphore(%run_scoped3A : memref<!tpu.dma_semaphore, #tpu.memory_space<semaphore_mem>>)
      %dma_wait3A = arith.constant 0 : i32
      %dma_wait3A_34 = arith.constant 0 : i32
      %dma_wait3A_35 = tpu.memref_slice %arg4[%add3A, %dma_wait3A, %dma_wait3A_34] : memref<32x80x128xi32, #tpu.memory_space<hbm>> -> memref<1x80x128xi32, #tpu.memory_space<hbm>>
      %dma_wait3A_36 = tpu.memref_squeeze %dma_wait3A_35 : memref<1x80x128xi32, #tpu.memory_space<hbm>> -> memref<80x128xi32, #tpu.memory_space<hbm>>
      %dma_wait3A_37 = arith.constant 0 : i32
      %dma_wait3A_38 = arith.constant 0 : i32
      %dma_wait3A_39 = tpu.memref_slice %dma_wait3A_36[%dma_wait3A_37, %dma_wait3A_38] : memref<80x128xi32, #tpu.memory_space<hbm>> -> memref<40x128xi32, #tpu.memory_space<hbm>>
      %dma_wait3A_40 = arith.constant 0 : i32
      %dma_wait3A_41 = arith.constant 0 : i32
      %dma_wait3A_42 = tpu.memref_slice %arg4[%add3A, %dma_wait3A_40, %dma_wait3A_41] : memref<32x80x128xi32, #tpu.memory_space<hbm>> -> memref<1x80x128xi32, #tpu.memory_space<hbm>>
      %dma_wait3A_43 = tpu.memref_squeeze %dma_wait3A_42 : memref<1x80x128xi32, #tpu.memory_space<hbm>> -> memref<80x128xi32, #tpu.memory_space<hbm>>
      %dma_wait3A_44 = arith.constant 0 : i32
      %dma_wait3A_45 = arith.constant 0 : i32
      %dma_wait3A_46 = tpu.memref_slice %dma_wait3A_43[%dma_wait3A_44, %dma_wait3A_45] : memref<80x128xi32, #tpu.memory_space<hbm>> -> memref<40x128xi32, #tpu.memory_space<hbm>>
      tpu.wait_dma2 semaphore(%run_scoped3A : memref<!tpu.dma_semaphore, #tpu.memory_space<semaphore_mem>>) src(%dma_wait3A_46 : memref<40x128xi32, #tpu.memory_space<hbm>>) dst(%arg8 : memref<40x128xi32, #tpu.memory_space<vmem>>)
      tpu.yield
    }) : () -> ()
    %scan3A = arith.constant 0 : i32
    %scan3A_7 = arith.constant 20 : i32
    %scan3A_8 = arith.addi %scan3A, %scan3A_7 : i32
    %scan3A_9 = arith.constant 1 : i32
    scf.for %scan3A_21 = %scan3A to %scan3A_8 step %scan3A_9  : i32 {
      %mul3A_22 = arith.constant 2 : i32
      %mul3A_23 = arith.muli %scan3A_21, %mul3A_22 : i32
      %add3A_24 = arith.constant 0 : i32
      %add3A_25 = arith.addi %add3A_24, %mul3A_23 : i32
      %mul3A_26 = arith.constant 128 : i32
      %mul3A_27 = arith.muli %add3A_25, %mul3A_26 : i32
      %dma_start3A = tpu.memref_slice %arg7[%mul3A_27] : memref<5120xi32, #tpu.memory_space<vmem>> -> memref<128xi32, #tpu.memory_space<vmem>>
      %dma_start3A_28 = arith.constant 0 : i32
      %dma_start3A_29 = arith.constant 0 : i32
      %dma_start3A_30 = tpu.memref_slice %arg2[%dma_start3A_28, %dma_start3A_29] : memref<10112x128xf32, #tpu.memory_space<hbm>> -> memref<10112x128xf32, #tpu.memory_space<hbm>>
      tpu.enqueue_indirect_dma source(%dma_start3A_30 : memref<10112x128xf32, #tpu.memory_space<hbm>>) target(%arg9 : memref<128x128xf32, #tpu.memory_space<vmem>>) offsets(%dma_start3A : memref<128xi32, #tpu.memory_space<vmem>>) semaphore(%arg12 : memref<!tpu.dma_semaphore, #tpu.memory_space<semaphore_mem>>)
      %add3A_31 = arith.constant 1 : i32
      %add3A_32 = arith.addi %add3A_25, %add3A_31 : i32
      %mul3A_33 = arith.constant 128 : i32
      %mul3A_34 = arith.muli %add3A_32, %mul3A_33 : i32
      %dma_start3A_35 = tpu.memref_slice %arg7[%mul3A_34] : memref<5120xi32, #tpu.memory_space<vmem>> -> memref<128xi32, #tpu.memory_space<vmem>>
      %dma_start3A_36 = arith.constant 0 : i32
      %dma_start3A_37 = arith.constant 0 : i32
      %dma_start3A_38 = tpu.memref_slice %arg2[%dma_start3A_36, %dma_start3A_37] : memref<10112x128xf32, #tpu.memory_space<hbm>> -> memref<10112x128xf32, #tpu.memory_space<hbm>>
      tpu.enqueue_indirect_dma source(%dma_start3A_38 : memref<10112x128xf32, #tpu.memory_space<hbm>>) target(%arg10 : memref<128x128xf32, #tpu.memory_space<vmem>>) offsets(%dma_start3A_35 : memref<128xi32, #tpu.memory_space<vmem>>) semaphore(%arg13 : memref<!tpu.dma_semaphore, #tpu.memory_space<semaphore_mem>>)
      %dma_wait3A = tpu.memref_slice %arg7[%mul3A_27] : memref<5120xi32, #tpu.memory_space<vmem>> -> memref<128xi32, #tpu.memory_space<vmem>>
      %dma_wait3A_39 = arith.constant 0 : i32
      %dma_wait3A_40 = arith.constant 0 : i32
      %dma_wait3A_41 = tpu.memref_slice %arg2[%dma_wait3A_39, %dma_wait3A_40] : memref<10112x128xf32, #tpu.memory_space<hbm>> -> memref<10112x128xf32, #tpu.memory_space<hbm>>
      tpu.wait_indirect_dma semaphore(%arg12 : memref<!tpu.dma_semaphore, #tpu.memory_space<semaphore_mem>>) src(%dma_wait3A_41 : memref<10112x128xf32, #tpu.memory_space<hbm>>) dst(%arg9 : memref<128x128xf32, #tpu.memory_space<vmem>>)
      "tpu.region"() ({
        %run_scoped3A = tpu.sem_alloc : memref<!tpu.dma_semaphore, #tpu.memory_space<semaphore_mem>>
        %dma_start3A_48 = arith.constant 0 : i32
        %dma_start3A_49 = tpu.memref_slice %arg8[%add3A_25, %dma_start3A_48] : memref<40x128xi32, #tpu.memory_space<vmem>> -> memref<1x128xi32, #tpu.memory_space<vmem>>
        %dma_start3A_50 = tpu.memref_squeeze %dma_start3A_49 : memref<1x128xi32, #tpu.memory_space<vmem>> -> memref<128xi32, #tpu.memory_space<vmem>>
        %dma_start3A_51 = arith.constant 0 : i32
        %dma_start3A_52 = arith.constant 0 : i32
        %dma_start3A_53 = tpu.memref_slice %arg11[%dma_start3A_51, %dma_start3A_52] : memref<10112x128xf32, #tpu.memory_space<vmem_shared>> -> memref<10112x128xf32, #tpu.memory_space<vmem_shared>>
        tpu.enqueue_indirect_dma source(%arg9 : memref<128x128xf32, #tpu.memory_space<vmem>>) target(%dma_start3A_53 : memref<10112x128xf32, #tpu.memory_space<vmem_shared>>) offsets(%dma_start3A_50 : memref<128xi32, #tpu.memory_space<vmem>>) semaphore(%run_scoped3A : memref<!tpu.dma_semaphore, #tpu.memory_space<semaphore_mem>>) {add = true}
        %dma_wait3A_54 = arith.constant 0 : i32
        %dma_wait3A_55 = tpu.memref_slice %arg8[%add3A_25, %dma_wait3A_54] : memref<40x128xi32, #tpu.memory_space<vmem>> -> memref<1x128xi32, #tpu.memory_space<vmem>>
        %dma_wait3A_56 = tpu.memref_squeeze %dma_wait3A_55 : memref<1x128xi32, #tpu.memory_space<vmem>> -> memref<128xi32, #tpu.memory_space<vmem>>
        %dma_wait3A_57 = arith.constant 0 : i32
        %dma_wait3A_58 = arith.constant 0 : i32
        %dma_wait3A_59 = tpu.memref_slice %arg11[%dma_wait3A_57, %dma_wait3A_58] : memref<10112x128xf32, #tpu.memory_space<vmem_shared>> -> memref<10112x128xf32, #tpu.memory_space<vmem_shared>>
        tpu.wait_indirect_dma semaphore(%run_scoped3A : memref<!tpu.dma_semaphore, #tpu.memory_space<semaphore_mem>>) src(%arg9 : memref<128x128xf32, #tpu.memory_space<vmem>>) dst(%dma_wait3A_59 : memref<10112x128xf32, #tpu.memory_space<vmem_shared>>)
        tpu.yield
      }) : () -> ()
      %dma_wait3A_42 = tpu.memref_slice %arg7[%mul3A_34] : memref<5120xi32, #tpu.memory_space<vmem>> -> memref<128xi32, #tpu.memory_space<vmem>>
      %dma_wait3A_43 = arith.constant 0 : i32
      %dma_wait3A_44 = arith.constant 0 : i32
      %dma_wait3A_45 = tpu.memref_slice %arg2[%dma_wait3A_43, %dma_wait3A_44] : memref<10112x128xf32, #tpu.memory_space<hbm>> -> memref<10112x128xf32, #tpu.memory_space<hbm>>
      tpu.wait_indirect_dma semaphore(%arg13 : memref<!tpu.dma_semaphore, #tpu.memory_space<semaphore_mem>>) src(%dma_wait3A_45 : memref<10112x128xf32, #tpu.memory_space<hbm>>) dst(%arg10 : memref<128x128xf32, #tpu.memory_space<vmem>>)
      %add3A_46 = arith.constant 1 : i32
      %add3A_47 = arith.addi %add3A_25, %add3A_46 : i32
      "tpu.region"() ({
        %run_scoped3A = tpu.sem_alloc : memref<!tpu.dma_semaphore, #tpu.memory_space<semaphore_mem>>
        %dma_start3A_48 = arith.constant 0 : i32
        %dma_start3A_49 = tpu.memref_slice %arg8[%add3A_47, %dma_start3A_48] : memref<40x128xi32, #tpu.memory_space<vmem>> -> memref<1x128xi32, #tpu.memory_space<vmem>>
        %dma_start3A_50 = tpu.memref_squeeze %dma_start3A_49 : memref<1x128xi32, #tpu.memory_space<vmem>> -> memref<128xi32, #tpu.memory_space<vmem>>
        %dma_start3A_51 = arith.constant 0 : i32
        %dma_start3A_52 = arith.constant 0 : i32
        %dma_start3A_53 = tpu.memref_slice %arg11[%dma_start3A_51, %dma_start3A_52] : memref<10112x128xf32, #tpu.memory_space<vmem_shared>> -> memref<10112x128xf32, #tpu.memory_space<vmem_shared>>
        tpu.enqueue_indirect_dma source(%arg10 : memref<128x128xf32, #tpu.memory_space<vmem>>) target(%dma_start3A_53 : memref<10112x128xf32, #tpu.memory_space<vmem_shared>>) offsets(%dma_start3A_50 : memref<128xi32, #tpu.memory_space<vmem>>) semaphore(%run_scoped3A : memref<!tpu.dma_semaphore, #tpu.memory_space<semaphore_mem>>) {add = true}
        %dma_wait3A_54 = arith.constant 0 : i32
        %dma_wait3A_55 = tpu.memref_slice %arg8[%add3A_47, %dma_wait3A_54] : memref<40x128xi32, #tpu.memory_space<vmem>> -> memref<1x128xi32, #tpu.memory_space<vmem>>
        %dma_wait3A_56 = tpu.memref_squeeze %dma_wait3A_55 : memref<1x128xi32, #tpu.memory_space<vmem>> -> memref<128xi32, #tpu.memory_space<vmem>>
        %dma_wait3A_57 = arith.constant 0 : i32
        %dma_wait3A_58 = arith.constant 0 : i32
        %dma_wait3A_59 = tpu.memref_slice %arg11[%dma_wait3A_57, %dma_wait3A_58] : memref<10112x128xf32, #tpu.memory_space<vmem_shared>> -> memref<10112x128xf32, #tpu.memory_space<vmem_shared>>
        tpu.wait_indirect_dma semaphore(%run_scoped3A : memref<!tpu.dma_semaphore, #tpu.memory_space<semaphore_mem>>) src(%arg10 : memref<128x128xf32, #tpu.memory_space<vmem>>) dst(%dma_wait3A_59 : memref<10112x128xf32, #tpu.memory_space<vmem_shared>>)
        tpu.yield
      }) : () -> ()
    }
    %scan3A_10 = arith.constant 20 : i32
    %add3A_11 = arith.constant 5120 : i32
    %add3A_12 = arith.addi %mul3A_4, %add3A_11 : i32
    "tpu.region"() ({
      %run_scoped3A = tpu.sem_alloc : memref<!tpu.dma_semaphore, #tpu.memory_space<semaphore_mem>>
      %dma_start3A = tpu.memref_slice %arg3[%add3A_12] : memref<327680xi32, #tpu.memory_space<hbm>> -> memref<5120xi32, #tpu.memory_space<hbm>>
      %dma_start3A_21 = tpu.memref_slice %arg3[%add3A_12] : memref<327680xi32, #tpu.memory_space<hbm>> -> memref<5120xi32, #tpu.memory_space<hbm>>
      tpu.enqueue_dma source(%dma_start3A_21 : memref<5120xi32, #tpu.memory_space<hbm>>) target(%arg7 : memref<5120xi32, #tpu.memory_space<vmem>>) target_semaphore(%run_scoped3A : memref<!tpu.dma_semaphore, #tpu.memory_space<semaphore_mem>>)
      %dma_wait3A = tpu.memref_slice %arg3[%add3A_12] : memref<327680xi32, #tpu.memory_space<hbm>> -> memref<5120xi32, #tpu.memory_space<hbm>>
      %dma_wait3A_22 = tpu.memref_slice %arg3[%add3A_12] : memref<327680xi32, #tpu.memory_space<hbm>> -> memref<5120xi32, #tpu.memory_space<hbm>>
      tpu.wait_dma2 semaphore(%run_scoped3A : memref<!tpu.dma_semaphore, #tpu.memory_space<semaphore_mem>>) src(%dma_wait3A_22 : memref<5120xi32, #tpu.memory_space<hbm>>) dst(%arg7 : memref<5120xi32, #tpu.memory_space<vmem>>)
      tpu.yield
    }) : () -> ()
    "tpu.region"() ({
      %run_scoped3A = tpu.sem_alloc : memref<!tpu.dma_semaphore, #tpu.memory_space<semaphore_mem>>
      %dma_start3A = arith.constant 0 : i32
      %dma_start3A_21 = arith.constant 0 : i32
      %dma_start3A_22 = tpu.memref_slice %arg4[%add3A, %dma_start3A, %dma_start3A_21] : memref<32x80x128xi32, #tpu.memory_space<hbm>> -> memref<1x80x128xi32, #tpu.memory_space<hbm>>
      %dma_start3A_23 = tpu.memref_squeeze %dma_start3A_22 : memref<1x80x128xi32, #tpu.memory_space<hbm>> -> memref<80x128xi32, #tpu.memory_space<hbm>>
      %dma_start3A_24 = arith.constant 40 : i32
      %dma_start3A_25 = arith.constant 0 : i32
      %dma_start3A_26 = tpu.memref_slice %dma_start3A_23[%dma_start3A_24, %dma_start3A_25] : memref<80x128xi32, #tpu.memory_space<hbm>> -> memref<40x128xi32, #tpu.memory_space<hbm>>
      %dma_start3A_27 = arith.constant 0 : i32
      %dma_start3A_28 = arith.constant 0 : i32
      %dma_start3A_29 = tpu.memref_slice %arg4[%add3A, %dma_start3A_27, %dma_start3A_28] : memref<32x80x128xi32, #tpu.memory_space<hbm>> -> memref<1x80x128xi32, #tpu.memory_space<hbm>>
      %dma_start3A_30 = tpu.memref_squeeze %dma_start3A_29 : memref<1x80x128xi32, #tpu.memory_space<hbm>> -> memref<80x128xi32, #tpu.memory_space<hbm>>
      %dma_start3A_31 = arith.constant 40 : i32
      %dma_start3A_32 = arith.constant 0 : i32
      %dma_start3A_33 = tpu.memref_slice %dma_start3A_30[%dma_start3A_31, %dma_start3A_32] : memref<80x128xi32, #tpu.memory_space<hbm>> -> memref<40x128xi32, #tpu.memory_space<hbm>>
      tpu.enqueue_dma source(%dma_start3A_33 : memref<40x128xi32, #tpu.memory_space<hbm>>) target(%arg8 : memref<40x128xi32, #tpu.memory_space<vmem>>) target_semaphore(%run_scoped3A : memref<!tpu.dma_semaphore, #tpu.memory_space<semaphore_mem>>)
      %dma_wait3A = arith.constant 0 : i32
      %dma_wait3A_34 = arith.constant 0 : i32
      %dma_wait3A_35 = tpu.memref_slice %arg4[%add3A, %dma_wait3A, %dma_wait3A_34] : memref<32x80x128xi32, #tpu.memory_space<hbm>> -> memref<1x80x128xi32, #tpu.memory_space<hbm>>
      %dma_wait3A_36 = tpu.memref_squeeze %dma_wait3A_35 : memref<1x80x128xi32, #tpu.memory_space<hbm>> -> memref<80x128xi32, #tpu.memory_space<hbm>>
      %dma_wait3A_37 = arith.constant 40 : i32
      %dma_wait3A_38 = arith.constant 0 : i32
      %dma_wait3A_39 = tpu.memref_slice %dma_wait3A_36[%dma_wait3A_37, %dma_wait3A_38] : memref<80x128xi32, #tpu.memory_space<hbm>> -> memref<40x128xi32, #tpu.memory_space<hbm>>
      %dma_wait3A_40 = arith.constant 0 : i32
      %dma_wait3A_41 = arith.constant 0 : i32
      %dma_wait3A_42 = tpu.memref_slice %arg4[%add3A, %dma_wait3A_40, %dma_wait3A_41] : memref<32x80x128xi32, #tpu.memory_space<hbm>> -> memref<1x80x128xi32, #tpu.memory_space<hbm>>
      %dma_wait3A_43 = tpu.memref_squeeze %dma_wait3A_42 : memref<1x80x128xi32, #tpu.memory_space<hbm>> -> memref<80x128xi32, #tpu.memory_space<hbm>>
      %dma_wait3A_44 = arith.constant 40 : i32
      %dma_wait3A_45 = arith.constant 0 : i32
      %dma_wait3A_46 = tpu.memref_slice %dma_wait3A_43[%dma_wait3A_44, %dma_wait3A_45] : memref<80x128xi32, #tpu.memory_space<hbm>> -> memref<40x128xi32, #tpu.memory_space<hbm>>
      tpu.wait_dma2 semaphore(%run_scoped3A : memref<!tpu.dma_semaphore, #tpu.memory_space<semaphore_mem>>) src(%dma_wait3A_46 : memref<40x128xi32, #tpu.memory_space<hbm>>) dst(%arg8 : memref<40x128xi32, #tpu.memory_space<vmem>>)
      tpu.yield
    }) : () -> ()
    %scan3A_13 = arith.constant 0 : i32
    %scan3A_14 = arith.constant 20 : i32
    %scan3A_15 = arith.addi %scan3A_13, %scan3A_14 : i32
    %scan3A_16 = arith.constant 1 : i32
    scf.for %scan3A_21 = %scan3A_13 to %scan3A_15 step %scan3A_16  : i32 {
      %mul3A_22 = arith.constant 2 : i32
      %mul3A_23 = arith.muli %scan3A_21, %mul3A_22 : i32
      %add3A_24 = arith.constant 0 : i32
      %add3A_25 = arith.addi %add3A_24, %mul3A_23 : i32
      %mul3A_26 = arith.constant 128 : i32
      %mul3A_27 = arith.muli %add3A_25, %mul3A_26 : i32
      %dma_start3A = tpu.memref_slice %arg7[%mul3A_27] : memref<5120xi32, #tpu.memory_space<vmem>> -> memref<128xi32, #tpu.memory_space<vmem>>
      %dma_start3A_28 = arith.constant 0 : i32
      %dma_start3A_29 = arith.constant 0 : i32
      %dma_start3A_30 = tpu.memref_slice %arg2[%dma_start3A_28, %dma_start3A_29] : memref<10112x128xf32, #tpu.memory_space<hbm>> -> memref<10112x128xf32, #tpu.memory_space<hbm>>
      tpu.enqueue_indirect_dma source(%dma_start3A_30 : memref<10112x128xf32, #tpu.memory_space<hbm>>) target(%arg9 : memref<128x128xf32, #tpu.memory_space<vmem>>) offsets(%dma_start3A : memref<128xi32, #tpu.memory_space<vmem>>) semaphore(%arg12 : memref<!tpu.dma_semaphore, #tpu.memory_space<semaphore_mem>>)
      %add3A_31 = arith.constant 1 : i32
      %add3A_32 = arith.addi %add3A_25, %add3A_31 : i32
      %mul3A_33 = arith.constant 128 : i32
      %mul3A_34 = arith.muli %add3A_32, %mul3A_33 : i32
      %dma_start3A_35 = tpu.memref_slice %arg7[%mul3A_34] : memref<5120xi32, #tpu.memory_space<vmem>> -> memref<128xi32, #tpu.memory_space<vmem>>
      %dma_start3A_36 = arith.constant 0 : i32
      %dma_start3A_37 = arith.constant 0 : i32
      %dma_start3A_38 = tpu.memref_slice %arg2[%dma_start3A_36, %dma_start3A_37] : memref<10112x128xf32, #tpu.memory_space<hbm>> -> memref<10112x128xf32, #tpu.memory_space<hbm>>
      tpu.enqueue_indirect_dma source(%dma_start3A_38 : memref<10112x128xf32, #tpu.memory_space<hbm>>) target(%arg10 : memref<128x128xf32, #tpu.memory_space<vmem>>) offsets(%dma_start3A_35 : memref<128xi32, #tpu.memory_space<vmem>>) semaphore(%arg13 : memref<!tpu.dma_semaphore, #tpu.memory_space<semaphore_mem>>)
      %dma_wait3A = tpu.memref_slice %arg7[%mul3A_27] : memref<5120xi32, #tpu.memory_space<vmem>> -> memref<128xi32, #tpu.memory_space<vmem>>
      %dma_wait3A_39 = arith.constant 0 : i32
      %dma_wait3A_40 = arith.constant 0 : i32
      %dma_wait3A_41 = tpu.memref_slice %arg2[%dma_wait3A_39, %dma_wait3A_40] : memref<10112x128xf32, #tpu.memory_space<hbm>> -> memref<10112x128xf32, #tpu.memory_space<hbm>>
      tpu.wait_indirect_dma semaphore(%arg12 : memref<!tpu.dma_semaphore, #tpu.memory_space<semaphore_mem>>) src(%dma_wait3A_41 : memref<10112x128xf32, #tpu.memory_space<hbm>>) dst(%arg9 : memref<128x128xf32, #tpu.memory_space<vmem>>)
      "tpu.region"() ({
        %run_scoped3A = tpu.sem_alloc : memref<!tpu.dma_semaphore, #tpu.memory_space<semaphore_mem>>
        %dma_start3A_48 = arith.constant 0 : i32
        %dma_start3A_49 = tpu.memref_slice %arg8[%add3A_25, %dma_start3A_48] : memref<40x128xi32, #tpu.memory_space<vmem>> -> memref<1x128xi32, #tpu.memory_space<vmem>>
        %dma_start3A_50 = tpu.memref_squeeze %dma_start3A_49 : memref<1x128xi32, #tpu.memory_space<vmem>> -> memref<128xi32, #tpu.memory_space<vmem>>
        %dma_start3A_51 = arith.constant 0 : i32
        %dma_start3A_52 = arith.constant 0 : i32
        %dma_start3A_53 = tpu.memref_slice %arg11[%dma_start3A_51, %dma_start3A_52] : memref<10112x128xf32, #tpu.memory_space<vmem_shared>> -> memref<10112x128xf32, #tpu.memory_space<vmem_shared>>
        tpu.enqueue_indirect_dma source(%arg9 : memref<128x128xf32, #tpu.memory_space<vmem>>) target(%dma_start3A_53 : memref<10112x128xf32, #tpu.memory_space<vmem_shared>>) offsets(%dma_start3A_50 : memref<128xi32, #tpu.memory_space<vmem>>) semaphore(%run_scoped3A : memref<!tpu.dma_semaphore, #tpu.memory_space<semaphore_mem>>) {add = true}
        %dma_wait3A_54 = arith.constant 0 : i32
        %dma_wait3A_55 = tpu.memref_slice %arg8[%add3A_25, %dma_wait3A_54] : memref<40x128xi32, #tpu.memory_space<vmem>> -> memref<1x128xi32, #tpu.memory_space<vmem>>
        %dma_wait3A_56 = tpu.memref_squeeze %dma_wait3A_55 : memref<1x128xi32, #tpu.memory_space<vmem>> -> memref<128xi32, #tpu.memory_space<vmem>>
        %dma_wait3A_57 = arith.constant 0 : i32
        %dma_wait3A_58 = arith.constant 0 : i32
        %dma_wait3A_59 = tpu.memref_slice %arg11[%dma_wait3A_57, %dma_wait3A_58] : memref<10112x128xf32, #tpu.memory_space<vmem_shared>> -> memref<10112x128xf32, #tpu.memory_space<vmem_shared>>
        tpu.wait_indirect_dma semaphore(%run_scoped3A : memref<!tpu.dma_semaphore, #tpu.memory_space<semaphore_mem>>) src(%arg9 : memref<128x128xf32, #tpu.memory_space<vmem>>) dst(%dma_wait3A_59 : memref<10112x128xf32, #tpu.memory_space<vmem_shared>>)
        tpu.yield
      }) : () -> ()
      %dma_wait3A_42 = tpu.memref_slice %arg7[%mul3A_34] : memref<5120xi32, #tpu.memory_space<vmem>> -> memref<128xi32, #tpu.memory_space<vmem>>
      %dma_wait3A_43 = arith.constant 0 : i32
      %dma_wait3A_44 = arith.constant 0 : i32
      %dma_wait3A_45 = tpu.memref_slice %arg2[%dma_wait3A_43, %dma_wait3A_44] : memref<10112x128xf32, #tpu.memory_space<hbm>> -> memref<10112x128xf32, #tpu.memory_space<hbm>>
      tpu.wait_indirect_dma semaphore(%arg13 : memref<!tpu.dma_semaphore, #tpu.memory_space<semaphore_mem>>) src(%dma_wait3A_45 : memref<10112x128xf32, #tpu.memory_space<hbm>>) dst(%arg10 : memref<128x128xf32, #tpu.memory_space<vmem>>)
      %add3A_46 = arith.constant 1 : i32
      %add3A_47 = arith.addi %add3A_25, %add3A_46 : i32
      "tpu.region"() ({
        %run_scoped3A = tpu.sem_alloc : memref<!tpu.dma_semaphore, #tpu.memory_space<semaphore_mem>>
        %dma_start3A_48 = arith.constant 0 : i32
        %dma_start3A_49 = tpu.memref_slice %arg8[%add3A_47, %dma_start3A_48] : memref<40x128xi32, #tpu.memory_space<vmem>> -> memref<1x128xi32, #tpu.memory_space<vmem>>
        %dma_start3A_50 = tpu.memref_squeeze %dma_start3A_49 : memref<1x128xi32, #tpu.memory_space<vmem>> -> memref<128xi32, #tpu.memory_space<vmem>>
        %dma_start3A_51 = arith.constant 0 : i32
        %dma_start3A_52 = arith.constant 0 : i32
        %dma_start3A_53 = tpu.memref_slice %arg11[%dma_start3A_51, %dma_start3A_52] : memref<10112x128xf32, #tpu.memory_space<vmem_shared>> -> memref<10112x128xf32, #tpu.memory_space<vmem_shared>>
        tpu.enqueue_indirect_dma source(%arg10 : memref<128x128xf32, #tpu.memory_space<vmem>>) target(%dma_start3A_53 : memref<10112x128xf32, #tpu.memory_space<vmem_shared>>) offsets(%dma_start3A_50 : memref<128xi32, #tpu.memory_space<vmem>>) semaphore(%run_scoped3A : memref<!tpu.dma_semaphore, #tpu.memory_space<semaphore_mem>>) {add = true}
        %dma_wait3A_54 = arith.constant 0 : i32
        %dma_wait3A_55 = tpu.memref_slice %arg8[%add3A_47, %dma_wait3A_54] : memref<40x128xi32, #tpu.memory_space<vmem>> -> memref<1x128xi32, #tpu.memory_space<vmem>>
        %dma_wait3A_56 = tpu.memref_squeeze %dma_wait3A_55 : memref<1x128xi32, #tpu.memory_space<vmem>> -> memref<128xi32, #tpu.memory_space<vmem>>
        %dma_wait3A_57 = arith.constant 0 : i32
        %dma_wait3A_58 = arith.constant 0 : i32
        %dma_wait3A_59 = tpu.memref_slice %arg11[%dma_wait3A_57, %dma_wait3A_58] : memref<10112x128xf32, #tpu.memory_space<vmem_shared>> -> memref<10112x128xf32, #tpu.memory_space<vmem_shared>>
        tpu.wait_indirect_dma semaphore(%run_scoped3A : memref<!tpu.dma_semaphore, #tpu.memory_space<semaphore_mem>>) src(%arg10 : memref<128x128xf32, #tpu.memory_space<vmem>>) dst(%dma_wait3A_59 : memref<10112x128xf32, #tpu.memory_space<vmem_shared>>)
        tpu.yield
      }) : () -> ()
    }
    %scan3A_17 = arith.constant 20 : i32
    %barrier3A_18 = arith.constant 0 : index
    tpu.barrier barrier_id(%barrier3A_18)
    %mul3A_19 = arith.constant 632 : i32
    %mul3A_20 = arith.muli %arg1, %mul3A_19 : i32
    "tpu.region"() ({
      %run_scoped3A = tpu.sem_alloc : memref<!tpu.dma_semaphore, #tpu.memory_space<semaphore_mem>>
      %dma_start3A = arith.constant 0 : i32
      %dma_start3A_21 = arith.constant 0 : i32
      %dma_start3A_22 = tpu.memref_slice %arg6[%arg0, %dma_start3A, %dma_start3A_21] : memref<2x10112x128xf32, #tpu.memory_space<hbm>> -> memref<1x10112x128xf32, #tpu.memory_space<hbm>>
      %dma_start3A_23 = tpu.memref_squeeze %dma_start3A_22 : memref<1x10112x128xf32, #tpu.memory_space<hbm>> -> memref<10112x128xf32, #tpu.memory_space<hbm>>
      %dma_start3A_24 = arith.constant 0 : i32
      %dma_start3A_25 = tpu.memref_slice %dma_start3A_23[%mul3A_20, %dma_start3A_24] : memref<10112x128xf32, #tpu.memory_space<hbm>> -> memref<632x128xf32, #tpu.memory_space<hbm>>
      %dma_start3A_26 = arith.constant 0 : i32
      %dma_start3A_27 = tpu.memref_slice %arg11[%mul3A_20, %dma_start3A_26] : memref<10112x128xf32, #tpu.memory_space<vmem_shared>> -> memref<632x128xf32, #tpu.memory_space<vmem_shared>>
      tpu.enqueue_dma source(%dma_start3A_27 : memref<632x128xf32, #tpu.memory_space<vmem_shared>>) target(%dma_start3A_25 : memref<632x128xf32, #tpu.memory_space<hbm>>) target_semaphore(%run_scoped3A : memref<!tpu.dma_semaphore, #tpu.memory_space<semaphore_mem>>)
      %dma_wait3A = arith.constant 0 : i32
      %dma_wait3A_28 = arith.constant 0 : i32
      %dma_wait3A_29 = tpu.memref_slice %arg6[%arg0, %dma_wait3A, %dma_wait3A_28] : memref<2x10112x128xf32, #tpu.memory_space<hbm>> -> memref<1x10112x128xf32, #tpu.memory_space<hbm>>
      %dma_wait3A_30 = tpu.memref_squeeze %dma_wait3A_29 : memref<1x10112x128xf32, #tpu.memory_space<hbm>> -> memref<10112x128xf32, #tpu.memory_space<hbm>>
      %dma_wait3A_31 = arith.constant 0 : i32
      %dma_wait3A_32 = tpu.memref_slice %dma_wait3A_30[%mul3A_20, %dma_wait3A_31] : memref<10112x128xf32, #tpu.memory_space<hbm>> -> memref<632x128xf32, #tpu.memory_space<hbm>>
      %dma_wait3A_33 = arith.constant 0 : i32
      %dma_wait3A_34 = tpu.memref_slice %arg11[%mul3A_20, %dma_wait3A_33] : memref<10112x128xf32, #tpu.memory_space<vmem_shared>> -> memref<632x128xf32, #tpu.memory_space<vmem_shared>>
      tpu.wait_dma2 semaphore(%run_scoped3A : memref<!tpu.dma_semaphore, #tpu.memory_space<semaphore_mem>>) src(%dma_wait3A_34 : memref<632x128xf32, #tpu.memory_space<vmem_shared>>) dst(%dma_wait3A_32 : memref<632x128xf32, #tpu.memory_space<hbm>>)
      tpu.yield
    }) : () -> ()
    return
  }
}

#map = affine_map<(d0, d1) -> (0, 0)>
#map1 = affine_map<(d0, d1) -> (0)>
#map2 = affine_map<(d0, d1) -> (0, 0, 0)>
module attributes {stable_mosaic.version = 14 : i64} {
  func.func @k(%arg0: i32, %arg1: i32, %arg2: memref<10112x128xf32, #tpu.memory_space<hbm>>, %arg3: memref<327680xi32, #tpu.memory_space<hbm>>, %arg4: memref<32x80x128xi32, #tpu.memory_space<hbm>>, %arg5: memref<632x128xf32, #tpu.memory_space<hbm>>, %arg6: memref<2x10112x128xf32, #tpu.memory_space<hbm>>, %arg7: memref<5120xi32, #tpu.memory_space<vmem>>, %arg8: memref<40x128xi32, #tpu.memory_space<vmem>>, %arg9: memref<128x128xf32, #tpu.memory_space<vmem>>, %arg10: memref<128x128xf32, #tpu.memory_space<vmem>>, %arg11: memref<10112x128xf32, #tpu.memory_space<vmem_shared>>, %arg12: memref<!tpu.dma_semaphore, #tpu.memory_space<semaphore_mem>>, %arg13: memref<!tpu.dma_semaphore, #tpu.memory_space<semaphore_mem>>) attributes {dimension_semantics = [#tpu.dimension_semantics<core_parallel>, #tpu.dimension_semantics<subcore_parallel>], iteration_bounds = array<i64: 2, 16>, scalar_prefetch = 0 : i64, scratch_operands = 7 : i64, tpu.core_type = #tpu.core_type<sc_vector_subcore>, window_params = [{transform_indices = #map}, {transform_indices = #map1}, {transform_indices = #map2}, {transform_indices = #map}, {transform_indices = #map2}]} {
    %mul3A = arith.constant 632 : i32
    %mul3A_0 = arith.muli %arg1, %mul3A : i32
    "tpu.region"() ({
      %run_scoped3A = tpu.sem_alloc : memref<!tpu.dma_semaphore, #tpu.memory_space<semaphore_mem>>
      %dma_start3A = arith.constant 0 : i32
      %dma_start3A_21 = tpu.memref_slice %arg11[%mul3A_0, %dma_start3A] : memref<10112x128xf32, #tpu.memory_space<vmem_shared>> -> memref<632x128xf32, #tpu.memory_space<vmem_shared>>
      tpu.enqueue_dma source(%arg5 : memref<632x128xf32, #tpu.memory_space<hbm>>) target(%dma_start3A_21 : memref<632x128xf32, #tpu.memory_space<vmem_shared>>) target_semaphore(%run_scoped3A : memref<!tpu.dma_semaphore, #tpu.memory_space<semaphore_mem>>)
      %dma_wait3A = arith.constant 0 : i32
      %dma_wait3A_22 = tpu.memref_slice %arg11[%mul3A_0, %dma_wait3A] : memref<10112x128xf32, #tpu.memory_space<vmem_shared>> -> memref<632x128xf32, #tpu.memory_space<vmem_shared>>
      tpu.wait_dma2 semaphore(%run_scoped3A : memref<!tpu.dma_semaphore, #tpu.memory_space<semaphore_mem>>) src(%arg5 : memref<632x128xf32, #tpu.memory_space<hbm>>) dst(%dma_wait3A_22 : memref<632x128xf32, #tpu.memory_space<vmem_shared>>)
      tpu.yield
    }) : () -> ()
    %barrier3A = arith.constant 0 : index
    tpu.barrier barrier_id(%barrier3A)
    %mul3A_1 = arith.constant 16 : i32
    %mul3A_2 = arith.muli %arg0, %mul3A_1 : i32
    %add3A = arith.addi %mul3A_2, %arg1 : i32
    %mul3A_3 = arith.constant 10240 : i32
    %mul3A_4 = arith.muli %add3A, %mul3A_3 : i32
    %add3A_5 = arith.constant 0 : i32
    %add3A_6 = arith.addi %mul3A_4, %add3A_5 : i32
    "tpu.region"() ({
      %run_scoped3A = tpu.sem_alloc : memref<!tpu.dma_semaphore, #tpu.memory_space<semaphore_mem>>
      %dma_start3A = tpu.memref_slice %arg3[%add3A_6] : memref<327680xi32, #tpu.memory_space<hbm>> -> memref<5120xi32, #tpu.memory_space<hbm>>
      %dma_start3A_21 = tpu.memref_slice %arg3[%add3A_6] : memref<327680xi32, #tpu.memory_space<hbm>> -> memref<5120xi32, #tpu.memory_space<hbm>>
      tpu.enqueue_dma source(%dma_start3A_21 : memref<5120xi32, #tpu.memory_space<hbm>>) target(%arg7 : memref<5120xi32, #tpu.memory_space<vmem>>) target_semaphore(%run_scoped3A : memref<!tpu.dma_semaphore, #tpu.memory_space<semaphore_mem>>)
      %dma_wait3A = tpu.memref_slice %arg3[%add3A_6] : memref<327680xi32, #tpu.memory_space<hbm>> -> memref<5120xi32, #tpu.memory_space<hbm>>
      %dma_wait3A_22 = tpu.memref_slice %arg3[%add3A_6] : memref<327680xi32, #tpu.memory_space<hbm>> -> memref<5120xi32, #tpu.memory_space<hbm>>
      tpu.wait_dma2 semaphore(%run_scoped3A : memref<!tpu.dma_semaphore, #tpu.memory_space<semaphore_mem>>) src(%dma_wait3A_22 : memref<5120xi32, #tpu.memory_space<hbm>>) dst(%arg7 : memref<5120xi32, #tpu.memory_space<vmem>>)
      tpu.yield
    }) : () -> ()
    "tpu.region"() ({
      %run_scoped3A = tpu.sem_alloc : memref<!tpu.dma_semaphore, #tpu.memory_space<semaphore_mem>>
      %dma_start3A = arith.constant 0 : i32
      %dma_start3A_21 = arith.constant 0 : i32
      %dma_start3A_22 = tpu.memref_slice %arg4[%add3A, %dma_start3A, %dma_start3A_21] : memref<32x80x128xi32, #tpu.memory_space<hbm>> -> memref<1x80x128xi32, #tpu.memory_space<hbm>>
      %dma_start3A_23 = tpu.memref_squeeze %dma_start3A_22 : memref<1x80x128xi32, #tpu.memory_space<hbm>> -> memref<80x128xi32, #tpu.memory_space<hbm>>
      %dma_start3A_24 = arith.constant 0 : i32
      %dma_start3A_25 = arith.constant 0 : i32
      %dma_start3A_26 = tpu.memref_slice %dma_start3A_23[%dma_start3A_24, %dma_start3A_25] : memref<80x128xi32, #tpu.memory_space<hbm>> -> memref<40x128xi32, #tpu.memory_space<hbm>>
      %dma_start3A_27 = arith.constant 0 : i32
      %dma_start3A_28 = arith.constant 0 : i32
      %dma_start3A_29 = tpu.memref_slice %arg4[%add3A, %dma_start3A_27, %dma_start3A_28] : memref<32x80x128xi32, #tpu.memory_space<hbm>> -> memref<1x80x128xi32, #tpu.memory_space<hbm>>
      %dma_start3A_30 = tpu.memref_squeeze %dma_start3A_29 : memref<1x80x128xi32, #tpu.memory_space<hbm>> -> memref<80x128xi32, #tpu.memory_space<hbm>>
      %dma_start3A_31 = arith.constant 0 : i32
      %dma_start3A_32 = arith.constant 0 : i32
      %dma_start3A_33 = tpu.memref_slice %dma_start3A_30[%dma_start3A_31, %dma_start3A_32] : memref<80x128xi32, #tpu.memory_space<hbm>> -> memref<40x128xi32, #tpu.memory_space<hbm>>
      tpu.enqueue_dma source(%dma_start3A_33 : memref<40x128xi32, #tpu.memory_space<hbm>>) target(%arg8 : memref<40x128xi32, #tpu.memory_space<vmem>>) target_semaphore(%run_scoped3A : memref<!tpu.dma_semaphore, #tpu.memory_space<semaphore_mem>>)
      %dma_wait3A = arith.constant 0 : i32
      %dma_wait3A_34 = arith.constant 0 : i32
      %dma_wait3A_35 = tpu.memref_slice %arg4[%add3A, %dma_wait3A, %dma_wait3A_34] : memref<32x80x128xi32, #tpu.memory_space<hbm>> -> memref<1x80x128xi32, #tpu.memory_space<hbm>>
      %dma_wait3A_36 = tpu.memref_squeeze %dma_wait3A_35 : memref<1x80x128xi32, #tpu.memory_space<hbm>> -> memref<80x128xi32, #tpu.memory_space<hbm>>
      %dma_wait3A_37 = arith.constant 0 : i32
      %dma_wait3A_38 = arith.constant 0 : i32
      %dma_wait3A_39 = tpu.memref_slice %dma_wait3A_36[%dma_wait3A_37, %dma_wait3A_38] : memref<80x128xi32, #tpu.memory_space<hbm>> -> memref<40x128xi32, #tpu.memory_space<hbm>>
      %dma_wait3A_40 = arith.constant 0 : i32
      %dma_wait3A_41 = arith.constant 0 : i32
      %dma_wait3A_42 = tpu.memref_slice %arg4[%add3A, %dma_wait3A_40, %dma_wait3A_41] : memref<32x80x128xi32, #tpu.memory_space<hbm>> -> memref<1x80x128xi32, #tpu.memory_space<hbm>>
      %dma_wait3A_43 = tpu.memref_squeeze %dma_wait3A_42 : memref<1x80x128xi32, #tpu.memory_space<hbm>> -> memref<80x128xi32, #tpu.memory_space<hbm>>
      %dma_wait3A_44 = arith.constant 0 : i32
      %dma_wait3A_45 = arith.constant 0 : i32
      %dma_wait3A_46 = tpu.memref_slice %dma_wait3A_43[%dma_wait3A_44, %dma_wait3A_45] : memref<80x128xi32, #tpu.memory_space<hbm>> -> memref<40x128xi32, #tpu.memory_space<hbm>>
      tpu.wait_dma2 semaphore(%run_scoped3A : memref<!tpu.dma_semaphore, #tpu.memory_space<semaphore_mem>>) src(%dma_wait3A_46 : memref<40x128xi32, #tpu.memory_space<hbm>>) dst(%arg8 : memref<40x128xi32, #tpu.memory_space<vmem>>)
      tpu.yield
    }) : () -> ()
    %scan3A = arith.constant 0 : i32
    %scan3A_7 = arith.constant 20 : i32
    %scan3A_8 = arith.addi %scan3A, %scan3A_7 : i32
    %scan3A_9 = arith.constant 1 : i32
    scf.for %scan3A_21 = %scan3A to %scan3A_8 step %scan3A_9  : i32 {
      %mul3A_22 = arith.constant 2 : i32
      %mul3A_23 = arith.muli %scan3A_21, %mul3A_22 : i32
      %add3A_24 = arith.constant 0 : i32
      %add3A_25 = arith.addi %add3A_24, %mul3A_23 : i32
      %mul3A_26 = arith.constant 128 : i32
      %mul3A_27 = arith.muli %add3A_25, %mul3A_26 : i32
      %dma_start3A = tpu.memref_slice %arg7[%mul3A_27] : memref<5120xi32, #tpu.memory_space<vmem>> -> memref<128xi32, #tpu.memory_space<vmem>>
      %dma_start3A_28 = arith.constant 0 : i32
      %dma_start3A_29 = arith.constant 0 : i32
      %dma_start3A_30 = tpu.memref_slice %arg2[%dma_start3A_28, %dma_start3A_29] : memref<10112x128xf32, #tpu.memory_space<hbm>> -> memref<10112x128xf32, #tpu.memory_space<hbm>>
      tpu.enqueue_indirect_dma source(%dma_start3A_30 : memref<10112x128xf32, #tpu.memory_space<hbm>>) target(%arg9 : memref<128x128xf32, #tpu.memory_space<vmem>>) offsets(%dma_start3A : memref<128xi32, #tpu.memory_space<vmem>>) semaphore(%arg12 : memref<!tpu.dma_semaphore, #tpu.memory_space<semaphore_mem>>)
      %add3A_31 = arith.constant 1 : i32
      %add3A_32 = arith.addi %add3A_25, %add3A_31 : i32
      %mul3A_33 = arith.constant 128 : i32
      %mul3A_34 = arith.muli %add3A_32, %mul3A_33 : i32
      %dma_start3A_35 = tpu.memref_slice %arg7[%mul3A_34] : memref<5120xi32, #tpu.memory_space<vmem>> -> memref<128xi32, #tpu.memory_space<vmem>>
      %dma_start3A_36 = arith.constant 0 : i32
      %dma_start3A_37 = arith.constant 0 : i32
      %dma_start3A_38 = tpu.memref_slice %arg2[%dma_start3A_36, %dma_start3A_37] : memref<10112x128xf32, #tpu.memory_space<hbm>> -> memref<10112x128xf32, #tpu.memory_space<hbm>>
      tpu.enqueue_indirect_dma source(%dma_start3A_38 : memref<10112x128xf32, #tpu.memory_space<hbm>>) target(%arg10 : memref<128x128xf32, #tpu.memory_space<vmem>>) offsets(%dma_start3A_35 : memref<128xi32, #tpu.memory_space<vmem>>) semaphore(%arg13 : memref<!tpu.dma_semaphore, #tpu.memory_space<semaphore_mem>>)
      %dma_wait3A = tpu.memref_slice %arg7[%mul3A_27] : memref<5120xi32, #tpu.memory_space<vmem>> -> memref<128xi32, #tpu.memory_space<vmem>>
      %dma_wait3A_39 = arith.constant 0 : i32
      %dma_wait3A_40 = arith.constant 0 : i32
      %dma_wait3A_41 = tpu.memref_slice %arg2[%dma_wait3A_39, %dma_wait3A_40] : memref<10112x128xf32, #tpu.memory_space<hbm>> -> memref<10112x128xf32, #tpu.memory_space<hbm>>
      tpu.wait_indirect_dma semaphore(%arg12 : memref<!tpu.dma_semaphore, #tpu.memory_space<semaphore_mem>>) src(%dma_wait3A_41 : memref<10112x128xf32, #tpu.memory_space<hbm>>) dst(%arg9 : memref<128x128xf32, #tpu.memory_space<vmem>>)
      "tpu.region"() ({
        %run_scoped3A = tpu.sem_alloc : memref<!tpu.dma_semaphore, #tpu.memory_space<semaphore_mem>>
        %dma_start3A_48 = arith.constant 0 : i32
        %dma_start3A_49 = tpu.memref_slice %arg8[%add3A_25, %dma_start3A_48] : memref<40x128xi32, #tpu.memory_space<vmem>> -> memref<1x128xi32, #tpu.memory_space<vmem>>
        %dma_start3A_50 = tpu.memref_squeeze %dma_start3A_49 : memref<1x128xi32, #tpu.memory_space<vmem>> -> memref<128xi32, #tpu.memory_space<vmem>>
        %dma_start3A_51 = arith.constant 0 : i32
        %dma_start3A_52 = arith.constant 0 : i32
        %dma_start3A_53 = tpu.memref_slice %arg11[%dma_start3A_51, %dma_start3A_52] : memref<10112x128xf32, #tpu.memory_space<vmem_shared>> -> memref<10112x128xf32, #tpu.memory_space<vmem_shared>>
        tpu.enqueue_indirect_dma source(%arg9 : memref<128x128xf32, #tpu.memory_space<vmem>>) target(%dma_start3A_53 : memref<10112x128xf32, #tpu.memory_space<vmem_shared>>) offsets(%dma_start3A_50 : memref<128xi32, #tpu.memory_space<vmem>>) semaphore(%run_scoped3A : memref<!tpu.dma_semaphore, #tpu.memory_space<semaphore_mem>>) {add = true}
        %dma_wait3A_54 = arith.constant 0 : i32
        %dma_wait3A_55 = tpu.memref_slice %arg8[%add3A_25, %dma_wait3A_54] : memref<40x128xi32, #tpu.memory_space<vmem>> -> memref<1x128xi32, #tpu.memory_space<vmem>>
        %dma_wait3A_56 = tpu.memref_squeeze %dma_wait3A_55 : memref<1x128xi32, #tpu.memory_space<vmem>> -> memref<128xi32, #tpu.memory_space<vmem>>
        %dma_wait3A_57 = arith.constant 0 : i32
        %dma_wait3A_58 = arith.constant 0 : i32
        %dma_wait3A_59 = tpu.memref_slice %arg11[%dma_wait3A_57, %dma_wait3A_58] : memref<10112x128xf32, #tpu.memory_space<vmem_shared>> -> memref<10112x128xf32, #tpu.memory_space<vmem_shared>>
        tpu.wait_indirect_dma semaphore(%run_scoped3A : memref<!tpu.dma_semaphore, #tpu.memory_space<semaphore_mem>>) src(%arg9 : memref<128x128xf32, #tpu.memory_space<vmem>>) dst(%dma_wait3A_59 : memref<10112x128xf32, #tpu.memory_space<vmem_shared>>)
        tpu.yield
      }) : () -> ()
      %dma_wait3A_42 = tpu.memref_slice %arg7[%mul3A_34] : memref<5120xi32, #tpu.memory_space<vmem>> -> memref<128xi32, #tpu.memory_space<vmem>>
      %dma_wait3A_43 = arith.constant 0 : i32
      %dma_wait3A_44 = arith.constant 0 : i32
      %dma_wait3A_45 = tpu.memref_slice %arg2[%dma_wait3A_43, %dma_wait3A_44] : memref<10112x128xf32, #tpu.memory_space<hbm>> -> memref<10112x128xf32, #tpu.memory_space<hbm>>
      tpu.wait_indirect_dma semaphore(%arg13 : memref<!tpu.dma_semaphore, #tpu.memory_space<semaphore_mem>>) src(%dma_wait3A_45 : memref<10112x128xf32, #tpu.memory_space<hbm>>) dst(%arg10 : memref<128x128xf32, #tpu.memory_space<vmem>>)
      %add3A_46 = arith.constant 1 : i32
      %add3A_47 = arith.addi %add3A_25, %add3A_46 : i32
      "tpu.region"() ({
        %run_scoped3A = tpu.sem_alloc : memref<!tpu.dma_semaphore, #tpu.memory_space<semaphore_mem>>
        %dma_start3A_48 = arith.constant 0 : i32
        %dma_start3A_49 = tpu.memref_slice %arg8[%add3A_47, %dma_start3A_48] : memref<40x128xi32, #tpu.memory_space<vmem>> -> memref<1x128xi32, #tpu.memory_space<vmem>>
        %dma_start3A_50 = tpu.memref_squeeze %dma_start3A_49 : memref<1x128xi32, #tpu.memory_space<vmem>> -> memref<128xi32, #tpu.memory_space<vmem>>
        %dma_start3A_51 = arith.constant 0 : i32
        %dma_start3A_52 = arith.constant 0 : i32
        %dma_start3A_53 = tpu.memref_slice %arg11[%dma_start3A_51, %dma_start3A_52] : memref<10112x128xf32, #tpu.memory_space<vmem_shared>> -> memref<10112x128xf32, #tpu.memory_space<vmem_shared>>
        tpu.enqueue_indirect_dma source(%arg10 : memref<128x128xf32, #tpu.memory_space<vmem>>) target(%dma_start3A_53 : memref<10112x128xf32, #tpu.memory_space<vmem_shared>>) offsets(%dma_start3A_50 : memref<128xi32, #tpu.memory_space<vmem>>) semaphore(%run_scoped3A : memref<!tpu.dma_semaphore, #tpu.memory_space<semaphore_mem>>) {add = true}
        %dma_wait3A_54 = arith.constant 0 : i32
        %dma_wait3A_55 = tpu.memref_slice %arg8[%add3A_47, %dma_wait3A_54] : memref<40x128xi32, #tpu.memory_space<vmem>> -> memref<1x128xi32, #tpu.memory_space<vmem>>
        %dma_wait3A_56 = tpu.memref_squeeze %dma_wait3A_55 : memref<1x128xi32, #tpu.memory_space<vmem>> -> memref<128xi32, #tpu.memory_space<vmem>>
        %dma_wait3A_57 = arith.constant 0 : i32
        %dma_wait3A_58 = arith.constant 0 : i32
        %dma_wait3A_59 = tpu.memref_slice %arg11[%dma_wait3A_57, %dma_wait3A_58] : memref<10112x128xf32, #tpu.memory_space<vmem_shared>> -> memref<10112x128xf32, #tpu.memory_space<vmem_shared>>
        tpu.wait_indirect_dma semaphore(%run_scoped3A : memref<!tpu.dma_semaphore, #tpu.memory_space<semaphore_mem>>) src(%arg10 : memref<128x128xf32, #tpu.memory_space<vmem>>) dst(%dma_wait3A_59 : memref<10112x128xf32, #tpu.memory_space<vmem_shared>>)
        tpu.yield
      }) : () -> ()
    }
    %scan3A_10 = arith.constant 20 : i32
    %add3A_11 = arith.constant 5120 : i32
    %add3A_12 = arith.addi %mul3A_4, %add3A_11 : i32
    "tpu.region"() ({
      %run_scoped3A = tpu.sem_alloc : memref<!tpu.dma_semaphore, #tpu.memory_space<semaphore_mem>>
      %dma_start3A = tpu.memref_slice %arg3[%add3A_12] : memref<327680xi32, #tpu.memory_space<hbm>> -> memref<5120xi32, #tpu.memory_space<hbm>>
      %dma_start3A_21 = tpu.memref_slice %arg3[%add3A_12] : memref<327680xi32, #tpu.memory_space<hbm>> -> memref<5120xi32, #tpu.memory_space<hbm>>
      tpu.enqueue_dma source(%dma_start3A_21 : memref<5120xi32, #tpu.memory_space<hbm>>) target(%arg7 : memref<5120xi32, #tpu.memory_space<vmem>>) target_semaphore(%run_scoped3A : memref<!tpu.dma_semaphore, #tpu.memory_space<semaphore_mem>>)
      %dma_wait3A = tpu.memref_slice %arg3[%add3A_12] : memref<327680xi32, #tpu.memory_space<hbm>> -> memref<5120xi32, #tpu.memory_space<hbm>>
      %dma_wait3A_22 = tpu.memref_slice %arg3[%add3A_12] : memref<327680xi32, #tpu.memory_space<hbm>> -> memref<5120xi32, #tpu.memory_space<hbm>>
      tpu.wait_dma2 semaphore(%run_scoped3A : memref<!tpu.dma_semaphore, #tpu.memory_space<semaphore_mem>>) src(%dma_wait3A_22 : memref<5120xi32, #tpu.memory_space<hbm>>) dst(%arg7 : memref<5120xi32, #tpu.memory_space<vmem>>)
      tpu.yield
    }) : () -> ()
    "tpu.region"() ({
      %run_scoped3A = tpu.sem_alloc : memref<!tpu.dma_semaphore, #tpu.memory_space<semaphore_mem>>
      %dma_start3A = arith.constant 0 : i32
      %dma_start3A_21 = arith.constant 0 : i32
      %dma_start3A_22 = tpu.memref_slice %arg4[%add3A, %dma_start3A, %dma_start3A_21] : memref<32x80x128xi32, #tpu.memory_space<hbm>> -> memref<1x80x128xi32, #tpu.memory_space<hbm>>
      %dma_start3A_23 = tpu.memref_squeeze %dma_start3A_22 : memref<1x80x128xi32, #tpu.memory_space<hbm>> -> memref<80x128xi32, #tpu.memory_space<hbm>>
      %dma_start3A_24 = arith.constant 40 : i32
      %dma_start3A_25 = arith.constant 0 : i32
      %dma_start3A_26 = tpu.memref_slice %dma_start3A_23[%dma_start3A_24, %dma_start3A_25] : memref<80x128xi32, #tpu.memory_space<hbm>> -> memref<40x128xi32, #tpu.memory_space<hbm>>
      %dma_start3A_27 = arith.constant 0 : i32
      %dma_start3A_28 = arith.constant 0 : i32
      %dma_start3A_29 = tpu.memref_slice %arg4[%add3A, %dma_start3A_27, %dma_start3A_28] : memref<32x80x128xi32, #tpu.memory_space<hbm>> -> memref<1x80x128xi32, #tpu.memory_space<hbm>>
      %dma_start3A_30 = tpu.memref_squeeze %dma_start3A_29 : memref<1x80x128xi32, #tpu.memory_space<hbm>> -> memref<80x128xi32, #tpu.memory_space<hbm>>
      %dma_start3A_31 = arith.constant 40 : i32
      %dma_start3A_32 = arith.constant 0 : i32
      %dma_start3A_33 = tpu.memref_slice %dma_start3A_30[%dma_start3A_31, %dma_start3A_32] : memref<80x128xi32, #tpu.memory_space<hbm>> -> memref<40x128xi32, #tpu.memory_space<hbm>>
      tpu.enqueue_dma source(%dma_start3A_33 : memref<40x128xi32, #tpu.memory_space<hbm>>) target(%arg8 : memref<40x128xi32, #tpu.memory_space<vmem>>) target_semaphore(%run_scoped3A : memref<!tpu.dma_semaphore, #tpu.memory_space<semaphore_mem>>)
      %dma_wait3A = arith.constant 0 : i32
      %dma_wait3A_34 = arith.constant 0 : i32
      %dma_wait3A_35 = tpu.memref_slice %arg4[%add3A, %dma_wait3A, %dma_wait3A_34] : memref<32x80x128xi32, #tpu.memory_space<hbm>> -> memref<1x80x128xi32, #tpu.memory_space<hbm>>
      %dma_wait3A_36 = tpu.memref_squeeze %dma_wait3A_35 : memref<1x80x128xi32, #tpu.memory_space<hbm>> -> memref<80x128xi32, #tpu.memory_space<hbm>>
      %dma_wait3A_37 = arith.constant 40 : i32
      %dma_wait3A_38 = arith.constant 0 : i32
      %dma_wait3A_39 = tpu.memref_slice %dma_wait3A_36[%dma_wait3A_37, %dma_wait3A_38] : memref<80x128xi32, #tpu.memory_space<hbm>> -> memref<40x128xi32, #tpu.memory_space<hbm>>
      %dma_wait3A_40 = arith.constant 0 : i32
      %dma_wait3A_41 = arith.constant 0 : i32
      %dma_wait3A_42 = tpu.memref_slice %arg4[%add3A, %dma_wait3A_40, %dma_wait3A_41] : memref<32x80x128xi32, #tpu.memory_space<hbm>> -> memref<1x80x128xi32, #tpu.memory_space<hbm>>
      %dma_wait3A_43 = tpu.memref_squeeze %dma_wait3A_42 : memref<1x80x128xi32, #tpu.memory_space<hbm>> -> memref<80x128xi32, #tpu.memory_space<hbm>>
      %dma_wait3A_44 = arith.constant 40 : i32
      %dma_wait3A_45 = arith.constant 0 : i32
      %dma_wait3A_46 = tpu.memref_slice %dma_wait3A_43[%dma_wait3A_44, %dma_wait3A_45] : memref<80x128xi32, #tpu.memory_space<hbm>> -> memref<40x128xi32, #tpu.memory_space<hbm>>
      tpu.wait_dma2 semaphore(%run_scoped3A : memref<!tpu.dma_semaphore, #tpu.memory_space<semaphore_mem>>) src(%dma_wait3A_46 : memref<40x128xi32, #tpu.memory_space<hbm>>) dst(%arg8 : memref<40x128xi32, #tpu.memory_space<vmem>>)
      tpu.yield
    }) : () -> ()
    %scan3A_13 = arith.constant 0 : i32
    %scan3A_14 = arith.constant 20 : i32
    %scan3A_15 = arith.addi %scan3A_13, %scan3A_14 : i32
    %scan3A_16 = arith.constant 1 : i32
    scf.for %scan3A_21 = %scan3A_13 to %scan3A_15 step %scan3A_16  : i32 {
      %mul3A_22 = arith.constant 2 : i32
      %mul3A_23 = arith.muli %scan3A_21, %mul3A_22 : i32
      %add3A_24 = arith.constant 0 : i32
      %add3A_25 = arith.addi %add3A_24, %mul3A_23 : i32
      %mul3A_26 = arith.constant 128 : i32
      %mul3A_27 = arith.muli %add3A_25, %mul3A_26 : i32
      %dma_start3A = tpu.memref_slice %arg7[%mul3A_27] : memref<5120xi32, #tpu.memory_space<vmem>> -> memref<128xi32, #tpu.memory_space<vmem>>
      %dma_start3A_28 = arith.constant 0 : i32
      %dma_start3A_29 = arith.constant 0 : i32
      %dma_start3A_30 = tpu.memref_slice %arg2[%dma_start3A_28, %dma_start3A_29] : memref<10112x128xf32, #tpu.memory_space<hbm>> -> memref<10112x128xf32, #tpu.memory_space<hbm>>
      tpu.enqueue_indirect_dma source(%dma_start3A_30 : memref<10112x128xf32, #tpu.memory_space<hbm>>) target(%arg9 : memref<128x128xf32, #tpu.memory_space<vmem>>) offsets(%dma_start3A : memref<128xi32, #tpu.memory_space<vmem>>) semaphore(%arg12 : memref<!tpu.dma_semaphore, #tpu.memory_space<semaphore_mem>>)
      %add3A_31 = arith.constant 1 : i32
      %add3A_32 = arith.addi %add3A_25, %add3A_31 : i32
      %mul3A_33 = arith.constant 128 : i32
      %mul3A_34 = arith.muli %add3A_32, %mul3A_33 : i32
      %dma_start3A_35 = tpu.memref_slice %arg7[%mul3A_34] : memref<5120xi32, #tpu.memory_space<vmem>> -> memref<128xi32, #tpu.memory_space<vmem>>
      %dma_start3A_36 = arith.constant 0 : i32
      %dma_start3A_37 = arith.constant 0 : i32
      %dma_start3A_38 = tpu.memref_slice %arg2[%dma_start3A_36, %dma_start3A_37] : memref<10112x128xf32, #tpu.memory_space<hbm>> -> memref<10112x128xf32, #tpu.memory_space<hbm>>
      tpu.enqueue_indirect_dma source(%dma_start3A_38 : memref<10112x128xf32, #tpu.memory_space<hbm>>) target(%arg10 : memref<128x128xf32, #tpu.memory_space<vmem>>) offsets(%dma_start3A_35 : memref<128xi32, #tpu.memory_space<vmem>>) semaphore(%arg13 : memref<!tpu.dma_semaphore, #tpu.memory_space<semaphore_mem>>)
      %dma_wait3A = tpu.memref_slice %arg7[%mul3A_27] : memref<5120xi32, #tpu.memory_space<vmem>> -> memref<128xi32, #tpu.memory_space<vmem>>
      %dma_wait3A_39 = arith.constant 0 : i32
      %dma_wait3A_40 = arith.constant 0 : i32
      %dma_wait3A_41 = tpu.memref_slice %arg2[%dma_wait3A_39, %dma_wait3A_40] : memref<10112x128xf32, #tpu.memory_space<hbm>> -> memref<10112x128xf32, #tpu.memory_space<hbm>>
      tpu.wait_indirect_dma semaphore(%arg12 : memref<!tpu.dma_semaphore, #tpu.memory_space<semaphore_mem>>) src(%dma_wait3A_41 : memref<10112x128xf32, #tpu.memory_space<hbm>>) dst(%arg9 : memref<128x128xf32, #tpu.memory_space<vmem>>)
      "tpu.region"() ({
        %run_scoped3A = tpu.sem_alloc : memref<!tpu.dma_semaphore, #tpu.memory_space<semaphore_mem>>
        %dma_start3A_48 = arith.constant 0 : i32
        %dma_start3A_49 = tpu.memref_slice %arg8[%add3A_25, %dma_start3A_48] : memref<40x128xi32, #tpu.memory_space<vmem>> -> memref<1x128xi32, #tpu.memory_space<vmem>>
        %dma_start3A_50 = tpu.memref_squeeze %dma_start3A_49 : memref<1x128xi32, #tpu.memory_space<vmem>> -> memref<128xi32, #tpu.memory_space<vmem>>
        %dma_start3A_51 = arith.constant 0 : i32
        %dma_start3A_52 = arith.constant 0 : i32
        %dma_start3A_53 = tpu.memref_slice %arg11[%dma_start3A_51, %dma_start3A_52] : memref<10112x128xf32, #tpu.memory_space<vmem_shared>> -> memref<10112x128xf32, #tpu.memory_space<vmem_shared>>
        tpu.enqueue_indirect_dma source(%arg9 : memref<128x128xf32, #tpu.memory_space<vmem>>) target(%dma_start3A_53 : memref<10112x128xf32, #tpu.memory_space<vmem_shared>>) offsets(%dma_start3A_50 : memref<128xi32, #tpu.memory_space<vmem>>) semaphore(%run_scoped3A : memref<!tpu.dma_semaphore, #tpu.memory_space<semaphore_mem>>) {add = true}
        %dma_wait3A_54 = arith.constant 0 : i32
        %dma_wait3A_55 = tpu.memref_slice %arg8[%add3A_25, %dma_wait3A_54] : memref<40x128xi32, #tpu.memory_space<vmem>> -> memref<1x128xi32, #tpu.memory_space<vmem>>
        %dma_wait3A_56 = tpu.memref_squeeze %dma_wait3A_55 : memref<1x128xi32, #tpu.memory_space<vmem>> -> memref<128xi32, #tpu.memory_space<vmem>>
        %dma_wait3A_57 = arith.constant 0 : i32
        %dma_wait3A_58 = arith.constant 0 : i32
        %dma_wait3A_59 = tpu.memref_slice %arg11[%dma_wait3A_57, %dma_wait3A_58] : memref<10112x128xf32, #tpu.memory_space<vmem_shared>> -> memref<10112x128xf32, #tpu.memory_space<vmem_shared>>
        tpu.wait_indirect_dma semaphore(%run_scoped3A : memref<!tpu.dma_semaphore, #tpu.memory_space<semaphore_mem>>) src(%arg9 : memref<128x128xf32, #tpu.memory_space<vmem>>) dst(%dma_wait3A_59 : memref<10112x128xf32, #tpu.memory_space<vmem_shared>>)
        tpu.yield
      }) : () -> ()
      %dma_wait3A_42 = tpu.memref_slice %arg7[%mul3A_34] : memref<5120xi32, #tpu.memory_space<vmem>> -> memref<128xi32, #tpu.memory_space<vmem>>
      %dma_wait3A_43 = arith.constant 0 : i32
      %dma_wait3A_44 = arith.constant 0 : i32
      %dma_wait3A_45 = tpu.memref_slice %arg2[%dma_wait3A_43, %dma_wait3A_44] : memref<10112x128xf32, #tpu.memory_space<hbm>> -> memref<10112x128xf32, #tpu.memory_space<hbm>>
      tpu.wait_indirect_dma semaphore(%arg13 : memref<!tpu.dma_semaphore, #tpu.memory_space<semaphore_mem>>) src(%dma_wait3A_45 : memref<10112x128xf32, #tpu.memory_space<hbm>>) dst(%arg10 : memref<128x128xf32, #tpu.memory_space<vmem>>)
      %add3A_46 = arith.constant 1 : i32
      %add3A_47 = arith.addi %add3A_25, %add3A_46 : i32
      "tpu.region"() ({
        %run_scoped3A = tpu.sem_alloc : memref<!tpu.dma_semaphore, #tpu.memory_space<semaphore_mem>>
        %dma_start3A_48 = arith.constant 0 : i32
        %dma_start3A_49 = tpu.memref_slice %arg8[%add3A_47, %dma_start3A_48] : memref<40x128xi32, #tpu.memory_space<vmem>> -> memref<1x128xi32, #tpu.memory_space<vmem>>
        %dma_start3A_50 = tpu.memref_squeeze %dma_start3A_49 : memref<1x128xi32, #tpu.memory_space<vmem>> -> memref<128xi32, #tpu.memory_space<vmem>>
        %dma_start3A_51 = arith.constant 0 : i32
        %dma_start3A_52 = arith.constant 0 : i32
        %dma_start3A_53 = tpu.memref_slice %arg11[%dma_start3A_51, %dma_start3A_52] : memref<10112x128xf32, #tpu.memory_space<vmem_shared>> -> memref<10112x128xf32, #tpu.memory_space<vmem_shared>>
        tpu.enqueue_indirect_dma source(%arg10 : memref<128x128xf32, #tpu.memory_space<vmem>>) target(%dma_start3A_53 : memref<10112x128xf32, #tpu.memory_space<vmem_shared>>) offsets(%dma_start3A_50 : memref<128xi32, #tpu.memory_space<vmem>>) semaphore(%run_scoped3A : memref<!tpu.dma_semaphore, #tpu.memory_space<semaphore_mem>>) {add = true}
        %dma_wait3A_54 = arith.constant 0 : i32
        %dma_wait3A_55 = tpu.memref_slice %arg8[%add3A_47, %dma_wait3A_54] : memref<40x128xi32, #tpu.memory_space<vmem>> -> memref<1x128xi32, #tpu.memory_space<vmem>>
        %dma_wait3A_56 = tpu.memref_squeeze %dma_wait3A_55 : memref<1x128xi32, #tpu.memory_space<vmem>> -> memref<128xi32, #tpu.memory_space<vmem>>
        %dma_wait3A_57 = arith.constant 0 : i32
        %dma_wait3A_58 = arith.constant 0 : i32
        %dma_wait3A_59 = tpu.memref_slice %arg11[%dma_wait3A_57, %dma_wait3A_58] : memref<10112x128xf32, #tpu.memory_space<vmem_shared>> -> memref<10112x128xf32, #tpu.memory_space<vmem_shared>>
        tpu.wait_indirect_dma semaphore(%run_scoped3A : memref<!tpu.dma_semaphore, #tpu.memory_space<semaphore_mem>>) src(%arg10 : memref<128x128xf32, #tpu.memory_space<vmem>>) dst(%dma_wait3A_59 : memref<10112x128xf32, #tpu.memory_space<vmem_shared>>)
        tpu.yield
      }) : () -> ()
    }
    %scan3A_17 = arith.constant 20 : i32
    %barrier3A_18 = arith.constant 0 : index
    tpu.barrier barrier_id(%barrier3A_18)
    %mul3A_19 = arith.constant 632 : i32
    %mul3A_20 = arith.muli %arg1, %mul3A_19 : i32
    "tpu.region"() ({
      %run_scoped3A = tpu.sem_alloc : memref<!tpu.dma_semaphore, #tpu.memory_space<semaphore_mem>>
      %dma_start3A = arith.constant 0 : i32
      %dma_start3A_21 = arith.constant 0 : i32
      %dma_start3A_22 = tpu.memref_slice %arg6[%arg0, %dma_start3A, %dma_start3A_21] : memref<2x10112x128xf32, #tpu.memory_space<hbm>> -> memref<1x10112x128xf32, #tpu.memory_space<hbm>>
      %dma_start3A_23 = tpu.memref_squeeze %dma_start3A_22 : memref<1x10112x128xf32, #tpu.memory_space<hbm>> -> memref<10112x128xf32, #tpu.memory_space<hbm>>
      %dma_start3A_24 = arith.constant 0 : i32
      %dma_start3A_25 = tpu.memref_slice %dma_start3A_23[%mul3A_20, %dma_start3A_24] : memref<10112x128xf32, #tpu.memory_space<hbm>> -> memref<632x128xf32, #tpu.memory_space<hbm>>
      %dma_start3A_26 = arith.constant 0 : i32
      %dma_start3A_27 = tpu.memref_slice %arg11[%mul3A_20, %dma_start3A_26] : memref<10112x128xf32, #tpu.memory_space<vmem_shared>> -> memref<632x128xf32, #tpu.memory_space<vmem_shared>>
      tpu.enqueue_dma source(%dma_start3A_27 : memref<632x128xf32, #tpu.memory_space<vmem_shared>>) target(%dma_start3A_25 : memref<632x128xf32, #tpu.memory_space<hbm>>) target_semaphore(%run_scoped3A : memref<!tpu.dma_semaphore, #tpu.memory_space<semaphore_mem>>)
      %dma_wait3A = arith.constant 0 : i32
      %dma_wait3A_28 = arith.constant 0 : i32
      %dma_wait3A_29 = tpu.memref_slice %arg6[%arg0, %dma_wait3A, %dma_wait3A_28] : memref<2x10112x128xf32, #tpu.memory_space<hbm>> -> memref<1x10112x128xf32, #tpu.memory_space<hbm>>
      %dma_wait3A_30 = tpu.memref_squeeze %dma_wait3A_29 : memref<1x10112x128xf32, #tpu.memory_space<hbm>> -> memref<10112x128xf32, #tpu.memory_space<hbm>>
      %dma_wait3A_31 = arith.constant 0 : i32
      %dma_wait3A_32 = tpu.memref_slice %dma_wait3A_30[%mul3A_20, %dma_wait3A_31] : memref<10112x128xf32, #tpu.memory_space<hbm>> -> memref<632x128xf32, #tpu.memory_space<hbm>>
      %dma_wait3A_33 = arith.constant 0 : i32
      %dma_wait3A_34 = tpu.memref_slice %arg11[%mul3A_20, %dma_wait3A_33] : memref<10112x128xf32, #tpu.memory_space<vmem_shared>> -> memref<632x128xf32, #tpu.memory_space<vmem_shared>>
      tpu.wait_dma2 semaphore(%run_scoped3A : memref<!tpu.dma_semaphore, #tpu.memory_space<semaphore_mem>>) src(%dma_wait3A_34 : memref<632x128xf32, #tpu.memory_space<vmem_shared>>) dst(%dma_wait3A_32 : memref<632x128xf32, #tpu.memory_space<hbm>>)
      tpu.yield
    }) : () -> ()
    return
  }
}

#map = affine_map<(d0, d1) -> (0, 0)>
#map1 = affine_map<(d0, d1) -> (0)>
#map2 = affine_map<(d0, d1) -> (0, 0, 0)>
module attributes {stable_mosaic.version = 14 : i64} {
  func.func @k(%arg0: i32, %arg1: i32, %arg2: memref<10112x128xf32, #tpu.memory_space<hbm>>, %arg3: memref<327680xi32, #tpu.memory_space<hbm>>, %arg4: memref<32x80x128xi32, #tpu.memory_space<hbm>>, %arg5: memref<632x128xf32, #tpu.memory_space<hbm>>, %arg6: memref<2x10112x128xf32, #tpu.memory_space<hbm>>, %arg7: memref<5120xi32, #tpu.memory_space<vmem>>, %arg8: memref<40x128xi32, #tpu.memory_space<vmem>>, %arg9: memref<128x128xf32, #tpu.memory_space<vmem>>, %arg10: memref<128x128xf32, #tpu.memory_space<vmem>>, %arg11: memref<10112x128xf32, #tpu.memory_space<vmem_shared>>, %arg12: memref<!tpu.dma_semaphore, #tpu.memory_space<semaphore_mem>>, %arg13: memref<!tpu.dma_semaphore, #tpu.memory_space<semaphore_mem>>) attributes {dimension_semantics = [#tpu.dimension_semantics<core_parallel>, #tpu.dimension_semantics<subcore_parallel>], iteration_bounds = array<i64: 2, 16>, scalar_prefetch = 0 : i64, scratch_operands = 7 : i64, tpu.core_type = #tpu.core_type<sc_vector_subcore>, window_params = [{transform_indices = #map}, {transform_indices = #map1}, {transform_indices = #map2}, {transform_indices = #map}, {transform_indices = #map2}]} {
    %mul3A = arith.constant 632 : i32
    %mul3A_0 = arith.muli %arg1, %mul3A : i32
    "tpu.region"() ({
      %run_scoped3A = tpu.sem_alloc : memref<!tpu.dma_semaphore, #tpu.memory_space<semaphore_mem>>
      %dma_start3A = arith.constant 0 : i32
      %dma_start3A_21 = tpu.memref_slice %arg11[%mul3A_0, %dma_start3A] : memref<10112x128xf32, #tpu.memory_space<vmem_shared>> -> memref<632x128xf32, #tpu.memory_space<vmem_shared>>
      tpu.enqueue_dma source(%arg5 : memref<632x128xf32, #tpu.memory_space<hbm>>) target(%dma_start3A_21 : memref<632x128xf32, #tpu.memory_space<vmem_shared>>) target_semaphore(%run_scoped3A : memref<!tpu.dma_semaphore, #tpu.memory_space<semaphore_mem>>)
      %dma_wait3A = arith.constant 0 : i32
      %dma_wait3A_22 = tpu.memref_slice %arg11[%mul3A_0, %dma_wait3A] : memref<10112x128xf32, #tpu.memory_space<vmem_shared>> -> memref<632x128xf32, #tpu.memory_space<vmem_shared>>
      tpu.wait_dma2 semaphore(%run_scoped3A : memref<!tpu.dma_semaphore, #tpu.memory_space<semaphore_mem>>) src(%arg5 : memref<632x128xf32, #tpu.memory_space<hbm>>) dst(%dma_wait3A_22 : memref<632x128xf32, #tpu.memory_space<vmem_shared>>)
      tpu.yield
    }) : () -> ()
    %barrier3A = arith.constant 0 : index
    tpu.barrier barrier_id(%barrier3A)
    %mul3A_1 = arith.constant 16 : i32
    %mul3A_2 = arith.muli %arg0, %mul3A_1 : i32
    %add3A = arith.addi %mul3A_2, %arg1 : i32
    %mul3A_3 = arith.constant 10240 : i32
    %mul3A_4 = arith.muli %add3A, %mul3A_3 : i32
    %add3A_5 = arith.constant 0 : i32
    %add3A_6 = arith.addi %mul3A_4, %add3A_5 : i32
    "tpu.region"() ({
      %run_scoped3A = tpu.sem_alloc : memref<!tpu.dma_semaphore, #tpu.memory_space<semaphore_mem>>
      %dma_start3A = tpu.memref_slice %arg3[%add3A_6] : memref<327680xi32, #tpu.memory_space<hbm>> -> memref<5120xi32, #tpu.memory_space<hbm>>
      %dma_start3A_21 = tpu.memref_slice %arg3[%add3A_6] : memref<327680xi32, #tpu.memory_space<hbm>> -> memref<5120xi32, #tpu.memory_space<hbm>>
      tpu.enqueue_dma source(%dma_start3A_21 : memref<5120xi32, #tpu.memory_space<hbm>>) target(%arg7 : memref<5120xi32, #tpu.memory_space<vmem>>) target_semaphore(%run_scoped3A : memref<!tpu.dma_semaphore, #tpu.memory_space<semaphore_mem>>)
      %dma_wait3A = tpu.memref_slice %arg3[%add3A_6] : memref<327680xi32, #tpu.memory_space<hbm>> -> memref<5120xi32, #tpu.memory_space<hbm>>
      %dma_wait3A_22 = tpu.memref_slice %arg3[%add3A_6] : memref<327680xi32, #tpu.memory_space<hbm>> -> memref<5120xi32, #tpu.memory_space<hbm>>
      tpu.wait_dma2 semaphore(%run_scoped3A : memref<!tpu.dma_semaphore, #tpu.memory_space<semaphore_mem>>) src(%dma_wait3A_22 : memref<5120xi32, #tpu.memory_space<hbm>>) dst(%arg7 : memref<5120xi32, #tpu.memory_space<vmem>>)
      tpu.yield
    }) : () -> ()
    "tpu.region"() ({
      %run_scoped3A = tpu.sem_alloc : memref<!tpu.dma_semaphore, #tpu.memory_space<semaphore_mem>>
      %dma_start3A = arith.constant 0 : i32
      %dma_start3A_21 = arith.constant 0 : i32
      %dma_start3A_22 = tpu.memref_slice %arg4[%add3A, %dma_start3A, %dma_start3A_21] : memref<32x80x128xi32, #tpu.memory_space<hbm>> -> memref<1x80x128xi32, #tpu.memory_space<hbm>>
      %dma_start3A_23 = tpu.memref_squeeze %dma_start3A_22 : memref<1x80x128xi32, #tpu.memory_space<hbm>> -> memref<80x128xi32, #tpu.memory_space<hbm>>
      %dma_start3A_24 = arith.constant 0 : i32
      %dma_start3A_25 = arith.constant 0 : i32
      %dma_start3A_26 = tpu.memref_slice %dma_start3A_23[%dma_start3A_24, %dma_start3A_25] : memref<80x128xi32, #tpu.memory_space<hbm>> -> memref<40x128xi32, #tpu.memory_space<hbm>>
      %dma_start3A_27 = arith.constant 0 : i32
      %dma_start3A_28 = arith.constant 0 : i32
      %dma_start3A_29 = tpu.memref_slice %arg4[%add3A, %dma_start3A_27, %dma_start3A_28] : memref<32x80x128xi32, #tpu.memory_space<hbm>> -> memref<1x80x128xi32, #tpu.memory_space<hbm>>
      %dma_start3A_30 = tpu.memref_squeeze %dma_start3A_29 : memref<1x80x128xi32, #tpu.memory_space<hbm>> -> memref<80x128xi32, #tpu.memory_space<hbm>>
      %dma_start3A_31 = arith.constant 0 : i32
      %dma_start3A_32 = arith.constant 0 : i32
      %dma_start3A_33 = tpu.memref_slice %dma_start3A_30[%dma_start3A_31, %dma_start3A_32] : memref<80x128xi32, #tpu.memory_space<hbm>> -> memref<40x128xi32, #tpu.memory_space<hbm>>
      tpu.enqueue_dma source(%dma_start3A_33 : memref<40x128xi32, #tpu.memory_space<hbm>>) target(%arg8 : memref<40x128xi32, #tpu.memory_space<vmem>>) target_semaphore(%run_scoped3A : memref<!tpu.dma_semaphore, #tpu.memory_space<semaphore_mem>>)
      %dma_wait3A = arith.constant 0 : i32
      %dma_wait3A_34 = arith.constant 0 : i32
      %dma_wait3A_35 = tpu.memref_slice %arg4[%add3A, %dma_wait3A, %dma_wait3A_34] : memref<32x80x128xi32, #tpu.memory_space<hbm>> -> memref<1x80x128xi32, #tpu.memory_space<hbm>>
      %dma_wait3A_36 = tpu.memref_squeeze %dma_wait3A_35 : memref<1x80x128xi32, #tpu.memory_space<hbm>> -> memref<80x128xi32, #tpu.memory_space<hbm>>
      %dma_wait3A_37 = arith.constant 0 : i32
      %dma_wait3A_38 = arith.constant 0 : i32
      %dma_wait3A_39 = tpu.memref_slice %dma_wait3A_36[%dma_wait3A_37, %dma_wait3A_38] : memref<80x128xi32, #tpu.memory_space<hbm>> -> memref<40x128xi32, #tpu.memory_space<hbm>>
      %dma_wait3A_40 = arith.constant 0 : i32
      %dma_wait3A_41 = arith.constant 0 : i32
      %dma_wait3A_42 = tpu.memref_slice %arg4[%add3A, %dma_wait3A_40, %dma_wait3A_41] : memref<32x80x128xi32, #tpu.memory_space<hbm>> -> memref<1x80x128xi32, #tpu.memory_space<hbm>>
      %dma_wait3A_43 = tpu.memref_squeeze %dma_wait3A_42 : memref<1x80x128xi32, #tpu.memory_space<hbm>> -> memref<80x128xi32, #tpu.memory_space<hbm>>
      %dma_wait3A_44 = arith.constant 0 : i32
      %dma_wait3A_45 = arith.constant 0 : i32
      %dma_wait3A_46 = tpu.memref_slice %dma_wait3A_43[%dma_wait3A_44, %dma_wait3A_45] : memref<80x128xi32, #tpu.memory_space<hbm>> -> memref<40x128xi32, #tpu.memory_space<hbm>>
      tpu.wait_dma2 semaphore(%run_scoped3A : memref<!tpu.dma_semaphore, #tpu.memory_space<semaphore_mem>>) src(%dma_wait3A_46 : memref<40x128xi32, #tpu.memory_space<hbm>>) dst(%arg8 : memref<40x128xi32, #tpu.memory_space<vmem>>)
      tpu.yield
    }) : () -> ()
    %scan3A = arith.constant 0 : i32
    %scan3A_7 = arith.constant 20 : i32
    %scan3A_8 = arith.addi %scan3A, %scan3A_7 : i32
    %scan3A_9 = arith.constant 1 : i32
    scf.for %scan3A_21 = %scan3A to %scan3A_8 step %scan3A_9  : i32 {
      %mul3A_22 = arith.constant 2 : i32
      %mul3A_23 = arith.muli %scan3A_21, %mul3A_22 : i32
      %add3A_24 = arith.constant 0 : i32
      %add3A_25 = arith.addi %add3A_24, %mul3A_23 : i32
      %mul3A_26 = arith.constant 128 : i32
      %mul3A_27 = arith.muli %add3A_25, %mul3A_26 : i32
      %dma_start3A = tpu.memref_slice %arg7[%mul3A_27] : memref<5120xi32, #tpu.memory_space<vmem>> -> memref<128xi32, #tpu.memory_space<vmem>>
      %dma_start3A_28 = arith.constant 0 : i32
      %dma_start3A_29 = arith.constant 0 : i32
      %dma_start3A_30 = tpu.memref_slice %arg2[%dma_start3A_28, %dma_start3A_29] : memref<10112x128xf32, #tpu.memory_space<hbm>> -> memref<10112x128xf32, #tpu.memory_space<hbm>>
      tpu.enqueue_indirect_dma source(%dma_start3A_30 : memref<10112x128xf32, #tpu.memory_space<hbm>>) target(%arg9 : memref<128x128xf32, #tpu.memory_space<vmem>>) offsets(%dma_start3A : memref<128xi32, #tpu.memory_space<vmem>>) semaphore(%arg12 : memref<!tpu.dma_semaphore, #tpu.memory_space<semaphore_mem>>)
      %add3A_31 = arith.constant 1 : i32
      %add3A_32 = arith.addi %add3A_25, %add3A_31 : i32
      %mul3A_33 = arith.constant 128 : i32
      %mul3A_34 = arith.muli %add3A_32, %mul3A_33 : i32
      %dma_start3A_35 = tpu.memref_slice %arg7[%mul3A_34] : memref<5120xi32, #tpu.memory_space<vmem>> -> memref<128xi32, #tpu.memory_space<vmem>>
      %dma_start3A_36 = arith.constant 0 : i32
      %dma_start3A_37 = arith.constant 0 : i32
      %dma_start3A_38 = tpu.memref_slice %arg2[%dma_start3A_36, %dma_start3A_37] : memref<10112x128xf32, #tpu.memory_space<hbm>> -> memref<10112x128xf32, #tpu.memory_space<hbm>>
      tpu.enqueue_indirect_dma source(%dma_start3A_38 : memref<10112x128xf32, #tpu.memory_space<hbm>>) target(%arg10 : memref<128x128xf32, #tpu.memory_space<vmem>>) offsets(%dma_start3A_35 : memref<128xi32, #tpu.memory_space<vmem>>) semaphore(%arg13 : memref<!tpu.dma_semaphore, #tpu.memory_space<semaphore_mem>>)
      %dma_wait3A = tpu.memref_slice %arg7[%mul3A_27] : memref<5120xi32, #tpu.memory_space<vmem>> -> memref<128xi32, #tpu.memory_space<vmem>>
      %dma_wait3A_39 = arith.constant 0 : i32
      %dma_wait3A_40 = arith.constant 0 : i32
      %dma_wait3A_41 = tpu.memref_slice %arg2[%dma_wait3A_39, %dma_wait3A_40] : memref<10112x128xf32, #tpu.memory_space<hbm>> -> memref<10112x128xf32, #tpu.memory_space<hbm>>
      tpu.wait_indirect_dma semaphore(%arg12 : memref<!tpu.dma_semaphore, #tpu.memory_space<semaphore_mem>>) src(%dma_wait3A_41 : memref<10112x128xf32, #tpu.memory_space<hbm>>) dst(%arg9 : memref<128x128xf32, #tpu.memory_space<vmem>>)
      "tpu.region"() ({
        %run_scoped3A = tpu.sem_alloc : memref<!tpu.dma_semaphore, #tpu.memory_space<semaphore_mem>>
        %dma_start3A_48 = arith.constant 0 : i32
        %dma_start3A_49 = tpu.memref_slice %arg8[%add3A_25, %dma_start3A_48] : memref<40x128xi32, #tpu.memory_space<vmem>> -> memref<1x128xi32, #tpu.memory_space<vmem>>
        %dma_start3A_50 = tpu.memref_squeeze %dma_start3A_49 : memref<1x128xi32, #tpu.memory_space<vmem>> -> memref<128xi32, #tpu.memory_space<vmem>>
        %dma_start3A_51 = arith.constant 0 : i32
        %dma_start3A_52 = arith.constant 0 : i32
        %dma_start3A_53 = tpu.memref_slice %arg11[%dma_start3A_51, %dma_start3A_52] : memref<10112x128xf32, #tpu.memory_space<vmem_shared>> -> memref<10112x128xf32, #tpu.memory_space<vmem_shared>>
        tpu.enqueue_indirect_dma source(%arg9 : memref<128x128xf32, #tpu.memory_space<vmem>>) target(%dma_start3A_53 : memref<10112x128xf32, #tpu.memory_space<vmem_shared>>) offsets(%dma_start3A_50 : memref<128xi32, #tpu.memory_space<vmem>>) semaphore(%run_scoped3A : memref<!tpu.dma_semaphore, #tpu.memory_space<semaphore_mem>>) {add = true}
        %dma_wait3A_54 = arith.constant 0 : i32
        %dma_wait3A_55 = tpu.memref_slice %arg8[%add3A_25, %dma_wait3A_54] : memref<40x128xi32, #tpu.memory_space<vmem>> -> memref<1x128xi32, #tpu.memory_space<vmem>>
        %dma_wait3A_56 = tpu.memref_squeeze %dma_wait3A_55 : memref<1x128xi32, #tpu.memory_space<vmem>> -> memref<128xi32, #tpu.memory_space<vmem>>
        %dma_wait3A_57 = arith.constant 0 : i32
        %dma_wait3A_58 = arith.constant 0 : i32
        %dma_wait3A_59 = tpu.memref_slice %arg11[%dma_wait3A_57, %dma_wait3A_58] : memref<10112x128xf32, #tpu.memory_space<vmem_shared>> -> memref<10112x128xf32, #tpu.memory_space<vmem_shared>>
        tpu.wait_indirect_dma semaphore(%run_scoped3A : memref<!tpu.dma_semaphore, #tpu.memory_space<semaphore_mem>>) src(%arg9 : memref<128x128xf32, #tpu.memory_space<vmem>>) dst(%dma_wait3A_59 : memref<10112x128xf32, #tpu.memory_space<vmem_shared>>)
        tpu.yield
      }) : () -> ()
      %dma_wait3A_42 = tpu.memref_slice %arg7[%mul3A_34] : memref<5120xi32, #tpu.memory_space<vmem>> -> memref<128xi32, #tpu.memory_space<vmem>>
      %dma_wait3A_43 = arith.constant 0 : i32
      %dma_wait3A_44 = arith.constant 0 : i32
      %dma_wait3A_45 = tpu.memref_slice %arg2[%dma_wait3A_43, %dma_wait3A_44] : memref<10112x128xf32, #tpu.memory_space<hbm>> -> memref<10112x128xf32, #tpu.memory_space<hbm>>
      tpu.wait_indirect_dma semaphore(%arg13 : memref<!tpu.dma_semaphore, #tpu.memory_space<semaphore_mem>>) src(%dma_wait3A_45 : memref<10112x128xf32, #tpu.memory_space<hbm>>) dst(%arg10 : memref<128x128xf32, #tpu.memory_space<vmem>>)
      %add3A_46 = arith.constant 1 : i32
      %add3A_47 = arith.addi %add3A_25, %add3A_46 : i32
      "tpu.region"() ({
        %run_scoped3A = tpu.sem_alloc : memref<!tpu.dma_semaphore, #tpu.memory_space<semaphore_mem>>
        %dma_start3A_48 = arith.constant 0 : i32
        %dma_start3A_49 = tpu.memref_slice %arg8[%add3A_47, %dma_start3A_48] : memref<40x128xi32, #tpu.memory_space<vmem>> -> memref<1x128xi32, #tpu.memory_space<vmem>>
        %dma_start3A_50 = tpu.memref_squeeze %dma_start3A_49 : memref<1x128xi32, #tpu.memory_space<vmem>> -> memref<128xi32, #tpu.memory_space<vmem>>
        %dma_start3A_51 = arith.constant 0 : i32
        %dma_start3A_52 = arith.constant 0 : i32
        %dma_start3A_53 = tpu.memref_slice %arg11[%dma_start3A_51, %dma_start3A_52] : memref<10112x128xf32, #tpu.memory_space<vmem_shared>> -> memref<10112x128xf32, #tpu.memory_space<vmem_shared>>
        tpu.enqueue_indirect_dma source(%arg10 : memref<128x128xf32, #tpu.memory_space<vmem>>) target(%dma_start3A_53 : memref<10112x128xf32, #tpu.memory_space<vmem_shared>>) offsets(%dma_start3A_50 : memref<128xi32, #tpu.memory_space<vmem>>) semaphore(%run_scoped3A : memref<!tpu.dma_semaphore, #tpu.memory_space<semaphore_mem>>) {add = true}
        %dma_wait3A_54 = arith.constant 0 : i32
        %dma_wait3A_55 = tpu.memref_slice %arg8[%add3A_47, %dma_wait3A_54] : memref<40x128xi32, #tpu.memory_space<vmem>> -> memref<1x128xi32, #tpu.memory_space<vmem>>
        %dma_wait3A_56 = tpu.memref_squeeze %dma_wait3A_55 : memref<1x128xi32, #tpu.memory_space<vmem>> -> memref<128xi32, #tpu.memory_space<vmem>>
        %dma_wait3A_57 = arith.constant 0 : i32
        %dma_wait3A_58 = arith.constant 0 : i32
        %dma_wait3A_59 = tpu.memref_slice %arg11[%dma_wait3A_57, %dma_wait3A_58] : memref<10112x128xf32, #tpu.memory_space<vmem_shared>> -> memref<10112x128xf32, #tpu.memory_space<vmem_shared>>
        tpu.wait_indirect_dma semaphore(%run_scoped3A : memref<!tpu.dma_semaphore, #tpu.memory_space<semaphore_mem>>) src(%arg10 : memref<128x128xf32, #tpu.memory_space<vmem>>) dst(%dma_wait3A_59 : memref<10112x128xf32, #tpu.memory_space<vmem_shared>>)
        tpu.yield
      }) : () -> ()
    }
    %scan3A_10 = arith.constant 20 : i32
    %add3A_11 = arith.constant 5120 : i32
    %add3A_12 = arith.addi %mul3A_4, %add3A_11 : i32
    "tpu.region"() ({
      %run_scoped3A = tpu.sem_alloc : memref<!tpu.dma_semaphore, #tpu.memory_space<semaphore_mem>>
      %dma_start3A = tpu.memref_slice %arg3[%add3A_12] : memref<327680xi32, #tpu.memory_space<hbm>> -> memref<5120xi32, #tpu.memory_space<hbm>>
      %dma_start3A_21 = tpu.memref_slice %arg3[%add3A_12] : memref<327680xi32, #tpu.memory_space<hbm>> -> memref<5120xi32, #tpu.memory_space<hbm>>
      tpu.enqueue_dma source(%dma_start3A_21 : memref<5120xi32, #tpu.memory_space<hbm>>) target(%arg7 : memref<5120xi32, #tpu.memory_space<vmem>>) target_semaphore(%run_scoped3A : memref<!tpu.dma_semaphore, #tpu.memory_space<semaphore_mem>>)
      %dma_wait3A = tpu.memref_slice %arg3[%add3A_12] : memref<327680xi32, #tpu.memory_space<hbm>> -> memref<5120xi32, #tpu.memory_space<hbm>>
      %dma_wait3A_22 = tpu.memref_slice %arg3[%add3A_12] : memref<327680xi32, #tpu.memory_space<hbm>> -> memref<5120xi32, #tpu.memory_space<hbm>>
      tpu.wait_dma2 semaphore(%run_scoped3A : memref<!tpu.dma_semaphore, #tpu.memory_space<semaphore_mem>>) src(%dma_wait3A_22 : memref<5120xi32, #tpu.memory_space<hbm>>) dst(%arg7 : memref<5120xi32, #tpu.memory_space<vmem>>)
      tpu.yield
    }) : () -> ()
    "tpu.region"() ({
      %run_scoped3A = tpu.sem_alloc : memref<!tpu.dma_semaphore, #tpu.memory_space<semaphore_mem>>
      %dma_start3A = arith.constant 0 : i32
      %dma_start3A_21 = arith.constant 0 : i32
      %dma_start3A_22 = tpu.memref_slice %arg4[%add3A, %dma_start3A, %dma_start3A_21] : memref<32x80x128xi32, #tpu.memory_space<hbm>> -> memref<1x80x128xi32, #tpu.memory_space<hbm>>
      %dma_start3A_23 = tpu.memref_squeeze %dma_start3A_22 : memref<1x80x128xi32, #tpu.memory_space<hbm>> -> memref<80x128xi32, #tpu.memory_space<hbm>>
      %dma_start3A_24 = arith.constant 40 : i32
      %dma_start3A_25 = arith.constant 0 : i32
      %dma_start3A_26 = tpu.memref_slice %dma_start3A_23[%dma_start3A_24, %dma_start3A_25] : memref<80x128xi32, #tpu.memory_space<hbm>> -> memref<40x128xi32, #tpu.memory_space<hbm>>
      %dma_start3A_27 = arith.constant 0 : i32
      %dma_start3A_28 = arith.constant 0 : i32
      %dma_start3A_29 = tpu.memref_slice %arg4[%add3A, %dma_start3A_27, %dma_start3A_28] : memref<32x80x128xi32, #tpu.memory_space<hbm>> -> memref<1x80x128xi32, #tpu.memory_space<hbm>>
      %dma_start3A_30 = tpu.memref_squeeze %dma_start3A_29 : memref<1x80x128xi32, #tpu.memory_space<hbm>> -> memref<80x128xi32, #tpu.memory_space<hbm>>
      %dma_start3A_31 = arith.constant 40 : i32
      %dma_start3A_32 = arith.constant 0 : i32
      %dma_start3A_33 = tpu.memref_slice %dma_start3A_30[%dma_start3A_31, %dma_start3A_32] : memref<80x128xi32, #tpu.memory_space<hbm>> -> memref<40x128xi32, #tpu.memory_space<hbm>>
      tpu.enqueue_dma source(%dma_start3A_33 : memref<40x128xi32, #tpu.memory_space<hbm>>) target(%arg8 : memref<40x128xi32, #tpu.memory_space<vmem>>) target_semaphore(%run_scoped3A : memref<!tpu.dma_semaphore, #tpu.memory_space<semaphore_mem>>)
      %dma_wait3A = arith.constant 0 : i32
      %dma_wait3A_34 = arith.constant 0 : i32
      %dma_wait3A_35 = tpu.memref_slice %arg4[%add3A, %dma_wait3A, %dma_wait3A_34] : memref<32x80x128xi32, #tpu.memory_space<hbm>> -> memref<1x80x128xi32, #tpu.memory_space<hbm>>
      %dma_wait3A_36 = tpu.memref_squeeze %dma_wait3A_35 : memref<1x80x128xi32, #tpu.memory_space<hbm>> -> memref<80x128xi32, #tpu.memory_space<hbm>>
      %dma_wait3A_37 = arith.constant 40 : i32
      %dma_wait3A_38 = arith.constant 0 : i32
      %dma_wait3A_39 = tpu.memref_slice %dma_wait3A_36[%dma_wait3A_37, %dma_wait3A_38] : memref<80x128xi32, #tpu.memory_space<hbm>> -> memref<40x128xi32, #tpu.memory_space<hbm>>
      %dma_wait3A_40 = arith.constant 0 : i32
      %dma_wait3A_41 = arith.constant 0 : i32
      %dma_wait3A_42 = tpu.memref_slice %arg4[%add3A, %dma_wait3A_40, %dma_wait3A_41] : memref<32x80x128xi32, #tpu.memory_space<hbm>> -> memref<1x80x128xi32, #tpu.memory_space<hbm>>
      %dma_wait3A_43 = tpu.memref_squeeze %dma_wait3A_42 : memref<1x80x128xi32, #tpu.memory_space<hbm>> -> memref<80x128xi32, #tpu.memory_space<hbm>>
      %dma_wait3A_44 = arith.constant 40 : i32
      %dma_wait3A_45 = arith.constant 0 : i32
      %dma_wait3A_46 = tpu.memref_slice %dma_wait3A_43[%dma_wait3A_44, %dma_wait3A_45] : memref<80x128xi32, #tpu.memory_space<hbm>> -> memref<40x128xi32, #tpu.memory_space<hbm>>
      tpu.wait_dma2 semaphore(%run_scoped3A : memref<!tpu.dma_semaphore, #tpu.memory_space<semaphore_mem>>) src(%dma_wait3A_46 : memref<40x128xi32, #tpu.memory_space<hbm>>) dst(%arg8 : memref<40x128xi32, #tpu.memory_space<vmem>>)
      tpu.yield
    }) : () -> ()
    %scan3A_13 = arith.constant 0 : i32
    %scan3A_14 = arith.constant 20 : i32
    %scan3A_15 = arith.addi %scan3A_13, %scan3A_14 : i32
    %scan3A_16 = arith.constant 1 : i32
    scf.for %scan3A_21 = %scan3A_13 to %scan3A_15 step %scan3A_16  : i32 {
      %mul3A_22 = arith.constant 2 : i32
      %mul3A_23 = arith.muli %scan3A_21, %mul3A_22 : i32
      %add3A_24 = arith.constant 0 : i32
      %add3A_25 = arith.addi %add3A_24, %mul3A_23 : i32
      %mul3A_26 = arith.constant 128 : i32
      %mul3A_27 = arith.muli %add3A_25, %mul3A_26 : i32
      %dma_start3A = tpu.memref_slice %arg7[%mul3A_27] : memref<5120xi32, #tpu.memory_space<vmem>> -> memref<128xi32, #tpu.memory_space<vmem>>
      %dma_start3A_28 = arith.constant 0 : i32
      %dma_start3A_29 = arith.constant 0 : i32
      %dma_start3A_30 = tpu.memref_slice %arg2[%dma_start3A_28, %dma_start3A_29] : memref<10112x128xf32, #tpu.memory_space<hbm>> -> memref<10112x128xf32, #tpu.memory_space<hbm>>
      tpu.enqueue_indirect_dma source(%dma_start3A_30 : memref<10112x128xf32, #tpu.memory_space<hbm>>) target(%arg9 : memref<128x128xf32, #tpu.memory_space<vmem>>) offsets(%dma_start3A : memref<128xi32, #tpu.memory_space<vmem>>) semaphore(%arg12 : memref<!tpu.dma_semaphore, #tpu.memory_space<semaphore_mem>>)
      %add3A_31 = arith.constant 1 : i32
      %add3A_32 = arith.addi %add3A_25, %add3A_31 : i32
      %mul3A_33 = arith.constant 128 : i32
      %mul3A_34 = arith.muli %add3A_32, %mul3A_33 : i32
      %dma_start3A_35 = tpu.memref_slice %arg7[%mul3A_34] : memref<5120xi32, #tpu.memory_space<vmem>> -> memref<128xi32, #tpu.memory_space<vmem>>
      %dma_start3A_36 = arith.constant 0 : i32
      %dma_start3A_37 = arith.constant 0 : i32
      %dma_start3A_38 = tpu.memref_slice %arg2[%dma_start3A_36, %dma_start3A_37] : memref<10112x128xf32, #tpu.memory_space<hbm>> -> memref<10112x128xf32, #tpu.memory_space<hbm>>
      tpu.enqueue_indirect_dma source(%dma_start3A_38 : memref<10112x128xf32, #tpu.memory_space<hbm>>) target(%arg10 : memref<128x128xf32, #tpu.memory_space<vmem>>) offsets(%dma_start3A_35 : memref<128xi32, #tpu.memory_space<vmem>>) semaphore(%arg13 : memref<!tpu.dma_semaphore, #tpu.memory_space<semaphore_mem>>)
      %dma_wait3A = tpu.memref_slice %arg7[%mul3A_27] : memref<5120xi32, #tpu.memory_space<vmem>> -> memref<128xi32, #tpu.memory_space<vmem>>
      %dma_wait3A_39 = arith.constant 0 : i32
      %dma_wait3A_40 = arith.constant 0 : i32
      %dma_wait3A_41 = tpu.memref_slice %arg2[%dma_wait3A_39, %dma_wait3A_40] : memref<10112x128xf32, #tpu.memory_space<hbm>> -> memref<10112x128xf32, #tpu.memory_space<hbm>>
      tpu.wait_indirect_dma semaphore(%arg12 : memref<!tpu.dma_semaphore, #tpu.memory_space<semaphore_mem>>) src(%dma_wait3A_41 : memref<10112x128xf32, #tpu.memory_space<hbm>>) dst(%arg9 : memref<128x128xf32, #tpu.memory_space<vmem>>)
      "tpu.region"() ({
        %run_scoped3A = tpu.sem_alloc : memref<!tpu.dma_semaphore, #tpu.memory_space<semaphore_mem>>
        %dma_start3A_48 = arith.constant 0 : i32
        %dma_start3A_49 = tpu.memref_slice %arg8[%add3A_25, %dma_start3A_48] : memref<40x128xi32, #tpu.memory_space<vmem>> -> memref<1x128xi32, #tpu.memory_space<vmem>>
        %dma_start3A_50 = tpu.memref_squeeze %dma_start3A_49 : memref<1x128xi32, #tpu.memory_space<vmem>> -> memref<128xi32, #tpu.memory_space<vmem>>
        %dma_start3A_51 = arith.constant 0 : i32
        %dma_start3A_52 = arith.constant 0 : i32
        %dma_start3A_53 = tpu.memref_slice %arg11[%dma_start3A_51, %dma_start3A_52] : memref<10112x128xf32, #tpu.memory_space<vmem_shared>> -> memref<10112x128xf32, #tpu.memory_space<vmem_shared>>
        tpu.enqueue_indirect_dma source(%arg9 : memref<128x128xf32, #tpu.memory_space<vmem>>) target(%dma_start3A_53 : memref<10112x128xf32, #tpu.memory_space<vmem_shared>>) offsets(%dma_start3A_50 : memref<128xi32, #tpu.memory_space<vmem>>) semaphore(%run_scoped3A : memref<!tpu.dma_semaphore, #tpu.memory_space<semaphore_mem>>) {add = true}
        %dma_wait3A_54 = arith.constant 0 : i32
        %dma_wait3A_55 = tpu.memref_slice %arg8[%add3A_25, %dma_wait3A_54] : memref<40x128xi32, #tpu.memory_space<vmem>> -> memref<1x128xi32, #tpu.memory_space<vmem>>
        %dma_wait3A_56 = tpu.memref_squeeze %dma_wait3A_55 : memref<1x128xi32, #tpu.memory_space<vmem>> -> memref<128xi32, #tpu.memory_space<vmem>>
        %dma_wait3A_57 = arith.constant 0 : i32
        %dma_wait3A_58 = arith.constant 0 : i32
        %dma_wait3A_59 = tpu.memref_slice %arg11[%dma_wait3A_57, %dma_wait3A_58] : memref<10112x128xf32, #tpu.memory_space<vmem_shared>> -> memref<10112x128xf32, #tpu.memory_space<vmem_shared>>
        tpu.wait_indirect_dma semaphore(%run_scoped3A : memref<!tpu.dma_semaphore, #tpu.memory_space<semaphore_mem>>) src(%arg9 : memref<128x128xf32, #tpu.memory_space<vmem>>) dst(%dma_wait3A_59 : memref<10112x128xf32, #tpu.memory_space<vmem_shared>>)
        tpu.yield
      }) : () -> ()
      %dma_wait3A_42 = tpu.memref_slice %arg7[%mul3A_34] : memref<5120xi32, #tpu.memory_space<vmem>> -> memref<128xi32, #tpu.memory_space<vmem>>
      %dma_wait3A_43 = arith.constant 0 : i32
      %dma_wait3A_44 = arith.constant 0 : i32
      %dma_wait3A_45 = tpu.memref_slice %arg2[%dma_wait3A_43, %dma_wait3A_44] : memref<10112x128xf32, #tpu.memory_space<hbm>> -> memref<10112x128xf32, #tpu.memory_space<hbm>>
      tpu.wait_indirect_dma semaphore(%arg13 : memref<!tpu.dma_semaphore, #tpu.memory_space<semaphore_mem>>) src(%dma_wait3A_45 : memref<10112x128xf32, #tpu.memory_space<hbm>>) dst(%arg10 : memref<128x128xf32, #tpu.memory_space<vmem>>)
      %add3A_46 = arith.constant 1 : i32
      %add3A_47 = arith.addi %add3A_25, %add3A_46 : i32
      "tpu.region"() ({
        %run_scoped3A = tpu.sem_alloc : memref<!tpu.dma_semaphore, #tpu.memory_space<semaphore_mem>>
        %dma_start3A_48 = arith.constant 0 : i32
        %dma_start3A_49 = tpu.memref_slice %arg8[%add3A_47, %dma_start3A_48] : memref<40x128xi32, #tpu.memory_space<vmem>> -> memref<1x128xi32, #tpu.memory_space<vmem>>
        %dma_start3A_50 = tpu.memref_squeeze %dma_start3A_49 : memref<1x128xi32, #tpu.memory_space<vmem>> -> memref<128xi32, #tpu.memory_space<vmem>>
        %dma_start3A_51 = arith.constant 0 : i32
        %dma_start3A_52 = arith.constant 0 : i32
        %dma_start3A_53 = tpu.memref_slice %arg11[%dma_start3A_51, %dma_start3A_52] : memref<10112x128xf32, #tpu.memory_space<vmem_shared>> -> memref<10112x128xf32, #tpu.memory_space<vmem_shared>>
        tpu.enqueue_indirect_dma source(%arg10 : memref<128x128xf32, #tpu.memory_space<vmem>>) target(%dma_start3A_53 : memref<10112x128xf32, #tpu.memory_space<vmem_shared>>) offsets(%dma_start3A_50 : memref<128xi32, #tpu.memory_space<vmem>>) semaphore(%run_scoped3A : memref<!tpu.dma_semaphore, #tpu.memory_space<semaphore_mem>>) {add = true}
        %dma_wait3A_54 = arith.constant 0 : i32
        %dma_wait3A_55 = tpu.memref_slice %arg8[%add3A_47, %dma_wait3A_54] : memref<40x128xi32, #tpu.memory_space<vmem>> -> memref<1x128xi32, #tpu.memory_space<vmem>>
        %dma_wait3A_56 = tpu.memref_squeeze %dma_wait3A_55 : memref<1x128xi32, #tpu.memory_space<vmem>> -> memref<128xi32, #tpu.memory_space<vmem>>
        %dma_wait3A_57 = arith.constant 0 : i32
        %dma_wait3A_58 = arith.constant 0 : i32
        %dma_wait3A_59 = tpu.memref_slice %arg11[%dma_wait3A_57, %dma_wait3A_58] : memref<10112x128xf32, #tpu.memory_space<vmem_shared>> -> memref<10112x128xf32, #tpu.memory_space<vmem_shared>>
        tpu.wait_indirect_dma semaphore(%run_scoped3A : memref<!tpu.dma_semaphore, #tpu.memory_space<semaphore_mem>>) src(%arg10 : memref<128x128xf32, #tpu.memory_space<vmem>>) dst(%dma_wait3A_59 : memref<10112x128xf32, #tpu.memory_space<vmem_shared>>)
        tpu.yield
      }) : () -> ()
    }
    %scan3A_17 = arith.constant 20 : i32
    %barrier3A_18 = arith.constant 0 : index
    tpu.barrier barrier_id(%barrier3A_18)
    %mul3A_19 = arith.constant 632 : i32
    %mul3A_20 = arith.muli %arg1, %mul3A_19 : i32
    "tpu.region"() ({
      %run_scoped3A = tpu.sem_alloc : memref<!tpu.dma_semaphore, #tpu.memory_space<semaphore_mem>>
      %dma_start3A = arith.constant 0 : i32
      %dma_start3A_21 = arith.constant 0 : i32
      %dma_start3A_22 = tpu.memref_slice %arg6[%arg0, %dma_start3A, %dma_start3A_21] : memref<2x10112x128xf32, #tpu.memory_space<hbm>> -> memref<1x10112x128xf32, #tpu.memory_space<hbm>>
      %dma_start3A_23 = tpu.memref_squeeze %dma_start3A_22 : memref<1x10112x128xf32, #tpu.memory_space<hbm>> -> memref<10112x128xf32, #tpu.memory_space<hbm>>
      %dma_start3A_24 = arith.constant 0 : i32
      %dma_start3A_25 = tpu.memref_slice %dma_start3A_23[%mul3A_20, %dma_start3A_24] : memref<10112x128xf32, #tpu.memory_space<hbm>> -> memref<632x128xf32, #tpu.memory_space<hbm>>
      %dma_start3A_26 = arith.constant 0 : i32
      %dma_start3A_27 = tpu.memref_slice %arg11[%mul3A_20, %dma_start3A_26] : memref<10112x128xf32, #tpu.memory_space<vmem_shared>> -> memref<632x128xf32, #tpu.memory_space<vmem_shared>>
      tpu.enqueue_dma source(%dma_start3A_27 : memref<632x128xf32, #tpu.memory_space<vmem_shared>>) target(%dma_start3A_25 : memref<632x128xf32, #tpu.memory_space<hbm>>) target_semaphore(%run_scoped3A : memref<!tpu.dma_semaphore, #tpu.memory_space<semaphore_mem>>)
      %dma_wait3A = arith.constant 0 : i32
      %dma_wait3A_28 = arith.constant 0 : i32
      %dma_wait3A_29 = tpu.memref_slice %arg6[%arg0, %dma_wait3A, %dma_wait3A_28] : memref<2x10112x128xf32, #tpu.memory_space<hbm>> -> memref<1x10112x128xf32, #tpu.memory_space<hbm>>
      %dma_wait3A_30 = tpu.memref_squeeze %dma_wait3A_29 : memref<1x10112x128xf32, #tpu.memory_space<hbm>> -> memref<10112x128xf32, #tpu.memory_space<hbm>>
      %dma_wait3A_31 = arith.constant 0 : i32
      %dma_wait3A_32 = tpu.memref_slice %dma_wait3A_30[%mul3A_20, %dma_wait3A_31] : memref<10112x128xf32, #tpu.memory_space<hbm>> -> memref<632x128xf32, #tpu.memory_space<hbm>>
      %dma_wait3A_33 = arith.constant 0 : i32
      %dma_wait3A_34 = tpu.memref_slice %arg11[%mul3A_20, %dma_wait3A_33] : memref<10112x128xf32, #tpu.memory_space<vmem_shared>> -> memref<632x128xf32, #tpu.memory_space<vmem_shared>>
      tpu.wait_dma2 semaphore(%run_scoped3A : memref<!tpu.dma_semaphore, #tpu.memory_space<semaphore_mem>>) src(%dma_wait3A_34 : memref<632x128xf32, #tpu.memory_space<vmem_shared>>) dst(%dma_wait3A_32 : memref<632x128xf32, #tpu.memory_space<hbm>>)
      tpu.yield
    }) : () -> ()
    return
  }
}

module attributes {stable_mosaic.version = 14 : i64} {
  func.func @body(%arg0: memref<2x10112x128xf32, #tpu.memory_space<vmem>>, %arg1: memref<10000x128xf32, #tpu.memory_space<vmem>>, %arg2: memref<10112x1xf32, #tpu.memory_space<vmem>>, %arg3: memref<10112x1xf32, #tpu.memory_space<vmem>>, %arg4: memref<10112x128xf32, #tpu.memory_space<vmem>>) attributes {dimension_semantics = [], scalar_prefetch = 0 : i64, scratch_operands = 0 : i64, tpu.core_type = #tpu.core_type<tc>} {
    %get3A = arith.constant 0 : index
    %get3A_0 = arith.constant 0 : index
    %get3A_1 = arith.constant 0 : index
    %get3A_2 = vector.load %arg0[%get3A, %get3A_0, %get3A_1] : memref<2x10112x128xf32, #tpu.memory_space<vmem>>, vector<1x10112x1xf32>
    %get3A_3 = vector.shape_cast %get3A_2 : vector<1x10112x1xf32> to vector<10112x1xf32>
    %get3A_4 = arith.constant 1 : index
    %get3A_5 = arith.constant 0 : index
    %get3A_6 = arith.constant 0 : index
    %get3A_7 = vector.load %arg0[%get3A_4, %get3A_5, %get3A_6] : memref<2x10112x128xf32, #tpu.memory_space<vmem>>, vector<1x10112x1xf32>
    %get3A_8 = vector.shape_cast %get3A_7 : vector<1x10112x1xf32> to vector<10112x1xf32>
    %add3A = arith.addf %get3A_3, %get3A_8 : vector<10112x1xf32>
    %iota3A = tpu.iota {dimensions = array<i32: 0>} : vector<10112x1xi32>
    %lt3A = arith.constant 10000 : i32
    %lt3A_9 = vector.broadcast %lt3A : i32 to vector<10112x1xi32>
    %lt3A_10 = arith.cmpi slt, %iota3A, %lt3A_9 : vector<10112x1xi32>
    %max3A = arith.constant 1.000000e+00 : f32
    %max3A_11 = vector.broadcast %max3A : f32 to vector<10112x1xf32>
    %max3A_12 = arith.maximumf %add3A, %max3A_11 : vector<10112x1xf32>
    %rsqrt3A = math.rsqrt %max3A_12 : vector<10112x1xf32>
    %jit3A = arith.constant 0.000000e+00 : f32
    %broadcast_in_dim3A = vector.broadcast %jit3A : f32 to vector<10112x1xf32>
    %select_n3A = arith.select %lt3A_10, %rsqrt3A, %broadcast_in_dim3A : vector<10112x1xi1>, vector<10112x1xf32>
    %swap3A = arith.constant 0 : index
    %swap3A_13 = arith.constant 0 : index
    %swap3A_14 = vector.load %arg2[%swap3A, %swap3A_13] : memref<10112x1xf32, #tpu.memory_space<vmem>>, vector<10112x1xf32>
    tpu.vector_store %arg2[%swap3A, %swap3A_13], %select_n3A {strides = array<i32>} : memref<10112x1xf32, #tpu.memory_space<vmem>>, vector<10112x1xf32>,
    %mul3A = arith.mulf %select_n3A, %select_n3A : vector<10112x1xf32>
    %swap3A_15 = arith.constant 0 : index
    %swap3A_16 = arith.constant 0 : index
    %swap3A_17 = vector.load %arg3[%swap3A_15, %swap3A_16] : memref<10112x1xf32, #tpu.memory_space<vmem>>, vector<10112x1xf32>
    tpu.vector_store %arg3[%swap3A_15, %swap3A_16], %mul3A {strides = array<i32>} : memref<10112x1xf32, #tpu.memory_space<vmem>>, vector<10112x1xf32>,
    %get3A_18 = arith.constant 0 : index
    %get3A_19 = arith.constant 0 : index
    %get3A_20 = vector.load %arg1[%get3A_18, %get3A_19] : memref<10000x128xf32, #tpu.memory_space<vmem>>, vector<10000x128xf32>
    %slice3A = vector.extract_strided_slice %select_n3A {offsets = [0, 0], sizes = [10000, 1], strides = [1, 1]} : vector<10112x1xf32> to vector<10000x1xf32>
    %mul3A_21 = vector.broadcast %slice3A : vector<10000x1xf32> to vector<10000x128xf32>
    %mul3A_22 = arith.mulf %get3A_20, %mul3A_21 : vector<10000x128xf32>
    %swap3A_23 = arith.constant 0 : index
    %swap3A_24 = arith.constant 0 : index
    %swap3A_25 = vector.load %arg4[%swap3A_23, %swap3A_24] : memref<10112x128xf32, #tpu.memory_space<vmem>>, vector<10000x128xf32>
    tpu.vector_store %arg4[%swap3A_23, %swap3A_24], %mul3A_22 {strides = array<i32>} : memref<10112x128xf32, #tpu.memory_space<vmem>>, vector<10000x128xf32>,
    %broadcast_in_dim3A_26 = arith.constant 0.000000e+00 : f32
    %broadcast_in_dim3A_27 = vector.broadcast %broadcast_in_dim3A_26 : f32 to vector<112x128xf32>
    %swap3A_28 = arith.constant 10000 : index
    %swap3A_29 = arith.constant 0 : index
    %swap3A_30 = vector.load %arg4[%swap3A_28, %swap3A_29] : memref<10112x128xf32, #tpu.memory_space<vmem>>, vector<112x128xf32>
    tpu.vector_store %arg4[%swap3A_28, %swap3A_29], %broadcast_in_dim3A_27 {strides = array<i32>} : memref<10112x128xf32, #tpu.memory_space<vmem>>, vector<112x128xf32>,
    return
  }
}

module attributes {stable_mosaic.version = 14 : i64} {
  func.func @body(%arg0: i32, %arg1: memref<2x1264x128xf32, #tpu.memory_space<vmem>>, %arg2: memref<1264x1xf32, #tpu.memory_space<vmem>>, %arg3: memref<1264x128xf32, #tpu.memory_space<vmem>>, %arg4: memref<1264x128xf32, #tpu.memory_space<vmem>>) attributes {dimension_semantics = [#tpu.dimension_semantics<arbitrary>], iteration_bounds = array<i64: 8>, scalar_prefetch = 0 : i64, scratch_operands = 0 : i64, tpu.core_type = #tpu.core_type<tc>, window_params = [{transform_indices = @transform_0, window_bounds = array<i64: 2, 1264, 128>}, {transform_indices = @transform_1, window_bounds = array<i64: 1264, 1>}, {transform_indices = @transform_2, window_bounds = array<i64: 1264, 128>}, {transform_indices = @transform_3, window_bounds = array<i64: 1264, 128>}]} {
    %get3A = arith.constant 0 : index
    %get3A_0 = arith.constant 0 : index
    %get3A_1 = arith.constant 0 : index
    %get3A_2 = vector.load %arg1[%get3A, %get3A_0, %get3A_1] : memref<2x1264x128xf32, #tpu.memory_space<vmem>>, vector<1x1264x128xf32>
    %get3A_3 = vector.shape_cast %get3A_2 : vector<1x1264x128xf32> to vector<1264x128xf32>
    %get3A_4 = arith.constant 1 : index
    %get3A_5 = arith.constant 0 : index
    %get3A_6 = arith.constant 0 : index
    %get3A_7 = vector.load %arg1[%get3A_4, %get3A_5, %get3A_6] : memref<2x1264x128xf32, #tpu.memory_space<vmem>>, vector<1x1264x128xf32>
    %get3A_8 = vector.shape_cast %get3A_7 : vector<1x1264x128xf32> to vector<1264x128xf32>
    %add3A = arith.addf %get3A_3, %get3A_8 : vector<1264x128xf32>
    %swap3A = arith.constant 0 : index
    %swap3A_9 = arith.constant 0 : index
    %swap3A_10 = vector.load %arg3[%swap3A, %swap3A_9] : memref<1264x128xf32, #tpu.memory_space<vmem>>, vector<1264x128xf32>
    tpu.vector_store %arg3[%swap3A, %swap3A_9], %add3A {strides = array<i32>} : memref<1264x128xf32, #tpu.memory_space<vmem>>, vector<1264x128xf32>,
    %get3A_11 = arith.constant 0 : index
    %get3A_12 = arith.constant 0 : index
    %get3A_13 = vector.load %arg2[%get3A_11, %get3A_12] : memref<1264x1xf32, #tpu.memory_space<vmem>>, vector<1264x1xf32>
    %mul3A = vector.broadcast %get3A_13 : vector<1264x1xf32> to vector<1264x128xf32>
    %mul3A_14 = arith.mulf %add3A, %mul3A : vector<1264x128xf32>
    %swap3A_15 = arith.constant 0 : index
    %swap3A_16 = arith.constant 0 : index
    %swap3A_17 = vector.load %arg4[%swap3A_15, %swap3A_16] : memref<1264x128xf32, #tpu.memory_space<vmem>>, vector<1264x128xf32>
    tpu.vector_store %arg4[%swap3A_15, %swap3A_16], %mul3A_14 {strides = array<i32>} : memref<1264x128xf32, #tpu.memory_space<vmem>>, vector<1264x128xf32>,
    return
  }
  func.func @transform_0(%arg0: i32) -> (i32, i32, i32) {
    %c0_i32 = arith.constant 0 : i32
    %c0_i32_0 = arith.constant 0 : i32
    %c0_i32_1 = arith.constant 0 : i32
    return %c0_i32, %arg0, %c0_i32_0 : i32, i32, i32
  }
  func.func @transform_1(%arg0: i32) -> (i32, i32) {
    %c0_i32 = arith.constant 0 : i32
    %c0_i32_0 = arith.constant 0 : i32
    return %arg0, %c0_i32 : i32, i32
  }
  func.func @transform_2(%arg0: i32) -> (i32, i32) {
    %c0_i32 = arith.constant 0 : i32
    %c0_i32_0 = arith.constant 0 : i32
    return %arg0, %c0_i32 : i32, i32
  }
  func.func @transform_3(%arg0: i32) -> (i32, i32) {
    %c0_i32 = arith.constant 0 : i32
    %c0_i32_0 = arith.constant 0 : i32
    return %arg0, %c0_i32 : i32, i32
  }
}

module attributes {stable_mosaic.version = 14 : i64} {
  func.func @body(%arg0: i32, %arg1: memref<1264x128xf32, #tpu.memory_space<vmem>>, %arg2: memref<1264x128xf32, #tpu.memory_space<vmem>>, %arg3: memref<2x1264x128xf32, #tpu.memory_space<vmem>>, %arg4: memref<1264x1xf32, #tpu.memory_space<vmem>>, %arg5: memref<128x128xf32, #tpu.memory_space<vmem>>, %arg6: memref<128x128xf32, #tpu.memory_space<vmem>>, %arg7: memref<128x128xf32, #tpu.memory_space<vmem>>, %arg8: memref<1x128xf32, #tpu.memory_space<vmem>>, %arg9: memref<1264x128xf32, #tpu.memory_space<vmem>>, %arg10: memref<1264x128xf32, #tpu.memory_space<vmem>>) attributes {dimension_semantics = [#tpu.dimension_semantics<arbitrary>], iteration_bounds = array<i64: 8>, scalar_prefetch = 0 : i64, scratch_operands = 0 : i64, tpu.core_type = #tpu.core_type<tc>, window_params = [{transform_indices = @transform_0, window_bounds = array<i64: 1264, 128>}, {transform_indices = @transform_1, window_bounds = array<i64: 1264, 128>}, {transform_indices = @transform_2, window_bounds = array<i64: 2, 1264, 128>}, {transform_indices = @transform_3, window_bounds = array<i64: 1264, 1>}, {pipeline_mode = #tpu.pipeline_mode<synchronous>, transform_indices = @transform_4, window_bounds = array<i64: 128, 128>}, {pipeline_mode = #tpu.pipeline_mode<synchronous>, transform_indices = @transform_5, window_bounds = array<i64: 128, 128>}, {pipeline_mode = #tpu.pipeline_mode<synchronous>, transform_indices = @transform_6, window_bounds = array<i64: 128, 128>}, {pipeline_mode = #tpu.pipeline_mode<synchronous>, transform_indices = @transform_7, window_bounds = array<i64: 1, 128>}, {transform_indices = @transform_8, window_bounds = array<i64: 1264, 128>}, {transform_indices = @transform_9, window_bounds = array<i64: 1264, 128>}]} {
    %get3A = arith.constant 0 : index
    %get3A_0 = arith.constant 0 : index
    %get3A_1 = vector.load %arg4[%get3A, %get3A_0] : memref<1264x1xf32, #tpu.memory_space<vmem>>, vector<1264x1xf32>
    %get3A_2 = arith.constant 0 : index
    %get3A_3 = arith.constant 0 : index
    %get3A_4 = vector.load %arg2[%get3A_2, %get3A_3] : memref<1264x128xf32, #tpu.memory_space<vmem>>, vector<1264x128xf32>
    %mul3A = vector.broadcast %get3A_1 : vector<1264x1xf32> to vector<1264x128xf32>
    %mul3A_5 = arith.mulf %get3A_4, %mul3A : vector<1264x128xf32>
    %get3A_6 = arith.constant 0 : index
    %get3A_7 = arith.constant 0 : index
    %get3A_8 = arith.constant 0 : index
    %get3A_9 = vector.load %arg3[%get3A_6, %get3A_7, %get3A_8] : memref<2x1264x128xf32, #tpu.memory_space<vmem>>, vector<1x1264x128xf32>
    %get3A_10 = vector.shape_cast %get3A_9 : vector<1x1264x128xf32> to vector<1264x128xf32>
    %get3A_11 = arith.constant 1 : index
    %get3A_12 = arith.constant 0 : index
    %get3A_13 = arith.constant 0 : index
    %get3A_14 = vector.load %arg3[%get3A_11, %get3A_12, %get3A_13] : memref<2x1264x128xf32, #tpu.memory_space<vmem>>, vector<1x1264x128xf32>
    %get3A_15 = vector.shape_cast %get3A_14 : vector<1x1264x128xf32> to vector<1264x128xf32>
    %add3A = arith.addf %get3A_10, %get3A_15 : vector<1264x128xf32>
    %mul3A_16 = vector.broadcast %get3A_1 : vector<1264x1xf32> to vector<1264x128xf32>
    %mul3A_17 = arith.mulf %add3A, %mul3A_16 : vector<1264x128xf32>
    %get3A_18 = arith.constant 0 : index
    %get3A_19 = arith.constant 0 : index
    %get3A_20 = vector.load %arg1[%get3A_18, %get3A_19] : memref<1264x128xf32, #tpu.memory_space<vmem>>, vector<1264x128xf32>
    %get3A_21 = arith.constant 0 : index
    %get3A_22 = arith.constant 0 : index
    %get3A_23 = vector.load %arg5[%get3A_21, %get3A_22] : memref<128x128xf32, #tpu.memory_space<vmem>>, vector<128x128xf32>
    %dot_general3A = arith.constant dense<0.000000e+00> : vector<1264x128xf32>
    %dot_general3A_24 = tpu.matmul %get3A_20, %get3A_23, %dot_general3A {dimension_numbers = #tpu.dot_dimension_numbers<[1], [0], [0], [1], [0, 0, 1, 1], [], []>, precision = #tpu.contract_precision<fp32>, transpose_lhs_hint = false} : vector<1264x128xf32>, vector<128x128xf32>, vector<1264x128xf32> -> vector<1264x128xf32>
    %get3A_25 = arith.constant 0 : index
    %get3A_26 = arith.constant 0 : index
    %get3A_27 = vector.load %arg6[%get3A_25, %get3A_26] : memref<128x128xf32, #tpu.memory_space<vmem>>, vector<128x128xf32>
    %dot_general3A_28 = arith.constant dense<0.000000e+00> : vector<1264x128xf32>
    %dot_general3A_29 = tpu.matmul %mul3A_5, %get3A_27, %dot_general3A_28 {dimension_numbers = #tpu.dot_dimension_numbers<[1], [0], [0], [1], [0, 0, 1, 1], [], []>, precision = #tpu.contract_precision<fp32>, transpose_lhs_hint = false} : vector<1264x128xf32>, vector<128x128xf32>, vector<1264x128xf32> -> vector<1264x128xf32>
    %add3A_30 = arith.addf %dot_general3A_24, %dot_general3A_29 : vector<1264x128xf32>
    %get3A_31 = arith.constant 0 : index
    %get3A_32 = arith.constant 0 : index
    %get3A_33 = vector.load %arg7[%get3A_31, %get3A_32] : memref<128x128xf32, #tpu.memory_space<vmem>>, vector<128x128xf32>
    %dot_general3A_34 = arith.constant dense<0.000000e+00> : vector<1264x128xf32>
    %dot_general3A_35 = tpu.matmul %mul3A_17, %get3A_33, %dot_general3A_34 {dimension_numbers = #tpu.dot_dimension_numbers<[1], [0], [0], [1], [0, 0, 1, 1], [], []>, precision = #tpu.contract_precision<fp32>, transpose_lhs_hint = false} : vector<1264x128xf32>, vector<128x128xf32>, vector<1264x128xf32> -> vector<1264x128xf32>
    %add3A_36 = arith.addf %add3A_30, %dot_general3A_35 : vector<1264x128xf32>
    %get3A_37 = arith.constant 0 : index
    %get3A_38 = arith.constant 0 : index
    %get3A_39 = vector.load %arg8[%get3A_37, %get3A_38] : memref<1x128xf32, #tpu.memory_space<vmem>>, vector<1x128xf32>
    %add3A_40 = vector.broadcast %get3A_39 : vector<1x128xf32> to vector<1264x128xf32>
    %add3A_41 = arith.addf %add3A_36, %add3A_40 : vector<1264x128xf32>
    %max3A = arith.constant 0.000000e+00 : f32
    %max3A_42 = vector.broadcast %max3A : f32 to vector<1264x128xf32>
    %max3A_43 = arith.maximumf %add3A_41, %max3A_42 : vector<1264x128xf32>
    %swap3A = arith.constant 0 : index
    %swap3A_44 = arith.constant 0 : index
    %swap3A_45 = vector.load %arg9[%swap3A, %swap3A_44] : memref<1264x128xf32, #tpu.memory_space<vmem>>, vector<1264x128xf32>
    tpu.vector_store %arg9[%swap3A, %swap3A_44], %max3A_43 {strides = array<i32>} : memref<1264x128xf32, #tpu.memory_space<vmem>>, vector<1264x128xf32>,
    %mul3A_46 = vector.broadcast %get3A_1 : vector<1264x1xf32> to vector<1264x128xf32>
    %mul3A_47 = arith.mulf %max3A_43, %mul3A_46 : vector<1264x128xf32>
    %swap3A_48 = arith.constant 0 : index
    %swap3A_49 = arith.constant 0 : index
    %swap3A_50 = vector.load %arg10[%swap3A_48, %swap3A_49] : memref<1264x128xf32, #tpu.memory_space<vmem>>, vector<1264x128xf32>
    tpu.vector_store %arg10[%swap3A_48, %swap3A_49], %mul3A_47 {strides = array<i32>} : memref<1264x128xf32, #tpu.memory_space<vmem>>, vector<1264x128xf32>,
    return
  }
  func.func @transform_0(%arg0: i32) -> (i32, i32) {
    %c0_i32 = arith.constant 0 : i32
    %c0_i32_0 = arith.constant 0 : i32
    return %arg0, %c0_i32 : i32, i32
  }
  func.func @transform_1(%arg0: i32) -> (i32, i32) {
    %c0_i32 = arith.constant 0 : i32
    %c0_i32_0 = arith.constant 0 : i32
    return %arg0, %c0_i32 : i32, i32
  }
  func.func @transform_2(%arg0: i32) -> (i32, i32, i32) {
    %c0_i32 = arith.constant 0 : i32
    %c0_i32_0 = arith.constant 0 : i32
    %c0_i32_1 = arith.constant 0 : i32
    return %c0_i32, %arg0, %c0_i32_0 : i32, i32, i32
  }
  func.func @transform_3(%arg0: i32) -> (i32, i32) {
    %c0_i32 = arith.constant 0 : i32
    %c0_i32_0 = arith.constant 0 : i32
    return %arg0, %c0_i32 : i32, i32
  }
  func.func @transform_4(%arg0: i32) -> (i32, i32) {
    %c0_i32 = arith.constant 0 : i32
    %c0_i32_0 = arith.constant 0 : i32
    %c0_i32_1 = arith.constant 0 : i32
    return %c0_i32, %c0_i32_0 : i32, i32
  }
  func.func @transform_5(%arg0: i32) -> (i32, i32) {
    %c0_i32 = arith.constant 0 : i32
    %c0_i32_0 = arith.constant 0 : i32
    %c0_i32_1 = arith.constant 0 : i32
    return %c0_i32, %c0_i32_0 : i32, i32
  }
  func.func @transform_6(%arg0: i32) -> (i32, i32) {
    %c0_i32 = arith.constant 0 : i32
    %c0_i32_0 = arith.constant 0 : i32
    %c0_i32_1 = arith.constant 0 : i32
    return %c0_i32, %c0_i32_0 : i32, i32
  }
  func.func @transform_7(%arg0: i32) -> (i32, i32) {
    %c0_i32 = arith.constant 0 : i32
    %c0_i32_0 = arith.constant 0 : i32
    %c0_i32_1 = arith.constant 0 : i32
    return %c0_i32, %c0_i32_0 : i32, i32
  }
  func.func @transform_8(%arg0: i32) -> (i32, i32) {
    %c0_i32 = arith.constant 0 : i32
    %c0_i32_0 = arith.constant 0 : i32
    return %arg0, %c0_i32 : i32, i32
  }
  func.func @transform_9(%arg0: i32) -> (i32, i32) {
    %c0_i32 = arith.constant 0 : i32
    %c0_i32_0 = arith.constant 0 : i32
    return %arg0, %c0_i32 : i32, i32
  }
}

module attributes {stable_mosaic.version = 14 : i64} {
  func.func @body(%arg0: i32, %arg1: memref<1264x128xf32, #tpu.memory_space<vmem>>, %arg2: memref<1264x128xf32, #tpu.memory_space<vmem>>, %arg3: memref<2x1264x128xf32, #tpu.memory_space<vmem>>, %arg4: memref<1264x1xf32, #tpu.memory_space<vmem>>, %arg5: memref<128x64xf32, #tpu.memory_space<vmem>>, %arg6: memref<128x64xf32, #tpu.memory_space<vmem>>, %arg7: memref<128x64xf32, #tpu.memory_space<vmem>>, %arg8: memref<1x64xf32, #tpu.memory_space<vmem>>, %arg9: memref<1264x64xf32, #tpu.memory_space<vmem>>) attributes {dimension_semantics = [#tpu.dimension_semantics<arbitrary>], iteration_bounds = array<i64: 8>, scalar_prefetch = 0 : i64, scratch_operands = 0 : i64, tpu.core_type = #tpu.core_type<tc>, window_params = [{transform_indices = @transform_0, window_bounds = array<i64: 1264, 128>}, {transform_indices = @transform_1, window_bounds = array<i64: 1264, 128>}, {transform_indices = @transform_2, window_bounds = array<i64: 2, 1264, 128>}, {transform_indices = @transform_3, window_bounds = array<i64: 1264, 1>}, {pipeline_mode = #tpu.pipeline_mode<synchronous>, transform_indices = @transform_4, window_bounds = array<i64: 128, 64>}, {pipeline_mode = #tpu.pipeline_mode<synchronous>, transform_indices = @transform_5, window_bounds = array<i64: 128, 64>}, {pipeline_mode = #tpu.pipeline_mode<synchronous>, transform_indices = @transform_6, window_bounds = array<i64: 128, 64>}, {pipeline_mode = #tpu.pipeline_mode<synchronous>, transform_indices = @transform_7, window_bounds = array<i64: 1, 64>}, {transform_indices = @transform_8, window_bounds = array<i64: 1264, 64>}]} {
    %get3A = arith.constant 0 : index
    %get3A_0 = arith.constant 0 : index
    %get3A_1 = vector.load %arg4[%get3A, %get3A_0] : memref<1264x1xf32, #tpu.memory_space<vmem>>, vector<1264x1xf32>
    %get3A_2 = arith.constant 0 : index
    %get3A_3 = arith.constant 0 : index
    %get3A_4 = vector.load %arg2[%get3A_2, %get3A_3] : memref<1264x128xf32, #tpu.memory_space<vmem>>, vector<1264x128xf32>
    %mul3A = vector.broadcast %get3A_1 : vector<1264x1xf32> to vector<1264x128xf32>
    %mul3A_5 = arith.mulf %get3A_4, %mul3A : vector<1264x128xf32>
    %get3A_6 = arith.constant 0 : index
    %get3A_7 = arith.constant 0 : index
    %get3A_8 = arith.constant 0 : index
    %get3A_9 = vector.load %arg3[%get3A_6, %get3A_7, %get3A_8] : memref<2x1264x128xf32, #tpu.memory_space<vmem>>, vector<1x1264x128xf32>
    %get3A_10 = vector.shape_cast %get3A_9 : vector<1x1264x128xf32> to vector<1264x128xf32>
    %get3A_11 = arith.constant 1 : index
    %get3A_12 = arith.constant 0 : index
    %get3A_13 = arith.constant 0 : index
    %get3A_14 = vector.load %arg3[%get3A_11, %get3A_12, %get3A_13] : memref<2x1264x128xf32, #tpu.memory_space<vmem>>, vector<1x1264x128xf32>
    %get3A_15 = vector.shape_cast %get3A_14 : vector<1x1264x128xf32> to vector<1264x128xf32>
    %add3A = arith.addf %get3A_10, %get3A_15 : vector<1264x128xf32>
    %mul3A_16 = vector.broadcast %get3A_1 : vector<1264x1xf32> to vector<1264x128xf32>
    %mul3A_17 = arith.mulf %add3A, %mul3A_16 : vector<1264x128xf32>
    %get3A_18 = arith.constant 0 : index
    %get3A_19 = arith.constant 0 : index
    %get3A_20 = vector.load %arg1[%get3A_18, %get3A_19] : memref<1264x128xf32, #tpu.memory_space<vmem>>, vector<1264x128xf32>
    %get3A_21 = arith.constant 0 : index
    %get3A_22 = arith.constant 0 : index
    %get3A_23 = vector.load %arg5[%get3A_21, %get3A_22] : memref<128x64xf32, #tpu.memory_space<vmem>>, vector<128x64xf32>
    %dot_general3A = arith.constant dense<0.000000e+00> : vector<1264x64xf32>
    %dot_general3A_24 = tpu.matmul %get3A_20, %get3A_23, %dot_general3A {dimension_numbers = #tpu.dot_dimension_numbers<[1], [0], [0], [1], [0, 0, 1, 1], [], []>, precision = #tpu.contract_precision<fp32>, transpose_lhs_hint = false} : vector<1264x128xf32>, vector<128x64xf32>, vector<1264x64xf32> -> vector<1264x64xf32>
    %get3A_25 = arith.constant 0 : index
    %get3A_26 = arith.constant 0 : index
    %get3A_27 = vector.load %arg6[%get3A_25, %get3A_26] : memref<128x64xf32, #tpu.memory_space<vmem>>, vector<128x64xf32>
    %dot_general3A_28 = arith.constant dense<0.000000e+00> : vector<1264x64xf32>
    %dot_general3A_29 = tpu.matmul %mul3A_5, %get3A_27, %dot_general3A_28 {dimension_numbers = #tpu.dot_dimension_numbers<[1], [0], [0], [1], [0, 0, 1, 1], [], []>, precision = #tpu.contract_precision<fp32>, transpose_lhs_hint = false} : vector<1264x128xf32>, vector<128x64xf32>, vector<1264x64xf32> -> vector<1264x64xf32>
    %add3A_30 = arith.addf %dot_general3A_24, %dot_general3A_29 : vector<1264x64xf32>
    %get3A_31 = arith.constant 0 : index
    %get3A_32 = arith.constant 0 : index
    %get3A_33 = vector.load %arg7[%get3A_31, %get3A_32] : memref<128x64xf32, #tpu.memory_space<vmem>>, vector<128x64xf32>
    %dot_general3A_34 = arith.constant dense<0.000000e+00> : vector<1264x64xf32>
    %dot_general3A_35 = tpu.matmul %mul3A_17, %get3A_33, %dot_general3A_34 {dimension_numbers = #tpu.dot_dimension_numbers<[1], [0], [0], [1], [0, 0, 1, 1], [], []>, precision = #tpu.contract_precision<fp32>, transpose_lhs_hint = false} : vector<1264x128xf32>, vector<128x64xf32>, vector<1264x64xf32> -> vector<1264x64xf32>
    %add3A_36 = arith.addf %add3A_30, %dot_general3A_35 : vector<1264x64xf32>
    %get3A_37 = arith.constant 0 : index
    %get3A_38 = arith.constant 0 : index
    %get3A_39 = vector.load %arg8[%get3A_37, %get3A_38] : memref<1x64xf32, #tpu.memory_space<vmem>>, vector<1x64xf32>
    %add3A_40 = vector.broadcast %get3A_39 : vector<1x64xf32> to vector<1264x64xf32>
    %add3A_41 = arith.addf %add3A_36, %add3A_40 : vector<1264x64xf32>
    %swap3A = arith.constant 0 : index
    %swap3A_42 = arith.constant 0 : index
    %swap3A_43 = vector.load %arg9[%swap3A, %swap3A_42] : memref<1264x64xf32, #tpu.memory_space<vmem>>, vector<1264x64xf32>
    tpu.vector_store %arg9[%swap3A, %swap3A_42], %add3A_41 {strides = array<i32>} : memref<1264x64xf32, #tpu.memory_space<vmem>>, vector<1264x64xf32>,
    return
  }
  func.func @transform_0(%arg0: i32) -> (i32, i32) {
    %c0_i32 = arith.constant 0 : i32
    %c0_i32_0 = arith.constant 0 : i32
    return %arg0, %c0_i32 : i32, i32
  }
  func.func @transform_1(%arg0: i32) -> (i32, i32) {
    %c0_i32 = arith.constant 0 : i32
    %c0_i32_0 = arith.constant 0 : i32
    return %arg0, %c0_i32 : i32, i32
  }
  func.func @transform_2(%arg0: i32) -> (i32, i32, i32) {
    %c0_i32 = arith.constant 0 : i32
    %c0_i32_0 = arith.constant 0 : i32
    %c0_i32_1 = arith.constant 0 : i32
    return %c0_i32, %arg0, %c0_i32_0 : i32, i32, i32
  }
  func.func @transform_3(%arg0: i32) -> (i32, i32) {
    %c0_i32 = arith.constant 0 : i32
    %c0_i32_0 = arith.constant 0 : i32
    return %arg0, %c0_i32 : i32, i32
  }
  func.func @transform_4(%arg0: i32) -> (i32, i32) {
    %c0_i32 = arith.constant 0 : i32
    %c0_i32_0 = arith.constant 0 : i32
    %c0_i32_1 = arith.constant 0 : i32
    return %c0_i32, %c0_i32_0 : i32, i32
  }
  func.func @transform_5(%arg0: i32) -> (i32, i32) {
    %c0_i32 = arith.constant 0 : i32
    %c0_i32_0 = arith.constant 0 : i32
    %c0_i32_1 = arith.constant 0 : i32
    return %c0_i32, %c0_i32_0 : i32, i32
  }
  func.func @transform_6(%arg0: i32) -> (i32, i32) {
    %c0_i32 = arith.constant 0 : i32
    %c0_i32_0 = arith.constant 0 : i32
    %c0_i32_1 = arith.constant 0 : i32
    return %c0_i32, %c0_i32_0 : i32, i32
  }
  func.func @transform_7(%arg0: i32) -> (i32, i32) {
    %c0_i32 = arith.constant 0 : i32
    %c0_i32_0 = arith.constant 0 : i32
    %c0_i32_1 = arith.constant 0 : i32
    return %c0_i32, %c0_i32_0 : i32, i32
  }
  func.func @transform_8(%arg0: i32) -> (i32, i32) {
    %c0_i32 = arith.constant 0 : i32
    %c0_i32_0 = arith.constant 0 : i32
    return %arg0, %c0_i32 : i32, i32
  }
}

</mosaic_0001>

<sc_bundles>
// kernel: kernel.16.cloned.1.call-start
scs
__scs_entry_jumppad:
0x0: {  	(pc) =	sbr.rel $0x88, $3  }
0x1: {  	(tag) =	ssettag $0x0;
	lr =	simm.s32 $0x1  }
0x2: {  	[smem:$0x3F99] =	sst lr;
	_ =	strace $0xD0000000  }
0x3: {  	_ = 	snop  }
0x4: {  	_ = 	snop  }
0x5: {  	_ = 	snop  }
0x6: {  	_ = 	snop  }
0x7: {  	_ = 	snop  }
__scs_overlays_trampoline_lowered:
0x8: {  	[smem:$0x3FA8] =	sst s0  }
0x9: {  	[smem:$0x3FA9] =	sst s1  }
0xa: {  	[smem:$0x3FAA] =	sst s2  }
0xb: {  	[smem:$0x3FAB] =	sst s3  }
0xc: {  	[smem:$0x3FAC] =	sst s4  }
0xd: {  	[smem:$0x3FAD] =	sst s5  }
0xe: {  	[smem:$0x3FAE] =	sst s6  }
0xf: {  	[smem:$0x3FAF] =	sst s7  }
0x10: {  	[smem:$0x3FB0] =	sst s8  }
0x11: {  	[smem:$0x3FB1] =	sst s9;
	s0 =	simm.s32 @!p0 $0x0  }
0x12: {  	s1 =	sld [smem:$0x3F97];
	s0 =	simm.s32 @p0 $0x1  }
0x13: {  	[smem:$0x3FB2] =	sst s0;
	s0 =	simm.s32 @!p1 $0x0  }
0x14: {  	s2 =	sld [smem:$0x3F96];
	s0 =	simm.s32 @p1 $0x1  }
0x15: {  	[smem:$0x3FB3] =	sst s0;
	s0 =	simm.s32 @!p2 $0x0  }
0x16: {  	s3 =	sld [smem:$0x3FDB];
	s0 =	simm.s32 @p2 $0x1  }
0x17: {  	s4 =	simm.s32 $0x1BF5;
	[smem:$0x3FB5] =	sst s0  }
0x18: {  	s0 =	sld [smem:$0x3F98];
	_ =	swait.ge [sflag:s4], $0x0  }
0x19: {  	s7 =	sld [smem:$0x3F99]  }
0x1a: {  	s8 =	sadd.s32 $0xFFFFE003, lr  }
0x1b: {  	s9 =	sadd.s32 $0xFFFFFEF7, lr;
	s5 =	simm.s32 $0xFFFFFFFF;
	p2 =	slt.u32 s8, $0xFFFFF086  }
0x1c: {  	p1 =	slt.u32 s9, $0xF7A;
	s5 =	simm.s32 @!p2 $0x0  }
0x1d: {  	s5 =	simm.s32 @p1 $0x1;
	p0 =	seq.s32 s7, s2  }
0x1e: {  	s7 =	smul.u32 @!p0 $0xF7A, s2;
	p2 =	seq.s32 @!p0 s5, $0x0  }
0x1f: {  	s9 =	smul.u32 $0xF7A, s1;
	s8 =	simm.s32 @!p0 $0x1BF5;
	p2 =	por !p2, p0  }
0x20: {  	[sflag:s8] =	ssyncset.s32 @!p0 $0xFFFFF086;
	s6 =	sadd.s32 @!p0 s3, s7;
	s7 =	simm.s32 @!p0 $0x108  }
0x21: {  	s3 =	sadd.s32 s3, s9;
	s6 =	sadd.s32 @!p0 $0x88, s6;
	s7 =	simm.s32 @p2 $0x1082  }
0x22: {  	[simem:s7], [sflag:s8] =	dma.local @!p0 [hbm:s6], $0xF7A  }
0x23: {  	s9 =	sor.u32 $0xD0000000, s2;
	s6 =	simm.s32 $0x108;
	_ =	swait.ge @!p0 [sflag:s8], $0x0  }
0x24: {  	s3 =	sadd.s32 $0x88, s3;
	s6 =	simm.s32 @!p1 $0x1082;
	[sflag:s4] =	ssyncset.s32 $0xFFFFF086  }
0x25: {  	[simem:s6], [sflag:s4] =	dma.local [hbm:s3], $0xF7A  }
0x26: {  	[smem:$0x3F99] =	sst s1;
	(tag) =	ssettag s2;
	_ =	strace s9  }
0x27: {  	s1 =	sld [smem:$0x3FA9]  }
0x28: {  	s2 =	sld [smem:$0x3FAA]  }
0x29: {  	s4 =	sld [smem:$0x3FAC]  }
0x2a: {  	p0 =	seq.s32 s5, $0x0;
	s5 =	sld [smem:$0x3FAD]  }
0x2b: {  	s6 =	sld [smem:$0x3FAE]  }
0x2c: {  	s7 =	sld [smem:$0x3FAF]  }
0x2d: {  	s3 =	simm.s32 $0x108;
	s8 =	sld [smem:$0x3FB0]  }
0x2e: {  	s3 =	simm.s32 @!p0 $0x1082;
	s9 =	sld [smem:$0x3FB1]  }
0x2f: {  	lr =	sadd.s32 s0, s3;
	s0 =	sld [smem:$0x3FA8]  }
0x30: {  	s3 =	sld [smem:$0x3FAB]  }
0x31: {  	[smem:$0x3FB4] =	sst s10  }
0x32: {  	s10 =	sld [smem:$0x3FB2];
	_ =	sdelay $0x3  }
0x33: {  	p0 =	seq.s32 s10, $0x1;
	s10 =	sld [smem:$0x3FB4];
	_ =	sdelay $0x3  }
0x34: {  	[smem:$0x3FB4] =	sst s10  }
0x35: {  	s10 =	sld [smem:$0x3FB3];
	_ =	sdelay $0x3  }
0x36: {  	p1 =	seq.s32 s10, $0x1;
	s10 =	sld [smem:$0x3FB4];
	_ =	sdelay $0x3  }
0x37: {  	[smem:$0x3FB4] =	sst s10  }
0x38: {  	s10 =	sld [smem:$0x3FB5]  }
0x39: {  	_ = 	snop;
	(pc) =	sbr.ind lr, $3  }
0x3a: {  	_ = 	snop  }
0x3b: {  	_ = 	snop  }
0x3c: {  	p2 =	seq.s32 s10, $0x1;
	s10 =	sld [smem:$0x3FB4]  }
0x3d: {  	_ =	shalt  }
0x3e: {  	_ =	shalt  }
0x3f: {  	_ =	shalt  }
0x40: {  	_ =	shalt  }
0x41: {  	_ =	shalt  }
0x42: {  	_ =	shalt  }
0x43: {  	_ =	shalt  }
0x44: {  	_ =	shalt  }
0x45: {  	_ =	shalt  }
0x46: {  	_ =	shalt  }
0x47: {  	_ =	shalt  }
0x48: {  	_ =	shalt  }
0x49: {  	_ =	shalt  }
0x4a: {  	_ =	shalt  }
0x4b: {  	_ =	shalt  }
0x4c: {  	_ =	shalt  }
0x4d: {  	_ =	shalt  }
0x4e: {  	_ =	shalt  }
0x4f: {  	_ =	shalt  }
0x50: {  	_ =	shalt  }
0x51: {  	_ =	shalt  }
0x52: {  	_ =	shalt  }
0x53: {  	_ =	shalt  }
0x54: {  	_ =	shalt  }
0x55: {  	_ =	shalt  }
0x56: {  	_ =	shalt  }
0x57: {  	_ =	shalt  }
0x58: {  	_ =	shalt  }
0x59: {  	_ =	shalt  }
0x5a: {  	_ =	shalt  }
0x5b: {  	_ =	shalt  }
0x5c: {  	_ =	shalt  }
0x5d: {  	_ =	shalt  }
0x5e: {  	_ =	shalt  }
0x5f: {  	_ =	shalt  }
0x60: {  	_ =	shalt  }
0x61: {  	_ =	shalt  }
0x62: {  	_ =	shalt  }
0x63: {  	_ =	shalt  }
0x64: {  	_ =	shalt  }
0x65: {  	_ =	shalt  }
0x66: {  	_ =	shalt  }
0x67: {  	_ =	shalt  }
0x68: {  	_ =	shalt  }
0x69: {  	_ =	shalt  }
0x6a: {  	_ =	shalt  }
0x6b: {  	_ =	shalt  }
0x6c: {  	_ =	shalt  }
0x6d: {  	_ =	shalt  }
0x6e: {  	_ =	shalt  }
0x6f: {  	_ =	shalt  }
0x70: {  	_ =	shalt  }
0x71: {  	_ =	shalt  }
0x72: {  	_ =	shalt  }
0x73: {  	_ =	shalt  }
0x74: {  	_ =	shalt  }
0x75: {  	_ =	shalt  }
0x76: {  	_ =	shalt  }
0x77: {  	_ =	shalt  }
0x78: {  	_ =	shalt  }
0x79: {  	_ =	shalt  }
0x7a: {  	_ =	shalt  }
0x7b: {  	_ =	shalt  }
0x7c: {  	_ =	shalt  }
0x7d: {  	_ =	shalt  }
0x7e: {  	_ =	shalt  }
0x7f: {  	_ =	shalt  }
0x80: {  	_ =	shalt  }
0x81: {  	_ =	shalt  }
0x82: {  	_ =	shalt  }
0x83: {  	_ =	shalt  }
0x84: {  	_ =	shalt  }
0x85: {  	_ =	shalt  }
0x86: {  	_ =	shalt  }
0x87: {  	_ =	shalt  }
.Lfunc_end0:
.L_simem_size_0:
called_computation_lowered:
.L_overlay_start_0:
0x88: {  	s2 =	sld [smem:$0x3FD9]  }
0x89: {  	s3 =	sld [smem:$0x3FFE];
	_ =	sdelay $0x1  }
0x8a: {  	s1 =	srdreg.scid  }
0x8b: {  	s0 =	sand.u32 $0x1, s1  }
0x8c: {  	s16 =	sshll.u32 s0, $0xA;
	s2 =	sadd.s32 s3, s2  }
0x8d: {  	s2 =	sadd.s32 s2, s16  }
0x8e: {  	[smem:$0x3FC0] =	sst s2  }
0x8f: {  	_ = 	snop  }
0x90: {  	(tm) =	ssettm $0x1  }
0x91: {  	s17 =	sld [smem:$0x3FFB];
	_ =	sdelay $0x3  }
0x92: {  	_ =	strace s17  }
0x93: {  	s2 =	sld [smem:$0x3FFC];
	_ =	sdelay $0x3  }
0x94: {  	_ =	strace s2  }
0x95: {  	s2 =	sld [smem:$0x3FFD];
	_ =	sdelay $0x3  }
0x96: {  	_ =	strace s2  }
0x97: {  	_ =	strace $0x8FFFFFFF  }
0x98: {  	s18 =	sld [smem:$0x3FDB];
	_ =	sdelay $0x1  }
0x99: {  	s19 =	simm.s32 $_scs_section_size  }
0x9a: {  	s4 =	simm.s32 $_size__tile_overlayer_lowered;
	s5 =	simm.s32 $_tile_overlayer_lowered  }
0x9b: {  	s22 =	simm.s32 $0x1BFF;
	s21 =	sshll.u32 s5, $0x1;
	s2 =	sadd.s32 s19, s18  }
0x9c: {  	s6 =	simm.s32 $0x0;
	s20 =	sshll.u32 s4, $0x1;
	s4 =	sadd.s32 s21, s2  }
0x9d: {  	[timem:s6], [sflag:s22] =	dma.local [hbm:s4], s20  }
0x9e: {  	_ =	swait.ge [sflag:s22], s20  }
0x9f: {  	s3 =	ssub.s32 $0x0, s20;
	[sflag:s22] =	ssyncset.done $0x0  }
0xa0: {  	[sflag:s22] =	ssyncadd.s32 s3;
	_ =	sdelay $0x1  }
0xa1: {  	s23 =	simm.s32 $0x1B8B  }
0xa2: {  	_ =	swait.ge [sflag:s23], $0x1  }
0xa3: {  	[sflag:s23] =	ssyncset.done $0x0  }
0xa4: {  	s25 =	simm.s32 $0x1B8E;
	s24 =	sld [smem:$0x3FFE];
	[sflag:s23] =	ssyncadd.s32 $0xFFFFFFFF  }
0xa5: {  	s26 =	simm.s32 $execute0_lowered;
	[smem:$0x3FD2] =	sst s25  }
0xa6: {  	s4 =	sshll.u32 s26, $0x1;
	_ =	strace $0x80000046;
	[dreg:$0x1] =	wrdreg $0xFFFFFFFF  }
0xa7: {  	s28 =	simm.s32 $_size_execute0_lowered;
	s2 =	sadd.s32 s2, s4;
	[dreg:$0x0] =	wrdreg $0x0  }
0xa8: {  	s4 =	sshll.u32 s28, $0x1;
	[dreg:$0x2] =	wrdreg s2  }
0xa9: {  	[dreg:$0x3] =	wrdreg s4  }
0xaa: {  	[dreg:$0x4] =	wrdreg $0xC0  }
0xab: {  	_ =	task [dreg:s6], $0x5FFFF  }
0xac: {  	[dreg:$0x1] =	wrdreg $0xFFFFFFFF  }
0xad: {  	[dreg:$0x0] =	wrdreg $0x60  }
0xae: {  	[dreg:$0x2] =	wrdreg s24  }
0xaf: {  	[dreg:$0x3] =	wrdreg $0x54000  }
0xb0: {  	[dreg:$0x4] =	wrdreg $0x9  }
0xb1: {  	_ =	task.clear_ibuf [dreg:s6], $0x5FFFF;
	_ =	strace $0x90000046  }
0xb2: {  	s29 =	simm.s32 $0x9;
	_ =	strace $0x80000048  }
0xb3: {  	_ =	swait.ge [sflag:s29], $0x1  }
0xb4: {  	[sflag:s29] =	ssyncadd.s32 $0xFFFFFFFF  }
0xb5: {  	_ =	strace $0x90000048  }
0xb6: {  	_ =	sfence  }
0xb7: {  	s30 =	sld [smem:$0x0];
	_ =	sdelay $0x2  }
0xb8: {  	s31 =	sshll.u32 s1, $0xD;
	s1 =	sshrl.u32 s1, $0x2  }
0xb9: {  	s3 =	sand.u32 $0x4000, s31;
	s1 =	sadd.s32 s1, s30  }
0xba: {  	s0 =	sor.u32 s3, s0;
	s1 =	sshll.u32 s1, $0x11  }
0xbb: {  	s0 =	sor.u32 s1, s0  }
0xbc: {  	s0 =	sadd.s32 $0x8F2B, s0  }
0xbd: {  	[sflag:s0] =	ssyncadd.remote.s32 $0x1  }
0xbe: {  	_ =	sfence.sel $0xFFFF  }
0xbf: {  	[dreg:$0x0] =	wrdreg $0xFFFFFFFF;
	(pc) =	sbr.abs _section_cstart, $3  }
0xc0: {  	[dreg:$0x1] =	wrdreg $0xFFFFFFFF  }
0xc1: {  	_ =	task.clear_ibuf [dreg:s6], $0x2FFFF;
	_ =	strace $0x9FFFFFFF  }
0xc2: {  	(tm) =	ssettm $0x7FFFFFFF  }
0xc3: {  	_ =	shalt  }
tec
execute0_lowered:
.L_overlay_start_1:
0x0: {  	(tag) =	ssettag $0x1  }
0x1: {  	s7 =	rddreg [dreg:$0x0]  }
0x2: {  	s0 =	srdreg.scid;
	s2 =	rddreg [dreg:$0x1]  }
0x3: {  	s3 =	simm.s32 $0x0;
	s6 =	sand.u32 $0x1, s0;
	s0 =	stileid.u32  }
0x4: {  	s12 =	simm.s32 $0x80;
	[smem:$0x7FF] =	sst s3;
	s8 =	smul.u32 $0x27800, s6  }
0x5: {  	s5 =	sadd.s32 $0x10000, s7;
	s1 =	sshll.u32 s6, $0x4;
	s10 =	smul.u32 $0x4F000, s0  }
0x6: {  	s6 =	ssub.s32 $0x2, s6;
	s15 =	smul.u32 $0x2780, s0;
	s4 =	sor.u32 s0, s1  }
0x7: {  	s31 =	sshll.u32 s0, $0x6;
	s1 =	rddreg [dreg:$0x2];
	s4 =	smul.u32 $0x500, s4  }
0x8: {  	_ =	strace $0x80000047;
	s30 =	sshrl.u32 s6, $0x1;
	s10 =	sshrl.u32 s10, $0x2  }
0x9: {  	s11 =	sadd.s32 s10, s2;
	s10 =	sor.u32 $0x1C01, s31;
	s9 =	sadd.s32 s4, s7  }
0xa: {  	s4 =	sadd.s32 $0x12800, s7;
	s7 =	sadd.s32 s8, s7;
	s8 =	ssub.s32 s6, s30  }
0xb: {  	s11 =	sshrl.u32 s11, $0x3;
	s6 =	sadd.s32 $0x6000, s9;
	s14 =	sadd.s32 $0x13000, s7  }
0xc: {  	s7 =	smax.u32 s8, $0x1;
	s8 =	simm.s32 $0x1400;
	s9 =	simm.s32 $0x1  }
0xd: {  	s13 =	sadd.s32 $0x280, s6;
	s14 =	sadd.s32 s15, s14;
	s15 =	simm.s32 $0x0  }
.LBB2_1:
0xe: {  	[tilespmem:s8], [sflag:$0x1] =	stream.linear.gather [hbm4b:s4+s3], $0x4000, $0x38;
	[tilespmem:$0x19000] =	vst v63  }
0xf: {  	_ =	swait.ge [sflag:s9], $0x4000  }
0x10: {  	[sflag:s9] =	ssyncset.done $0x0  }
0x11: {  	[sflag:s9] =	ssyncadd.s32 $0xFFFFC000  }
0x12: {  	[spmem:s11], [sflag:s10] =	dma.local [hbm:s5], $0x2780  }
0x13: {  	_ =	swait.ge [sflag:s9], $0x2780  }
0x14: {  	[sflag:s9] =	ssyncset.done $0x0  }
0x15: {  	[sflag:s9] =	ssyncadd.s32 $0xFFFFD880  }
0x16: {  	[bflag:$0x0] =	sbarrier.arrive $0xFFFF  }
0x17: {  	[tilespmem:s3], [sflag:$0x1] =	stream.linear.gather [hbm4b:s6+s3], $0x1400, $0x38;
	[tilespmem:$0x19000] =	vst v63  }
0x18: {  	_ =	swait.ge [sflag:s9], $0x1400  }
0x19: {  	[sflag:s9] =	ssyncset.done $0x0  }
0x1a: {  	s16 =	simm.s32 $0x0;
	[sflag:s9] =	ssyncadd.s32 $0xFFFFEC00  }
0x1b: {  	[spmem:s2] =	stream.indirect.scatter.add.f32 [tilespmem:s8], [sflag:$0x1], $0x80, s16, s12, $0xb8;
	[tilespmem:$0x19000] =	vst v63  }
0x1c: {  	_ =	swait.ge [sflag:s9], $0x4000  }
0x1d: {  	s16 =	simm.s32 $0x200;
	[sflag:s9] =	ssyncset.done $0x0  }
.LBB2_2:
0x1e: {  	s17 =	sshra.s32 s16, $0x2;
	[sflag:s9] =	ssyncadd.s32 $0xFFFFC000;
	p0 =	sne.s32 s16, $0x4E00  }
0x1f: {  	[spmem:s2] =	stream.indirect.scatter.add.f32 [tilespmem:s8], [sflag:$0x1], $0x80, s17, s12, $0xb8;
	[tilespmem:$0x19000] =	vst v63  }
.Ltmp0:
0x20: {  	_ = 	snop;
	(pc) =	sbr.rel @p0 .LBB2_2-.Ltmp0, $4  }
0x21: {  	_ = 	snop  }
0x22: {  	s16 =	sadd.s32 $0x200, s16  }
0x23: {  	_ =	swait.ge [sflag:s9], $0x4000  }
0x24: {  	[sflag:s9] =	ssyncset.done $0x0  }
0x25: {  	[sflag:s9] =	ssyncadd.s32 $0xFFFFC000;
	s16 =	simm.s32 $0x0  }
0x26: {  	[tilespmem:s16], [sflag:$0x1] =	stream.linear.gather [hbm4b:s13+s16], $0x1400, $0x38;
	[tilespmem:$0x19000] =	vst v63  }
0x27: {  	_ =	swait.ge [sflag:s9], $0x1400  }
0x28: {  	[sflag:s9] =	ssyncset.done $0x0  }
0x29: {  	s31 =	simm.s32 $0x0;
	[sflag:s9] =	ssyncadd.s32 $0xFFFFEC00  }
0x2a: {  	[spmem:s2] =	stream.indirect.scatter.add.f32 [tilespmem:s8], [sflag:$0x1], $0x80, s31, s12, $0xb8;
	[tilespmem:$0x19000] =	vst v63  }
0x2b: {  	_ =	swait.ge [sflag:s9], $0x4000  }
0x2c: {  	s16 =	simm.s32 $0x200;
	[sflag:s9] =	ssyncset.done $0x0  }
.LBB2_4:
0x2d: {  	s17 =	sshra.s32 s16, $0x2;
	[sflag:s9] =	ssyncadd.s32 $0xFFFFC000;
	p0 =	sne.s32 s16, $0x4E00  }
0x2e: {  	[spmem:s2] =	stream.indirect.scatter.add.f32 [tilespmem:s8], [sflag:$0x1], $0x80, s17, s12, $0xb8;
	[tilespmem:$0x19000] =	vst v63  }
.Ltmp1:
0x2f: {  	_ = 	snop;
	(pc) =	sbr.rel @p0 .LBB2_4-.Ltmp1, $4  }
0x30: {  	_ = 	snop  }
0x31: {  	s16 =	sadd.s32 $0x200, s16  }
0x32: {  	_ =	swait.ge [sflag:s9], $0x4000  }
0x33: {  	[sflag:s9] =	ssyncset.done $0x0  }
0x34: {  	s15 =	sadd.s32 $0x1, s15  }
0x35: {  	[sflag:s9] =	ssyncadd.s32 $0xFFFFC000;
	p0 =	sne.s32 s15, s7  }
.Ltmp2:
0x36: {  	[bflag:$0x0] =	sbarrier.arrive $0xFFFF;
	(pc) =	sbr.rel @p0 .LBB2_1-.Ltmp2, $4  }
0x37: {  	[hbm:s14], [sflag:s10] =	dma.local [spmem:s11], $0x2780  }
0x38: {  	_ =	swait.ge [sflag:s9], $0x2780  }
0x39: {  	[sflag:s9] =	ssyncset.done $0x0  }
0x3a: {  	[sflag:s9] =	ssyncadd.s32 $0xFFFFD880  }
0x3b: {  	_ =	sfence.sel $0x180000  }
0x3c: {  	[bflag:$0x0] =	sbarrier.arrive $0xFFFF  }
0x3d: {  	p0 =	sne.s32 s0, $0x0;
	_ =	strace $0x90000047  }
0x3e: {  	s0 =	sadd.s32 @!p0 $0x100000, s1;
	[bflag:$0x2] =	sbarrier.arrive $0xFFFF  }
0x3f: {  	[sflag:s0] =	ssyncadd.tile.s32 @!p0 $0x1;
	_ =	shalt  }
.Lfunc_end2:
_tile_overlayer_lowered:
.L_overlay_start_2:
0x40: {  	(tag) =	ssettag $0x2  }
0x41: {  	s0 =	rddreg [dreg:$0x0];
	s2 =	stileid.u32  }
0x42: {  	s1 =	rddreg [dreg:$0x1];
	p0 =	sne.s32 s2, $0x0  }
0x43: {  	s3 =	rddreg [dreg:$0x2];
	[bflag:$0x3] =	sbarrier.arrive $0xFFFF;
	s2 =	simm.s32 @!p0 $0x1C01  }
0x44: {  	[timem:s3], [sflag:s2] =	dma.local @!p0 [hbm:s0], s1  }
0x45: {  	s0 =	simm.s32 @!p0 $0x1  }
0x46: {  	_ =	swait.ge @!p0 [sflag:s0], s1  }
0x47: {  	s1 =	ssub.s32 @!p0 $0x0, s1;
	[sflag:s0] =	ssyncset.done @!p0 $0x0  }
0x48: {  	[sflag:s0] =	ssyncadd.s32 @!p0 s1  }
0x49: {  	[bflag:$0x3] =	sbarrier.arrive $0xFFFF  }
0x4a: {  	_ =	shalt  }

// kernel: kernel.19.cloned.1.call-start
scs
__scs_entry_jumppad:
0x0: {  	(pc) =	sbr.rel $0x88, $3  }
0x1: {  	(tag) =	ssettag $0x0;
	lr =	simm.s32 $0x1  }
0x2: {  	[smem:$0x3F99] =	sst lr;
	_ =	strace $0xD0000000  }
0x3: {  	_ = 	snop  }
0x4: {  	_ = 	snop  }
0x5: {  	_ = 	snop  }
0x6: {  	_ = 	snop  }
0x7: {  	_ = 	snop  }
__scs_overlays_trampoline_lowered:
0x8: {  	[smem:$0x3FA8] =	sst s0  }
0x9: {  	[smem:$0x3FA9] =	sst s1  }
0xa: {  	[smem:$0x3FAA] =	sst s2  }
0xb: {  	[smem:$0x3FAB] =	sst s3  }
0xc: {  	[smem:$0x3FAC] =	sst s4  }
0xd: {  	[smem:$0x3FAD] =	sst s5  }
0xe: {  	[smem:$0x3FAE] =	sst s6  }
0xf: {  	[smem:$0x3FAF] =	sst s7  }
0x10: {  	[smem:$0x3FB0] =	sst s8  }
0x11: {  	[smem:$0x3FB1] =	sst s9;
	s0 =	simm.s32 @!p0 $0x0  }
0x12: {  	s1 =	sld [smem:$0x3F97];
	s0 =	simm.s32 @p0 $0x1  }
0x13: {  	[smem:$0x3FB2] =	sst s0;
	s0 =	simm.s32 @!p1 $0x0  }
0x14: {  	s2 =	sld [smem:$0x3F96];
	s0 =	simm.s32 @p1 $0x1  }
0x15: {  	[smem:$0x3FB3] =	sst s0;
	s0 =	simm.s32 @!p2 $0x0  }
0x16: {  	s3 =	sld [smem:$0x3FDB];
	s0 =	simm.s32 @p2 $0x1  }
0x17: {  	s4 =	simm.s32 $0x1BF5;
	[smem:$0x3FB5] =	sst s0  }
0x18: {  	s0 =	sld [smem:$0x3F98];
	_ =	swait.ge [sflag:s4], $0x0  }
0x19: {  	s7 =	sld [smem:$0x3F99]  }
0x1a: {  	s8 =	sadd.s32 $0xFFFFE003, lr  }
0x1b: {  	s9 =	sadd.s32 $0xFFFFFEF7, lr;
	s5 =	simm.s32 $0xFFFFFFFF;
	p2 =	slt.u32 s8, $0xFFFFF086  }
0x1c: {  	p1 =	slt.u32 s9, $0xF7A;
	s5 =	simm.s32 @!p2 $0x0  }
0x1d: {  	s5 =	simm.s32 @p1 $0x1;
	p0 =	seq.s32 s7, s2  }
0x1e: {  	s7 =	smul.u32 @!p0 $0xF7A, s2;
	p2 =	seq.s32 @!p0 s5, $0x0  }
0x1f: {  	s9 =	smul.u32 $0xF7A, s1;
	s8 =	simm.s32 @!p0 $0x1BF5;
	p2 =	por !p2, p0  }
0x20: {  	[sflag:s8] =	ssyncset.s32 @!p0 $0xFFFFF086;
	s6 =	sadd.s32 @!p0 s3, s7;
	s7 =	simm.s32 @!p0 $0x108  }
0x21: {  	s3 =	sadd.s32 s3, s9;
	s6 =	sadd.s32 @!p0 $0x88, s6;
	s7 =	simm.s32 @p2 $0x1082  }
0x22: {  	[simem:s7], [sflag:s8] =	dma.local @!p0 [hbm:s6], $0xF7A  }
0x23: {  	s9 =	sor.u32 $0xD0000000, s2;
	s6 =	simm.s32 $0x108;
	_ =	swait.ge @!p0 [sflag:s8], $0x0  }
0x24: {  	s3 =	sadd.s32 $0x88, s3;
	s6 =	simm.s32 @!p1 $0x1082;
	[sflag:s4] =	ssyncset.s32 $0xFFFFF086  }
0x25: {  	[simem:s6], [sflag:s4] =	dma.local [hbm:s3], $0xF7A  }
0x26: {  	[smem:$0x3F99] =	sst s1;
	(tag) =	ssettag s2;
	_ =	strace s9  }
0x27: {  	s1 =	sld [smem:$0x3FA9]  }
0x28: {  	s2 =	sld [smem:$0x3FAA]  }
0x29: {  	s4 =	sld [smem:$0x3FAC]  }
0x2a: {  	p0 =	seq.s32 s5, $0x0;
	s5 =	sld [smem:$0x3FAD]  }
0x2b: {  	s6 =	sld [smem:$0x3FAE]  }
0x2c: {  	s7 =	sld [smem:$0x3FAF]  }
0x2d: {  	s3 =	simm.s32 $0x108;
	s8 =	sld [smem:$0x3FB0]  }
0x2e: {  	s3 =	simm.s32 @!p0 $0x1082;
	s9 =	sld [smem:$0x3FB1]  }
0x2f: {  	lr =	sadd.s32 s0, s3;
	s0 =	sld [smem:$0x3FA8]  }
0x30: {  	s3 =	sld [smem:$0x3FAB]  }
0x31: {  	[smem:$0x3FB4] =	sst s10  }
0x32: {  	s10 =	sld [smem:$0x3FB2];
	_ =	sdelay $0x3  }
0x33: {  	p0 =	seq.s32 s10, $0x1;
	s10 =	sld [smem:$0x3FB4];
	_ =	sdelay $0x3  }
0x34: {  	[smem:$0x3FB4] =	sst s10  }
0x35: {  	s10 =	sld [smem:$0x3FB3];
	_ =	sdelay $0x3  }
0x36: {  	p1 =	seq.s32 s10, $0x1;
	s10 =	sld [smem:$0x3FB4];
	_ =	sdelay $0x3  }
0x37: {  	[smem:$0x3FB4] =	sst s10  }
0x38: {  	s10 =	sld [smem:$0x3FB5]  }
0x39: {  	_ = 	snop;
	(pc) =	sbr.ind lr, $3  }
0x3a: {  	_ = 	snop  }
0x3b: {  	_ = 	snop  }
0x3c: {  	p2 =	seq.s32 s10, $0x1;
	s10 =	sld [smem:$0x3FB4]  }
0x3d: {  	_ =	shalt  }
0x3e: {  	_ =	shalt  }
0x3f: {  	_ =	shalt  }
0x40: {  	_ =	shalt  }
0x41: {  	_ =	shalt  }
0x42: {  	_ =	shalt  }
0x43: {  	_ =	shalt  }
0x44: {  	_ =	shalt  }
0x45: {  	_ =	shalt  }
0x46: {  	_ =	shalt  }
0x47: {  	_ =	shalt  }
0x48: {  	_ =	shalt  }
0x49: {  	_ =	shalt  }
0x4a: {  	_ =	shalt  }
0x4b: {  	_ =	shalt  }
0x4c: {  	_ =	shalt  }
0x4d: {  	_ =	shalt  }
0x4e: {  	_ =	shalt  }
0x4f: {  	_ =	shalt  }
0x50: {  	_ =	shalt  }
0x51: {  	_ =	shalt  }
0x52: {  	_ =	shalt  }
0x53: {  	_ =	shalt  }
0x54: {  	_ =	shalt  }
0x55: {  	_ =	shalt  }
0x56: {  	_ =	shalt  }
0x57: {  	_ =	shalt  }
0x58: {  	_ =	shalt  }
0x59: {  	_ =	shalt  }
0x5a: {  	_ =	shalt  }
0x5b: {  	_ =	shalt  }
0x5c: {  	_ =	shalt  }
0x5d: {  	_ =	shalt  }
0x5e: {  	_ =	shalt  }
0x5f: {  	_ =	shalt  }
0x60: {  	_ =	shalt  }
0x61: {  	_ =	shalt  }
0x62: {  	_ =	shalt  }
0x63: {  	_ =	shalt  }
0x64: {  	_ =	shalt  }
0x65: {  	_ =	shalt  }
0x66: {  	_ =	shalt  }
0x67: {  	_ =	shalt  }
0x68: {  	_ =	shalt  }
0x69: {  	_ =	shalt  }
0x6a: {  	_ =	shalt  }
0x6b: {  	_ =	shalt  }
0x6c: {  	_ =	shalt  }
0x6d: {  	_ =	shalt  }
0x6e: {  	_ =	shalt  }
0x6f: {  	_ =	shalt  }
0x70: {  	_ =	shalt  }
0x71: {  	_ =	shalt  }
0x72: {  	_ =	shalt  }
0x73: {  	_ =	shalt  }
0x74: {  	_ =	shalt  }
0x75: {  	_ =	shalt  }
0x76: {  	_ =	shalt  }
0x77: {  	_ =	shalt  }
0x78: {  	_ =	shalt  }
0x79: {  	_ =	shalt  }
0x7a: {  	_ =	shalt  }
0x7b: {  	_ =	shalt  }
0x7c: {  	_ =	shalt  }
0x7d: {  	_ =	shalt  }
0x7e: {  	_ =	shalt  }
0x7f: {  	_ =	shalt  }
0x80: {  	_ =	shalt  }
0x81: {  	_ =	shalt  }
0x82: {  	_ =	shalt  }
0x83: {  	_ =	shalt  }
0x84: {  	_ =	shalt  }
0x85: {  	_ =	shalt  }
0x86: {  	_ =	shalt  }
0x87: {  	_ =	shalt  }
.Lfunc_end0:
.L_simem_size_0:
called_computation.1_lowered:
.L_overlay_start_0:
0x88: {  	s2 =	sld [smem:$0x3FD9]  }
0x89: {  	s3 =	sld [smem:$0x3FFE];
	_ =	sdelay $0x1  }
0x8a: {  	s1 =	srdreg.scid  }
0x8b: {  	s0 =	sand.u32 $0x1, s1  }
0x8c: {  	s17 =	sshll.u32 s0, $0xA;
	s2 =	sadd.s32 s3, s2  }
0x8d: {  	s2 =	sadd.s32 s2, s17  }
0x8e: {  	[smem:$0x3FC0] =	sst s2  }
0x8f: {  	_ = 	snop  }
0x90: {  	s2 =	sld [smem:$0x3FD0];
	(tm) =	ssettm $0x1  }
0x91: {  	s18 =	sld [smem:$0x3FFB];
	_ =	sdelay $0x3  }
0x92: {  	_ =	strace s18  }
0x93: {  	s3 =	sld [smem:$0x3FFC];
	_ =	sdelay $0x3  }
0x94: {  	_ =	strace s3  }
0x95: {  	s3 =	sld [smem:$0x3FFD];
	_ =	sdelay $0x3  }
0x96: {  	_ =	strace s3  }
0x97: {  	_ =	strace $0x8FFFFFFF  }
0x98: {  	s19 =	sld [smem:$0x3FDB];
	_ =	sdelay $0x1  }
0x99: {  	s4 =	simm.s32 $_scs_section_size  }
0x9a: {  	s5 =	simm.s32 $_size__tile_overlayer_lowered;
	s6 =	simm.s32 $_tile_overlayer_lowered  }
0x9b: {  	s22 =	simm.s32 $0x1BFF;
	s21 =	sshll.u32 s6, $0x1;
	s3 =	sadd.s32 s4, s19  }
0x9c: {  	s7 =	simm.s32 $0x0;
	s20 =	sshll.u32 s5, $0x1;
	s5 =	sadd.s32 s21, s3  }
0x9d: {  	[timem:s7], [sflag:s22] =	dma.local [hbm:s5], s20  }
0x9e: {  	_ =	swait.ge [sflag:s22], s20  }
0x9f: {  	s4 =	ssub.s32 $0x0, s20;
	[sflag:s22] =	ssyncset.done $0x0  }
0xa0: {  	[sflag:s22] =	ssyncadd.s32 s4;
	_ =	sdelay $0x1  }
0xa1: {  	s23 =	simm.s32 $0x1B8B  }
0xa2: {  	_ =	swait.ge [sflag:s23], $0x1  }
0xa3: {  	[sflag:s23] =	ssyncset.done $0x0  }
0xa4: {  	s25 =	simm.s32 $0x1B8E;
	s24 =	sld [smem:$0x3FFE];
	[sflag:s23] =	ssyncadd.s32 $0xFFFFFFFF  }
0xa5: {  	s26 =	simm.s32 $execute0_lowered;
	[smem:$0x3FD2] =	sst s25  }
0xa6: {  	s5 =	sshll.u32 s26, $0x1;
	_ =	strace $0x80000049;
	[dreg:$0x1] =	wrdreg $0xFFFFFFFF  }
0xa7: {  	s28 =	simm.s32 $_size_execute0_lowered;
	s3 =	sadd.s32 s3, s5;
	[dreg:$0x0] =	wrdreg $0x0  }
0xa8: {  	s5 =	sshll.u32 s28, $0x1;
	[dreg:$0x2] =	wrdreg s3  }
0xa9: {  	[dreg:$0x3] =	wrdreg s5  }
0xaa: {  	[dreg:$0x4] =	wrdreg $0xC0  }
0xab: {  	_ =	task [dreg:s7], $0x5FFFF  }
0xac: {  	[dreg:$0x1] =	wrdreg $0xFFFFFFFF  }
0xad: {  	[dreg:$0x0] =	wrdreg $0x60  }
0xae: {  	[dreg:$0x2] =	wrdreg s24  }
0xaf: {  	[dreg:$0x3] =	wrdreg s2  }
0xb0: {  	[dreg:$0x4] =	wrdreg $0xA8000  }
0xb1: {  	[dreg:$0x5] =	wrdreg $0x9  }
0xb2: {  	_ =	task.clear_ibuf [dreg:s7], $0x6FFFF;
	_ =	strace $0x90000049  }
0xb3: {  	s29 =	simm.s32 $0x9;
	_ =	strace $0x8000004B  }
0xb4: {  	_ =	swait.ge [sflag:s29], $0x1  }
0xb5: {  	[sflag:s29] =	ssyncadd.s32 $0xFFFFFFFF  }
0xb6: {  	_ =	strace $0x9000004B  }
0xb7: {  	_ =	sfence  }
0xb8: {  	s30 =	sld [smem:$0x0];
	_ =	sdelay $0x2  }
0xb9: {  	s31 =	sshll.u32 s1, $0xD;
	s1 =	sshrl.u32 s1, $0x2  }
0xba: {  	s3 =	sand.u32 $0x4000, s31;
	s1 =	sadd.s32 s1, s30  }
0xbb: {  	s0 =	sor.u32 s3, s0;
	s1 =	sshll.u32 s1, $0x11  }
0xbc: {  	s0 =	sor.u32 s1, s0  }
0xbd: {  	s0 =	sadd.s32 $0x8F2B, s0  }
0xbe: {  	[sflag:s0] =	ssyncadd.remote.s32 $0x1  }
0xbf: {  	_ =	sfence.sel $0xFFFF  }
0xc0: {  	[dreg:$0x0] =	wrdreg $0xFFFFFFFF;
	(pc) =	sbr.abs _section_cstart, $3  }
0xc1: {  	[dreg:$0x1] =	wrdreg $0xFFFFFFFF  }
0xc2: {  	_ =	task.clear_ibuf [dreg:s7], $0x2FFFF;
	_ =	strace $0x9FFFFFFF  }
0xc3: {  	(tm) =	ssettm $0x7FFFFFFF  }
tec
execute0_lowered:
.L_overlay_start_1:
0x0: {  	(tag) =	ssettag $0x1  }
0x1: {  	s6 =	rddreg [dreg:$0x0]  }
0x2: {  	s0 =	srdreg.scid;
	s7 =	rddreg [dreg:$0x1]  }
0x3: {  	s2 =	rddreg [dreg:$0x2];
	s1 =	stileid.u32  }
0x4: {  	s3 =	simm.s32 $0x0;
	s15 =	simm.s32 $0x2800;
	s16 =	simm.s32 $0x6800  }
0x5: {  	s17 =	simm.s32 $0x1;
	s8 =	sand.u32 $0x1, s0;
	s0 =	rddreg [dreg:$0x3]  }
0x6: {  	s18 =	simm.s32 $0x2;
	[smem:$0x7FF] =	sst s3;
	s11 =	smul.u32 $0x4F000, s1  }
0x7: {  	s31 =	sshll.u32 s1, $0x6;
	s21 =	smul.u32 $0x2780, s1;
	s4 =	sshll.u32 s8, $0x4  }
0x8: {  	_ =	strace $0x8000004A;
	s9 =	smul.u32 $0x27800, s8;
	s8 =	ssub.s32 $0x2, s8  }
0x9: {  	s4 =	sor.u32 s1, s4;
	s28 =	sshrl.u32 s8, $0x1;
	s29 =	sshrl.u32 s11, $0x2  }
0xa: {  	s5 =	smul.u32 $0x2800, s4;
	s4 =	sadd.s32 $0x12800, s6;
	s13 =	sadd.s32 s9, s6  }
0xb: {  	s30 =	ssub.s32 s8, s28;
	s14 =	sadd.s32 s29, s2;
	s20 =	sadd.s32 $0x61800, s13  }
0xc: {  	s11 =	sshrl.u32 s14, $0x3;
	s13 =	simm.s32 $0x1400;
	s14 =	simm.s32 $0x80  }
0xd: {  	s10 =	sshrl.u32 s5, $0x3;
	s5 =	sadd.s32 $0x10000, s6;
	s20 =	sadd.s32 s21, s20  }
0xe: {  	s21 =	simm.s32 $0x0;
	s12 =	sadd.s32 s10, s6;
	s6 =	sor.u32 $0x1C03, s31  }
0xf: {  	s7 =	sadd.s32 s7, s10;
	s10 =	smax.u32 s30, $0x1;
	s8 =	sadd.s32 $0x6000, s12  }
0x10: {  	s9 =	sadd.s32 $0x280, s7;
	s12 =	simm.s32 $0x3;
	s19 =	sadd.s32 $0x280, s8  }
.LBB2_1:
0x11: {  	[spmem:s11], [sflag:s6] =	dma.local [hbm:s5], $0x2780  }
0x12: {  	_ =	swait.ge [sflag:s12], $0x2780  }
0x13: {  	[sflag:s12] =	ssyncset.done $0x0  }
0x14: {  	[sflag:s12] =	ssyncadd.s32 $0xFFFFD880  }
0x15: {  	[bflag:$0x0] =	sbarrier.arrive $0xFFFF  }
0x16: {  	[tilespmem:s3], [sflag:$0x3] =	stream.linear.gather [hbm4b:s7+s3], $0x1400, $0x38;
	[tilespmem:$0x1E400] =	vst v63  }
0x17: {  	_ =	swait.ge [sflag:s12], $0x1400  }
0x18: {  	[sflag:s12] =	ssyncset.done $0x0  }
0x19: {  	[sflag:s12] =	ssyncadd.s32 $0xFFFFEC00  }
0x1a: {  	[tilespmem:s13], [sflag:$0x3] =	stream.linear.gather [hbm4b:s8+s3], $0x1400, $0x38;
	[tilespmem:$0x1E400] =	vst v63  }
0x1b: {  	_ =	swait.ge [sflag:s12], $0x1400  }
0x1c: {  	[sflag:s12] =	ssyncset.done $0x0  }
0x1d: {  	s22 =	simm.s32 $0x0;
	[sflag:s12] =	ssyncadd.s32 $0xFFFFEC00  }
0x1e: {  	[tilespmem:s15], [sflag:$0x1] =	stream.indirect.gather [hbm4b:s4+s14], $0x80, s22, s14, $0xb8;
	[tilespmem:$0x1E400] =	vst v63  }
0x1f: {  	s29 =	simm.s32 $0x80  }
0x20: {  	[tilespmem:s16], [sflag:$0x2] =	stream.indirect.gather [hbm4b:s4+s14], $0x80, s29, s14, $0xb8;
	[tilespmem:$0x1E400] =	vst v63  }
0x21: {  	_ =	swait.ge [sflag:s17], $0x4000  }
0x22: {  	[sflag:s17] =	ssyncset.done $0x0  }
0x23: {  	s30 =	simm.s32 $0x1400;
	[sflag:s17] =	ssyncadd.s32 $0xFFFFC000  }
0x24: {  	[spmem:s2] =	stream.indirect.scatter.add.f32 [tilespmem:s15], [sflag:$0x3], $0x80, s30, s14, $0xb8;
	[tilespmem:$0x1E400] =	vst v63  }
0x25: {  	_ =	swait.ge [sflag:s12], $0x4000  }
0x26: {  	[sflag:s12] =	ssyncset.done $0x0  }
0x27: {  	[sflag:s12] =	ssyncadd.s32 $0xFFFFC000  }
0x28: {  	_ =	swait.ge [sflag:s18], $0x4000  }
0x29: {  	[sflag:s18] =	ssyncset.done $0x0  }
0x2a: {  	s31 =	simm.s32 $0x1480;
	[sflag:s18] =	ssyncadd.s32 $0xFFFFC000  }
0x2b: {  	[spmem:s2] =	stream.indirect.scatter.add.f32 [tilespmem:s16], [sflag:$0x3], $0x80, s31, s14, $0xb8;
	[tilespmem:$0x1E400] =	vst v63  }
0x2c: {  	_ =	swait.ge [sflag:s12], $0x4000  }
0x2d: {  	s23 =	simm.s32 $0x800;
	s22 =	simm.s32 $0x400;
	[sflag:s12] =	ssyncset.done $0x0  }
.LBB2_2:
0x2e: {  	s24 =	sshra.s32 s22, $0x2  }
0x2f: {  	[sflag:s12] =	ssyncadd.s32 $0xFFFFC000;
	s22 =	smov.u32 s23;
	s25 =	sadd.s32 $0x400, s23  }
0x30: {  	[tilespmem:s15], [sflag:$0x1] =	stream.indirect.gather [hbm4b:s4+s14], $0x80, s24, s14, $0xb8;
	[tilespmem:$0x1E400] =	vst v63  }
0x31: {  	p0 =	sne.s32 s23, $0x4C00;
	s23 =	sadd.s32 $0x80, s24  }
0x32: {  	[tilespmem:s16], [sflag:$0x2] =	stream.indirect.gather [hbm4b:s4+s14], $0x80, s23, s14, $0xb8;
	[tilespmem:$0x1E400] =	vst v63  }
0x33: {  	_ =	swait.ge [sflag:s17], $0x4000  }
0x34: {  	[sflag:s17] =	ssyncset.done $0x0  }
0x35: {  	s23 =	sadd.s32 $0x1400, s24;
	[sflag:s17] =	ssyncadd.s32 $0xFFFFC000  }
0x36: {  	[spmem:s2] =	stream.indirect.scatter.add.f32 [tilespmem:s15], [sflag:$0x3], $0x80, s23, s14, $0xb8;
	[tilespmem:$0x1E400] =	vst v63  }
0x37: {  	_ =	swait.ge [sflag:s12], $0x4000  }
0x38: {  	[sflag:s12] =	ssyncset.done $0x0  }
0x39: {  	[sflag:s12] =	ssyncadd.s32 $0xFFFFC000  }
0x3a: {  	_ =	swait.ge [sflag:s18], $0x4000  }
.Ltmp0:
0x3b: {  	[sflag:s18] =	ssyncset.done $0x0;
	(pc) =	sbr.rel @p0 .LBB2_2-.Ltmp0, $4  }
0x3c: {  	s23 =	sadd.s32 $0x1480, s24;
	[sflag:s18] =	ssyncadd.s32 $0xFFFFC000  }
0x3d: {  	[spmem:s2] =	stream.indirect.scatter.add.f32 [tilespmem:s16], [sflag:$0x3], $0x80, s23, s14, $0xb8;
	[tilespmem:$0x1E400] =	vst v63  }
0x3e: {  	_ =	swait.ge [sflag:s12], $0x4000  }
0x3f: {  	s23 =	smov.u32 s25;
	[sflag:s12] =	ssyncset.done $0x0  }
0x40: {  	s22 =	sshra.s32 s22, $0x2;
	[sflag:s12] =	ssyncadd.s32 $0xFFFFC000  }
0x41: {  	[tilespmem:s15], [sflag:$0x1] =	stream.indirect.gather [hbm4b:s4+s14], $0x80, s22, s14, $0xb8;
	[tilespmem:$0x1E400] =	vst v63  }
0x42: {  	s23 =	sadd.s32 $0x80, s22  }
0x43: {  	[tilespmem:s16], [sflag:$0x2] =	stream.indirect.gather [hbm4b:s4+s14], $0x80, s23, s14, $0xb8;
	[tilespmem:$0x1E400] =	vst v63  }
0x44: {  	_ =	swait.ge [sflag:s17], $0x4000  }
0x45: {  	[sflag:s17] =	ssyncset.done $0x0  }
0x46: {  	s25 =	sadd.s32 $0x1400, s22;
	[sflag:s17] =	ssyncadd.s32 $0xFFFFC000  }
0x47: {  	[spmem:s2] =	stream.indirect.scatter.add.f32 [tilespmem:s15], [sflag:$0x3], $0x80, s25, s14, $0xb8;
	[tilespmem:$0x1E400] =	vst v63  }
0x48: {  	_ =	swait.ge [sflag:s12], $0x4000  }
0x49: {  	[sflag:s12] =	ssyncset.done $0x0  }
0x4a: {  	[sflag:s12] =	ssyncadd.s32 $0xFFFFC000  }
0x4b: {  	_ =	swait.ge [sflag:s18], $0x4000  }
0x4c: {  	[sflag:s18] =	ssyncset.done $0x0  }
0x4d: {  	s22 =	sadd.s32 $0x1480, s22;
	[sflag:s18] =	ssyncadd.s32 $0xFFFFC000  }
0x4e: {  	[spmem:s2] =	stream.indirect.scatter.add.f32 [tilespmem:s16], [sflag:$0x3], $0x80, s22, s14, $0xb8;
	[tilespmem:$0x1E400] =	vst v63  }
0x4f: {  	_ =	swait.ge [sflag:s12], $0x4000  }
0x50: {  	[sflag:s12] =	ssyncset.done $0x0  }
0x51: {  	s26 =	simm.s32 $0x0;
	[sflag:s12] =	ssyncadd.s32 $0xFFFFC000  }
0x52: {  	[tilespmem:s26], [sflag:$0x3] =	stream.linear.gather [hbm4b:s9+s26], $0x1400, $0x38;
	[tilespmem:$0x1E400] =	vst v63  }
0x53: {  	_ =	swait.ge [sflag:s12], $0x1400  }
0x54: {  	[sflag:s12] =	ssyncset.done $0x0  }
0x55: {  	[sflag:s12] =	ssyncadd.s32 $0xFFFFEC00  }
0x56: {  	[tilespmem:s13], [sflag:$0x3] =	stream.linear.gather [hbm4b:s19+s26], $0x1400, $0x38;
	[tilespmem:$0x1E400] =	vst v63  }
0x57: {  	_ =	swait.ge [sflag:s12], $0x1400  }
0x58: {  	[sflag:s12] =	ssyncset.done $0x0  }
0x59: {  	s28 =	simm.s32 $0x0;
	[sflag:s12] =	ssyncadd.s32 $0xFFFFEC00  }
0x5a: {  	[tilespmem:s15], [sflag:$0x1] =	stream.indirect.gather [hbm4b:s4+s14], $0x80, s28, s14, $0xb8;
	[tilespmem:$0x1E400] =	vst v63  }
0x5b: {  	s29 =	simm.s32 $0x80  }
0x5c: {  	[tilespmem:s16], [sflag:$0x2] =	stream.indirect.gather [hbm4b:s4+s14], $0x80, s29, s14, $0xb8;
	[tilespmem:$0x1E400] =	vst v63  }
0x5d: {  	_ =	swait.ge [sflag:s17], $0x4000  }
0x5e: {  	[sflag:s17] =	ssyncset.done $0x0  }
0x5f: {  	s30 =	simm.s32 $0x1400;
	[sflag:s17] =	ssyncadd.s32 $0xFFFFC000  }
0x60: {  	[spmem:s2] =	stream.indirect.scatter.add.f32 [tilespmem:s15], [sflag:$0x3], $0x80, s30, s14, $0xb8;
	[tilespmem:$0x1E400] =	vst v63  }
0x61: {  	_ =	swait.ge [sflag:s12], $0x4000  }
0x62: {  	[sflag:s12] =	ssyncset.done $0x0  }
0x63: {  	[sflag:s12] =	ssyncadd.s32 $0xFFFFC000  }
0x64: {  	_ =	swait.ge [sflag:s18], $0x4000  }
0x65: {  	[sflag:s18] =	ssyncset.done $0x0  }
0x66: {  	s31 =	simm.s32 $0x1480;
	[sflag:s18] =	ssyncadd.s32 $0xFFFFC000  }
0x67: {  	[spmem:s2] =	stream.indirect.scatter.add.f32 [tilespmem:s16], [sflag:$0x3], $0x80, s31, s14, $0xb8;
	[tilespmem:$0x1E400] =	vst v63  }
0x68: {  	_ =	swait.ge [sflag:s12], $0x4000  }
0x69: {  	s23 =	simm.s32 $0x800;
	s22 =	simm.s32 $0x400;
	[sflag:s12] =	ssyncset.done $0x0  }
.LBB2_4:
0x6a: {  	s24 =	sshra.s32 s22, $0x2  }
0x6b: {  	[sflag:s12] =	ssyncadd.s32 $0xFFFFC000;
	s22 =	smov.u32 s23;
	s25 =	sadd.s32 $0x400, s23  }
0x6c: {  	[tilespmem:s15], [sflag:$0x1] =	stream.indirect.gather [hbm4b:s4+s14], $0x80, s24, s14, $0xb8;
	[tilespmem:$0x1E400] =	vst v63  }
0x6d: {  	p0 =	sne.s32 s23, $0x4C00;
	s23 =	sadd.s32 $0x80, s24  }
0x6e: {  	[tilespmem:s16], [sflag:$0x2] =	stream.indirect.gather [hbm4b:s4+s14], $0x80, s23, s14, $0xb8;
	[tilespmem:$0x1E400] =	vst v63  }
0x6f: {  	_ =	swait.ge [sflag:s17], $0x4000  }
0x70: {  	[sflag:s17] =	ssyncset.done $0x0  }
0x71: {  	s23 =	sadd.s32 $0x1400, s24;
	[sflag:s17] =	ssyncadd.s32 $0xFFFFC000  }
0x72: {  	[spmem:s2] =	stream.indirect.scatter.add.f32 [tilespmem:s15], [sflag:$0x3], $0x80, s23, s14, $0xb8;
	[tilespmem:$0x1E400] =	vst v63  }
0x73: {  	_ =	swait.ge [sflag:s12], $0x4000  }
0x74: {  	[sflag:s12] =	ssyncset.done $0x0  }
0x75: {  	[sflag:s12] =	ssyncadd.s32 $0xFFFFC000  }
0x76: {  	_ =	swait.ge [sflag:s18], $0x4000  }
.Ltmp1:
0x77: {  	[sflag:s18] =	ssyncset.done $0x0;
	(pc) =	sbr.rel @p0 .LBB2_4-.Ltmp1, $4  }
0x78: {  	s23 =	sadd.s32 $0x1480, s24;
	[sflag:s18] =	ssyncadd.s32 $0xFFFFC000  }
0x79: {  	[spmem:s2] =	stream.indirect.scatter.add.f32 [tilespmem:s16], [sflag:$0x3], $0x80, s23, s14, $0xb8;
	[tilespmem:$0x1E400] =	vst v63  }
0x7a: {  	_ =	swait.ge [sflag:s12], $0x4000  }
0x7b: {  	s23 =	smov.u32 s25;
	[sflag:s12] =	ssyncset.done $0x0  }
0x7c: {  	s22 =	sshra.s32 s22, $0x2;
	[sflag:s12] =	ssyncadd.s32 $0xFFFFC000  }
0x7d: {  	[tilespmem:s15], [sflag:$0x1] =	stream.indirect.gather [hbm4b:s4+s14], $0x80, s22, s14, $0xb8;
	[tilespmem:$0x1E400] =	vst v63  }
0x7e: {  	s23 =	sadd.s32 $0x80, s22  }
0x7f: {  	[tilespmem:s16], [sflag:$0x2] =	stream.indirect.gather [hbm4b:s4+s14], $0x80, s23, s14, $0xb8;
	[tilespmem:$0x1E400] =	vst v63  }
0x80: {  	_ =	swait.ge [sflag:s17], $0x4000  }
0x81: {  	[sflag:s17] =	ssyncset.done $0x0  }
0x82: {  	s31 =	sadd.s32 $0x1400, s22;
	[sflag:s17] =	ssyncadd.s32 $0xFFFFC000  }
0x83: {  	[spmem:s2] =	stream.indirect.scatter.add.f32 [tilespmem:s15], [sflag:$0x3], $0x80, s31, s14, $0xb8;
	[tilespmem:$0x1E400] =	vst v63  }
0x84: {  	_ =	swait.ge [sflag:s12], $0x4000  }
0x85: {  	[sflag:s12] =	ssyncset.done $0x0  }
0x86: {  	[sflag:s12] =	ssyncadd.s32 $0xFFFFC000  }
0x87: {  	_ =	swait.ge [sflag:s18], $0x4000  }
0x88: {  	[sflag:s18] =	ssyncset.done $0x0  }
0x89: {  	s22 =	sadd.s32 $0x1480, s22;
	[sflag:s18] =	ssyncadd.s32 $0xFFFFC000  }
0x8a: {  	[spmem:s2] =	stream.indirect.scatter.add.f32 [tilespmem:s16], [sflag:$0x3], $0x80, s22, s14, $0xb8;
	[tilespmem:$0x1E400] =	vst v63  }
0x8b: {  	_ =	swait.ge [sflag:s12], $0x4000  }
0x8c: {  	s21 =	sadd.s32 $0x1, s21;
	[sflag:s12] =	ssyncset.done $0x0  }
0x8d: {  	p0 =	sne.s32 s21, s10;
	[sflag:s12] =	ssyncadd.s32 $0xFFFFC000  }
.Ltmp2:
0x8e: {  	[bflag:$0x0] =	sbarrier.arrive $0xFFFF;
	(pc) =	sbr.rel @p0 .LBB2_1-.Ltmp2, $4  }
0x8f: {  	[hbm:s20], [sflag:s6] =	dma.local [spmem:s11], $0x2780  }
0x90: {  	_ =	swait.ge [sflag:s12], $0x2780  }
0x91: {  	[sflag:s12] =	ssyncset.done $0x0  }
0x92: {  	[sflag:s12] =	ssyncadd.s32 $0xFFFFD880  }
0x93: {  	_ =	sfence.sel $0x180000  }
0x94: {  	[bflag:$0x0] =	sbarrier.arrive $0xFFFF  }
0x95: {  	p0 =	sne.s32 s1, $0x0;
	_ =	strace $0x9000004A  }
0x96: {  	s0 =	sadd.s32 @!p0 $0x100000, s0;
	[bflag:$0x2] =	sbarrier.arrive $0xFFFF  }
0x97: {  	[sflag:s0] =	ssyncadd.tile.s32 @!p0 $0x1;
	_ =	shalt  }
.Lfunc_end2:
_tile_overlayer_lowered:
.L_overlay_start_2:
0x98: {  	(tag) =	ssettag $0x2  }
0x99: {  	s0 =	rddreg [dreg:$0x0];
	s2 =	stileid.u32  }
0x9a: {  	s1 =	rddreg [dreg:$0x1];
	p0 =	sne.s32 s2, $0x0  }
0x9b: {  	s3 =	rddreg [dreg:$0x2];
	[bflag:$0x3] =	sbarrier.arrive $0xFFFF;
	s2 =	simm.s32 @!p0 $0x1C03  }
0x9c: {  	[timem:s3], [sflag:s2] =	dma.local @!p0 [hbm:s0], s1  }
0x9d: {  	s0 =	simm.s32 @!p0 $0x3  }
0x9e: {  	_ =	swait.ge @!p0 [sflag:s0], s1  }
0x9f: {  	s1 =	ssub.s32 @!p0 $0x0, s1;
	[sflag:s0] =	ssyncset.done @!p0 $0x0  }
0xa0: {  	[sflag:s0] =	ssyncadd.s32 @!p0 s1  }
0xa1: {  	[bflag:$0x3] =	sbarrier.arrive $0xFFFF  }
0xa2: {  	_ =	shalt  }

// kernel: kernel.22.cloned.1.call-start
scs
__scs_entry_jumppad:
0x0: {  	(pc) =	sbr.rel $0x88, $3  }
0x1: {  	(tag) =	ssettag $0x0;
	lr =	simm.s32 $0x1  }
0x2: {  	[smem:$0x3F99] =	sst lr;
	_ =	strace $0xD0000000  }
0x3: {  	_ = 	snop  }
0x4: {  	_ = 	snop  }
0x5: {  	_ = 	snop  }
0x6: {  	_ = 	snop  }
0x7: {  	_ = 	snop  }
__scs_overlays_trampoline_lowered:
0x8: {  	[smem:$0x3FA8] =	sst s0  }
0x9: {  	[smem:$0x3FA9] =	sst s1  }
0xa: {  	[smem:$0x3FAA] =	sst s2  }
0xb: {  	[smem:$0x3FAB] =	sst s3  }
0xc: {  	[smem:$0x3FAC] =	sst s4  }
0xd: {  	[smem:$0x3FAD] =	sst s5  }
0xe: {  	[smem:$0x3FAE] =	sst s6  }
0xf: {  	[smem:$0x3FAF] =	sst s7  }
0x10: {  	[smem:$0x3FB0] =	sst s8  }
0x11: {  	[smem:$0x3FB1] =	sst s9;
	s0 =	simm.s32 @!p0 $0x0  }
0x12: {  	s1 =	sld [smem:$0x3F97];
	s0 =	simm.s32 @p0 $0x1  }
0x13: {  	[smem:$0x3FB2] =	sst s0;
	s0 =	simm.s32 @!p1 $0x0  }
0x14: {  	s2 =	sld [smem:$0x3F96];
	s0 =	simm.s32 @p1 $0x1  }
0x15: {  	[smem:$0x3FB3] =	sst s0;
	s0 =	simm.s32 @!p2 $0x0  }
0x16: {  	s3 =	sld [smem:$0x3FDB];
	s0 =	simm.s32 @p2 $0x1  }
0x17: {  	s4 =	simm.s32 $0x1BF5;
	[smem:$0x3FB5] =	sst s0  }
0x18: {  	s0 =	sld [smem:$0x3F98];
	_ =	swait.ge [sflag:s4], $0x0  }
0x19: {  	s7 =	sld [smem:$0x3F99]  }
0x1a: {  	s8 =	sadd.s32 $0xFFFFE003, lr  }
0x1b: {  	s9 =	sadd.s32 $0xFFFFFEF7, lr;
	s5 =	simm.s32 $0xFFFFFFFF;
	p2 =	slt.u32 s8, $0xFFFFF086  }
0x1c: {  	p1 =	slt.u32 s9, $0xF7A;
	s5 =	simm.s32 @!p2 $0x0  }
0x1d: {  	s5 =	simm.s32 @p1 $0x1;
	p0 =	seq.s32 s7, s2  }
0x1e: {  	s7 =	smul.u32 @!p0 $0xF7A, s2;
	p2 =	seq.s32 @!p0 s5, $0x0  }
0x1f: {  	s9 =	smul.u32 $0xF7A, s1;
	s8 =	simm.s32 @!p0 $0x1BF5;
	p2 =	por !p2, p0  }
0x20: {  	[sflag:s8] =	ssyncset.s32 @!p0 $0xFFFFF086;
	s6 =	sadd.s32 @!p0 s3, s7;
	s7 =	simm.s32 @!p0 $0x108  }
0x21: {  	s3 =	sadd.s32 s3, s9;
	s6 =	sadd.s32 @!p0 $0x88, s6;
	s7 =	simm.s32 @p2 $0x1082  }
0x22: {  	[simem:s7], [sflag:s8] =	dma.local @!p0 [hbm:s6], $0xF7A  }
0x23: {  	s9 =	sor.u32 $0xD0000000, s2;
	s6 =	simm.s32 $0x108;
	_ =	swait.ge @!p0 [sflag:s8], $0x0  }
0x24: {  	s3 =	sadd.s32 $0x88, s3;
	s6 =	simm.s32 @!p1 $0x1082;
	[sflag:s4] =	ssyncset.s32 $0xFFFFF086  }
0x25: {  	[simem:s6], [sflag:s4] =	dma.local [hbm:s3], $0xF7A  }
0x26: {  	[smem:$0x3F99] =	sst s1;
	(tag) =	ssettag s2;
	_ =	strace s9  }
0x27: {  	s1 =	sld [smem:$0x3FA9]  }
0x28: {  	s2 =	sld [smem:$0x3FAA]  }
0x29: {  	s4 =	sld [smem:$0x3FAC]  }
0x2a: {  	p0 =	seq.s32 s5, $0x0;
	s5 =	sld [smem:$0x3FAD]  }
0x2b: {  	s6 =	sld [smem:$0x3FAE]  }
0x2c: {  	s7 =	sld [smem:$0x3FAF]  }
0x2d: {  	s3 =	simm.s32 $0x108;
	s8 =	sld [smem:$0x3FB0]  }
0x2e: {  	s3 =	simm.s32 @!p0 $0x1082;
	s9 =	sld [smem:$0x3FB1]  }
0x2f: {  	lr =	sadd.s32 s0, s3;
	s0 =	sld [smem:$0x3FA8]  }
0x30: {  	s3 =	sld [smem:$0x3FAB]  }
0x31: {  	[smem:$0x3FB4] =	sst s10  }
0x32: {  	s10 =	sld [smem:$0x3FB2];
	_ =	sdelay $0x3  }
0x33: {  	p0 =	seq.s32 s10, $0x1;
	s10 =	sld [smem:$0x3FB4];
	_ =	sdelay $0x3  }
0x34: {  	[smem:$0x3FB4] =	sst s10  }
0x35: {  	s10 =	sld [smem:$0x3FB3];
	_ =	sdelay $0x3  }
0x36: {  	p1 =	seq.s32 s10, $0x1;
	s10 =	sld [smem:$0x3FB4];
	_ =	sdelay $0x3  }
0x37: {  	[smem:$0x3FB4] =	sst s10  }
0x38: {  	s10 =	sld [smem:$0x3FB5]  }
0x39: {  	_ = 	snop;
	(pc) =	sbr.ind lr, $3  }
0x3a: {  	_ = 	snop  }
0x3b: {  	_ = 	snop  }
0x3c: {  	p2 =	seq.s32 s10, $0x1;
	s10 =	sld [smem:$0x3FB4]  }
0x3d: {  	_ =	shalt  }
0x3e: {  	_ =	shalt  }
0x3f: {  	_ =	shalt  }
0x40: {  	_ =	shalt  }
0x41: {  	_ =	shalt  }
0x42: {  	_ =	shalt  }
0x43: {  	_ =	shalt  }
0x44: {  	_ =	shalt  }
0x45: {  	_ =	shalt  }
0x46: {  	_ =	shalt  }
0x47: {  	_ =	shalt  }
0x48: {  	_ =	shalt  }
0x49: {  	_ =	shalt  }
0x4a: {  	_ =	shalt  }
0x4b: {  	_ =	shalt  }
0x4c: {  	_ =	shalt  }
0x4d: {  	_ =	shalt  }
0x4e: {  	_ =	shalt  }
0x4f: {  	_ =	shalt  }
0x50: {  	_ =	shalt  }
0x51: {  	_ =	shalt  }
0x52: {  	_ =	shalt  }
0x53: {  	_ =	shalt  }
0x54: {  	_ =	shalt  }
0x55: {  	_ =	shalt  }
0x56: {  	_ =	shalt  }
0x57: {  	_ =	shalt  }
0x58: {  	_ =	shalt  }
0x59: {  	_ =	shalt  }
0x5a: {  	_ =	shalt  }
0x5b: {  	_ =	shalt  }
0x5c: {  	_ =	shalt  }
0x5d: {  	_ =	shalt  }
0x5e: {  	_ =	shalt  }
0x5f: {  	_ =	shalt  }
0x60: {  	_ =	shalt  }
0x61: {  	_ =	shalt  }
0x62: {  	_ =	shalt  }
0x63: {  	_ =	shalt  }
0x64: {  	_ =	shalt  }
0x65: {  	_ =	shalt  }
0x66: {  	_ =	shalt  }
0x67: {  	_ =	shalt  }
0x68: {  	_ =	shalt  }
0x69: {  	_ =	shalt  }
0x6a: {  	_ =	shalt  }
0x6b: {  	_ =	shalt  }
0x6c: {  	_ =	shalt  }
0x6d: {  	_ =	shalt  }
0x6e: {  	_ =	shalt  }
0x6f: {  	_ =	shalt  }
0x70: {  	_ =	shalt  }
0x71: {  	_ =	shalt  }
0x72: {  	_ =	shalt  }
0x73: {  	_ =	shalt  }
0x74: {  	_ =	shalt  }
0x75: {  	_ =	shalt  }
0x76: {  	_ =	shalt  }
0x77: {  	_ =	shalt  }
0x78: {  	_ =	shalt  }
0x79: {  	_ =	shalt  }
0x7a: {  	_ =	shalt  }
0x7b: {  	_ =	shalt  }
0x7c: {  	_ =	shalt  }
0x7d: {  	_ =	shalt  }
0x7e: {  	_ =	shalt  }
0x7f: {  	_ =	shalt  }
0x80: {  	_ =	shalt  }
0x81: {  	_ =	shalt  }
0x82: {  	_ =	shalt  }
0x83: {  	_ =	shalt  }
0x84: {  	_ =	shalt  }
0x85: {  	_ =	shalt  }
0x86: {  	_ =	shalt  }
0x87: {  	_ =	shalt  }
.Lfunc_end0:
.L_simem_size_0:
called_computation.2_lowered:
.L_overlay_start_0:
0x88: {  	s2 =	sld [smem:$0x3FD9]  }
0x89: {  	s3 =	sld [smem:$0x3FFE];
	_ =	sdelay $0x1  }
0x8a: {  	s1 =	srdreg.scid  }
0x8b: {  	s0 =	sand.u32 $0x1, s1  }
0x8c: {  	s17 =	sshll.u32 s0, $0xA;
	s2 =	sadd.s32 s3, s2  }
0x8d: {  	s2 =	sadd.s32 s2, s17  }
0x8e: {  	[smem:$0x3FC0] =	sst s2  }
0x8f: {  	_ = 	snop  }
0x90: {  	s2 =	sld [smem:$0x3FD0];
	(tm) =	ssettm $0x1  }
0x91: {  	s18 =	sld [smem:$0x3FFB];
	_ =	sdelay $0x3  }
0x92: {  	_ =	strace s18  }
0x93: {  	s3 =	sld [smem:$0x3FFC];
	_ =	sdelay $0x3  }
0x94: {  	_ =	strace s3  }
0x95: {  	s3 =	sld [smem:$0x3FFD];
	_ =	sdelay $0x3  }
0x96: {  	_ =	strace s3  }
0x97: {  	_ =	strace $0x8FFFFFFF  }
0x98: {  	s19 =	sld [smem:$0x3FDB];
	_ =	sdelay $0x1  }
0x99: {  	s4 =	simm.s32 $_scs_section_size  }
0x9a: {  	s5 =	simm.s32 $_size__tile_overlayer_lowered;
	s6 =	simm.s32 $_tile_overlayer_lowered  }
0x9b: {  	s22 =	simm.s32 $0x1BFF;
	s21 =	sshll.u32 s6, $0x1;
	s3 =	sadd.s32 s4, s19  }
0x9c: {  	s7 =	simm.s32 $0x0;
	s20 =	sshll.u32 s5, $0x1;
	s5 =	sadd.s32 s21, s3  }
0x9d: {  	[timem:s7], [sflag:s22] =	dma.local [hbm:s5], s20  }
0x9e: {  	_ =	swait.ge [sflag:s22], s20  }
0x9f: {  	s4 =	ssub.s32 $0x0, s20;
	[sflag:s22] =	ssyncset.done $0x0  }
0xa0: {  	[sflag:s22] =	ssyncadd.s32 s4;
	_ =	sdelay $0x1  }
0xa1: {  	s23 =	simm.s32 $0x1B8B  }
0xa2: {  	_ =	swait.ge [sflag:s23], $0x1  }
0xa3: {  	[sflag:s23] =	ssyncset.done $0x0  }
0xa4: {  	s25 =	simm.s32 $0x1B8E;
	s24 =	sld [smem:$0x3FFE];
	[sflag:s23] =	ssyncadd.s32 $0xFFFFFFFF  }
0xa5: {  	s26 =	simm.s32 $execute0_lowered;
	[smem:$0x3FD2] =	sst s25  }
0xa6: {  	s5 =	sshll.u32 s26, $0x1;
	_ =	strace $0x8000004C;
	[dreg:$0x1] =	wrdreg $0xFFFFFFFF  }
0xa7: {  	s28 =	simm.s32 $_size_execute0_lowered;
	s3 =	sadd.s32 s3, s5;
	[dreg:$0x0] =	wrdreg $0x0  }
0xa8: {  	s5 =	sshll.u32 s28, $0x1;
	[dreg:$0x2] =	wrdreg s3  }
0xa9: {  	[dreg:$0x3] =	wrdreg s5  }
0xaa: {  	[dreg:$0x4] =	wrdreg $0xC0  }
0xab: {  	_ =	task [dreg:s7], $0x5FFFF  }
0xac: {  	[dreg:$0x1] =	wrdreg $0xFFFFFFFF  }
0xad: {  	[dreg:$0x0] =	wrdreg $0x60  }
0xae: {  	[dreg:$0x2] =	wrdreg s24  }
0xaf: {  	[dreg:$0x3] =	wrdreg s2  }
0xb0: {  	[dreg:$0x4] =	wrdreg $0xA8000  }
0xb1: {  	[dreg:$0x5] =	wrdreg $0x9  }
0xb2: {  	_ =	task.clear_ibuf [dreg:s7], $0x6FFFF;
	_ =	strace $0x9000004C  }
0xb3: {  	s29 =	simm.s32 $0x9;
	_ =	strace $0x8000004E  }
0xb4: {  	_ =	swait.ge [sflag:s29], $0x1  }
0xb5: {  	[sflag:s29] =	ssyncadd.s32 $0xFFFFFFFF  }
0xb6: {  	_ =	strace $0x9000004E  }
0xb7: {  	_ =	sfence  }
0xb8: {  	s30 =	sld [smem:$0x0];
	_ =	sdelay $0x2  }
0xb9: {  	s31 =	sshll.u32 s1, $0xD;
	s1 =	sshrl.u32 s1, $0x2  }
0xba: {  	s3 =	sand.u32 $0x4000, s31;
	s1 =	sadd.s32 s1, s30  }
0xbb: {  	s0 =	sor.u32 s3, s0;
	s1 =	sshll.u32 s1, $0x11  }
0xbc: {  	s0 =	sor.u32 s1, s0  }
0xbd: {  	s0 =	sadd.s32 $0x8F2B, s0  }
0xbe: {  	[sflag:s0] =	ssyncadd.remote.s32 $0x1  }
0xbf: {  	_ =	sfence.sel $0xFFFF  }
0xc0: {  	[dreg:$0x0] =	wrdreg $0xFFFFFFFF;
	(pc) =	sbr.abs _section_cstart, $3  }
0xc1: {  	[dreg:$0x1] =	wrdreg $0xFFFFFFFF  }
0xc2: {  	_ =	task.clear_ibuf [dreg:s7], $0x2FFFF;
	_ =	strace $0x9FFFFFFF  }
0xc3: {  	(tm) =	ssettm $0x7FFFFFFF  }
tec
execute0_lowered:
.L_overlay_start_1:
0x0: {  	(tag) =	ssettag $0x1  }
0x1: {  	s6 =	rddreg [dreg:$0x0]  }
0x2: {  	s0 =	srdreg.scid;
	s7 =	rddreg [dreg:$0x1]  }
0x3: {  	s2 =	rddreg [dreg:$0x2];
	s1 =	stileid.u32  }
0x4: {  	s3 =	simm.s32 $0x0;
	s15 =	simm.s32 $0x2800;
	s16 =	simm.s32 $0x6800  }
0x5: {  	s17 =	simm.s32 $0x1;
	s8 =	sand.u32 $0x1, s0;
	s0 =	rddreg [dreg:$0x3]  }
0x6: {  	s18 =	simm.s32 $0x2;
	[smem:$0x7FF] =	sst s3;
	s11 =	smul.u32 $0x4F000, s1  }
0x7: {  	s31 =	sshll.u32 s1, $0x6;
	s21 =	smul.u32 $0x2780, s1;
	s4 =	sshll.u32 s8, $0x4  }
0x8: {  	_ =	strace $0x8000004D;
	s9 =	smul.u32 $0x27800, s8;
	s8 =	ssub.s32 $0x2, s8  }
0x9: {  	s4 =	sor.u32 s1, s4;
	s28 =	sshrl.u32 s8, $0x1;
	s29 =	sshrl.u32 s11, $0x2  }
0xa: {  	s5 =	smul.u32 $0x2800, s4;
	s4 =	sadd.s32 $0x12800, s6;
	s13 =	sadd.s32 s9, s6  }
0xb: {  	s30 =	ssub.s32 s8, s28;
	s14 =	sadd.s32 s29, s2;
	s20 =	sadd.s32 $0x89000, s13  }
0xc: {  	s11 =	sshrl.u32 s14, $0x3;
	s13 =	simm.s32 $0x1400;
	s14 =	simm.s32 $0x80  }
0xd: {  	s10 =	sshrl.u32 s5, $0x3;
	s5 =	sadd.s32 $0x10000, s6;
	s20 =	sadd.s32 s21, s20  }
0xe: {  	s21 =	simm.s32 $0x0;
	s12 =	sadd.s32 s10, s6;
	s6 =	sor.u32 $0x1C03, s31  }
0xf: {  	s7 =	sadd.s32 s7, s10;
	s10 =	smax.u32 s30, $0x1;
	s8 =	sadd.s32 $0x6000, s12  }
0x10: {  	s9 =	sadd.s32 $0x280, s7;
	s12 =	simm.s32 $0x3;
	s19 =	sadd.s32 $0x280, s8  }
.LBB2_1:
0x11: {  	[spmem:s11], [sflag:s6] =	dma.local [hbm:s5], $0x2780  }
0x12: {  	_ =	swait.ge [sflag:s12], $0x2780  }
0x13: {  	[sflag:s12] =	ssyncset.done $0x0  }
0x14: {  	[sflag:s12] =	ssyncadd.s32 $0xFFFFD880  }
0x15: {  	[bflag:$0x0] =	sbarrier.arrive $0xFFFF  }
0x16: {  	[tilespmem:s3], [sflag:$0x3] =	stream.linear.gather [hbm4b:s7+s3], $0x1400, $0x38;
	[tilespmem:$0x1E400] =	vst v63  }
0x17: {  	_ =	swait.ge [sflag:s12], $0x1400  }
0x18: {  	[sflag:s12] =	ssyncset.done $0x0  }
0x19: {  	[sflag:s12] =	ssyncadd.s32 $0xFFFFEC00  }
0x1a: {  	[tilespmem:s13], [sflag:$0x3] =	stream.linear.gather [hbm4b:s8+s3], $0x1400, $0x38;
	[tilespmem:$0x1E400] =	vst v63  }
0x1b: {  	_ =	swait.ge [sflag:s12], $0x1400  }
0x1c: {  	[sflag:s12] =	ssyncset.done $0x0  }
0x1d: {  	s22 =	simm.s32 $0x0;
	[sflag:s12] =	ssyncadd.s32 $0xFFFFEC00  }
0x1e: {  	[tilespmem:s15], [sflag:$0x1] =	stream.indirect.gather [hbm4b:s4+s14], $0x80, s22, s14, $0xb8;
	[tilespmem:$0x1E400] =	vst v63  }
0x1f: {  	s29 =	simm.s32 $0x80  }
0x20: {  	[tilespmem:s16], [sflag:$0x2] =	stream.indirect.gather [hbm4b:s4+s14], $0x80, s29, s14, $0xb8;
	[tilespmem:$0x1E400] =	vst v63  }
0x21: {  	_ =	swait.ge [sflag:s17], $0x4000  }
0x22: {  	[sflag:s17] =	ssyncset.done $0x0  }
0x23: {  	s30 =	simm.s32 $0x1400;
	[sflag:s17] =	ssyncadd.s32 $0xFFFFC000  }
0x24: {  	[spmem:s2] =	stream.indirect.scatter.add.f32 [tilespmem:s15], [sflag:$0x3], $0x80, s30, s14, $0xb8;
	[tilespmem:$0x1E400] =	vst v63  }
0x25: {  	_ =	swait.ge [sflag:s12], $0x4000  }
0x26: {  	[sflag:s12] =	ssyncset.done $0x0  }
0x27: {  	[sflag:s12] =	ssyncadd.s32 $0xFFFFC000  }
0x28: {  	_ =	swait.ge [sflag:s18], $0x4000  }
0x29: {  	[sflag:s18] =	ssyncset.done $0x0  }
0x2a: {  	s31 =	simm.s32 $0x1480;
	[sflag:s18] =	ssyncadd.s32 $0xFFFFC000  }
0x2b: {  	[spmem:s2] =	stream.indirect.scatter.add.f32 [tilespmem:s16], [sflag:$0x3], $0x80, s31, s14, $0xb8;
	[tilespmem:$0x1E400] =	vst v63  }
0x2c: {  	_ =	swait.ge [sflag:s12], $0x4000  }
0x2d: {  	s23 =	simm.s32 $0x800;
	s22 =	simm.s32 $0x400;
	[sflag:s12] =	ssyncset.done $0x0  }
.LBB2_2:
0x2e: {  	s24 =	sshra.s32 s22, $0x2  }
0x2f: {  	[sflag:s12] =	ssyncadd.s32 $0xFFFFC000;
	s22 =	smov.u32 s23;
	s25 =	sadd.s32 $0x400, s23  }
0x30: {  	[tilespmem:s15], [sflag:$0x1] =	stream.indirect.gather [hbm4b:s4+s14], $0x80, s24, s14, $0xb8;
	[tilespmem:$0x1E400] =	vst v63  }
0x31: {  	p0 =	sne.s32 s23, $0x4C00;
	s23 =	sadd.s32 $0x80, s24  }
0x32: {  	[tilespmem:s16], [sflag:$0x2] =	stream.indirect.gather [hbm4b:s4+s14], $0x80, s23, s14, $0xb8;
	[tilespmem:$0x1E400] =	vst v63  }
0x33: {  	_ =	swait.ge [sflag:s17], $0x4000  }
0x34: {  	[sflag:s17] =	ssyncset.done $0x0  }
0x35: {  	s23 =	sadd.s32 $0x1400, s24;
	[sflag:s17] =	ssyncadd.s32 $0xFFFFC000  }
0x36: {  	[spmem:s2] =	stream.indirect.scatter.add.f32 [tilespmem:s15], [sflag:$0x3], $0x80, s23, s14, $0xb8;
	[tilespmem:$0x1E400] =	vst v63  }
0x37: {  	_ =	swait.ge [sflag:s12], $0x4000  }
0x38: {  	[sflag:s12] =	ssyncset.done $0x0  }
0x39: {  	[sflag:s12] =	ssyncadd.s32 $0xFFFFC000  }
0x3a: {  	_ =	swait.ge [sflag:s18], $0x4000  }
.Ltmp0:
0x3b: {  	[sflag:s18] =	ssyncset.done $0x0;
	(pc) =	sbr.rel @p0 .LBB2_2-.Ltmp0, $4  }
0x3c: {  	s23 =	sadd.s32 $0x1480, s24;
	[sflag:s18] =	ssyncadd.s32 $0xFFFFC000  }
0x3d: {  	[spmem:s2] =	stream.indirect.scatter.add.f32 [tilespmem:s16], [sflag:$0x3], $0x80, s23, s14, $0xb8;
	[tilespmem:$0x1E400] =	vst v63  }
0x3e: {  	_ =	swait.ge [sflag:s12], $0x4000  }
0x3f: {  	s23 =	smov.u32 s25;
	[sflag:s12] =	ssyncset.done $0x0  }
0x40: {  	s22 =	sshra.s32 s22, $0x2;
	[sflag:s12] =	ssyncadd.s32 $0xFFFFC000  }
0x41: {  	[tilespmem:s15], [sflag:$0x1] =	stream.indirect.gather [hbm4b:s4+s14], $0x80, s22, s14, $0xb8;
	[tilespmem:$0x1E400] =	vst v63  }
0x42: {  	s23 =	sadd.s32 $0x80, s22  }
0x43: {  	[tilespmem:s16], [sflag:$0x2] =	stream.indirect.gather [hbm4b:s4+s14], $0x80, s23, s14, $0xb8;
	[tilespmem:$0x1E400] =	vst v63  }
0x44: {  	_ =	swait.ge [sflag:s17], $0x4000  }
0x45: {  	[sflag:s17] =	ssyncset.done $0x0  }
0x46: {  	s25 =	sadd.s32 $0x1400, s22;
	[sflag:s17] =	ssyncadd.s32 $0xFFFFC000  }
0x47: {  	[spmem:s2] =	stream.indirect.scatter.add.f32 [tilespmem:s15], [sflag:$0x3], $0x80, s25, s14, $0xb8;
	[tilespmem:$0x1E400] =	vst v63  }
0x48: {  	_ =	swait.ge [sflag:s12], $0x4000  }
0x49: {  	[sflag:s12] =	ssyncset.done $0x0  }
0x4a: {  	[sflag:s12] =	ssyncadd.s32 $0xFFFFC000  }
0x4b: {  	_ =	swait.ge [sflag:s18], $0x4000  }
0x4c: {  	[sflag:s18] =	ssyncset.done $0x0  }
0x4d: {  	s22 =	sadd.s32 $0x1480, s22;
	[sflag:s18] =	ssyncadd.s32 $0xFFFFC000  }
0x4e: {  	[spmem:s2] =	stream.indirect.scatter.add.f32 [tilespmem:s16], [sflag:$0x3], $0x80, s22, s14, $0xb8;
	[tilespmem:$0x1E400] =	vst v63  }
0x4f: {  	_ =	swait.ge [sflag:s12], $0x4000  }
0x50: {  	[sflag:s12] =	ssyncset.done $0x0  }
0x51: {  	s26 =	simm.s32 $0x0;
	[sflag:s12] =	ssyncadd.s32 $0xFFFFC000  }
0x52: {  	[tilespmem:s26], [sflag:$0x3] =	stream.linear.gather [hbm4b:s9+s26], $0x1400, $0x38;
	[tilespmem:$0x1E400] =	vst v63  }
0x53: {  	_ =	swait.ge [sflag:s12], $0x1400  }
0x54: {  	[sflag:s12] =	ssyncset.done $0x0  }
0x55: {  	[sflag:s12] =	ssyncadd.s32 $0xFFFFEC00  }
0x56: {  	[tilespmem:s13], [sflag:$0x3] =	stream.linear.gather [hbm4b:s19+s26], $0x1400, $0x38;
	[tilespmem:$0x1E400] =	vst v63  }
0x57: {  	_ =	swait.ge [sflag:s12], $0x1400  }
0x58: {  	[sflag:s12] =	ssyncset.done $0x0  }
0x59: {  	s28 =	simm.s32 $0x0;
	[sflag:s12] =	ssyncadd.s32 $0xFFFFEC00  }
0x5a: {  	[tilespmem:s15], [sflag:$0x1] =	stream.indirect.gather [hbm4b:s4+s14], $0x80, s28, s14, $0xb8;
	[tilespmem:$0x1E400] =	vst v63  }
0x5b: {  	s29 =	simm.s32 $0x80  }
0x5c: {  	[tilespmem:s16], [sflag:$0x2] =	stream.indirect.gather [hbm4b:s4+s14], $0x80, s29, s14, $0xb8;
	[tilespmem:$0x1E400] =	vst v63  }
0x5d: {  	_ =	swait.ge [sflag:s17], $0x4000  }
0x5e: {  	[sflag:s17] =	ssyncset.done $0x0  }
0x5f: {  	s30 =	simm.s32 $0x1400;
	[sflag:s17] =	ssyncadd.s32 $0xFFFFC000  }
0x60: {  	[spmem:s2] =	stream.indirect.scatter.add.f32 [tilespmem:s15], [sflag:$0x3], $0x80, s30, s14, $0xb8;
	[tilespmem:$0x1E400] =	vst v63  }
0x61: {  	_ =	swait.ge [sflag:s12], $0x4000  }
0x62: {  	[sflag:s12] =	ssyncset.done $0x0  }
0x63: {  	[sflag:s12] =	ssyncadd.s32 $0xFFFFC000  }
0x64: {  	_ =	swait.ge [sflag:s18], $0x4000  }
0x65: {  	[sflag:s18] =	ssyncset.done $0x0  }
0x66: {  	s31 =	simm.s32 $0x1480;
	[sflag:s18] =	ssyncadd.s32 $0xFFFFC000  }
0x67: {  	[spmem:s2] =	stream.indirect.scatter.add.f32 [tilespmem:s16], [sflag:$0x3], $0x80, s31, s14, $0xb8;
	[tilespmem:$0x1E400] =	vst v63  }
0x68: {  	_ =	swait.ge [sflag:s12], $0x4000  }
0x69: {  	s23 =	simm.s32 $0x800;
	s22 =	simm.s32 $0x400;
	[sflag:s12] =	ssyncset.done $0x0  }
.LBB2_4:
0x6a: {  	s24 =	sshra.s32 s22, $0x2  }
0x6b: {  	[sflag:s12] =	ssyncadd.s32 $0xFFFFC000;
	s22 =	smov.u32 s23;
	s25 =	sadd.s32 $0x400, s23  }
0x6c: {  	[tilespmem:s15], [sflag:$0x1] =	stream.indirect.gather [hbm4b:s4+s14], $0x80, s24, s14, $0xb8;
	[tilespmem:$0x1E400] =	vst v63  }
0x6d: {  	p0 =	sne.s32 s23, $0x4C00;
	s23 =	sadd.s32 $0x80, s24  }
0x6e: {  	[tilespmem:s16], [sflag:$0x2] =	stream.indirect.gather [hbm4b:s4+s14], $0x80, s23, s14, $0xb8;
	[tilespmem:$0x1E400] =	vst v63  }
0x6f: {  	_ =	swait.ge [sflag:s17], $0x4000  }
0x70: {  	[sflag:s17] =	ssyncset.done $0x0  }
0x71: {  	s23 =	sadd.s32 $0x1400, s24;
	[sflag:s17] =	ssyncadd.s32 $0xFFFFC000  }
0x72: {  	[spmem:s2] =	stream.indirect.scatter.add.f32 [tilespmem:s15], [sflag:$0x3], $0x80, s23, s14, $0xb8;
	[tilespmem:$0x1E400] =	vst v63  }
0x73: {  	_ =	swait.ge [sflag:s12], $0x4000  }
0x74: {  	[sflag:s12] =	ssyncset.done $0x0  }
0x75: {  	[sflag:s12] =	ssyncadd.s32 $0xFFFFC000  }
0x76: {  	_ =	swait.ge [sflag:s18], $0x4000  }
.Ltmp1:
0x77: {  	[sflag:s18] =	ssyncset.done $0x0;
	(pc) =	sbr.rel @p0 .LBB2_4-.Ltmp1, $4  }
0x78: {  	s23 =	sadd.s32 $0x1480, s24;
	[sflag:s18] =	ssyncadd.s32 $0xFFFFC000  }
0x79: {  	[spmem:s2] =	stream.indirect.scatter.add.f32 [tilespmem:s16], [sflag:$0x3], $0x80, s23, s14, $0xb8;
	[tilespmem:$0x1E400] =	vst v63  }
0x7a: {  	_ =	swait.ge [sflag:s12], $0x4000  }
0x7b: {  	s23 =	smov.u32 s25;
	[sflag:s12] =	ssyncset.done $0x0  }
0x7c: {  	s22 =	sshra.s32 s22, $0x2;
	[sflag:s12] =	ssyncadd.s32 $0xFFFFC000  }
0x7d: {  	[tilespmem:s15], [sflag:$0x1] =	stream.indirect.gather [hbm4b:s4+s14], $0x80, s22, s14, $0xb8;
	[tilespmem:$0x1E400] =	vst v63  }
0x7e: {  	s23 =	sadd.s32 $0x80, s22  }
0x7f: {  	[tilespmem:s16], [sflag:$0x2] =	stream.indirect.gather [hbm4b:s4+s14], $0x80, s23, s14, $0xb8;
	[tilespmem:$0x1E400] =	vst v63  }
0x80: {  	_ =	swait.ge [sflag:s17], $0x4000  }
0x81: {  	[sflag:s17] =	ssyncset.done $0x0  }
0x82: {  	s31 =	sadd.s32 $0x1400, s22;
	[sflag:s17] =	ssyncadd.s32 $0xFFFFC000  }
0x83: {  	[spmem:s2] =	stream.indirect.scatter.add.f32 [tilespmem:s15], [sflag:$0x3], $0x80, s31, s14, $0xb8;
	[tilespmem:$0x1E400] =	vst v63  }
0x84: {  	_ =	swait.ge [sflag:s12], $0x4000  }
0x85: {  	[sflag:s12] =	ssyncset.done $0x0  }
0x86: {  	[sflag:s12] =	ssyncadd.s32 $0xFFFFC000  }
0x87: {  	_ =	swait.ge [sflag:s18], $0x4000  }
0x88: {  	[sflag:s18] =	ssyncset.done $0x0  }
0x89: {  	s22 =	sadd.s32 $0x1480, s22;
	[sflag:s18] =	ssyncadd.s32 $0xFFFFC000  }
0x8a: {  	[spmem:s2] =	stream.indirect.scatter.add.f32 [tilespmem:s16], [sflag:$0x3], $0x80, s22, s14, $0xb8;
	[tilespmem:$0x1E400] =	vst v63  }
0x8b: {  	_ =	swait.ge [sflag:s12], $0x4000  }
0x8c: {  	s21 =	sadd.s32 $0x1, s21;
	[sflag:s12] =	ssyncset.done $0x0  }
0x8d: {  	p0 =	sne.s32 s21, s10;
	[sflag:s12] =	ssyncadd.s32 $0xFFFFC000  }
.Ltmp2:
0x8e: {  	[bflag:$0x0] =	sbarrier.arrive $0xFFFF;
	(pc) =	sbr.rel @p0 .LBB2_1-.Ltmp2, $4  }
0x8f: {  	[hbm:s20], [sflag:s6] =	dma.local [spmem:s11], $0x2780  }
0x90: {  	_ =	swait.ge [sflag:s12], $0x2780  }
0x91: {  	[sflag:s12] =	ssyncset.done $0x0  }
0x92: {  	[sflag:s12] =	ssyncadd.s32 $0xFFFFD880  }
0x93: {  	_ =	sfence.sel $0x180000  }
0x94: {  	[bflag:$0x0] =	sbarrier.arrive $0xFFFF  }
0x95: {  	p0 =	sne.s32 s1, $0x0;
	_ =	strace $0x9000004D  }
0x96: {  	s0 =	sadd.s32 @!p0 $0x100000, s0;
	[bflag:$0x2] =	sbarrier.arrive $0xFFFF  }
0x97: {  	[sflag:s0] =	ssyncadd.tile.s32 @!p0 $0x1;
	_ =	shalt  }
.Lfunc_end2:
_tile_overlayer_lowered:
.L_overlay_start_2:
0x98: {  	(tag) =	ssettag $0x2  }
0x99: {  	s0 =	rddreg [dreg:$0x0];
	s2 =	stileid.u32  }
0x9a: {  	s1 =	rddreg [dreg:$0x1];
	p0 =	sne.s32 s2, $0x0  }
0x9b: {  	s3 =	rddreg [dreg:$0x2];
	[bflag:$0x3] =	sbarrier.arrive $0xFFFF;
	s2 =	simm.s32 @!p0 $0x1C03  }
0x9c: {  	[timem:s3], [sflag:s2] =	dma.local @!p0 [hbm:s0], s1  }
0x9d: {  	s0 =	simm.s32 @!p0 $0x3  }
0x9e: {  	_ =	swait.ge @!p0 [sflag:s0], s1  }
0x9f: {  	s1 =	ssub.s32 @!p0 $0x0, s1;
	[sflag:s0] =	ssyncset.done @!p0 $0x0  }
0xa0: {  	[sflag:s0] =	ssyncadd.s32 @!p0 s1  }
0xa1: {  	[bflag:$0x3] =	sbarrier.arrive $0xFFFF  }
0xa2: {  	_ =	shalt  }

// kernel: kernel.25.cloned.1.call-start
scs
__scs_entry_jumppad:
0x0: {  	(pc) =	sbr.rel $0x88, $3  }
0x1: {  	(tag) =	ssettag $0x0;
	lr =	simm.s32 $0x1  }
0x2: {  	[smem:$0x3F99] =	sst lr;
	_ =	strace $0xD0000000  }
0x3: {  	_ = 	snop  }
0x4: {  	_ = 	snop  }
0x5: {  	_ = 	snop  }
0x6: {  	_ = 	snop  }
0x7: {  	_ = 	snop  }
__scs_overlays_trampoline_lowered:
0x8: {  	[smem:$0x3FA8] =	sst s0  }
0x9: {  	[smem:$0x3FA9] =	sst s1  }
0xa: {  	[smem:$0x3FAA] =	sst s2  }
0xb: {  	[smem:$0x3FAB] =	sst s3  }
0xc: {  	[smem:$0x3FAC] =	sst s4  }
0xd: {  	[smem:$0x3FAD] =	sst s5  }
0xe: {  	[smem:$0x3FAE] =	sst s6  }
0xf: {  	[smem:$0x3FAF] =	sst s7  }
0x10: {  	[smem:$0x3FB0] =	sst s8  }
0x11: {  	[smem:$0x3FB1] =	sst s9;
	s0 =	simm.s32 @!p0 $0x0  }
0x12: {  	s1 =	sld [smem:$0x3F97];
	s0 =	simm.s32 @p0 $0x1  }
0x13: {  	[smem:$0x3FB2] =	sst s0;
	s0 =	simm.s32 @!p1 $0x0  }
0x14: {  	s2 =	sld [smem:$0x3F96];
	s0 =	simm.s32 @p1 $0x1  }
0x15: {  	[smem:$0x3FB3] =	sst s0;
	s0 =	simm.s32 @!p2 $0x0  }
0x16: {  	s3 =	sld [smem:$0x3FDB];
	s0 =	simm.s32 @p2 $0x1  }
0x17: {  	s4 =	simm.s32 $0x1BF5;
	[smem:$0x3FB5] =	sst s0  }
0x18: {  	s0 =	sld [smem:$0x3F98];
	_ =	swait.ge [sflag:s4], $0x0  }
0x19: {  	s7 =	sld [smem:$0x3F99]  }
0x1a: {  	s8 =	sadd.s32 $0xFFFFE003, lr  }
0x1b: {  	s9 =	sadd.s32 $0xFFFFFEF7, lr;
	s5 =	simm.s32 $0xFFFFFFFF;
	p2 =	slt.u32 s8, $0xFFFFF086  }
0x1c: {  	p1 =	slt.u32 s9, $0xF7A;
	s5 =	simm.s32 @!p2 $0x0  }
0x1d: {  	s5 =	simm.s32 @p1 $0x1;
	p0 =	seq.s32 s7, s2  }
0x1e: {  	s7 =	smul.u32 @!p0 $0xF7A, s2;
	p2 =	seq.s32 @!p0 s5, $0x0  }
0x1f: {  	s9 =	smul.u32 $0xF7A, s1;
	s8 =	simm.s32 @!p0 $0x1BF5;
	p2 =	por !p2, p0  }
0x20: {  	[sflag:s8] =	ssyncset.s32 @!p0 $0xFFFFF086;
	s6 =	sadd.s32 @!p0 s3, s7;
	s7 =	simm.s32 @!p0 $0x108  }
0x21: {  	s3 =	sadd.s32 s3, s9;
	s6 =	sadd.s32 @!p0 $0x88, s6;
	s7 =	simm.s32 @p2 $0x1082  }
0x22: {  	[simem:s7], [sflag:s8] =	dma.local @!p0 [hbm:s6], $0xF7A  }
0x23: {  	s9 =	sor.u32 $0xD0000000, s2;
	s6 =	simm.s32 $0x108;
	_ =	swait.ge @!p0 [sflag:s8], $0x0  }
0x24: {  	s3 =	sadd.s32 $0x88, s3;
	s6 =	simm.s32 @!p1 $0x1082;
	[sflag:s4] =	ssyncset.s32 $0xFFFFF086  }
0x25: {  	[simem:s6], [sflag:s4] =	dma.local [hbm:s3], $0xF7A  }
0x26: {  	[smem:$0x3F99] =	sst s1;
	(tag) =	ssettag s2;
	_ =	strace s9  }
0x27: {  	s1 =	sld [smem:$0x3FA9]  }
0x28: {  	s2 =	sld [smem:$0x3FAA]  }
0x29: {  	s4 =	sld [smem:$0x3FAC]  }
0x2a: {  	p0 =	seq.s32 s5, $0x0;
	s5 =	sld [smem:$0x3FAD]  }
0x2b: {  	s6 =	sld [smem:$0x3FAE]  }
0x2c: {  	s7 =	sld [smem:$0x3FAF]  }
0x2d: {  	s3 =	simm.s32 $0x108;
	s8 =	sld [smem:$0x3FB0]  }
0x2e: {  	s3 =	simm.s32 @!p0 $0x1082;
	s9 =	sld [smem:$0x3FB1]  }
0x2f: {  	lr =	sadd.s32 s0, s3;
	s0 =	sld [smem:$0x3FA8]  }
0x30: {  	s3 =	sld [smem:$0x3FAB]  }
0x31: {  	[smem:$0x3FB4] =	sst s10  }
0x32: {  	s10 =	sld [smem:$0x3FB2];
	_ =	sdelay $0x3  }
0x33: {  	p0 =	seq.s32 s10, $0x1;
	s10 =	sld [smem:$0x3FB4];
	_ =	sdelay $0x3  }
0x34: {  	[smem:$0x3FB4] =	sst s10  }
0x35: {  	s10 =	sld [smem:$0x3FB3];
	_ =	sdelay $0x3  }
0x36: {  	p1 =	seq.s32 s10, $0x1;
	s10 =	sld [smem:$0x3FB4];
	_ =	sdelay $0x3  }
0x37: {  	[smem:$0x3FB4] =	sst s10  }
0x38: {  	s10 =	sld [smem:$0x3FB5]  }
0x39: {  	_ = 	snop;
	(pc) =	sbr.ind lr, $3  }
0x3a: {  	_ = 	snop  }
0x3b: {  	_ = 	snop  }
0x3c: {  	p2 =	seq.s32 s10, $0x1;
	s10 =	sld [smem:$0x3FB4]  }
0x3d: {  	_ =	shalt  }
0x3e: {  	_ =	shalt  }
0x3f: {  	_ =	shalt  }
0x40: {  	_ =	shalt  }
0x41: {  	_ =	shalt  }
0x42: {  	_ =	shalt  }
0x43: {  	_ =	shalt  }
0x44: {  	_ =	shalt  }
0x45: {  	_ =	shalt  }
0x46: {  	_ =	shalt  }
0x47: {  	_ =	shalt  }
0x48: {  	_ =	shalt  }
0x49: {  	_ =	shalt  }
0x4a: {  	_ =	shalt  }
0x4b: {  	_ =	shalt  }
0x4c: {  	_ =	shalt  }
0x4d: {  	_ =	shalt  }
0x4e: {  	_ =	shalt  }
0x4f: {  	_ =	shalt  }
0x50: {  	_ =	shalt  }
0x51: {  	_ =	shalt  }
0x52: {  	_ =	shalt  }
0x53: {  	_ =	shalt  }
0x54: {  	_ =	shalt  }
0x55: {  	_ =	shalt  }
0x56: {  	_ =	shalt  }
0x57: {  	_ =	shalt  }
0x58: {  	_ =	shalt  }
0x59: {  	_ =	shalt  }
0x5a: {  	_ =	shalt  }
0x5b: {  	_ =	shalt  }
0x5c: {  	_ =	shalt  }
0x5d: {  	_ =	shalt  }
0x5e: {  	_ =	shalt  }
0x5f: {  	_ =	shalt  }
0x60: {  	_ =	shalt  }
0x61: {  	_ =	shalt  }
0x62: {  	_ =	shalt  }
0x63: {  	_ =	shalt  }
0x64: {  	_ =	shalt  }
0x65: {  	_ =	shalt  }
0x66: {  	_ =	shalt  }
0x67: {  	_ =	shalt  }
0x68: {  	_ =	shalt  }
0x69: {  	_ =	shalt  }
0x6a: {  	_ =	shalt  }
0x6b: {  	_ =	shalt  }
0x6c: {  	_ =	shalt  }
0x6d: {  	_ =	shalt  }
0x6e: {  	_ =	shalt  }
0x6f: {  	_ =	shalt  }
0x70: {  	_ =	shalt  }
0x71: {  	_ =	shalt  }
0x72: {  	_ =	shalt  }
0x73: {  	_ =	shalt  }
0x74: {  	_ =	shalt  }
0x75: {  	_ =	shalt  }
0x76: {  	_ =	shalt  }
0x77: {  	_ =	shalt  }
0x78: {  	_ =	shalt  }
0x79: {  	_ =	shalt  }
0x7a: {  	_ =	shalt  }
0x7b: {  	_ =	shalt  }
0x7c: {  	_ =	shalt  }
0x7d: {  	_ =	shalt  }
0x7e: {  	_ =	shalt  }
0x7f: {  	_ =	shalt  }
0x80: {  	_ =	shalt  }
0x81: {  	_ =	shalt  }
0x82: {  	_ =	shalt  }
0x83: {  	_ =	shalt  }
0x84: {  	_ =	shalt  }
0x85: {  	_ =	shalt  }
0x86: {  	_ =	shalt  }
0x87: {  	_ =	shalt  }
.Lfunc_end0:
.L_simem_size_0:
called_computation.3_lowered:
.L_overlay_start_0:
0x88: {  	s2 =	sld [smem:$0x3FD9]  }
0x89: {  	s3 =	sld [smem:$0x3FFE];
	_ =	sdelay $0x1  }
0x8a: {  	s1 =	srdreg.scid  }
0x8b: {  	s0 =	sand.u32 $0x1, s1  }
0x8c: {  	s17 =	sshll.u32 s0, $0xA;
	s2 =	sadd.s32 s3, s2  }
0x8d: {  	s2 =	sadd.s32 s2, s17  }
0x8e: {  	[smem:$0x3FC0] =	sst s2  }
0x8f: {  	_ = 	snop  }
0x90: {  	s2 =	sld [smem:$0x3FD0];
	(tm) =	ssettm $0x1  }
0x91: {  	s18 =	sld [smem:$0x3FFB];
	_ =	sdelay $0x3  }
0x92: {  	_ =	strace s18  }
0x93: {  	s3 =	sld [smem:$0x3FFC];
	_ =	sdelay $0x3  }
0x94: {  	_ =	strace s3  }
0x95: {  	s3 =	sld [smem:$0x3FFD];
	_ =	sdelay $0x3  }
0x96: {  	_ =	strace s3  }
0x97: {  	_ =	strace $0x8FFFFFFF  }
0x98: {  	s19 =	sld [smem:$0x3FDB];
	_ =	sdelay $0x1  }
0x99: {  	s4 =	simm.s32 $_scs_section_size  }
0x9a: {  	s5 =	simm.s32 $_size__tile_overlayer_lowered;
	s6 =	simm.s32 $_tile_overlayer_lowered  }
0x9b: {  	s22 =	simm.s32 $0x1BFF;
	s21 =	sshll.u32 s6, $0x1;
	s3 =	sadd.s32 s4, s19  }
0x9c: {  	s7 =	simm.s32 $0x0;
	s20 =	sshll.u32 s5, $0x1;
	s5 =	sadd.s32 s21, s3  }
0x9d: {  	[timem:s7], [sflag:s22] =	dma.local [hbm:s5], s20  }
0x9e: {  	_ =	swait.ge [sflag:s22], s20  }
0x9f: {  	s4 =	ssub.s32 $0x0, s20;
	[sflag:s22] =	ssyncset.done $0x0  }
0xa0: {  	[sflag:s22] =	ssyncadd.s32 s4;
	_ =	sdelay $0x1  }
0xa1: {  	s23 =	simm.s32 $0x1B8B  }
0xa2: {  	_ =	swait.ge [sflag:s23], $0x1  }
0xa3: {  	[sflag:s23] =	ssyncset.done $0x0  }
0xa4: {  	s25 =	simm.s32 $0x1B8E;
	s24 =	sld [smem:$0x3FFE];
	[sflag:s23] =	ssyncadd.s32 $0xFFFFFFFF  }
0xa5: {  	s26 =	simm.s32 $execute0_lowered;
	[smem:$0x3FD2] =	sst s25  }
0xa6: {  	s5 =	sshll.u32 s26, $0x1;
	_ =	strace $0x8000004F;
	[dreg:$0x1] =	wrdreg $0xFFFFFFFF  }
0xa7: {  	s28 =	simm.s32 $_size_execute0_lowered;
	s3 =	sadd.s32 s3, s5;
	[dreg:$0x0] =	wrdreg $0x0  }
0xa8: {  	s5 =	sshll.u32 s28, $0x1;
	[dreg:$0x2] =	wrdreg s3  }
0xa9: {  	[dreg:$0x3] =	wrdreg s5  }
0xaa: {  	[dreg:$0x4] =	wrdreg $0xC0  }
0xab: {  	_ =	task [dreg:s7], $0x5FFFF  }
0xac: {  	[dreg:$0x1] =	wrdreg $0xFFFFFFFF  }
0xad: {  	[dreg:$0x0] =	wrdreg $0x60  }
0xae: {  	[dreg:$0x2] =	wrdreg s24  }
0xaf: {  	[dreg:$0x3] =	wrdreg s2  }
0xb0: {  	[dreg:$0x4] =	wrdreg $0xA8000  }
0xb1: {  	[dreg:$0x5] =	wrdreg $0x9  }
0xb2: {  	_ =	task.clear_ibuf [dreg:s7], $0x6FFFF;
	_ =	strace $0x9000004F  }
0xb3: {  	s29 =	simm.s32 $0x9;
	_ =	strace $0x80000051  }
0xb4: {  	_ =	swait.ge [sflag:s29], $0x1  }
0xb5: {  	[sflag:s29] =	ssyncadd.s32 $0xFFFFFFFF  }
0xb6: {  	_ =	strace $0x90000051  }
0xb7: {  	_ =	sfence  }
0xb8: {  	s30 =	sld [smem:$0x0];
	_ =	sdelay $0x2  }
0xb9: {  	s31 =	sshll.u32 s1, $0xD;
	s1 =	sshrl.u32 s1, $0x2  }
0xba: {  	s3 =	sand.u32 $0x4000, s31;
	s1 =	sadd.s32 s1, s30  }
0xbb: {  	s0 =	sor.u32 s3, s0;
	s1 =	sshll.u32 s1, $0x11  }
0xbc: {  	s0 =	sor.u32 s1, s0  }
0xbd: {  	s0 =	sadd.s32 $0x8F2B, s0  }
0xbe: {  	[sflag:s0] =	ssyncadd.remote.s32 $0x1  }
0xbf: {  	_ =	sfence.sel $0xFFFF  }
0xc0: {  	[dreg:$0x0] =	wrdreg $0xFFFFFFFF;
	(pc) =	sbr.abs _section_cstart, $3  }
0xc1: {  	[dreg:$0x1] =	wrdreg $0xFFFFFFFF  }
0xc2: {  	_ =	task.clear_ibuf [dreg:s7], $0x2FFFF;
	_ =	strace $0x9FFFFFFF  }
0xc3: {  	(tm) =	ssettm $0x7FFFFFFF  }
tec
execute0_lowered:
.L_overlay_start_1:
0x0: {  	(tag) =	ssettag $0x1  }
0x1: {  	s6 =	rddreg [dreg:$0x0]  }
0x2: {  	s0 =	srdreg.scid;
	s7 =	rddreg [dreg:$0x1]  }
0x3: {  	s2 =	rddreg [dreg:$0x2];
	s1 =	stileid.u32  }
0x4: {  	s3 =	simm.s32 $0x0;
	s15 =	simm.s32 $0x2800;
	s16 =	simm.s32 $0x6800  }
0x5: {  	s17 =	simm.s32 $0x1;
	s8 =	sand.u32 $0x1, s0;
	s0 =	rddreg [dreg:$0x3]  }
0x6: {  	s18 =	simm.s32 $0x2;
	[smem:$0x7FF] =	sst s3;
	s11 =	smul.u32 $0x4F000, s1  }
0x7: {  	s31 =	sshll.u32 s1, $0x6;
	s21 =	smul.u32 $0x2780, s1;
	s4 =	sshll.u32 s8, $0x4  }
0x8: {  	_ =	strace $0x80000050;
	s9 =	smul.u32 $0x27800, s8;
	s8 =	ssub.s32 $0x2, s8  }
0x9: {  	s4 =	sor.u32 s1, s4;
	s28 =	sshrl.u32 s8, $0x1;
	s29 =	sshrl.u32 s11, $0x2  }
0xa: {  	s5 =	smul.u32 $0x2800, s4;
	s4 =	sadd.s32 $0x12800, s6;
	s13 =	sadd.s32 s9, s6  }
0xb: {  	s30 =	ssub.s32 s8, s28;
	s14 =	sadd.s32 s29, s2;
	s20 =	sadd.s32 $0x89000, s13  }
0xc: {  	s11 =	sshrl.u32 s14, $0x3;
	s13 =	simm.s32 $0x1400;
	s14 =	simm.s32 $0x80  }
0xd: {  	s10 =	sshrl.u32 s5, $0x3;
	s5 =	sadd.s32 $0x10000, s6;
	s20 =	sadd.s32 s21, s20  }
0xe: {  	s21 =	simm.s32 $0x0;
	s12 =	sadd.s32 s10, s6;
	s6 =	sor.u32 $0x1C03, s31  }
0xf: {  	s7 =	sadd.s32 s7, s10;
	s10 =	smax.u32 s30, $0x1;
	s8 =	sadd.s32 $0x6000, s12  }
0x10: {  	s9 =	sadd.s32 $0x280, s7;
	s12 =	simm.s32 $0x3;
	s19 =	sadd.s32 $0x280, s8  }
.LBB2_1:
0x11: {  	[spmem:s11], [sflag:s6] =	dma.local [hbm:s5], $0x2780  }
0x12: {  	_ =	swait.ge [sflag:s12], $0x2780  }
0x13: {  	[sflag:s12] =	ssyncset.done $0x0  }
0x14: {  	[sflag:s12] =	ssyncadd.s32 $0xFFFFD880  }
0x15: {  	[bflag:$0x0] =	sbarrier.arrive $0xFFFF  }
0x16: {  	[tilespmem:s3], [sflag:$0x3] =	stream.linear.gather [hbm4b:s7+s3], $0x1400, $0x38;
	[tilespmem:$0x1E400] =	vst v63  }
0x17: {  	_ =	swait.ge [sflag:s12], $0x1400  }
0x18: {  	[sflag:s12] =	ssyncset.done $0x0  }
0x19: {  	[sflag:s12] =	ssyncadd.s32 $0xFFFFEC00  }
0x1a: {  	[tilespmem:s13], [sflag:$0x3] =	stream.linear.gather [hbm4b:s8+s3], $0x1400, $0x38;
	[tilespmem:$0x1E400] =	vst v63  }
0x1b: {  	_ =	swait.ge [sflag:s12], $0x1400  }
0x1c: {  	[sflag:s12] =	ssyncset.done $0x0  }
0x1d: {  	s22 =	simm.s32 $0x0;
	[sflag:s12] =	ssyncadd.s32 $0xFFFFEC00  }
0x1e: {  	[tilespmem:s15], [sflag:$0x1] =	stream.indirect.gather [hbm4b:s4+s14], $0x80, s22, s14, $0xb8;
	[tilespmem:$0x1E400] =	vst v63  }
0x1f: {  	s29 =	simm.s32 $0x80  }
0x20: {  	[tilespmem:s16], [sflag:$0x2] =	stream.indirect.gather [hbm4b:s4+s14], $0x80, s29, s14, $0xb8;
	[tilespmem:$0x1E400] =	vst v63  }
0x21: {  	_ =	swait.ge [sflag:s17], $0x4000  }
0x22: {  	[sflag:s17] =	ssyncset.done $0x0  }
0x23: {  	s30 =	simm.s32 $0x1400;
	[sflag:s17] =	ssyncadd.s32 $0xFFFFC000  }
0x24: {  	[spmem:s2] =	stream.indirect.scatter.add.f32 [tilespmem:s15], [sflag:$0x3], $0x80, s30, s14, $0xb8;
	[tilespmem:$0x1E400] =	vst v63  }
0x25: {  	_ =	swait.ge [sflag:s12], $0x4000  }
0x26: {  	[sflag:s12] =	ssyncset.done $0x0  }
0x27: {  	[sflag:s12] =	ssyncadd.s32 $0xFFFFC000  }
0x28: {  	_ =	swait.ge [sflag:s18], $0x4000  }
0x29: {  	[sflag:s18] =	ssyncset.done $0x0  }
0x2a: {  	s31 =	simm.s32 $0x1480;
	[sflag:s18] =	ssyncadd.s32 $0xFFFFC000  }
0x2b: {  	[spmem:s2] =	stream.indirect.scatter.add.f32 [tilespmem:s16], [sflag:$0x3], $0x80, s31, s14, $0xb8;
	[tilespmem:$0x1E400] =	vst v63  }
0x2c: {  	_ =	swait.ge [sflag:s12], $0x4000  }
0x2d: {  	s23 =	simm.s32 $0x800;
	s22 =	simm.s32 $0x400;
	[sflag:s12] =	ssyncset.done $0x0  }
.LBB2_2:
0x2e: {  	s24 =	sshra.s32 s22, $0x2  }
0x2f: {  	[sflag:s12] =	ssyncadd.s32 $0xFFFFC000;
	s22 =	smov.u32 s23;
	s25 =	sadd.s32 $0x400, s23  }
0x30: {  	[tilespmem:s15], [sflag:$0x1] =	stream.indirect.gather [hbm4b:s4+s14], $0x80, s24, s14, $0xb8;
	[tilespmem:$0x1E400] =	vst v63  }
0x31: {  	p0 =	sne.s32 s23, $0x4C00;
	s23 =	sadd.s32 $0x80, s24  }
0x32: {  	[tilespmem:s16], [sflag:$0x2] =	stream.indirect.gather [hbm4b:s4+s14], $0x80, s23, s14, $0xb8;
	[tilespmem:$0x1E400] =	vst v63  }
0x33: {  	_ =	swait.ge [sflag:s17], $0x4000  }
0x34: {  	[sflag:s17] =	ssyncset.done $0x0  }
0x35: {  	s23 =	sadd.s32 $0x1400, s24;
	[sflag:s17] =	ssyncadd.s32 $0xFFFFC000  }
0x36: {  	[spmem:s2] =	stream.indirect.scatter.add.f32 [tilespmem:s15], [sflag:$0x3], $0x80, s23, s14, $0xb8;
	[tilespmem:$0x1E400] =	vst v63  }
0x37: {  	_ =	swait.ge [sflag:s12], $0x4000  }
0x38: {  	[sflag:s12] =	ssyncset.done $0x0  }
0x39: {  	[sflag:s12] =	ssyncadd.s32 $0xFFFFC000  }
0x3a: {  	_ =	swait.ge [sflag:s18], $0x4000  }
.Ltmp0:
0x3b: {  	[sflag:s18] =	ssyncset.done $0x0;
	(pc) =	sbr.rel @p0 .LBB2_2-.Ltmp0, $4  }
0x3c: {  	s23 =	sadd.s32 $0x1480, s24;
	[sflag:s18] =	ssyncadd.s32 $0xFFFFC000  }
0x3d: {  	[spmem:s2] =	stream.indirect.scatter.add.f32 [tilespmem:s16], [sflag:$0x3], $0x80, s23, s14, $0xb8;
	[tilespmem:$0x1E400] =	vst v63  }
0x3e: {  	_ =	swait.ge [sflag:s12], $0x4000  }
0x3f: {  	s23 =	smov.u32 s25;
	[sflag:s12] =	ssyncset.done $0x0  }
0x40: {  	s22 =	sshra.s32 s22, $0x2;
	[sflag:s12] =	ssyncadd.s32 $0xFFFFC000  }
0x41: {  	[tilespmem:s15], [sflag:$0x1] =	stream.indirect.gather [hbm4b:s4+s14], $0x80, s22, s14, $0xb8;
	[tilespmem:$0x1E400] =	vst v63  }
0x42: {  	s23 =	sadd.s32 $0x80, s22  }
0x43: {  	[tilespmem:s16], [sflag:$0x2] =	stream.indirect.gather [hbm4b:s4+s14], $0x80, s23, s14, $0xb8;
	[tilespmem:$0x1E400] =	vst v63  }
0x44: {  	_ =	swait.ge [sflag:s17], $0x4000  }
0x45: {  	[sflag:s17] =	ssyncset.done $0x0  }
0x46: {  	s25 =	sadd.s32 $0x1400, s22;
	[sflag:s17] =	ssyncadd.s32 $0xFFFFC000  }
0x47: {  	[spmem:s2] =	stream.indirect.scatter.add.f32 [tilespmem:s15], [sflag:$0x3], $0x80, s25, s14, $0xb8;
	[tilespmem:$0x1E400] =	vst v63  }
0x48: {  	_ =	swait.ge [sflag:s12], $0x4000  }
0x49: {  	[sflag:s12] =	ssyncset.done $0x0  }
0x4a: {  	[sflag:s12] =	ssyncadd.s32 $0xFFFFC000  }
0x4b: {  	_ =	swait.ge [sflag:s18], $0x4000  }
0x4c: {  	[sflag:s18] =	ssyncset.done $0x0  }
0x4d: {  	s22 =	sadd.s32 $0x1480, s22;
	[sflag:s18] =	ssyncadd.s32 $0xFFFFC000  }
0x4e: {  	[spmem:s2] =	stream.indirect.scatter.add.f32 [tilespmem:s16], [sflag:$0x3], $0x80, s22, s14, $0xb8;
	[tilespmem:$0x1E400] =	vst v63  }
0x4f: {  	_ =	swait.ge [sflag:s12], $0x4000  }
0x50: {  	[sflag:s12] =	ssyncset.done $0x0  }
0x51: {  	s26 =	simm.s32 $0x0;
	[sflag:s12] =	ssyncadd.s32 $0xFFFFC000  }
0x52: {  	[tilespmem:s26], [sflag:$0x3] =	stream.linear.gather [hbm4b:s9+s26], $0x1400, $0x38;
	[tilespmem:$0x1E400] =	vst v63  }
0x53: {  	_ =	swait.ge [sflag:s12], $0x1400  }
0x54: {  	[sflag:s12] =	ssyncset.done $0x0  }
0x55: {  	[sflag:s12] =	ssyncadd.s32 $0xFFFFEC00  }
0x56: {  	[tilespmem:s13], [sflag:$0x3] =	stream.linear.gather [hbm4b:s19+s26], $0x1400, $0x38;
	[tilespmem:$0x1E400] =	vst v63  }
0x57: {  	_ =	swait.ge [sflag:s12], $0x1400  }
0x58: {  	[sflag:s12] =	ssyncset.done $0x0  }
0x59: {  	s28 =	simm.s32 $0x0;
	[sflag:s12] =	ssyncadd.s32 $0xFFFFEC00  }
0x5a: {  	[tilespmem:s15], [sflag:$0x1] =	stream.indirect.gather [hbm4b:s4+s14], $0x80, s28, s14, $0xb8;
	[tilespmem:$0x1E400] =	vst v63  }
0x5b: {  	s29 =	simm.s32 $0x80  }
0x5c: {  	[tilespmem:s16], [sflag:$0x2] =	stream.indirect.gather [hbm4b:s4+s14], $0x80, s29, s14, $0xb8;
	[tilespmem:$0x1E400] =	vst v63  }
0x5d: {  	_ =	swait.ge [sflag:s17], $0x4000  }
0x5e: {  	[sflag:s17] =	ssyncset.done $0x0  }
0x5f: {  	s30 =	simm.s32 $0x1400;
	[sflag:s17] =	ssyncadd.s32 $0xFFFFC000  }
0x60: {  	[spmem:s2] =	stream.indirect.scatter.add.f32 [tilespmem:s15], [sflag:$0x3], $0x80, s30, s14, $0xb8;
	[tilespmem:$0x1E400] =	vst v63  }
0x61: {  	_ =	swait.ge [sflag:s12], $0x4000  }
0x62: {  	[sflag:s12] =	ssyncset.done $0x0  }
0x63: {  	[sflag:s12] =	ssyncadd.s32 $0xFFFFC000  }
0x64: {  	_ =	swait.ge [sflag:s18], $0x4000  }
0x65: {  	[sflag:s18] =	ssyncset.done $0x0  }
0x66: {  	s31 =	simm.s32 $0x1480;
	[sflag:s18] =	ssyncadd.s32 $0xFFFFC000  }
0x67: {  	[spmem:s2] =	stream.indirect.scatter.add.f32 [tilespmem:s16], [sflag:$0x3], $0x80, s31, s14, $0xb8;
	[tilespmem:$0x1E400] =	vst v63  }
0x68: {  	_ =	swait.ge [sflag:s12], $0x4000  }
0x69: {  	s23 =	simm.s32 $0x800;
	s22 =	simm.s32 $0x400;
	[sflag:s12] =	ssyncset.done $0x0  }
.LBB2_4:
0x6a: {  	s24 =	sshra.s32 s22, $0x2  }
0x6b: {  	[sflag:s12] =	ssyncadd.s32 $0xFFFFC000;
	s22 =	smov.u32 s23;
	s25 =	sadd.s32 $0x400, s23  }
0x6c: {  	[tilespmem:s15], [sflag:$0x1] =	stream.indirect.gather [hbm4b:s4+s14], $0x80, s24, s14, $0xb8;
	[tilespmem:$0x1E400] =	vst v63  }
0x6d: {  	p0 =	sne.s32 s23, $0x4C00;
	s23 =	sadd.s32 $0x80, s24  }
0x6e: {  	[tilespmem:s16], [sflag:$0x2] =	stream.indirect.gather [hbm4b:s4+s14], $0x80, s23, s14, $0xb8;
	[tilespmem:$0x1E400] =	vst v63  }
0x6f: {  	_ =	swait.ge [sflag:s17], $0x4000  }
0x70: {  	[sflag:s17] =	ssyncset.done $0x0  }
0x71: {  	s23 =	sadd.s32 $0x1400, s24;
	[sflag:s17] =	ssyncadd.s32 $0xFFFFC000  }
0x72: {  	[spmem:s2] =	stream.indirect.scatter.add.f32 [tilespmem:s15], [sflag:$0x3], $0x80, s23, s14, $0xb8;
	[tilespmem:$0x1E400] =	vst v63  }
0x73: {  	_ =	swait.ge [sflag:s12], $0x4000  }
0x74: {  	[sflag:s12] =	ssyncset.done $0x0  }
0x75: {  	[sflag:s12] =	ssyncadd.s32 $0xFFFFC000  }
0x76: {  	_ =	swait.ge [sflag:s18], $0x4000  }
.Ltmp1:
0x77: {  	[sflag:s18] =	ssyncset.done $0x0;
	(pc) =	sbr.rel @p0 .LBB2_4-.Ltmp1, $4  }
0x78: {  	s23 =	sadd.s32 $0x1480, s24;
	[sflag:s18] =	ssyncadd.s32 $0xFFFFC000  }
0x79: {  	[spmem:s2] =	stream.indirect.scatter.add.f32 [tilespmem:s16], [sflag:$0x3], $0x80, s23, s14, $0xb8;
	[tilespmem:$0x1E400] =	vst v63  }
0x7a: {  	_ =	swait.ge [sflag:s12], $0x4000  }
0x7b: {  	s23 =	smov.u32 s25;
	[sflag:s12] =	ssyncset.done $0x0  }
0x7c: {  	s22 =	sshra.s32 s22, $0x2;
	[sflag:s12] =	ssyncadd.s32 $0xFFFFC000  }
0x7d: {  	[tilespmem:s15], [sflag:$0x1] =	stream.indirect.gather [hbm4b:s4+s14], $0x80, s22, s14, $0xb8;
	[tilespmem:$0x1E400] =	vst v63  }
0x7e: {  	s23 =	sadd.s32 $0x80, s22  }
0x7f: {  	[tilespmem:s16], [sflag:$0x2] =	stream.indirect.gather [hbm4b:s4+s14], $0x80, s23, s14, $0xb8;
	[tilespmem:$0x1E400] =	vst v63  }
0x80: {  	_ =	swait.ge [sflag:s17], $0x4000  }
0x81: {  	[sflag:s17] =	ssyncset.done $0x0  }
0x82: {  	s31 =	sadd.s32 $0x1400, s22;
	[sflag:s17] =	ssyncadd.s32 $0xFFFFC000  }
0x83: {  	[spmem:s2] =	stream.indirect.scatter.add.f32 [tilespmem:s15], [sflag:$0x3], $0x80, s31, s14, $0xb8;
	[tilespmem:$0x1E400] =	vst v63  }
0x84: {  	_ =	swait.ge [sflag:s12], $0x4000  }
0x85: {  	[sflag:s12] =	ssyncset.done $0x0  }
0x86: {  	[sflag:s12] =	ssyncadd.s32 $0xFFFFC000  }
0x87: {  	_ =	swait.ge [sflag:s18], $0x4000  }
0x88: {  	[sflag:s18] =	ssyncset.done $0x0  }
0x89: {  	s22 =	sadd.s32 $0x1480, s22;
	[sflag:s18] =	ssyncadd.s32 $0xFFFFC000  }
0x8a: {  	[spmem:s2] =	stream.indirect.scatter.add.f32 [tilespmem:s16], [sflag:$0x3], $0x80, s22, s14, $0xb8;
	[tilespmem:$0x1E400] =	vst v63  }
0x8b: {  	_ =	swait.ge [sflag:s12], $0x4000  }
0x8c: {  	s21 =	sadd.s32 $0x1, s21;
	[sflag:s12] =	ssyncset.done $0x0  }
0x8d: {  	p0 =	sne.s32 s21, s10;
	[sflag:s12] =	ssyncadd.s32 $0xFFFFC000  }
.Ltmp2:
0x8e: {  	[bflag:$0x0] =	sbarrier.arrive $0xFFFF;
	(pc) =	sbr.rel @p0 .LBB2_1-.Ltmp2, $4  }
0x8f: {  	[hbm:s20], [sflag:s6] =	dma.local [spmem:s11], $0x2780  }
0x90: {  	_ =	swait.ge [sflag:s12], $0x2780  }
0x91: {  	[sflag:s12] =	ssyncset.done $0x0  }
0x92: {  	[sflag:s12] =	ssyncadd.s32 $0xFFFFD880  }
0x93: {  	_ =	sfence.sel $0x180000  }
0x94: {  	[bflag:$0x0] =	sbarrier.arrive $0xFFFF  }
0x95: {  	p0 =	sne.s32 s1, $0x0;
	_ =	strace $0x90000050  }
0x96: {  	s0 =	sadd.s32 @!p0 $0x100000, s0;
	[bflag:$0x2] =	sbarrier.arrive $0xFFFF  }
0x97: {  	[sflag:s0] =	ssyncadd.tile.s32 @!p0 $0x1;
	_ =	shalt  }
.Lfunc_end2:
_tile_overlayer_lowered:
.L_overlay_start_2:
0x98: {  	(tag) =	ssettag $0x2  }
0x99: {  	s0 =	rddreg [dreg:$0x0];
	s2 =	stileid.u32  }
0x9a: {  	s1 =	rddreg [dreg:$0x1];
	p0 =	sne.s32 s2, $0x0  }
0x9b: {  	s3 =	rddreg [dreg:$0x2];
	[bflag:$0x3] =	sbarrier.arrive $0xFFFF;
	s2 =	simm.s32 @!p0 $0x1C03  }
0x9c: {  	[timem:s3], [sflag:s2] =	dma.local @!p0 [hbm:s0], s1  }
0x9d: {  	s0 =	simm.s32 @!p0 $0x3  }
0x9e: {  	_ =	swait.ge @!p0 [sflag:s0], s1  }
0x9f: {  	s1 =	ssub.s32 @!p0 $0x0, s1;
	[sflag:s0] =	ssyncset.done @!p0 $0x0  }
0xa0: {  	[sflag:s0] =	ssyncadd.s32 @!p0 s1  }
0xa1: {  	[bflag:$0x3] =	sbarrier.arrive $0xFFFF  }
0xa2: {  	_ =	shalt  }

// kernel: kernel.28.cloned.1.call-start
scs
__scs_entry_jumppad:
0x0: {  	(pc) =	sbr.rel $0x88, $3  }
0x1: {  	(tag) =	ssettag $0x0;
	lr =	simm.s32 $0x1  }
0x2: {  	[smem:$0x3F99] =	sst lr;
	_ =	strace $0xD0000000  }
0x3: {  	_ = 	snop  }
0x4: {  	_ = 	snop  }
0x5: {  	_ = 	snop  }
0x6: {  	_ = 	snop  }
0x7: {  	_ = 	snop  }
__scs_overlays_trampoline_lowered:
0x8: {  	[smem:$0x3FA8] =	sst s0  }
0x9: {  	[smem:$0x3FA9] =	sst s1  }
0xa: {  	[smem:$0x3FAA] =	sst s2  }
0xb: {  	[smem:$0x3FAB] =	sst s3  }
0xc: {  	[smem:$0x3FAC] =	sst s4  }
0xd: {  	[smem:$0x3FAD] =	sst s5  }
0xe: {  	[smem:$0x3FAE] =	sst s6  }
0xf: {  	[smem:$0x3FAF] =	sst s7  }
0x10: {  	[smem:$0x3FB0] =	sst s8  }
0x11: {  	[smem:$0x3FB1] =	sst s9;
	s0 =	simm.s32 @!p0 $0x0  }
0x12: {  	s1 =	sld [smem:$0x3F97];
	s0 =	simm.s32 @p0 $0x1  }
0x13: {  	[smem:$0x3FB2] =	sst s0;
	s0 =	simm.s32 @!p1 $0x0  }
0x14: {  	s2 =	sld [smem:$0x3F96];
	s0 =	simm.s32 @p1 $0x1  }
0x15: {  	[smem:$0x3FB3] =	sst s0;
	s0 =	simm.s32 @!p2 $0x0  }
0x16: {  	s3 =	sld [smem:$0x3FDB];
	s0 =	simm.s32 @p2 $0x1  }
0x17: {  	s4 =	simm.s32 $0x1BF5;
	[smem:$0x3FB5] =	sst s0  }
0x18: {  	s0 =	sld [smem:$0x3F98];
	_ =	swait.ge [sflag:s4], $0x0  }
0x19: {  	s7 =	sld [smem:$0x3F99]  }
0x1a: {  	s8 =	sadd.s32 $0xFFFFE003, lr  }
0x1b: {  	s9 =	sadd.s32 $0xFFFFFEF7, lr;
	s5 =	simm.s32 $0xFFFFFFFF;
	p2 =	slt.u32 s8, $0xFFFFF086  }
0x1c: {  	p1 =	slt.u32 s9, $0xF7A;
	s5 =	simm.s32 @!p2 $0x0  }
0x1d: {  	s5 =	simm.s32 @p1 $0x1;
	p0 =	seq.s32 s7, s2  }
0x1e: {  	s7 =	smul.u32 @!p0 $0xF7A, s2;
	p2 =	seq.s32 @!p0 s5, $0x0  }
0x1f: {  	s9 =	smul.u32 $0xF7A, s1;
	s8 =	simm.s32 @!p0 $0x1BF5;
	p2 =	por !p2, p0  }
0x20: {  	[sflag:s8] =	ssyncset.s32 @!p0 $0xFFFFF086;
	s6 =	sadd.s32 @!p0 s3, s7;
	s7 =	simm.s32 @!p0 $0x108  }
0x21: {  	s3 =	sadd.s32 s3, s9;
	s6 =	sadd.s32 @!p0 $0x88, s6;
	s7 =	simm.s32 @p2 $0x1082  }
0x22: {  	[simem:s7], [sflag:s8] =	dma.local @!p0 [hbm:s6], $0xF7A  }
0x23: {  	s9 =	sor.u32 $0xD0000000, s2;
	s6 =	simm.s32 $0x108;
	_ =	swait.ge @!p0 [sflag:s8], $0x0  }
0x24: {  	s3 =	sadd.s32 $0x88, s3;
	s6 =	simm.s32 @!p1 $0x1082;
	[sflag:s4] =	ssyncset.s32 $0xFFFFF086  }
0x25: {  	[simem:s6], [sflag:s4] =	dma.local [hbm:s3], $0xF7A  }
0x26: {  	[smem:$0x3F99] =	sst s1;
	(tag) =	ssettag s2;
	_ =	strace s9  }
0x27: {  	s1 =	sld [smem:$0x3FA9]  }
0x28: {  	s2 =	sld [smem:$0x3FAA]  }
0x29: {  	s4 =	sld [smem:$0x3FAC]  }
0x2a: {  	p0 =	seq.s32 s5, $0x0;
	s5 =	sld [smem:$0x3FAD]  }
0x2b: {  	s6 =	sld [smem:$0x3FAE]  }
0x2c: {  	s7 =	sld [smem:$0x3FAF]  }
0x2d: {  	s3 =	simm.s32 $0x108;
	s8 =	sld [smem:$0x3FB0]  }
0x2e: {  	s3 =	simm.s32 @!p0 $0x1082;
	s9 =	sld [smem:$0x3FB1]  }
0x2f: {  	lr =	sadd.s32 s0, s3;
	s0 =	sld [smem:$0x3FA8]  }
0x30: {  	s3 =	sld [smem:$0x3FAB]  }
0x31: {  	[smem:$0x3FB4] =	sst s10  }
0x32: {  	s10 =	sld [smem:$0x3FB2];
	_ =	sdelay $0x3  }
0x33: {  	p0 =	seq.s32 s10, $0x1;
	s10 =	sld [smem:$0x3FB4];
	_ =	sdelay $0x3  }
0x34: {  	[smem:$0x3FB4] =	sst s10  }
0x35: {  	s10 =	sld [smem:$0x3FB3];
	_ =	sdelay $0x3  }
0x36: {  	p1 =	seq.s32 s10, $0x1;
	s10 =	sld [smem:$0x3FB4];
	_ =	sdelay $0x3  }
0x37: {  	[smem:$0x3FB4] =	sst s10  }
0x38: {  	s10 =	sld [smem:$0x3FB5]  }
0x39: {  	_ = 	snop;
	(pc) =	sbr.ind lr, $3  }
0x3a: {  	_ = 	snop  }
0x3b: {  	_ = 	snop  }
0x3c: {  	p2 =	seq.s32 s10, $0x1;
	s10 =	sld [smem:$0x3FB4]  }
0x3d: {  	_ =	shalt  }
0x3e: {  	_ =	shalt  }
0x3f: {  	_ =	shalt  }
0x40: {  	_ =	shalt  }
0x41: {  	_ =	shalt  }
0x42: {  	_ =	shalt  }
0x43: {  	_ =	shalt  }
0x44: {  	_ =	shalt  }
0x45: {  	_ =	shalt  }
0x46: {  	_ =	shalt  }
0x47: {  	_ =	shalt  }
0x48: {  	_ =	shalt  }
0x49: {  	_ =	shalt  }
0x4a: {  	_ =	shalt  }
0x4b: {  	_ =	shalt  }
0x4c: {  	_ =	shalt  }
0x4d: {  	_ =	shalt  }
0x4e: {  	_ =	shalt  }
0x4f: {  	_ =	shalt  }
0x50: {  	_ =	shalt  }
0x51: {  	_ =	shalt  }
0x52: {  	_ =	shalt  }
0x53: {  	_ =	shalt  }
0x54: {  	_ =	shalt  }
0x55: {  	_ =	shalt  }
0x56: {  	_ =	shalt  }
0x57: {  	_ =	shalt  }
0x58: {  	_ =	shalt  }
0x59: {  	_ =	shalt  }
0x5a: {  	_ =	shalt  }
0x5b: {  	_ =	shalt  }
0x5c: {  	_ =	shalt  }
0x5d: {  	_ =	shalt  }
0x5e: {  	_ =	shalt  }
0x5f: {  	_ =	shalt  }
0x60: {  	_ =	shalt  }
0x61: {  	_ =	shalt  }
0x62: {  	_ =	shalt  }
0x63: {  	_ =	shalt  }
0x64: {  	_ =	shalt  }
0x65: {  	_ =	shalt  }
0x66: {  	_ =	shalt  }
0x67: {  	_ =	shalt  }
0x68: {  	_ =	shalt  }
0x69: {  	_ =	shalt  }
0x6a: {  	_ =	shalt  }
0x6b: {  	_ =	shalt  }
0x6c: {  	_ =	shalt  }
0x6d: {  	_ =	shalt  }
0x6e: {  	_ =	shalt  }
0x6f: {  	_ =	shalt  }
0x70: {  	_ =	shalt  }
0x71: {  	_ =	shalt  }
0x72: {  	_ =	shalt  }
0x73: {  	_ =	shalt  }
0x74: {  	_ =	shalt  }
0x75: {  	_ =	shalt  }
0x76: {  	_ =	shalt  }
0x77: {  	_ =	shalt  }
0x78: {  	_ =	shalt  }
0x79: {  	_ =	shalt  }
0x7a: {  	_ =	shalt  }
0x7b: {  	_ =	shalt  }
0x7c: {  	_ =	shalt  }
0x7d: {  	_ =	shalt  }
0x7e: {  	_ =	shalt  }
0x7f: {  	_ =	shalt  }
0x80: {  	_ =	shalt  }
0x81: {  	_ =	shalt  }
0x82: {  	_ =	shalt  }
0x83: {  	_ =	shalt  }
0x84: {  	_ =	shalt  }
0x85: {  	_ =	shalt  }
0x86: {  	_ =	shalt  }
0x87: {  	_ =	shalt  }
.Lfunc_end0:
.L_simem_size_0:
called_computation.4_lowered:
.L_overlay_start_0:
0x88: {  	s2 =	sld [smem:$0x3FD9]  }
0x89: {  	s3 =	sld [smem:$0x3FFE];
	_ =	sdelay $0x1  }
0x8a: {  	s1 =	srdreg.scid  }
0x8b: {  	s0 =	sand.u32 $0x1, s1  }
0x8c: {  	s17 =	sshll.u32 s0, $0xA;
	s2 =	sadd.s32 s3, s2  }
0x8d: {  	s2 =	sadd.s32 s2, s17  }
0x8e: {  	[smem:$0x3FC0] =	sst s2  }
0x8f: {  	_ = 	snop  }
0x90: {  	s2 =	sld [smem:$0x3FD0];
	(tm) =	ssettm $0x1  }
0x91: {  	s18 =	sld [smem:$0x3FFB];
	_ =	sdelay $0x3  }
0x92: {  	_ =	strace s18  }
0x93: {  	s3 =	sld [smem:$0x3FFC];
	_ =	sdelay $0x3  }
0x94: {  	_ =	strace s3  }
0x95: {  	s3 =	sld [smem:$0x3FFD];
	_ =	sdelay $0x3  }
0x96: {  	_ =	strace s3  }
0x97: {  	_ =	strace $0x8FFFFFFF  }
0x98: {  	s19 =	sld [smem:$0x3FDB];
	_ =	sdelay $0x1  }
0x99: {  	s4 =	simm.s32 $_scs_section_size  }
0x9a: {  	s5 =	simm.s32 $_size__tile_overlayer_lowered;
	s6 =	simm.s32 $_tile_overlayer_lowered  }
0x9b: {  	s22 =	simm.s32 $0x1BFF;
	s21 =	sshll.u32 s6, $0x1;
	s3 =	sadd.s32 s4, s19  }
0x9c: {  	s7 =	simm.s32 $0x0;
	s20 =	sshll.u32 s5, $0x1;
	s5 =	sadd.s32 s21, s3  }
0x9d: {  	[timem:s7], [sflag:s22] =	dma.local [hbm:s5], s20  }
0x9e: {  	_ =	swait.ge [sflag:s22], s20  }
0x9f: {  	s4 =	ssub.s32 $0x0, s20;
	[sflag:s22] =	ssyncset.done $0x0  }
0xa0: {  	[sflag:s22] =	ssyncadd.s32 s4;
	_ =	sdelay $0x1  }
0xa1: {  	s23 =	simm.s32 $0x1B8B  }
0xa2: {  	_ =	swait.ge [sflag:s23], $0x1  }
0xa3: {  	[sflag:s23] =	ssyncset.done $0x0  }
0xa4: {  	s25 =	simm.s32 $0x1B8E;
	s24 =	sld [smem:$0x3FFE];
	[sflag:s23] =	ssyncadd.s32 $0xFFFFFFFF  }
0xa5: {  	s26 =	simm.s32 $execute0_lowered;
	[smem:$0x3FD2] =	sst s25  }
0xa6: {  	s5 =	sshll.u32 s26, $0x1;
	_ =	strace $0x80000052;
	[dreg:$0x1] =	wrdreg $0xFFFFFFFF  }
0xa7: {  	s28 =	simm.s32 $_size_execute0_lowered;
	s3 =	sadd.s32 s3, s5;
	[dreg:$0x0] =	wrdreg $0x0  }
0xa8: {  	s5 =	sshll.u32 s28, $0x1;
	[dreg:$0x2] =	wrdreg s3  }
0xa9: {  	[dreg:$0x3] =	wrdreg s5  }
0xaa: {  	[dreg:$0x4] =	wrdreg $0xC0  }
0xab: {  	_ =	task [dreg:s7], $0x5FFFF  }
0xac: {  	[dreg:$0x1] =	wrdreg $0xFFFFFFFF  }
0xad: {  	[dreg:$0x0] =	wrdreg $0x60  }
0xae: {  	[dreg:$0x2] =	wrdreg s24  }
0xaf: {  	[dreg:$0x3] =	wrdreg s2  }
0xb0: {  	[dreg:$0x4] =	wrdreg $0xA8000  }
0xb1: {  	[dreg:$0x5] =	wrdreg $0x9  }
0xb2: {  	_ =	task.clear_ibuf [dreg:s7], $0x6FFFF;
	_ =	strace $0x90000052  }
0xb3: {  	s29 =	simm.s32 $0x9;
	_ =	strace $0x80000054  }
0xb4: {  	_ =	swait.ge [sflag:s29], $0x1  }
0xb5: {  	[sflag:s29] =	ssyncadd.s32 $0xFFFFFFFF  }
0xb6: {  	_ =	strace $0x90000054  }
0xb7: {  	_ =	sfence  }
0xb8: {  	s30 =	sld [smem:$0x0];
	_ =	sdelay $0x2  }
0xb9: {  	s31 =	sshll.u32 s1, $0xD;
	s1 =	sshrl.u32 s1, $0x2  }
0xba: {  	s3 =	sand.u32 $0x4000, s31;
	s1 =	sadd.s32 s1, s30  }
0xbb: {  	s0 =	sor.u32 s3, s0;
	s1 =	sshll.u32 s1, $0x11  }
0xbc: {  	s0 =	sor.u32 s1, s0  }
0xbd: {  	s0 =	sadd.s32 $0x8F2B, s0  }
0xbe: {  	[sflag:s0] =	ssyncadd.remote.s32 $0x1  }
0xbf: {  	_ =	sfence.sel $0xFFFF  }
0xc0: {  	[dreg:$0x0] =	wrdreg $0xFFFFFFFF;
	(pc) =	sbr.abs _section_cstart, $3  }
0xc1: {  	[dreg:$0x1] =	wrdreg $0xFFFFFFFF  }
0xc2: {  	_ =	task.clear_ibuf [dreg:s7], $0x2FFFF;
	_ =	strace $0x9FFFFFFF  }
0xc3: {  	(tm) =	ssettm $0x7FFFFFFF  }
tec
execute0_lowered:
.L_overlay_start_1:
0x0: {  	(tag) =	ssettag $0x1  }
0x1: {  	s6 =	rddreg [dreg:$0x0]  }
0x2: {  	s0 =	srdreg.scid;
	s7 =	rddreg [dreg:$0x1]  }
0x3: {  	s2 =	rddreg [dreg:$0x2];
	s1 =	stileid.u32  }
0x4: {  	s3 =	simm.s32 $0x0;
	s15 =	simm.s32 $0x2800;
	s16 =	simm.s32 $0x6800  }
0x5: {  	s17 =	simm.s32 $0x1;
	s8 =	sand.u32 $0x1, s0;
	s0 =	rddreg [dreg:$0x3]  }
0x6: {  	s18 =	simm.s32 $0x2;
	[smem:$0x7FF] =	sst s3;
	s11 =	smul.u32 $0x4F000, s1  }
0x7: {  	s31 =	sshll.u32 s1, $0x6;
	s21 =	smul.u32 $0x2780, s1;
	s4 =	sshll.u32 s8, $0x4  }
0x8: {  	_ =	strace $0x80000053;
	s9 =	smul.u32 $0x27800, s8;
	s8 =	ssub.s32 $0x2, s8  }
0x9: {  	s4 =	sor.u32 s1, s4;
	s28 =	sshrl.u32 s8, $0x1;
	s29 =	sshrl.u32 s11, $0x2  }
0xa: {  	s5 =	smul.u32 $0x2800, s4;
	s4 =	sadd.s32 $0x12800, s6;
	s13 =	sadd.s32 s9, s6  }
0xb: {  	s30 =	ssub.s32 s8, s28;
	s14 =	sadd.s32 s29, s2;
	s20 =	sadd.s32 $0x89000, s13  }
0xc: {  	s11 =	sshrl.u32 s14, $0x3;
	s13 =	simm.s32 $0x1400;
	s14 =	simm.s32 $0x80  }
0xd: {  	s10 =	sshrl.u32 s5, $0x3;
	s5 =	sadd.s32 $0x10000, s6;
	s20 =	sadd.s32 s21, s20  }
0xe: {  	s21 =	simm.s32 $0x0;
	s12 =	sadd.s32 s10, s6;
	s6 =	sor.u32 $0x1C03, s31  }
0xf: {  	s7 =	sadd.s32 s7, s10;
	s10 =	smax.u32 s30, $0x1;
	s8 =	sadd.s32 $0x6000, s12  }
0x10: {  	s9 =	sadd.s32 $0x280, s7;
	s12 =	simm.s32 $0x3;
	s19 =	sadd.s32 $0x280, s8  }
.LBB2_1:
0x11: {  	[spmem:s11], [sflag:s6] =	dma.local [hbm:s5], $0x2780  }
0x12: {  	_ =	swait.ge [sflag:s12], $0x2780  }
0x13: {  	[sflag:s12] =	ssyncset.done $0x0  }
0x14: {  	[sflag:s12] =	ssyncadd.s32 $0xFFFFD880  }
0x15: {  	[bflag:$0x0] =	sbarrier.arrive $0xFFFF  }
0x16: {  	[tilespmem:s3], [sflag:$0x3] =	stream.linear.gather [hbm4b:s7+s3], $0x1400, $0x38;
	[tilespmem:$0x1E400] =	vst v63  }
0x17: {  	_ =	swait.ge [sflag:s12], $0x1400  }
0x18: {  	[sflag:s12] =	ssyncset.done $0x0  }
0x19: {  	[sflag:s12] =	ssyncadd.s32 $0xFFFFEC00  }
0x1a: {  	[tilespmem:s13], [sflag:$0x3] =	stream.linear.gather [hbm4b:s8+s3], $0x1400, $0x38;
	[tilespmem:$0x1E400] =	vst v63  }
0x1b: {  	_ =	swait.ge [sflag:s12], $0x1400  }
0x1c: {  	[sflag:s12] =	ssyncset.done $0x0  }
0x1d: {  	s22 =	simm.s32 $0x0;
	[sflag:s12] =	ssyncadd.s32 $0xFFFFEC00  }
0x1e: {  	[tilespmem:s15], [sflag:$0x1] =	stream.indirect.gather [hbm4b:s4+s14], $0x80, s22, s14, $0xb8;
	[tilespmem:$0x1E400] =	vst v63  }
0x1f: {  	s29 =	simm.s32 $0x80  }
0x20: {  	[tilespmem:s16], [sflag:$0x2] =	stream.indirect.gather [hbm4b:s4+s14], $0x80, s29, s14, $0xb8;
	[tilespmem:$0x1E400] =	vst v63  }
0x21: {  	_ =	swait.ge [sflag:s17], $0x4000  }
0x22: {  	[sflag:s17] =	ssyncset.done $0x0  }
0x23: {  	s30 =	simm.s32 $0x1400;
	[sflag:s17] =	ssyncadd.s32 $0xFFFFC000  }
0x24: {  	[spmem:s2] =	stream.indirect.scatter.add.f32 [tilespmem:s15], [sflag:$0x3], $0x80, s30, s14, $0xb8;
	[tilespmem:$0x1E400] =	vst v63  }
0x25: {  	_ =	swait.ge [sflag:s12], $0x4000  }
0x26: {  	[sflag:s12] =	ssyncset.done $0x0  }
0x27: {  	[sflag:s12] =	ssyncadd.s32 $0xFFFFC000  }
0x28: {  	_ =	swait.ge [sflag:s18], $0x4000  }
0x29: {  	[sflag:s18] =	ssyncset.done $0x0  }
0x2a: {  	s31 =	simm.s32 $0x1480;
	[sflag:s18] =	ssyncadd.s32 $0xFFFFC000  }
0x2b: {  	[spmem:s2] =	stream.indirect.scatter.add.f32 [tilespmem:s16], [sflag:$0x3], $0x80, s31, s14, $0xb8;
	[tilespmem:$0x1E400] =	vst v63  }
0x2c: {  	_ =	swait.ge [sflag:s12], $0x4000  }
0x2d: {  	s23 =	simm.s32 $0x800;
	s22 =	simm.s32 $0x400;
	[sflag:s12] =	ssyncset.done $0x0  }
.LBB2_2:
0x2e: {  	s24 =	sshra.s32 s22, $0x2  }
0x2f: {  	[sflag:s12] =	ssyncadd.s32 $0xFFFFC000;
	s22 =	smov.u32 s23;
	s25 =	sadd.s32 $0x400, s23  }
0x30: {  	[tilespmem:s15], [sflag:$0x1] =	stream.indirect.gather [hbm4b:s4+s14], $0x80, s24, s14, $0xb8;
	[tilespmem:$0x1E400] =	vst v63  }
0x31: {  	p0 =	sne.s32 s23, $0x4C00;
	s23 =	sadd.s32 $0x80, s24  }
0x32: {  	[tilespmem:s16], [sflag:$0x2] =	stream.indirect.gather [hbm4b:s4+s14], $0x80, s23, s14, $0xb8;
	[tilespmem:$0x1E400] =	vst v63  }
0x33: {  	_ =	swait.ge [sflag:s17], $0x4000  }
0x34: {  	[sflag:s17] =	ssyncset.done $0x0  }
0x35: {  	s23 =	sadd.s32 $0x1400, s24;
	[sflag:s17] =	ssyncadd.s32 $0xFFFFC000  }
0x36: {  	[spmem:s2] =	stream.indirect.scatter.add.f32 [tilespmem:s15], [sflag:$0x3], $0x80, s23, s14, $0xb8;
	[tilespmem:$0x1E400] =	vst v63  }
0x37: {  	_ =	swait.ge [sflag:s12], $0x4000  }
0x38: {  	[sflag:s12] =	ssyncset.done $0x0  }
0x39: {  	[sflag:s12] =	ssyncadd.s32 $0xFFFFC000  }
0x3a: {  	_ =	swait.ge [sflag:s18], $0x4000  }
.Ltmp0:
0x3b: {  	[sflag:s18] =	ssyncset.done $0x0;
	(pc) =	sbr.rel @p0 .LBB2_2-.Ltmp0, $4  }
0x3c: {  	s23 =	sadd.s32 $0x1480, s24;
	[sflag:s18] =	ssyncadd.s32 $0xFFFFC000  }
0x3d: {  	[spmem:s2] =	stream.indirect.scatter.add.f32 [tilespmem:s16], [sflag:$0x3], $0x80, s23, s14, $0xb8;
	[tilespmem:$0x1E400] =	vst v63  }
0x3e: {  	_ =	swait.ge [sflag:s12], $0x4000  }
0x3f: {  	s23 =	smov.u32 s25;
	[sflag:s12] =	ssyncset.done $0x0  }
0x40: {  	s22 =	sshra.s32 s22, $0x2;
	[sflag:s12] =	ssyncadd.s32 $0xFFFFC000  }
0x41: {  	[tilespmem:s15], [sflag:$0x1] =	stream.indirect.gather [hbm4b:s4+s14], $0x80, s22, s14, $0xb8;
	[tilespmem:$0x1E400] =	vst v63  }
0x42: {  	s23 =	sadd.s32 $0x80, s22  }
0x43: {  	[tilespmem:s16], [sflag:$0x2] =	stream.indirect.gather [hbm4b:s4+s14], $0x80, s23, s14, $0xb8;
	[tilespmem:$0x1E400] =	vst v63  }
0x44: {  	_ =	swait.ge [sflag:s17], $0x4000  }
0x45: {  	[sflag:s17] =	ssyncset.done $0x0  }
0x46: {  	s25 =	sadd.s32 $0x1400, s22;
	[sflag:s17] =	ssyncadd.s32 $0xFFFFC000  }
0x47: {  	[spmem:s2] =	stream.indirect.scatter.add.f32 [tilespmem:s15], [sflag:$0x3], $0x80, s25, s14, $0xb8;
	[tilespmem:$0x1E400] =	vst v63  }
0x48: {  	_ =	swait.ge [sflag:s12], $0x4000  }
0x49: {  	[sflag:s12] =	ssyncset.done $0x0  }
0x4a: {  	[sflag:s12] =	ssyncadd.s32 $0xFFFFC000  }
0x4b: {  	_ =	swait.ge [sflag:s18], $0x4000  }
0x4c: {  	[sflag:s18] =	ssyncset.done $0x0  }
0x4d: {  	s22 =	sadd.s32 $0x1480, s22;
	[sflag:s18] =	ssyncadd.s32 $0xFFFFC000  }
0x4e: {  	[spmem:s2] =	stream.indirect.scatter.add.f32 [tilespmem:s16], [sflag:$0x3], $0x80, s22, s14, $0xb8;
	[tilespmem:$0x1E400] =	vst v63  }
0x4f: {  	_ =	swait.ge [sflag:s12], $0x4000  }
0x50: {  	[sflag:s12] =	ssyncset.done $0x0  }
0x51: {  	s26 =	simm.s32 $0x0;
	[sflag:s12] =	ssyncadd.s32 $0xFFFFC000  }
0x52: {  	[tilespmem:s26], [sflag:$0x3] =	stream.linear.gather [hbm4b:s9+s26], $0x1400, $0x38;
	[tilespmem:$0x1E400] =	vst v63  }
0x53: {  	_ =	swait.ge [sflag:s12], $0x1400  }
0x54: {  	[sflag:s12] =	ssyncset.done $0x0  }
0x55: {  	[sflag:s12] =	ssyncadd.s32 $0xFFFFEC00  }
0x56: {  	[tilespmem:s13], [sflag:$0x3] =	stream.linear.gather [hbm4b:s19+s26], $0x1400, $0x38;
	[tilespmem:$0x1E400] =	vst v63  }
0x57: {  	_ =	swait.ge [sflag:s12], $0x1400  }
0x58: {  	[sflag:s12] =	ssyncset.done $0x0  }
0x59: {  	s28 =	simm.s32 $0x0;
	[sflag:s12] =	ssyncadd.s32 $0xFFFFEC00  }
0x5a: {  	[tilespmem:s15], [sflag:$0x1] =	stream.indirect.gather [hbm4b:s4+s14], $0x80, s28, s14, $0xb8;
	[tilespmem:$0x1E400] =	vst v63  }
0x5b: {  	s29 =	simm.s32 $0x80  }
0x5c: {  	[tilespmem:s16], [sflag:$0x2] =	stream.indirect.gather [hbm4b:s4+s14], $0x80, s29, s14, $0xb8;
	[tilespmem:$0x1E400] =	vst v63  }
0x5d: {  	_ =	swait.ge [sflag:s17], $0x4000  }
0x5e: {  	[sflag:s17] =	ssyncset.done $0x0  }
0x5f: {  	s30 =	simm.s32 $0x1400;
	[sflag:s17] =	ssyncadd.s32 $0xFFFFC000  }
0x60: {  	[spmem:s2] =	stream.indirect.scatter.add.f32 [tilespmem:s15], [sflag:$0x3], $0x80, s30, s14, $0xb8;
	[tilespmem:$0x1E400] =	vst v63  }
0x61: {  	_ =	swait.ge [sflag:s12], $0x4000  }
0x62: {  	[sflag:s12] =	ssyncset.done $0x0  }
0x63: {  	[sflag:s12] =	ssyncadd.s32 $0xFFFFC000  }
0x64: {  	_ =	swait.ge [sflag:s18], $0x4000  }
0x65: {  	[sflag:s18] =	ssyncset.done $0x0  }
0x66: {  	s31 =	simm.s32 $0x1480;
	[sflag:s18] =	ssyncadd.s32 $0xFFFFC000  }
0x67: {  	[spmem:s2] =	stream.indirect.scatter.add.f32 [tilespmem:s16], [sflag:$0x3], $0x80, s31, s14, $0xb8;
	[tilespmem:$0x1E400] =	vst v63  }
0x68: {  	_ =	swait.ge [sflag:s12], $0x4000  }
0x69: {  	s23 =	simm.s32 $0x800;
	s22 =	simm.s32 $0x400;
	[sflag:s12] =	ssyncset.done $0x0  }
.LBB2_4:
0x6a: {  	s24 =	sshra.s32 s22, $0x2  }
0x6b: {  	[sflag:s12] =	ssyncadd.s32 $0xFFFFC000;
	s22 =	smov.u32 s23;
	s25 =	sadd.s32 $0x400, s23  }
0x6c: {  	[tilespmem:s15], [sflag:$0x1] =	stream.indirect.gather [hbm4b:s4+s14], $0x80, s24, s14, $0xb8;
	[tilespmem:$0x1E400] =	vst v63  }
0x6d: {  	p0 =	sne.s32 s23, $0x4C00;
	s23 =	sadd.s32 $0x80, s24  }
0x6e: {  	[tilespmem:s16], [sflag:$0x2] =	stream.indirect.gather [hbm4b:s4+s14], $0x80, s23, s14, $0xb8;
	[tilespmem:$0x1E400] =	vst v63  }
0x6f: {  	_ =	swait.ge [sflag:s17], $0x4000  }
0x70: {  	[sflag:s17] =	ssyncset.done $0x0  }
0x71: {  	s23 =	sadd.s32 $0x1400, s24;
	[sflag:s17] =	ssyncadd.s32 $0xFFFFC000  }
0x72: {  	[spmem:s2] =	stream.indirect.scatter.add.f32 [tilespmem:s15], [sflag:$0x3], $0x80, s23, s14, $0xb8;
	[tilespmem:$0x1E400] =	vst v63  }
0x73: {  	_ =	swait.ge [sflag:s12], $0x4000  }
0x74: {  	[sflag:s12] =	ssyncset.done $0x0  }
0x75: {  	[sflag:s12] =	ssyncadd.s32 $0xFFFFC000  }
0x76: {  	_ =	swait.ge [sflag:s18], $0x4000  }
.Ltmp1:
0x77: {  	[sflag:s18] =	ssyncset.done $0x0;
	(pc) =	sbr.rel @p0 .LBB2_4-.Ltmp1, $4  }
0x78: {  	s23 =	sadd.s32 $0x1480, s24;
	[sflag:s18] =	ssyncadd.s32 $0xFFFFC000  }
0x79: {  	[spmem:s2] =	stream.indirect.scatter.add.f32 [tilespmem:s16], [sflag:$0x3], $0x80, s23, s14, $0xb8;
	[tilespmem:$0x1E400] =	vst v63  }
0x7a: {  	_ =	swait.ge [sflag:s12], $0x4000  }
0x7b: {  	s23 =	smov.u32 s25;
	[sflag:s12] =	ssyncset.done $0x0  }
0x7c: {  	s22 =	sshra.s32 s22, $0x2;
	[sflag:s12] =	ssyncadd.s32 $0xFFFFC000  }
0x7d: {  	[tilespmem:s15], [sflag:$0x1] =	stream.indirect.gather [hbm4b:s4+s14], $0x80, s22, s14, $0xb8;
	[tilespmem:$0x1E400] =	vst v63  }
0x7e: {  	s23 =	sadd.s32 $0x80, s22  }
0x7f: {  	[tilespmem:s16], [sflag:$0x2] =	stream.indirect.gather [hbm4b:s4+s14], $0x80, s23, s14, $0xb8;
	[tilespmem:$0x1E400] =	vst v63  }
0x80: {  	_ =	swait.ge [sflag:s17], $0x4000  }
0x81: {  	[sflag:s17] =	ssyncset.done $0x0  }
0x82: {  	s31 =	sadd.s32 $0x1400, s22;
	[sflag:s17] =	ssyncadd.s32 $0xFFFFC000  }
0x83: {  	[spmem:s2] =	stream.indirect.scatter.add.f32 [tilespmem:s15], [sflag:$0x3], $0x80, s31, s14, $0xb8;
	[tilespmem:$0x1E400] =	vst v63  }
0x84: {  	_ =	swait.ge [sflag:s12], $0x4000  }
0x85: {  	[sflag:s12] =	ssyncset.done $0x0  }
0x86: {  	[sflag:s12] =	ssyncadd.s32 $0xFFFFC000  }
0x87: {  	_ =	swait.ge [sflag:s18], $0x4000  }
0x88: {  	[sflag:s18] =	ssyncset.done $0x0  }
0x89: {  	s22 =	sadd.s32 $0x1480, s22;
	[sflag:s18] =	ssyncadd.s32 $0xFFFFC000  }
0x8a: {  	[spmem:s2] =	stream.indirect.scatter.add.f32 [tilespmem:s16], [sflag:$0x3], $0x80, s22, s14, $0xb8;
	[tilespmem:$0x1E400] =	vst v63  }
0x8b: {  	_ =	swait.ge [sflag:s12], $0x4000  }
0x8c: {  	s21 =	sadd.s32 $0x1, s21;
	[sflag:s12] =	ssyncset.done $0x0  }
0x8d: {  	p0 =	sne.s32 s21, s10;
	[sflag:s12] =	ssyncadd.s32 $0xFFFFC000  }
.Ltmp2:
0x8e: {  	[bflag:$0x0] =	sbarrier.arrive $0xFFFF;
	(pc) =	sbr.rel @p0 .LBB2_1-.Ltmp2, $4  }
0x8f: {  	[hbm:s20], [sflag:s6] =	dma.local [spmem:s11], $0x2780  }
0x90: {  	_ =	swait.ge [sflag:s12], $0x2780  }
0x91: {  	[sflag:s12] =	ssyncset.done $0x0  }
0x92: {  	[sflag:s12] =	ssyncadd.s32 $0xFFFFD880  }
0x93: {  	_ =	sfence.sel $0x180000  }
0x94: {  	[bflag:$0x0] =	sbarrier.arrive $0xFFFF  }
0x95: {  	p0 =	sne.s32 s1, $0x0;
	_ =	strace $0x90000053  }
0x96: {  	s0 =	sadd.s32 @!p0 $0x100000, s0;
	[bflag:$0x2] =	sbarrier.arrive $0xFFFF  }
0x97: {  	[sflag:s0] =	ssyncadd.tile.s32 @!p0 $0x1;
	_ =	shalt  }
.Lfunc_end2:
_tile_overlayer_lowered:
.L_overlay_start_2:
0x98: {  	(tag) =	ssettag $0x2  }
0x99: {  	s0 =	rddreg [dreg:$0x0];
	s2 =	stileid.u32  }
0x9a: {  	s1 =	rddreg [dreg:$0x1];
	p0 =	sne.s32 s2, $0x0  }
0x9b: {  	s3 =	rddreg [dreg:$0x2];
	[bflag:$0x3] =	sbarrier.arrive $0xFFFF;
	s2 =	simm.s32 @!p0 $0x1C03  }
0x9c: {  	[timem:s3], [sflag:s2] =	dma.local @!p0 [hbm:s0], s1  }
0x9d: {  	s0 =	simm.s32 @!p0 $0x3  }
0x9e: {  	_ =	swait.ge @!p0 [sflag:s0], s1  }
0x9f: {  	s1 =	ssub.s32 @!p0 $0x0, s1;
	[sflag:s0] =	ssyncset.done @!p0 $0x0  }
0xa0: {  	[sflag:s0] =	ssyncadd.s32 @!p0 s1  }
0xa1: {  	[bflag:$0x3] =	sbarrier.arrive $0xFFFF  }
0xa2: {  	_ =	shalt  }

// kernel: kernel.31.cloned.1.call-start
scs
__scs_entry_jumppad:
0x0: {  	(pc) =	sbr.rel $0x88, $3  }
0x1: {  	(tag) =	ssettag $0x0;
	lr =	simm.s32 $0x1  }
0x2: {  	[smem:$0x3F99] =	sst lr;
	_ =	strace $0xD0000000  }
0x3: {  	_ = 	snop  }
0x4: {  	_ = 	snop  }
0x5: {  	_ = 	snop  }
0x6: {  	_ = 	snop  }
0x7: {  	_ = 	snop  }
__scs_overlays_trampoline_lowered:
0x8: {  	[smem:$0x3FA8] =	sst s0  }
0x9: {  	[smem:$0x3FA9] =	sst s1  }
0xa: {  	[smem:$0x3FAA] =	sst s2  }
0xb: {  	[smem:$0x3FAB] =	sst s3  }
0xc: {  	[smem:$0x3FAC] =	sst s4  }
0xd: {  	[smem:$0x3FAD] =	sst s5  }
0xe: {  	[smem:$0x3FAE] =	sst s6  }
0xf: {  	[smem:$0x3FAF] =	sst s7  }
0x10: {  	[smem:$0x3FB0] =	sst s8  }
0x11: {  	[smem:$0x3FB1] =	sst s9;
	s0 =	simm.s32 @!p0 $0x0  }
0x12: {  	s1 =	sld [smem:$0x3F97];
	s0 =	simm.s32 @p0 $0x1  }
0x13: {  	[smem:$0x3FB2] =	sst s0;
	s0 =	simm.s32 @!p1 $0x0  }
0x14: {  	s2 =	sld [smem:$0x3F96];
	s0 =	simm.s32 @p1 $0x1  }
0x15: {  	[smem:$0x3FB3] =	sst s0;
	s0 =	simm.s32 @!p2 $0x0  }
0x16: {  	s3 =	sld [smem:$0x3FDB];
	s0 =	simm.s32 @p2 $0x1  }
0x17: {  	s4 =	simm.s32 $0x1BF5;
	[smem:$0x3FB5] =	sst s0  }
0x18: {  	s0 =	sld [smem:$0x3F98];
	_ =	swait.ge [sflag:s4], $0x0  }
0x19: {  	s7 =	sld [smem:$0x3F99]  }
0x1a: {  	s8 =	sadd.s32 $0xFFFFE003, lr  }
0x1b: {  	s9 =	sadd.s32 $0xFFFFFEF7, lr;
	s5 =	simm.s32 $0xFFFFFFFF;
	p2 =	slt.u32 s8, $0xFFFFF086  }
0x1c: {  	p1 =	slt.u32 s9, $0xF7A;
	s5 =	simm.s32 @!p2 $0x0  }
0x1d: {  	s5 =	simm.s32 @p1 $0x1;
	p0 =	seq.s32 s7, s2  }
0x1e: {  	s7 =	smul.u32 @!p0 $0xF7A, s2;
	p2 =	seq.s32 @!p0 s5, $0x0  }
0x1f: {  	s9 =	smul.u32 $0xF7A, s1;
	s8 =	simm.s32 @!p0 $0x1BF5;
	p2 =	por !p2, p0  }
0x20: {  	[sflag:s8] =	ssyncset.s32 @!p0 $0xFFFFF086;
	s6 =	sadd.s32 @!p0 s3, s7;
	s7 =	simm.s32 @!p0 $0x108  }
0x21: {  	s3 =	sadd.s32 s3, s9;
	s6 =	sadd.s32 @!p0 $0x88, s6;
	s7 =	simm.s32 @p2 $0x1082  }
0x22: {  	[simem:s7], [sflag:s8] =	dma.local @!p0 [hbm:s6], $0xF7A  }
0x23: {  	s9 =	sor.u32 $0xD0000000, s2;
	s6 =	simm.s32 $0x108;
	_ =	swait.ge @!p0 [sflag:s8], $0x0  }
0x24: {  	s3 =	sadd.s32 $0x88, s3;
	s6 =	simm.s32 @!p1 $0x1082;
	[sflag:s4] =	ssyncset.s32 $0xFFFFF086  }
0x25: {  	[simem:s6], [sflag:s4] =	dma.local [hbm:s3], $0xF7A  }
0x26: {  	[smem:$0x3F99] =	sst s1;
	(tag) =	ssettag s2;
	_ =	strace s9  }
0x27: {  	s1 =	sld [smem:$0x3FA9]  }
0x28: {  	s2 =	sld [smem:$0x3FAA]  }
0x29: {  	s4 =	sld [smem:$0x3FAC]  }
0x2a: {  	p0 =	seq.s32 s5, $0x0;
	s5 =	sld [smem:$0x3FAD]  }
0x2b: {  	s6 =	sld [smem:$0x3FAE]  }
0x2c: {  	s7 =	sld [smem:$0x3FAF]  }
0x2d: {  	s3 =	simm.s32 $0x108;
	s8 =	sld [smem:$0x3FB0]  }
0x2e: {  	s3 =	simm.s32 @!p0 $0x1082;
	s9 =	sld [smem:$0x3FB1]  }
0x2f: {  	lr =	sadd.s32 s0, s3;
	s0 =	sld [smem:$0x3FA8]  }
0x30: {  	s3 =	sld [smem:$0x3FAB]  }
0x31: {  	[smem:$0x3FB4] =	sst s10  }
0x32: {  	s10 =	sld [smem:$0x3FB2];
	_ =	sdelay $0x3  }
0x33: {  	p0 =	seq.s32 s10, $0x1;
	s10 =	sld [smem:$0x3FB4];
	_ =	sdelay $0x3  }
0x34: {  	[smem:$0x3FB4] =	sst s10  }
0x35: {  	s10 =	sld [smem:$0x3FB3];
	_ =	sdelay $0x3  }
0x36: {  	p1 =	seq.s32 s10, $0x1;
	s10 =	sld [smem:$0x3FB4];
	_ =	sdelay $0x3  }
0x37: {  	[smem:$0x3FB4] =	sst s10  }
0x38: {  	s10 =	sld [smem:$0x3FB5]  }
0x39: {  	_ = 	snop;
	(pc) =	sbr.ind lr, $3  }
0x3a: {  	_ = 	snop  }
0x3b: {  	_ = 	snop  }
0x3c: {  	p2 =	seq.s32 s10, $0x1;
	s10 =	sld [smem:$0x3FB4]  }
0x3d: {  	_ =	shalt  }
0x3e: {  	_ =	shalt  }
0x3f: {  	_ =	shalt  }
0x40: {  	_ =	shalt  }
0x41: {  	_ =	shalt  }
0x42: {  	_ =	shalt  }
0x43: {  	_ =	shalt  }
0x44: {  	_ =	shalt  }
0x45: {  	_ =	shalt  }
0x46: {  	_ =	shalt  }
0x47: {  	_ =	shalt  }
0x48: {  	_ =	shalt  }
0x49: {  	_ =	shalt  }
0x4a: {  	_ =	shalt  }
0x4b: {  	_ =	shalt  }
0x4c: {  	_ =	shalt  }
0x4d: {  	_ =	shalt  }
0x4e: {  	_ =	shalt  }
0x4f: {  	_ =	shalt  }
0x50: {  	_ =	shalt  }
0x51: {  	_ =	shalt  }
0x52: {  	_ =	shalt  }
0x53: {  	_ =	shalt  }
0x54: {  	_ =	shalt  }
0x55: {  	_ =	shalt  }
0x56: {  	_ =	shalt  }
0x57: {  	_ =	shalt  }
0x58: {  	_ =	shalt  }
0x59: {  	_ =	shalt  }
0x5a: {  	_ =	shalt  }
0x5b: {  	_ =	shalt  }
0x5c: {  	_ =	shalt  }
0x5d: {  	_ =	shalt  }
0x5e: {  	_ =	shalt  }
0x5f: {  	_ =	shalt  }
0x60: {  	_ =	shalt  }
0x61: {  	_ =	shalt  }
0x62: {  	_ =	shalt  }
0x63: {  	_ =	shalt  }
0x64: {  	_ =	shalt  }
0x65: {  	_ =	shalt  }
0x66: {  	_ =	shalt  }
0x67: {  	_ =	shalt  }
0x68: {  	_ =	shalt  }
0x69: {  	_ =	shalt  }
0x6a: {  	_ =	shalt  }
0x6b: {  	_ =	shalt  }
0x6c: {  	_ =	shalt  }
0x6d: {  	_ =	shalt  }
0x6e: {  	_ =	shalt  }
0x6f: {  	_ =	shalt  }
0x70: {  	_ =	shalt  }
0x71: {  	_ =	shalt  }
0x72: {  	_ =	shalt  }
0x73: {  	_ =	shalt  }
0x74: {  	_ =	shalt  }
0x75: {  	_ =	shalt  }
0x76: {  	_ =	shalt  }
0x77: {  	_ =	shalt  }
0x78: {  	_ =	shalt  }
0x79: {  	_ =	shalt  }
0x7a: {  	_ =	shalt  }
0x7b: {  	_ =	shalt  }
0x7c: {  	_ =	shalt  }
0x7d: {  	_ =	shalt  }
0x7e: {  	_ =	shalt  }
0x7f: {  	_ =	shalt  }
0x80: {  	_ =	shalt  }
0x81: {  	_ =	shalt  }
0x82: {  	_ =	shalt  }
0x83: {  	_ =	shalt  }
0x84: {  	_ =	shalt  }
0x85: {  	_ =	shalt  }
0x86: {  	_ =	shalt  }
0x87: {  	_ =	shalt  }
.Lfunc_end0:
.L_simem_size_0:
called_computation.5_lowered:
.L_overlay_start_0:
0x88: {  	s2 =	sld [smem:$0x3FD9]  }
0x89: {  	s3 =	sld [smem:$0x3FFE];
	_ =	sdelay $0x1  }
0x8a: {  	s1 =	srdreg.scid  }
0x8b: {  	s0 =	sand.u32 $0x1, s1  }
0x8c: {  	s17 =	sshll.u32 s0, $0xA;
	s2 =	sadd.s32 s3, s2  }
0x8d: {  	s2 =	sadd.s32 s2, s17  }
0x8e: {  	[smem:$0x3FC0] =	sst s2  }
0x8f: {  	_ = 	snop  }
0x90: {  	s2 =	sld [smem:$0x3FD0];
	(tm) =	ssettm $0x1  }
0x91: {  	s18 =	sld [smem:$0x3FFB];
	_ =	sdelay $0x3  }
0x92: {  	_ =	strace s18  }
0x93: {  	s3 =	sld [smem:$0x3FFC];
	_ =	sdelay $0x3  }
0x94: {  	_ =	strace s3  }
0x95: {  	s3 =	sld [smem:$0x3FFD];
	_ =	sdelay $0x3  }
0x96: {  	_ =	strace s3  }
0x97: {  	_ =	strace $0x8FFFFFFF  }
0x98: {  	s19 =	sld [smem:$0x3FDB];
	_ =	sdelay $0x1  }
0x99: {  	s4 =	simm.s32 $_scs_section_size  }
0x9a: {  	s5 =	simm.s32 $_size__tile_overlayer_lowered;
	s6 =	simm.s32 $_tile_overlayer_lowered  }
0x9b: {  	s22 =	simm.s32 $0x1BFF;
	s21 =	sshll.u32 s6, $0x1;
	s3 =	sadd.s32 s4, s19  }
0x9c: {  	s7 =	simm.s32 $0x0;
	s20 =	sshll.u32 s5, $0x1;
	s5 =	sadd.s32 s21, s3  }
0x9d: {  	[timem:s7], [sflag:s22] =	dma.local [hbm:s5], s20  }
0x9e: {  	_ =	swait.ge [sflag:s22], s20  }
0x9f: {  	s4 =	ssub.s32 $0x0, s20;
	[sflag:s22] =	ssyncset.done $0x0  }
0xa0: {  	[sflag:s22] =	ssyncadd.s32 s4;
	_ =	sdelay $0x1  }
0xa1: {  	s23 =	simm.s32 $0x1B8B  }
0xa2: {  	_ =	swait.ge [sflag:s23], $0x1  }
0xa3: {  	[sflag:s23] =	ssyncset.done $0x0  }
0xa4: {  	s25 =	simm.s32 $0x1B8E;
	s24 =	sld [smem:$0x3FFE];
	[sflag:s23] =	ssyncadd.s32 $0xFFFFFFFF  }
0xa5: {  	s26 =	simm.s32 $execute0_lowered;
	[smem:$0x3FD2] =	sst s25  }
0xa6: {  	s5 =	sshll.u32 s26, $0x1;
	_ =	strace $0x80000055;
	[dreg:$0x1] =	wrdreg $0xFFFFFFFF  }
0xa7: {  	s28 =	simm.s32 $_size_execute0_lowered;
	s3 =	sadd.s32 s3, s5;
	[dreg:$0x0] =	wrdreg $0x0  }
0xa8: {  	s5 =	sshll.u32 s28, $0x1;
	[dreg:$0x2] =	wrdreg s3  }
0xa9: {  	[dreg:$0x3] =	wrdreg s5  }
0xaa: {  	[dreg:$0x4] =	wrdreg $0xC0  }
0xab: {  	_ =	task [dreg:s7], $0x5FFFF  }
0xac: {  	[dreg:$0x1] =	wrdreg $0xFFFFFFFF  }
0xad: {  	[dreg:$0x0] =	wrdreg $0x60  }
0xae: {  	[dreg:$0x2] =	wrdreg s24  }
0xaf: {  	[dreg:$0x3] =	wrdreg s2  }
0xb0: {  	[dreg:$0x4] =	wrdreg $0xA8000  }
0xb1: {  	[dreg:$0x5] =	wrdreg $0x9  }
0xb2: {  	_ =	task.clear_ibuf [dreg:s7], $0x6FFFF;
	_ =	strace $0x90000055  }
0xb3: {  	s29 =	simm.s32 $0x9;
	_ =	strace $0x80000057  }
0xb4: {  	_ =	swait.ge [sflag:s29], $0x1  }
0xb5: {  	[sflag:s29] =	ssyncadd.s32 $0xFFFFFFFF  }
0xb6: {  	_ =	strace $0x90000057  }
0xb7: {  	_ =	sfence  }
0xb8: {  	s30 =	sld [smem:$0x0];
	_ =	sdelay $0x2  }
0xb9: {  	s31 =	sshll.u32 s1, $0xD;
	s1 =	sshrl.u32 s1, $0x2  }
0xba: {  	s3 =	sand.u32 $0x4000, s31;
	s1 =	sadd.s32 s1, s30  }
0xbb: {  	s0 =	sor.u32 s3, s0;
	s1 =	sshll.u32 s1, $0x11  }
0xbc: {  	s0 =	sor.u32 s1, s0  }
0xbd: {  	s0 =	sadd.s32 $0x8F2B, s0  }
0xbe: {  	[sflag:s0] =	ssyncadd.remote.s32 $0x1  }
0xbf: {  	_ =	sfence.sel $0xFFFF  }
0xc0: {  	[dreg:$0x0] =	wrdreg $0xFFFFFFFF;
	(pc) =	sbr.abs _section_cstart, $3  }
0xc1: {  	[dreg:$0x1] =	wrdreg $0xFFFFFFFF  }
0xc2: {  	_ =	task.clear_ibuf [dreg:s7], $0x2FFFF;
	_ =	strace $0x9FFFFFFF  }
0xc3: {  	(tm) =	ssettm $0x7FFFFFFF  }
tec
execute0_lowered:
.L_overlay_start_1:
0x0: {  	(tag) =	ssettag $0x1  }
0x1: {  	s6 =	rddreg [dreg:$0x0]  }
0x2: {  	s0 =	srdreg.scid;
	s7 =	rddreg [dreg:$0x1]  }
0x3: {  	s2 =	rddreg [dreg:$0x2];
	s1 =	stileid.u32  }
0x4: {  	s3 =	simm.s32 $0x0;
	s15 =	simm.s32 $0x2800;
	s16 =	simm.s32 $0x6800  }
0x5: {  	s17 =	simm.s32 $0x1;
	s8 =	sand.u32 $0x1, s0;
	s0 =	rddreg [dreg:$0x3]  }
0x6: {  	s18 =	simm.s32 $0x2;
	[smem:$0x7FF] =	sst s3;
	s11 =	smul.u32 $0x4F000, s1  }
0x7: {  	s31 =	sshll.u32 s1, $0x6;
	s21 =	smul.u32 $0x2780, s1;
	s4 =	sshll.u32 s8, $0x4  }
0x8: {  	_ =	strace $0x80000056;
	s9 =	smul.u32 $0x27800, s8;
	s8 =	ssub.s32 $0x2, s8  }
0x9: {  	s4 =	sor.u32 s1, s4;
	s28 =	sshrl.u32 s8, $0x1;
	s29 =	sshrl.u32 s11, $0x2  }
0xa: {  	s5 =	smul.u32 $0x2800, s4;
	s4 =	sadd.s32 $0x12800, s6;
	s13 =	sadd.s32 s9, s6  }
0xb: {  	s30 =	ssub.s32 s8, s28;
	s14 =	sadd.s32 s29, s2;
	s20 =	sadd.s32 $0x61800, s13  }
0xc: {  	s11 =	sshrl.u32 s14, $0x3;
	s13 =	simm.s32 $0x1400;
	s14 =	simm.s32 $0x80  }
0xd: {  	s10 =	sshrl.u32 s5, $0x3;
	s5 =	sadd.s32 $0x10000, s6;
	s20 =	sadd.s32 s21, s20  }
0xe: {  	s21 =	simm.s32 $0x0;
	s12 =	sadd.s32 s10, s6;
	s6 =	sor.u32 $0x1C03, s31  }
0xf: {  	s7 =	sadd.s32 s7, s10;
	s10 =	smax.u32 s30, $0x1;
	s8 =	sadd.s32 $0x6000, s12  }
0x10: {  	s9 =	sadd.s32 $0x280, s7;
	s12 =	simm.s32 $0x3;
	s19 =	sadd.s32 $0x280, s8  }
.LBB2_1:
0x11: {  	[spmem:s11], [sflag:s6] =	dma.local [hbm:s5], $0x2780  }
0x12: {  	_ =	swait.ge [sflag:s12], $0x2780  }
0x13: {  	[sflag:s12] =	ssyncset.done $0x0  }
0x14: {  	[sflag:s12] =	ssyncadd.s32 $0xFFFFD880  }
0x15: {  	[bflag:$0x0] =	sbarrier.arrive $0xFFFF  }
0x16: {  	[tilespmem:s3], [sflag:$0x3] =	stream.linear.gather [hbm4b:s7+s3], $0x1400, $0x38;
	[tilespmem:$0x1E400] =	vst v63  }
0x17: {  	_ =	swait.ge [sflag:s12], $0x1400  }
0x18: {  	[sflag:s12] =	ssyncset.done $0x0  }
0x19: {  	[sflag:s12] =	ssyncadd.s32 $0xFFFFEC00  }
0x1a: {  	[tilespmem:s13], [sflag:$0x3] =	stream.linear.gather [hbm4b:s8+s3], $0x1400, $0x38;
	[tilespmem:$0x1E400] =	vst v63  }
0x1b: {  	_ =	swait.ge [sflag:s12], $0x1400  }
0x1c: {  	[sflag:s12] =	ssyncset.done $0x0  }
0x1d: {  	s22 =	simm.s32 $0x0;
	[sflag:s12] =	ssyncadd.s32 $0xFFFFEC00  }
0x1e: {  	[tilespmem:s15], [sflag:$0x1] =	stream.indirect.gather [hbm4b:s4+s14], $0x80, s22, s14, $0xb8;
	[tilespmem:$0x1E400] =	vst v63  }
0x1f: {  	s29 =	simm.s32 $0x80  }
0x20: {  	[tilespmem:s16], [sflag:$0x2] =	stream.indirect.gather [hbm4b:s4+s14], $0x80, s29, s14, $0xb8;
	[tilespmem:$0x1E400] =	vst v63  }
0x21: {  	_ =	swait.ge [sflag:s17], $0x4000  }
0x22: {  	[sflag:s17] =	ssyncset.done $0x0  }
0x23: {  	s30 =	simm.s32 $0x1400;
	[sflag:s17] =	ssyncadd.s32 $0xFFFFC000  }
0x24: {  	[spmem:s2] =	stream.indirect.scatter.add.f32 [tilespmem:s15], [sflag:$0x3], $0x80, s30, s14, $0xb8;
	[tilespmem:$0x1E400] =	vst v63  }
0x25: {  	_ =	swait.ge [sflag:s12], $0x4000  }
0x26: {  	[sflag:s12] =	ssyncset.done $0x0  }
0x27: {  	[sflag:s12] =	ssyncadd.s32 $0xFFFFC000  }
0x28: {  	_ =	swait.ge [sflag:s18], $0x4000  }
0x29: {  	[sflag:s18] =	ssyncset.done $0x0  }
0x2a: {  	s31 =	simm.s32 $0x1480;
	[sflag:s18] =	ssyncadd.s32 $0xFFFFC000  }
0x2b: {  	[spmem:s2] =	stream.indirect.scatter.add.f32 [tilespmem:s16], [sflag:$0x3], $0x80, s31, s14, $0xb8;
	[tilespmem:$0x1E400] =	vst v63  }
0x2c: {  	_ =	swait.ge [sflag:s12], $0x4000  }
0x2d: {  	s23 =	simm.s32 $0x800;
	s22 =	simm.s32 $0x400;
	[sflag:s12] =	ssyncset.done $0x0  }
.LBB2_2:
0x2e: {  	s24 =	sshra.s32 s22, $0x2  }
0x2f: {  	[sflag:s12] =	ssyncadd.s32 $0xFFFFC000;
	s22 =	smov.u32 s23;
	s25 =	sadd.s32 $0x400, s23  }
0x30: {  	[tilespmem:s15], [sflag:$0x1] =	stream.indirect.gather [hbm4b:s4+s14], $0x80, s24, s14, $0xb8;
	[tilespmem:$0x1E400] =	vst v63  }
0x31: {  	p0 =	sne.s32 s23, $0x4C00;
	s23 =	sadd.s32 $0x80, s24  }
0x32: {  	[tilespmem:s16], [sflag:$0x2] =	stream.indirect.gather [hbm4b:s4+s14], $0x80, s23, s14, $0xb8;
	[tilespmem:$0x1E400] =	vst v63  }
0x33: {  	_ =	swait.ge [sflag:s17], $0x4000  }
0x34: {  	[sflag:s17] =	ssyncset.done $0x0  }
0x35: {  	s23 =	sadd.s32 $0x1400, s24;
	[sflag:s17] =	ssyncadd.s32 $0xFFFFC000  }
0x36: {  	[spmem:s2] =	stream.indirect.scatter.add.f32 [tilespmem:s15], [sflag:$0x3], $0x80, s23, s14, $0xb8;
	[tilespmem:$0x1E400] =	vst v63  }
0x37: {  	_ =	swait.ge [sflag:s12], $0x4000  }
0x38: {  	[sflag:s12] =	ssyncset.done $0x0  }
0x39: {  	[sflag:s12] =	ssyncadd.s32 $0xFFFFC000  }
0x3a: {  	_ =	swait.ge [sflag:s18], $0x4000  }
.Ltmp0:
0x3b: {  	[sflag:s18] =	ssyncset.done $0x0;
	(pc) =	sbr.rel @p0 .LBB2_2-.Ltmp0, $4  }
0x3c: {  	s23 =	sadd.s32 $0x1480, s24;
	[sflag:s18] =	ssyncadd.s32 $0xFFFFC000  }
0x3d: {  	[spmem:s2] =	stream.indirect.scatter.add.f32 [tilespmem:s16], [sflag:$0x3], $0x80, s23, s14, $0xb8;
	[tilespmem:$0x1E400] =	vst v63  }
0x3e: {  	_ =	swait.ge [sflag:s12], $0x4000  }
0x3f: {  	s23 =	smov.u32 s25;
	[sflag:s12] =	ssyncset.done $0x0  }
0x40: {  	s22 =	sshra.s32 s22, $0x2;
	[sflag:s12] =	ssyncadd.s32 $0xFFFFC000  }
0x41: {  	[tilespmem:s15], [sflag:$0x1] =	stream.indirect.gather [hbm4b:s4+s14], $0x80, s22, s14, $0xb8;
	[tilespmem:$0x1E400] =	vst v63  }
0x42: {  	s23 =	sadd.s32 $0x80, s22  }
0x43: {  	[tilespmem:s16], [sflag:$0x2] =	stream.indirect.gather [hbm4b:s4+s14], $0x80, s23, s14, $0xb8;
	[tilespmem:$0x1E400] =	vst v63  }
0x44: {  	_ =	swait.ge [sflag:s17], $0x4000  }
0x45: {  	[sflag:s17] =	ssyncset.done $0x0  }
0x46: {  	s25 =	sadd.s32 $0x1400, s22;
	[sflag:s17] =	ssyncadd.s32 $0xFFFFC000  }
0x47: {  	[spmem:s2] =	stream.indirect.scatter.add.f32 [tilespmem:s15], [sflag:$0x3], $0x80, s25, s14, $0xb8;
	[tilespmem:$0x1E400] =	vst v63  }
0x48: {  	_ =	swait.ge [sflag:s12], $0x4000  }
0x49: {  	[sflag:s12] =	ssyncset.done $0x0  }
0x4a: {  	[sflag:s12] =	ssyncadd.s32 $0xFFFFC000  }
0x4b: {  	_ =	swait.ge [sflag:s18], $0x4000  }
0x4c: {  	[sflag:s18] =	ssyncset.done $0x0  }
0x4d: {  	s22 =	sadd.s32 $0x1480, s22;
	[sflag:s18] =	ssyncadd.s32 $0xFFFFC000  }
0x4e: {  	[spmem:s2] =	stream.indirect.scatter.add.f32 [tilespmem:s16], [sflag:$0x3], $0x80, s22, s14, $0xb8;
	[tilespmem:$0x1E400] =	vst v63  }
0x4f: {  	_ =	swait.ge [sflag:s12], $0x4000  }
0x50: {  	[sflag:s12] =	ssyncset.done $0x0  }
0x51: {  	s26 =	simm.s32 $0x0;
	[sflag:s12] =	ssyncadd.s32 $0xFFFFC000  }
0x52: {  	[tilespmem:s26], [sflag:$0x3] =	stream.linear.gather [hbm4b:s9+s26], $0x1400, $0x38;
	[tilespmem:$0x1E400] =	vst v63  }
0x53: {  	_ =	swait.ge [sflag:s12], $0x1400  }
0x54: {  	[sflag:s12] =	ssyncset.done $0x0  }
0x55: {  	[sflag:s12] =	ssyncadd.s32 $0xFFFFEC00  }
0x56: {  	[tilespmem:s13], [sflag:$0x3] =	stream.linear.gather [hbm4b:s19+s26], $0x1400, $0x38;
	[tilespmem:$0x1E400] =	vst v63  }
0x57: {  	_ =	swait.ge [sflag:s12], $0x1400  }
0x58: {  	[sflag:s12] =	ssyncset.done $0x0  }
0x59: {  	s28 =	simm.s32 $0x0;
	[sflag:s12] =	ssyncadd.s32 $0xFFFFEC00  }
0x5a: {  	[tilespmem:s15], [sflag:$0x1] =	stream.indirect.gather [hbm4b:s4+s14], $0x80, s28, s14, $0xb8;
	[tilespmem:$0x1E400] =	vst v63  }
0x5b: {  	s29 =	simm.s32 $0x80  }
0x5c: {  	[tilespmem:s16], [sflag:$0x2] =	stream.indirect.gather [hbm4b:s4+s14], $0x80, s29, s14, $0xb8;
	[tilespmem:$0x1E400] =	vst v63  }
0x5d: {  	_ =	swait.ge [sflag:s17], $0x4000  }
0x5e: {  	[sflag:s17] =	ssyncset.done $0x0  }
0x5f: {  	s30 =	simm.s32 $0x1400;
	[sflag:s17] =	ssyncadd.s32 $0xFFFFC000  }
0x60: {  	[spmem:s2] =	stream.indirect.scatter.add.f32 [tilespmem:s15], [sflag:$0x3], $0x80, s30, s14, $0xb8;
	[tilespmem:$0x1E400] =	vst v63  }
0x61: {  	_ =	swait.ge [sflag:s12], $0x4000  }
0x62: {  	[sflag:s12] =	ssyncset.done $0x0  }
0x63: {  	[sflag:s12] =	ssyncadd.s32 $0xFFFFC000  }
0x64: {  	_ =	swait.ge [sflag:s18], $0x4000  }
0x65: {  	[sflag:s18] =	ssyncset.done $0x0  }
0x66: {  	s31 =	simm.s32 $0x1480;
	[sflag:s18] =	ssyncadd.s32 $0xFFFFC000  }
0x67: {  	[spmem:s2] =	stream.indirect.scatter.add.f32 [tilespmem:s16], [sflag:$0x3], $0x80, s31, s14, $0xb8;
	[tilespmem:$0x1E400] =	vst v63  }
0x68: {  	_ =	swait.ge [sflag:s12], $0x4000  }
0x69: {  	s23 =	simm.s32 $0x800;
	s22 =	simm.s32 $0x400;
	[sflag:s12] =	ssyncset.done $0x0  }
.LBB2_4:
0x6a: {  	s24 =	sshra.s32 s22, $0x2  }
0x6b: {  	[sflag:s12] =	ssyncadd.s32 $0xFFFFC000;
	s22 =	smov.u32 s23;
	s25 =	sadd.s32 $0x400, s23  }
0x6c: {  	[tilespmem:s15], [sflag:$0x1] =	stream.indirect.gather [hbm4b:s4+s14], $0x80, s24, s14, $0xb8;
	[tilespmem:$0x1E400] =	vst v63  }
0x6d: {  	p0 =	sne.s32 s23, $0x4C00;
	s23 =	sadd.s32 $0x80, s24  }
0x6e: {  	[tilespmem:s16], [sflag:$0x2] =	stream.indirect.gather [hbm4b:s4+s14], $0x80, s23, s14, $0xb8;
	[tilespmem:$0x1E400] =	vst v63  }
0x6f: {  	_ =	swait.ge [sflag:s17], $0x4000  }
0x70: {  	[sflag:s17] =	ssyncset.done $0x0  }
0x71: {  	s23 =	sadd.s32 $0x1400, s24;
	[sflag:s17] =	ssyncadd.s32 $0xFFFFC000  }
0x72: {  	[spmem:s2] =	stream.indirect.scatter.add.f32 [tilespmem:s15], [sflag:$0x3], $0x80, s23, s14, $0xb8;
	[tilespmem:$0x1E400] =	vst v63  }
0x73: {  	_ =	swait.ge [sflag:s12], $0x4000  }
0x74: {  	[sflag:s12] =	ssyncset.done $0x0  }
0x75: {  	[sflag:s12] =	ssyncadd.s32 $0xFFFFC000  }
0x76: {  	_ =	swait.ge [sflag:s18], $0x4000  }
.Ltmp1:
0x77: {  	[sflag:s18] =	ssyncset.done $0x0;
	(pc) =	sbr.rel @p0 .LBB2_4-.Ltmp1, $4  }
0x78: {  	s23 =	sadd.s32 $0x1480, s24;
	[sflag:s18] =	ssyncadd.s32 $0xFFFFC000  }
0x79: {  	[spmem:s2] =	stream.indirect.scatter.add.f32 [tilespmem:s16], [sflag:$0x3], $0x80, s23, s14, $0xb8;
	[tilespmem:$0x1E400] =	vst v63  }
0x7a: {  	_ =	swait.ge [sflag:s12], $0x4000  }
0x7b: {  	s23 =	smov.u32 s25;
	[sflag:s12] =	ssyncset.done $0x0  }
0x7c: {  	s22 =	sshra.s32 s22, $0x2;
	[sflag:s12] =	ssyncadd.s32 $0xFFFFC000  }
0x7d: {  	[tilespmem:s15], [sflag:$0x1] =	stream.indirect.gather [hbm4b:s4+s14], $0x80, s22, s14, $0xb8;
	[tilespmem:$0x1E400] =	vst v63  }
0x7e: {  	s23 =	sadd.s32 $0x80, s22  }
0x7f: {  	[tilespmem:s16], [sflag:$0x2] =	stream.indirect.gather [hbm4b:s4+s14], $0x80, s23, s14, $0xb8;
	[tilespmem:$0x1E400] =	vst v63  }
0x80: {  	_ =	swait.ge [sflag:s17], $0x4000  }
0x81: {  	[sflag:s17] =	ssyncset.done $0x0  }
0x82: {  	s31 =	sadd.s32 $0x1400, s22;
	[sflag:s17] =	ssyncadd.s32 $0xFFFFC000  }
0x83: {  	[spmem:s2] =	stream.indirect.scatter.add.f32 [tilespmem:s15], [sflag:$0x3], $0x80, s31, s14, $0xb8;
	[tilespmem:$0x1E400] =	vst v63  }
0x84: {  	_ =	swait.ge [sflag:s12], $0x4000  }
0x85: {  	[sflag:s12] =	ssyncset.done $0x0  }
0x86: {  	[sflag:s12] =	ssyncadd.s32 $0xFFFFC000  }
0x87: {  	_ =	swait.ge [sflag:s18], $0x4000  }
0x88: {  	[sflag:s18] =	ssyncset.done $0x0  }
0x89: {  	s22 =	sadd.s32 $0x1480, s22;
	[sflag:s18] =	ssyncadd.s32 $0xFFFFC000  }
0x8a: {  	[spmem:s2] =	stream.indirect.scatter.add.f32 [tilespmem:s16], [sflag:$0x3], $0x80, s22, s14, $0xb8;
	[tilespmem:$0x1E400] =	vst v63  }
0x8b: {  	_ =	swait.ge [sflag:s12], $0x4000  }
0x8c: {  	s21 =	sadd.s32 $0x1, s21;
	[sflag:s12] =	ssyncset.done $0x0  }
0x8d: {  	p0 =	sne.s32 s21, s10;
	[sflag:s12] =	ssyncadd.s32 $0xFFFFC000  }
.Ltmp2:
0x8e: {  	[bflag:$0x0] =	sbarrier.arrive $0xFFFF;
	(pc) =	sbr.rel @p0 .LBB2_1-.Ltmp2, $4  }
0x8f: {  	[hbm:s20], [sflag:s6] =	dma.local [spmem:s11], $0x2780  }
0x90: {  	_ =	swait.ge [sflag:s12], $0x2780  }
0x91: {  	[sflag:s12] =	ssyncset.done $0x0  }
0x92: {  	[sflag:s12] =	ssyncadd.s32 $0xFFFFD880  }
0x93: {  	_ =	sfence.sel $0x180000  }
0x94: {  	[bflag:$0x0] =	sbarrier.arrive $0xFFFF  }
0x95: {  	p0 =	sne.s32 s1, $0x0;
	_ =	strace $0x90000056  }
0x96: {  	s0 =	sadd.s32 @!p0 $0x100000, s0;
	[bflag:$0x2] =	sbarrier.arrive $0xFFFF  }
0x97: {  	[sflag:s0] =	ssyncadd.tile.s32 @!p0 $0x1;
	_ =	shalt  }
.Lfunc_end2:
_tile_overlayer_lowered:
.L_overlay_start_2:
0x98: {  	(tag) =	ssettag $0x2  }
0x99: {  	s0 =	rddreg [dreg:$0x0];
	s2 =	stileid.u32  }
0x9a: {  	s1 =	rddreg [dreg:$0x1];
	p0 =	sne.s32 s2, $0x0  }
0x9b: {  	s3 =	rddreg [dreg:$0x2];
	[bflag:$0x3] =	sbarrier.arrive $0xFFFF;
	s2 =	simm.s32 @!p0 $0x1C03  }
0x9c: {  	[timem:s3], [sflag:s2] =	dma.local @!p0 [hbm:s0], s1  }
0x9d: {  	s0 =	simm.s32 @!p0 $0x3  }
0x9e: {  	_ =	swait.ge @!p0 [sflag:s0], s1  }
0x9f: {  	s1 =	ssub.s32 @!p0 $0x0, s1;
	[sflag:s0] =	ssyncset.done @!p0 $0x0  }
0xa0: {  	[sflag:s0] =	ssyncadd.s32 @!p0 s1  }
0xa1: {  	[bflag:$0x3] =	sbarrier.arrive $0xFFFF  }
0xa2: {  	_ =	shalt  }

// kernel: kernel.34.cloned.1.call-start
scs
__scs_entry_jumppad:
0x0: {  	(pc) =	sbr.rel $0x88, $3  }
0x1: {  	(tag) =	ssettag $0x0;
	lr =	simm.s32 $0x1  }
0x2: {  	[smem:$0x3F99] =	sst lr;
	_ =	strace $0xD0000000  }
0x3: {  	_ = 	snop  }
0x4: {  	_ = 	snop  }
0x5: {  	_ = 	snop  }
0x6: {  	_ = 	snop  }
0x7: {  	_ = 	snop  }
__scs_overlays_trampoline_lowered:
0x8: {  	[smem:$0x3FA8] =	sst s0  }
0x9: {  	[smem:$0x3FA9] =	sst s1  }
0xa: {  	[smem:$0x3FAA] =	sst s2  }
0xb: {  	[smem:$0x3FAB] =	sst s3  }
0xc: {  	[smem:$0x3FAC] =	sst s4  }
0xd: {  	[smem:$0x3FAD] =	sst s5  }
0xe: {  	[smem:$0x3FAE] =	sst s6  }
0xf: {  	[smem:$0x3FAF] =	sst s7  }
0x10: {  	[smem:$0x3FB0] =	sst s8  }
0x11: {  	[smem:$0x3FB1] =	sst s9;
	s0 =	simm.s32 @!p0 $0x0  }
0x12: {  	s1 =	sld [smem:$0x3F97];
	s0 =	simm.s32 @p0 $0x1  }
0x13: {  	[smem:$0x3FB2] =	sst s0;
	s0 =	simm.s32 @!p1 $0x0  }
0x14: {  	s2 =	sld [smem:$0x3F96];
	s0 =	simm.s32 @p1 $0x1  }
0x15: {  	[smem:$0x3FB3] =	sst s0;
	s0 =	simm.s32 @!p2 $0x0  }
0x16: {  	s3 =	sld [smem:$0x3FDB];
	s0 =	simm.s32 @p2 $0x1  }
0x17: {  	s4 =	simm.s32 $0x1BF5;
	[smem:$0x3FB5] =	sst s0  }
0x18: {  	s0 =	sld [smem:$0x3F98];
	_ =	swait.ge [sflag:s4], $0x0  }
0x19: {  	s7 =	sld [smem:$0x3F99]  }
0x1a: {  	s8 =	sadd.s32 $0xFFFFE003, lr  }
0x1b: {  	s9 =	sadd.s32 $0xFFFFFEF7, lr;
	s5 =	simm.s32 $0xFFFFFFFF;
	p2 =	slt.u32 s8, $0xFFFFF086  }
0x1c: {  	p1 =	slt.u32 s9, $0xF7A;
	s5 =	simm.s32 @!p2 $0x0  }
0x1d: {  	s5 =	simm.s32 @p1 $0x1;
	p0 =	seq.s32 s7, s2  }
0x1e: {  	s7 =	smul.u32 @!p0 $0xF7A, s2;
	p2 =	seq.s32 @!p0 s5, $0x0  }
0x1f: {  	s9 =	smul.u32 $0xF7A, s1;
	s8 =	simm.s32 @!p0 $0x1BF5;
	p2 =	por !p2, p0  }
0x20: {  	[sflag:s8] =	ssyncset.s32 @!p0 $0xFFFFF086;
	s6 =	sadd.s32 @!p0 s3, s7;
	s7 =	simm.s32 @!p0 $0x108  }
0x21: {  	s3 =	sadd.s32 s3, s9;
	s6 =	sadd.s32 @!p0 $0x88, s6;
	s7 =	simm.s32 @p2 $0x1082  }
0x22: {  	[simem:s7], [sflag:s8] =	dma.local @!p0 [hbm:s6], $0xF7A  }
0x23: {  	s9 =	sor.u32 $0xD0000000, s2;
	s6 =	simm.s32 $0x108;
	_ =	swait.ge @!p0 [sflag:s8], $0x0  }
0x24: {  	s3 =	sadd.s32 $0x88, s3;
	s6 =	simm.s32 @!p1 $0x1082;
	[sflag:s4] =	ssyncset.s32 $0xFFFFF086  }
0x25: {  	[simem:s6], [sflag:s4] =	dma.local [hbm:s3], $0xF7A  }
0x26: {  	[smem:$0x3F99] =	sst s1;
	(tag) =	ssettag s2;
	_ =	strace s9  }
0x27: {  	s1 =	sld [smem:$0x3FA9]  }
0x28: {  	s2 =	sld [smem:$0x3FAA]  }
0x29: {  	s4 =	sld [smem:$0x3FAC]  }
0x2a: {  	p0 =	seq.s32 s5, $0x0;
	s5 =	sld [smem:$0x3FAD]  }
0x2b: {  	s6 =	sld [smem:$0x3FAE]  }
0x2c: {  	s7 =	sld [smem:$0x3FAF]  }
0x2d: {  	s3 =	simm.s32 $0x108;
	s8 =	sld [smem:$0x3FB0]  }
0x2e: {  	s3 =	simm.s32 @!p0 $0x1082;
	s9 =	sld [smem:$0x3FB1]  }
0x2f: {  	lr =	sadd.s32 s0, s3;
	s0 =	sld [smem:$0x3FA8]  }
0x30: {  	s3 =	sld [smem:$0x3FAB]  }
0x31: {  	[smem:$0x3FB4] =	sst s10  }
0x32: {  	s10 =	sld [smem:$0x3FB2];
	_ =	sdelay $0x3  }
0x33: {  	p0 =	seq.s32 s10, $0x1;
	s10 =	sld [smem:$0x3FB4];
	_ =	sdelay $0x3  }
0x34: {  	[smem:$0x3FB4] =	sst s10  }
0x35: {  	s10 =	sld [smem:$0x3FB3];
	_ =	sdelay $0x3  }
0x36: {  	p1 =	seq.s32 s10, $0x1;
	s10 =	sld [smem:$0x3FB4];
	_ =	sdelay $0x3  }
0x37: {  	[smem:$0x3FB4] =	sst s10  }
0x38: {  	s10 =	sld [smem:$0x3FB5]  }
0x39: {  	_ = 	snop;
	(pc) =	sbr.ind lr, $3  }
0x3a: {  	_ = 	snop  }
0x3b: {  	_ = 	snop  }
0x3c: {  	p2 =	seq.s32 s10, $0x1;
	s10 =	sld [smem:$0x3FB4]  }
0x3d: {  	_ =	shalt  }
0x3e: {  	_ =	shalt  }
0x3f: {  	_ =	shalt  }
0x40: {  	_ =	shalt  }
0x41: {  	_ =	shalt  }
0x42: {  	_ =	shalt  }
0x43: {  	_ =	shalt  }
0x44: {  	_ =	shalt  }
0x45: {  	_ =	shalt  }
0x46: {  	_ =	shalt  }
0x47: {  	_ =	shalt  }
0x48: {  	_ =	shalt  }
0x49: {  	_ =	shalt  }
0x4a: {  	_ =	shalt  }
0x4b: {  	_ =	shalt  }
0x4c: {  	_ =	shalt  }
0x4d: {  	_ =	shalt  }
0x4e: {  	_ =	shalt  }
0x4f: {  	_ =	shalt  }
0x50: {  	_ =	shalt  }
0x51: {  	_ =	shalt  }
0x52: {  	_ =	shalt  }
0x53: {  	_ =	shalt  }
0x54: {  	_ =	shalt  }
0x55: {  	_ =	shalt  }
0x56: {  	_ =	shalt  }
0x57: {  	_ =	shalt  }
0x58: {  	_ =	shalt  }
0x59: {  	_ =	shalt  }
0x5a: {  	_ =	shalt  }
0x5b: {  	_ =	shalt  }
0x5c: {  	_ =	shalt  }
0x5d: {  	_ =	shalt  }
0x5e: {  	_ =	shalt  }
0x5f: {  	_ =	shalt  }
0x60: {  	_ =	shalt  }
0x61: {  	_ =	shalt  }
0x62: {  	_ =	shalt  }
0x63: {  	_ =	shalt  }
0x64: {  	_ =	shalt  }
0x65: {  	_ =	shalt  }
0x66: {  	_ =	shalt  }
0x67: {  	_ =	shalt  }
0x68: {  	_ =	shalt  }
0x69: {  	_ =	shalt  }
0x6a: {  	_ =	shalt  }
0x6b: {  	_ =	shalt  }
0x6c: {  	_ =	shalt  }
0x6d: {  	_ =	shalt  }
0x6e: {  	_ =	shalt  }
0x6f: {  	_ =	shalt  }
0x70: {  	_ =	shalt  }
0x71: {  	_ =	shalt  }
0x72: {  	_ =	shalt  }
0x73: {  	_ =	shalt  }
0x74: {  	_ =	shalt  }
0x75: {  	_ =	shalt  }
0x76: {  	_ =	shalt  }
0x77: {  	_ =	shalt  }
0x78: {  	_ =	shalt  }
0x79: {  	_ =	shalt  }
0x7a: {  	_ =	shalt  }
0x7b: {  	_ =	shalt  }
0x7c: {  	_ =	shalt  }
0x7d: {  	_ =	shalt  }
0x7e: {  	_ =	shalt  }
0x7f: {  	_ =	shalt  }
0x80: {  	_ =	shalt  }
0x81: {  	_ =	shalt  }
0x82: {  	_ =	shalt  }
0x83: {  	_ =	shalt  }
0x84: {  	_ =	shalt  }
0x85: {  	_ =	shalt  }
0x86: {  	_ =	shalt  }
0x87: {  	_ =	shalt  }
.Lfunc_end0:
.L_simem_size_0:
called_computation.6_lowered:
.L_overlay_start_0:
0x88: {  	s2 =	sld [smem:$0x3FD9]  }
0x89: {  	s3 =	sld [smem:$0x3FFE];
	_ =	sdelay $0x1  }
0x8a: {  	s1 =	srdreg.scid  }
0x8b: {  	s0 =	sand.u32 $0x1, s1  }
0x8c: {  	s17 =	sshll.u32 s0, $0xA;
	s2 =	sadd.s32 s3, s2  }
0x8d: {  	s2 =	sadd.s32 s2, s17  }
0x8e: {  	[smem:$0x3FC0] =	sst s2  }
0x8f: {  	_ = 	snop  }
0x90: {  	s2 =	sld [smem:$0x3FD0];
	(tm) =	ssettm $0x1  }
0x91: {  	s18 =	sld [smem:$0x3FFB];
	_ =	sdelay $0x3  }
0x92: {  	_ =	strace s18  }
0x93: {  	s3 =	sld [smem:$0x3FFC];
	_ =	sdelay $0x3  }
0x94: {  	_ =	strace s3  }
0x95: {  	s3 =	sld [smem:$0x3FFD];
	_ =	sdelay $0x3  }
0x96: {  	_ =	strace s3  }
0x97: {  	_ =	strace $0x8FFFFFFF  }
0x98: {  	s19 =	sld [smem:$0x3FDB];
	_ =	sdelay $0x1  }
0x99: {  	s4 =	simm.s32 $_scs_section_size  }
0x9a: {  	s5 =	simm.s32 $_size__tile_overlayer_lowered;
	s6 =	simm.s32 $_tile_overlayer_lowered  }
0x9b: {  	s22 =	simm.s32 $0x1BFF;
	s21 =	sshll.u32 s6, $0x1;
	s3 =	sadd.s32 s4, s19  }
0x9c: {  	s7 =	simm.s32 $0x0;
	s20 =	sshll.u32 s5, $0x1;
	s5 =	sadd.s32 s21, s3  }
0x9d: {  	[timem:s7], [sflag:s22] =	dma.local [hbm:s5], s20  }
0x9e: {  	_ =	swait.ge [sflag:s22], s20  }
0x9f: {  	s4 =	ssub.s32 $0x0, s20;
	[sflag:s22] =	ssyncset.done $0x0  }
0xa0: {  	[sflag:s22] =	ssyncadd.s32 s4;
	_ =	sdelay $0x1  }
0xa1: {  	s23 =	simm.s32 $0x1B8B  }
0xa2: {  	_ =	swait.ge [sflag:s23], $0x1  }
0xa3: {  	[sflag:s23] =	ssyncset.done $0x0  }
0xa4: {  	s25 =	simm.s32 $0x1B8E;
	s24 =	sld [smem:$0x3FFE];
	[sflag:s23] =	ssyncadd.s32 $0xFFFFFFFF  }
0xa5: {  	s26 =	simm.s32 $execute0_lowered;
	[smem:$0x3FD2] =	sst s25  }
0xa6: {  	s5 =	sshll.u32 s26, $0x1;
	_ =	strace $0x80000058;
	[dreg:$0x1] =	wrdreg $0xFFFFFFFF  }
0xa7: {  	s28 =	simm.s32 $_size_execute0_lowered;
	s3 =	sadd.s32 s3, s5;
	[dreg:$0x0] =	wrdreg $0x0  }
0xa8: {  	s5 =	sshll.u32 s28, $0x1;
	[dreg:$0x2] =	wrdreg s3  }
0xa9: {  	[dreg:$0x3] =	wrdreg s5  }
0xaa: {  	[dreg:$0x4] =	wrdreg $0xC0  }
0xab: {  	_ =	task [dreg:s7], $0x5FFFF  }
0xac: {  	[dreg:$0x1] =	wrdreg $0xFFFFFFFF  }
0xad: {  	[dreg:$0x0] =	wrdreg $0x60  }
0xae: {  	[dreg:$0x2] =	wrdreg s24  }
0xaf: {  	[dreg:$0x3] =	wrdreg s2  }
0xb0: {  	[dreg:$0x4] =	wrdreg $0xA8000  }
0xb1: {  	[dreg:$0x5] =	wrdreg $0x9  }
0xb2: {  	_ =	task.clear_ibuf [dreg:s7], $0x6FFFF;
	_ =	strace $0x90000058  }
0xb3: {  	s29 =	simm.s32 $0x9;
	_ =	strace $0x8000005A  }
0xb4: {  	_ =	swait.ge [sflag:s29], $0x1  }
0xb5: {  	[sflag:s29] =	ssyncadd.s32 $0xFFFFFFFF  }
0xb6: {  	_ =	strace $0x9000005A  }
0xb7: {  	_ =	sfence  }
0xb8: {  	s30 =	sld [smem:$0x0];
	_ =	sdelay $0x2  }
0xb9: {  	s31 =	sshll.u32 s1, $0xD;
	s1 =	sshrl.u32 s1, $0x2  }
0xba: {  	s3 =	sand.u32 $0x4000, s31;
	s1 =	sadd.s32 s1, s30  }
0xbb: {  	s0 =	sor.u32 s3, s0;
	s1 =	sshll.u32 s1, $0x11  }
0xbc: {  	s0 =	sor.u32 s1, s0  }
0xbd: {  	s0 =	sadd.s32 $0x8F2B, s0  }
0xbe: {  	[sflag:s0] =	ssyncadd.remote.s32 $0x1  }
0xbf: {  	_ =	sfence.sel $0xFFFF  }
0xc0: {  	[dreg:$0x0] =	wrdreg $0xFFFFFFFF;
	(pc) =	sbr.abs _section_cstart, $3  }
0xc1: {  	[dreg:$0x1] =	wrdreg $0xFFFFFFFF  }
0xc2: {  	_ =	task.clear_ibuf [dreg:s7], $0x2FFFF;
	_ =	strace $0x9FFFFFFF  }
0xc3: {  	(tm) =	ssettm $0x7FFFFFFF  }
tec
execute0_lowered:
.L_overlay_start_1:
0x0: {  	(tag) =	ssettag $0x1  }
0x1: {  	s6 =	rddreg [dreg:$0x0]  }
0x2: {  	s0 =	srdreg.scid;
	s7 =	rddreg [dreg:$0x1]  }
0x3: {  	s2 =	rddreg [dreg:$0x2];
	s1 =	stileid.u32  }
0x4: {  	s3 =	simm.s32 $0x0;
	s15 =	simm.s32 $0x2800;
	s16 =	simm.s32 $0x6800  }
0x5: {  	s17 =	simm.s32 $0x1;
	s8 =	sand.u32 $0x1, s0;
	s0 =	rddreg [dreg:$0x3]  }
0x6: {  	s18 =	simm.s32 $0x2;
	[smem:$0x7FF] =	sst s3;
	s11 =	smul.u32 $0x4F000, s1  }
0x7: {  	s31 =	sshll.u32 s1, $0x6;
	s21 =	smul.u32 $0x2780, s1;
	s4 =	sshll.u32 s8, $0x4  }
0x8: {  	_ =	strace $0x80000059;
	s9 =	smul.u32 $0x27800, s8;
	s8 =	ssub.s32 $0x2, s8  }
0x9: {  	s4 =	sor.u32 s1, s4;
	s28 =	sshrl.u32 s8, $0x1;
	s29 =	sshrl.u32 s11, $0x2  }
0xa: {  	s5 =	smul.u32 $0x2800, s4;
	s4 =	sadd.s32 $0x12800, s6;
	s13 =	sadd.s32 s9, s6  }
0xb: {  	s30 =	ssub.s32 s8, s28;
	s14 =	sadd.s32 s29, s2;
	s20 =	sadd.s32 $0x61800, s13  }
0xc: {  	s11 =	sshrl.u32 s14, $0x3;
	s13 =	simm.s32 $0x1400;
	s14 =	simm.s32 $0x80  }
0xd: {  	s10 =	sshrl.u32 s5, $0x3;
	s5 =	sadd.s32 $0x10000, s6;
	s20 =	sadd.s32 s21, s20  }
0xe: {  	s21 =	simm.s32 $0x0;
	s12 =	sadd.s32 s10, s6;
	s6 =	sor.u32 $0x1C03, s31  }
0xf: {  	s7 =	sadd.s32 s7, s10;
	s10 =	smax.u32 s30, $0x1;
	s8 =	sadd.s32 $0x6000, s12  }
0x10: {  	s9 =	sadd.s32 $0x280, s7;
	s12 =	simm.s32 $0x3;
	s19 =	sadd.s32 $0x280, s8  }
.LBB2_1:
0x11: {  	[spmem:s11], [sflag:s6] =	dma.local [hbm:s5], $0x2780  }
0x12: {  	_ =	swait.ge [sflag:s12], $0x2780  }
0x13: {  	[sflag:s12] =	ssyncset.done $0x0  }
0x14: {  	[sflag:s12] =	ssyncadd.s32 $0xFFFFD880  }
0x15: {  	[bflag:$0x0] =	sbarrier.arrive $0xFFFF  }
0x16: {  	[tilespmem:s3], [sflag:$0x3] =	stream.linear.gather [hbm4b:s7+s3], $0x1400, $0x38;
	[tilespmem:$0x1E400] =	vst v63  }
0x17: {  	_ =	swait.ge [sflag:s12], $0x1400  }
0x18: {  	[sflag:s12] =	ssyncset.done $0x0  }
0x19: {  	[sflag:s12] =	ssyncadd.s32 $0xFFFFEC00  }
0x1a: {  	[tilespmem:s13], [sflag:$0x3] =	stream.linear.gather [hbm4b:s8+s3], $0x1400, $0x38;
	[tilespmem:$0x1E400] =	vst v63  }
0x1b: {  	_ =	swait.ge [sflag:s12], $0x1400  }
0x1c: {  	[sflag:s12] =	ssyncset.done $0x0  }
0x1d: {  	s22 =	simm.s32 $0x0;
	[sflag:s12] =	ssyncadd.s32 $0xFFFFEC00  }
0x1e: {  	[tilespmem:s15], [sflag:$0x1] =	stream.indirect.gather [hbm4b:s4+s14], $0x80, s22, s14, $0xb8;
	[tilespmem:$0x1E400] =	vst v63  }
0x1f: {  	s29 =	simm.s32 $0x80  }
0x20: {  	[tilespmem:s16], [sflag:$0x2] =	stream.indirect.gather [hbm4b:s4+s14], $0x80, s29, s14, $0xb8;
	[tilespmem:$0x1E400] =	vst v63  }
0x21: {  	_ =	swait.ge [sflag:s17], $0x4000  }
0x22: {  	[sflag:s17] =	ssyncset.done $0x0  }
0x23: {  	s30 =	simm.s32 $0x1400;
	[sflag:s17] =	ssyncadd.s32 $0xFFFFC000  }
0x24: {  	[spmem:s2] =	stream.indirect.scatter.add.f32 [tilespmem:s15], [sflag:$0x3], $0x80, s30, s14, $0xb8;
	[tilespmem:$0x1E400] =	vst v63  }
0x25: {  	_ =	swait.ge [sflag:s12], $0x4000  }
0x26: {  	[sflag:s12] =	ssyncset.done $0x0  }
0x27: {  	[sflag:s12] =	ssyncadd.s32 $0xFFFFC000  }
0x28: {  	_ =	swait.ge [sflag:s18], $0x4000  }
0x29: {  	[sflag:s18] =	ssyncset.done $0x0  }
0x2a: {  	s31 =	simm.s32 $0x1480;
	[sflag:s18] =	ssyncadd.s32 $0xFFFFC000  }
0x2b: {  	[spmem:s2] =	stream.indirect.scatter.add.f32 [tilespmem:s16], [sflag:$0x3], $0x80, s31, s14, $0xb8;
	[tilespmem:$0x1E400] =	vst v63  }
0x2c: {  	_ =	swait.ge [sflag:s12], $0x4000  }
0x2d: {  	s23 =	simm.s32 $0x800;
	s22 =	simm.s32 $0x400;
	[sflag:s12] =	ssyncset.done $0x0  }
.LBB2_2:
0x2e: {  	s24 =	sshra.s32 s22, $0x2  }
0x2f: {  	[sflag:s12] =	ssyncadd.s32 $0xFFFFC000;
	s22 =	smov.u32 s23;
	s25 =	sadd.s32 $0x400, s23  }
0x30: {  	[tilespmem:s15], [sflag:$0x1] =	stream.indirect.gather [hbm4b:s4+s14], $0x80, s24, s14, $0xb8;
	[tilespmem:$0x1E400] =	vst v63  }
0x31: {  	p0 =	sne.s32 s23, $0x4C00;
	s23 =	sadd.s32 $0x80, s24  }
0x32: {  	[tilespmem:s16], [sflag:$0x2] =	stream.indirect.gather [hbm4b:s4+s14], $0x80, s23, s14, $0xb8;
	[tilespmem:$0x1E400] =	vst v63  }
0x33: {  	_ =	swait.ge [sflag:s17], $0x4000  }
0x34: {  	[sflag:s17] =	ssyncset.done $0x0  }
0x35: {  	s23 =	sadd.s32 $0x1400, s24;
	[sflag:s17] =	ssyncadd.s32 $0xFFFFC000  }
0x36: {  	[spmem:s2] =	stream.indirect.scatter.add.f32 [tilespmem:s15], [sflag:$0x3], $0x80, s23, s14, $0xb8;
	[tilespmem:$0x1E400] =	vst v63  }
0x37: {  	_ =	swait.ge [sflag:s12], $0x4000  }
0x38: {  	[sflag:s12] =	ssyncset.done $0x0  }
0x39: {  	[sflag:s12] =	ssyncadd.s32 $0xFFFFC000  }
0x3a: {  	_ =	swait.ge [sflag:s18], $0x4000  }
.Ltmp0:
0x3b: {  	[sflag:s18] =	ssyncset.done $0x0;
	(pc) =	sbr.rel @p0 .LBB2_2-.Ltmp0, $4  }
0x3c: {  	s23 =	sadd.s32 $0x1480, s24;
	[sflag:s18] =	ssyncadd.s32 $0xFFFFC000  }
0x3d: {  	[spmem:s2] =	stream.indirect.scatter.add.f32 [tilespmem:s16], [sflag:$0x3], $0x80, s23, s14, $0xb8;
	[tilespmem:$0x1E400] =	vst v63  }
0x3e: {  	_ =	swait.ge [sflag:s12], $0x4000  }
0x3f: {  	s23 =	smov.u32 s25;
	[sflag:s12] =	ssyncset.done $0x0  }
0x40: {  	s22 =	sshra.s32 s22, $0x2;
	[sflag:s12] =	ssyncadd.s32 $0xFFFFC000  }
0x41: {  	[tilespmem:s15], [sflag:$0x1] =	stream.indirect.gather [hbm4b:s4+s14], $0x80, s22, s14, $0xb8;
	[tilespmem:$0x1E400] =	vst v63  }
0x42: {  	s23 =	sadd.s32 $0x80, s22  }
0x43: {  	[tilespmem:s16], [sflag:$0x2] =	stream.indirect.gather [hbm4b:s4+s14], $0x80, s23, s14, $0xb8;
	[tilespmem:$0x1E400] =	vst v63  }
0x44: {  	_ =	swait.ge [sflag:s17], $0x4000  }
0x45: {  	[sflag:s17] =	ssyncset.done $0x0  }
0x46: {  	s25 =	sadd.s32 $0x1400, s22;
	[sflag:s17] =	ssyncadd.s32 $0xFFFFC000  }
0x47: {  	[spmem:s2] =	stream.indirect.scatter.add.f32 [tilespmem:s15], [sflag:$0x3], $0x80, s25, s14, $0xb8;
	[tilespmem:$0x1E400] =	vst v63  }
0x48: {  	_ =	swait.ge [sflag:s12], $0x4000  }
0x49: {  	[sflag:s12] =	ssyncset.done $0x0  }
0x4a: {  	[sflag:s12] =	ssyncadd.s32 $0xFFFFC000  }
0x4b: {  	_ =	swait.ge [sflag:s18], $0x4000  }
0x4c: {  	[sflag:s18] =	ssyncset.done $0x0  }
0x4d: {  	s22 =	sadd.s32 $0x1480, s22;
	[sflag:s18] =	ssyncadd.s32 $0xFFFFC000  }
0x4e: {  	[spmem:s2] =	stream.indirect.scatter.add.f32 [tilespmem:s16], [sflag:$0x3], $0x80, s22, s14, $0xb8;
	[tilespmem:$0x1E400] =	vst v63  }
0x4f: {  	_ =	swait.ge [sflag:s12], $0x4000  }
0x50: {  	[sflag:s12] =	ssyncset.done $0x0  }
0x51: {  	s26 =	simm.s32 $0x0;
	[sflag:s12] =	ssyncadd.s32 $0xFFFFC000  }
0x52: {  	[tilespmem:s26], [sflag:$0x3] =	stream.linear.gather [hbm4b:s9+s26], $0x1400, $0x38;
	[tilespmem:$0x1E400] =	vst v63  }
0x53: {  	_ =	swait.ge [sflag:s12], $0x1400  }
0x54: {  	[sflag:s12] =	ssyncset.done $0x0  }
0x55: {  	[sflag:s12] =	ssyncadd.s32 $0xFFFFEC00  }
0x56: {  	[tilespmem:s13], [sflag:$0x3] =	stream.linear.gather [hbm4b:s19+s26], $0x1400, $0x38;
	[tilespmem:$0x1E400] =	vst v63  }
0x57: {  	_ =	swait.ge [sflag:s12], $0x1400  }
0x58: {  	[sflag:s12] =	ssyncset.done $0x0  }
0x59: {  	s28 =	simm.s32 $0x0;
	[sflag:s12] =	ssyncadd.s32 $0xFFFFEC00  }
0x5a: {  	[tilespmem:s15], [sflag:$0x1] =	stream.indirect.gather [hbm4b:s4+s14], $0x80, s28, s14, $0xb8;
	[tilespmem:$0x1E400] =	vst v63  }
0x5b: {  	s29 =	simm.s32 $0x80  }
0x5c: {  	[tilespmem:s16], [sflag:$0x2] =	stream.indirect.gather [hbm4b:s4+s14], $0x80, s29, s14, $0xb8;
	[tilespmem:$0x1E400] =	vst v63  }
0x5d: {  	_ =	swait.ge [sflag:s17], $0x4000  }
0x5e: {  	[sflag:s17] =	ssyncset.done $0x0  }
0x5f: {  	s30 =	simm.s32 $0x1400;
	[sflag:s17] =	ssyncadd.s32 $0xFFFFC000  }
0x60: {  	[spmem:s2] =	stream.indirect.scatter.add.f32 [tilespmem:s15], [sflag:$0x3], $0x80, s30, s14, $0xb8;
	[tilespmem:$0x1E400] =	vst v63  }
0x61: {  	_ =	swait.ge [sflag:s12], $0x4000  }
0x62: {  	[sflag:s12] =	ssyncset.done $0x0  }
0x63: {  	[sflag:s12] =	ssyncadd.s32 $0xFFFFC000  }
0x64: {  	_ =	swait.ge [sflag:s18], $0x4000  }
0x65: {  	[sflag:s18] =	ssyncset.done $0x0  }
0x66: {  	s31 =	simm.s32 $0x1480;
	[sflag:s18] =	ssyncadd.s32 $0xFFFFC000  }
0x67: {  	[spmem:s2] =	stream.indirect.scatter.add.f32 [tilespmem:s16], [sflag:$0x3], $0x80, s31, s14, $0xb8;
	[tilespmem:$0x1E400] =	vst v63  }
0x68: {  	_ =	swait.ge [sflag:s12], $0x4000  }
0x69: {  	s23 =	simm.s32 $0x800;
	s22 =	simm.s32 $0x400;
	[sflag:s12] =	ssyncset.done $0x0  }
.LBB2_4:
0x6a: {  	s24 =	sshra.s32 s22, $0x2  }
0x6b: {  	[sflag:s12] =	ssyncadd.s32 $0xFFFFC000;
	s22 =	smov.u32 s23;
	s25 =	sadd.s32 $0x400, s23  }
0x6c: {  	[tilespmem:s15], [sflag:$0x1] =	stream.indirect.gather [hbm4b:s4+s14], $0x80, s24, s14, $0xb8;
	[tilespmem:$0x1E400] =	vst v63  }
0x6d: {  	p0 =	sne.s32 s23, $0x4C00;
	s23 =	sadd.s32 $0x80, s24  }
0x6e: {  	[tilespmem:s16], [sflag:$0x2] =	stream.indirect.gather [hbm4b:s4+s14], $0x80, s23, s14, $0xb8;
	[tilespmem:$0x1E400] =	vst v63  }
0x6f: {  	_ =	swait.ge [sflag:s17], $0x4000  }
0x70: {  	[sflag:s17] =	ssyncset.done $0x0  }
0x71: {  	s23 =	sadd.s32 $0x1400, s24;
	[sflag:s17] =	ssyncadd.s32 $0xFFFFC000  }
0x72: {  	[spmem:s2] =	stream.indirect.scatter.add.f32 [tilespmem:s15], [sflag:$0x3], $0x80, s23, s14, $0xb8;
	[tilespmem:$0x1E400] =	vst v63  }
0x73: {  	_ =	swait.ge [sflag:s12], $0x4000  }
0x74: {  	[sflag:s12] =	ssyncset.done $0x0  }
0x75: {  	[sflag:s12] =	ssyncadd.s32 $0xFFFFC000  }
0x76: {  	_ =	swait.ge [sflag:s18], $0x4000  }
.Ltmp1:
0x77: {  	[sflag:s18] =	ssyncset.done $0x0;
	(pc) =	sbr.rel @p0 .LBB2_4-.Ltmp1, $4  }
0x78: {  	s23 =	sadd.s32 $0x1480, s24;
	[sflag:s18] =	ssyncadd.s32 $0xFFFFC000  }
0x79: {  	[spmem:s2] =	stream.indirect.scatter.add.f32 [tilespmem:s16], [sflag:$0x3], $0x80, s23, s14, $0xb8;
	[tilespmem:$0x1E400] =	vst v63  }
0x7a: {  	_ =	swait.ge [sflag:s12], $0x4000  }
0x7b: {  	s23 =	smov.u32 s25;
	[sflag:s12] =	ssyncset.done $0x0  }
0x7c: {  	s22 =	sshra.s32 s22, $0x2;
	[sflag:s12] =	ssyncadd.s32 $0xFFFFC000  }
0x7d: {  	[tilespmem:s15], [sflag:$0x1] =	stream.indirect.gather [hbm4b:s4+s14], $0x80, s22, s14, $0xb8;
	[tilespmem:$0x1E400] =	vst v63  }
0x7e: {  	s23 =	sadd.s32 $0x80, s22  }
0x7f: {  	[tilespmem:s16], [sflag:$0x2] =	stream.indirect.gather [hbm4b:s4+s14], $0x80, s23, s14, $0xb8;
	[tilespmem:$0x1E400] =	vst v63  }
0x80: {  	_ =	swait.ge [sflag:s17], $0x4000  }
0x81: {  	[sflag:s17] =	ssyncset.done $0x0  }
0x82: {  	s31 =	sadd.s32 $0x1400, s22;
	[sflag:s17] =	ssyncadd.s32 $0xFFFFC000  }
0x83: {  	[spmem:s2] =	stream.indirect.scatter.add.f32 [tilespmem:s15], [sflag:$0x3], $0x80, s31, s14, $0xb8;
	[tilespmem:$0x1E400] =	vst v63  }
0x84: {  	_ =	swait.ge [sflag:s12], $0x4000  }
0x85: {  	[sflag:s12] =	ssyncset.done $0x0  }
0x86: {  	[sflag:s12] =	ssyncadd.s32 $0xFFFFC000  }
0x87: {  	_ =	swait.ge [sflag:s18], $0x4000  }
0x88: {  	[sflag:s18] =	ssyncset.done $0x0  }
0x89: {  	s22 =	sadd.s32 $0x1480, s22;
	[sflag:s18] =	ssyncadd.s32 $0xFFFFC000  }
0x8a: {  	[spmem:s2] =	stream.indirect.scatter.add.f32 [tilespmem:s16], [sflag:$0x3], $0x80, s22, s14, $0xb8;
	[tilespmem:$0x1E400] =	vst v63  }
0x8b: {  	_ =	swait.ge [sflag:s12], $0x4000  }
0x8c: {  	s21 =	sadd.s32 $0x1, s21;
	[sflag:s12] =	ssyncset.done $0x0  }
0x8d: {  	p0 =	sne.s32 s21, s10;
	[sflag:s12] =	ssyncadd.s32 $0xFFFFC000  }
.Ltmp2:
0x8e: {  	[bflag:$0x0] =	sbarrier.arrive $0xFFFF;
	(pc) =	sbr.rel @p0 .LBB2_1-.Ltmp2, $4  }
0x8f: {  	[hbm:s20], [sflag:s6] =	dma.local [spmem:s11], $0x2780  }
0x90: {  	_ =	swait.ge [sflag:s12], $0x2780  }
0x91: {  	[sflag:s12] =	ssyncset.done $0x0  }
0x92: {  	[sflag:s12] =	ssyncadd.s32 $0xFFFFD880  }
0x93: {  	_ =	sfence.sel $0x180000  }
0x94: {  	[bflag:$0x0] =	sbarrier.arrive $0xFFFF  }
0x95: {  	p0 =	sne.s32 s1, $0x0;
	_ =	strace $0x90000059  }
0x96: {  	s0 =	sadd.s32 @!p0 $0x100000, s0;
	[bflag:$0x2] =	sbarrier.arrive $0xFFFF  }
0x97: {  	[sflag:s0] =	ssyncadd.tile.s32 @!p0 $0x1;
	_ =	shalt  }
.Lfunc_end2:
_tile_overlayer_lowered:
.L_overlay_start_2:
0x98: {  	(tag) =	ssettag $0x2  }
0x99: {  	s0 =	rddreg [dreg:$0x0];
	s2 =	stileid.u32  }
0x9a: {  	s1 =	rddreg [dreg:$0x1];
	p0 =	sne.s32 s2, $0x0  }
0x9b: {  	s3 =	rddreg [dreg:$0x2];
	[bflag:$0x3] =	sbarrier.arrive $0xFFFF;
	s2 =	simm.s32 @!p0 $0x1C03  }
0x9c: {  	[timem:s3], [sflag:s2] =	dma.local @!p0 [hbm:s0], s1  }
0x9d: {  	s0 =	simm.s32 @!p0 $0x3  }
0x9e: {  	_ =	swait.ge @!p0 [sflag:s0], s1  }
0x9f: {  	s1 =	ssub.s32 @!p0 $0x0, s1;
	[sflag:s0] =	ssyncset.done @!p0 $0x0  }
0xa0: {  	[sflag:s0] =	ssyncadd.s32 @!p0 s1  }
0xa1: {  	[bflag:$0x3] =	sbarrier.arrive $0xFFFF  }
0xa2: {  	_ =	shalt  }

</sc_bundles>
